<compile_context>
chip_gen: v7x
topology: tpu7x:2x2x1
jax: 0.10.2.dev20260603
libtpu: 0.0.44.dev20260713+nightly
codegen_flags: <defaults>
</compile_context>

<pallas_src>
import dataclasses

import jax
import jax.numpy as jnp
from jax import lax
from jax.experimental import pallas as pl
from jax.experimental.pallas import tpu as pltpu
from jax.experimental.pallas import tpu_sc as plsc

BATCH = 16384
EMB = 32
LANES = 16
NUM_CORES = 2
NUM_SUBCORES = 16
NW = NUM_CORES * NUM_SUBCORES
BPW = BATCH // NW
DEPTH = 12
NGROUP = BPW // LANES


def _dot_kernel(wt_hbm, ht_hbm, xt_hbm, out_hbm,
                pan, out_v, uidx_v, iidx_v, idx_sem, psem):
    wid = lax.axis_index("s") * NUM_CORES + lax.axis_index("c")
    base = wid * BPW

    cu = pltpu.async_copy(xt_hbm.at[0, pl.ds(base, BPW)], uidx_v, idx_sem)
    ci = pltpu.async_copy(xt_hbm.at[1, pl.ds(base, BPW)], iidx_v, idx_sem)
    cu.wait()
    ci.wait()

    def fire(u, i, k):
        ub = pl.multiple_of((u >> 7) * 128, 128)
        ib = pl.multiple_of((i >> 7) * 128, 128)
        pltpu.async_copy(wt_hbm.at[:, pl.ds(ub, 128)], pan.at[k, 0],
                         psem.at[k])
        pltpu.async_copy(ht_hbm.at[:, pl.ds(ib, 128)], pan.at[k, 1],
                         psem.at[k])

    def drain(k):
        pltpu.make_async_copy(wt_hbm.at[:, pl.ds(0, 128)], pan.at[k, 0],
                              psem.at[k]).wait()
        pltpu.make_async_copy(ht_hbm.at[:, pl.ds(0, 128)], pan.at[k, 1],
                              psem.at[k]).wait()

    iota16 = lax.iota(jnp.int32, LANES)
    last_lane = iota16 == (LANES - 1)

    u_first = uidx_v[pl.ds(0, LANES)]
    i_first = iidx_v[pl.ds(0, LANES)]
    for j in range(DEPTH):
        fire(u_first[j], i_first[j], j)

    @pl.loop(0, NGROUP)
    def _(g):
        s0 = g * LANES
        u_cur = uidx_v[pl.ds(s0, LANES)]
        i_cur = iidx_v[pl.ds(s0, LANES)]
        ucol = u_cur & 127
        icol = i_cur & 127
        for j in range(LANES):
            k = lax.rem(s0 + j, DEPTH)
            drain(k)
            kv = jnp.full((LANES,), k, jnp.int32)
            ucolv = jnp.full((LANES,), ucol[j], jnp.int32)
            icolv = jnp.full((LANES,), icol[j], jnp.int32)
            zero = jnp.zeros((LANES,), jnp.int32)
            one = jnp.full((LANES,), 1, jnp.int32)
            u0 = plsc.load_gather(pan, [kv, zero, iota16, ucolv])
            u1 = plsc.load_gather(pan, [kv, zero, iota16 + LANES, ucolv])
            v0 = plsc.load_gather(pan, [kv, one, iota16, icolv])
            v1 = plsc.load_gather(pan, [kv, one, iota16 + LANES, icolv])
            p = u0 * v0 + u1 * v1
            c = plsc.cumsum(p)
            plsc.store_scatter(
                out_v, [jnp.full((LANES,), s0 + j, jnp.int32)], c,
                mask=last_lane)
            if j + DEPTH < LANES:
                fire(u_cur[j + DEPTH], i_cur[j + DEPTH], k)
            else:
                @pl.when(g < NGROUP - 1)
                def _():
                    u_nxt = uidx_v[pl.ds(s0 + LANES, LANES)]
                    i_nxt = iidx_v[pl.ds(s0 + LANES, LANES)]
                    fire(u_nxt[j + DEPTH - LANES],
                         i_nxt[j + DEPTH - LANES], k)

    pltpu.sync_copy(out_v, out_hbm.at[pl.ds(base, BPW)])


@jax.jit
def _mf_dot(xt, Wt, Ht):
    mesh = plsc.VectorSubcoreMesh(core_axis_name="c", subcore_axis_name="s")
    cp = pltpu.CompilerParams()
    if "needs_layout_passes" in pltpu.CompilerParams.__dataclass_fields__:
        cp = dataclasses.replace(cp, needs_layout_passes=False)
    cp = dataclasses.replace(cp, use_tc_tiling_on_sc=True)
    grid_kernel = pl.kernel(
        _dot_kernel,
        out_type=jax.ShapeDtypeStruct((BATCH,), jnp.float32),
        mesh=mesh,
        scratch_types=[
            pltpu.VMEM((DEPTH, 2, EMB, 128), jnp.float32),
            pltpu.VMEM((BPW,), jnp.float32),
            pltpu.VMEM((BPW,), jnp.int32),
            pltpu.VMEM((BPW,), jnp.int32),
            pltpu.SemaphoreType.DMA,
            pltpu.SemaphoreType.DMA((DEPTH,)),
        ],
        compiler_params=cp,
    )
    return grid_kernel(Wt, Ht, xt)


def kernel(x, W, H):
    return _mf_dot(x.T.astype(jnp.int32), W.T, H.T)

# --- scband reference (transcript-rebuilt; emitter-appended) ---
"""Pipeline reference for scband-mf-dr-mcdropout-48172353192632 (READ-ONLY COPY).

The authoritative reference and input builder live on the scoring server;
editing this copy changes nothing except your own understanding.
"""

import jax, jax.numpy as jnp
import numpy as np

NUM_USERS = 1000000
NUM_ITEMS = 1000000
EMBEDDING_K = 32
BATCH = 16384


def setup_inputs(seed: int = 0) -> dict:
    key = jax.random.key(seed)
    k_x, k_w, k_h = jax.random.split(key, 3)
    x = jax.random.randint(k_x, (BATCH, 2), 0, NUM_USERS, dtype=jnp.int64) if jax.config.jax_enable_x64 else jax.random.randint(k_x, (BATCH, 2), 0, NUM_USERS, dtype=jnp.int32)
    # xavier_normal init for embeddings: std = sqrt(2 / (fan_in + fan_out))
    std = float(np.sqrt(2.0 / (NUM_USERS + EMBEDDING_K)))
    W = jax.random.normal(k_w, (NUM_USERS, EMBEDDING_K), dtype=jnp.float32) * std
    std_h = float(np.sqrt(2.0 / (NUM_ITEMS + EMBEDDING_K)))
    H = jax.random.normal(k_h, (NUM_ITEMS, EMBEDDING_K), dtype=jnp.float32) * std_h
    return {"x": x, "W": W, "H": H}


def reference(x, W, H):
    # Faithful translation of MF_BaseModel.forward (the prediction_model path,
    # is_training=False): gather user/item embeddings and take the row-wise
    # dot product.
    user_idx = x[:, 0]
    item_idx = x[:, 1]
    U_emb = jnp.take(W, user_idx, axis=0)
    V_emb = jnp.take(H, item_idx, axis=0)
    out = jnp.sum(U_emb * V_emb, axis=1)
    return out

if __name__ == "__main__":
    import jax
    _d = setup_inputs()
    print(jax.jit(kernel)(*tuple(_d.values())))

</pallas_src>

<mosaic_0001>
#map = affine_map<(d0, d1) -> (0, 0)>
#map1 = affine_map<(d0, d1) -> (0)>
module attributes {stable_mosaic.version = 14 : i64} {
  func.func @_dot_kernel(%arg0: i32, %arg1: i32, %arg2: memref<32x1000000xf32, #tpu.memory_space<hbm>>, %arg3: memref<32x1000000xf32, #tpu.memory_space<hbm>>, %arg4: memref<2x16384xi32, #tpu.memory_space<hbm>>, %arg5: memref<16384xf32, #tpu.memory_space<hbm>>, %arg6: memref<12x2x32x128xf32, #tpu.memory_space<vmem>>, %arg7: memref<512xf32, #tpu.memory_space<vmem>>, %arg8: memref<512xi32, #tpu.memory_space<vmem>>, %arg9: memref<512xi32, #tpu.memory_space<vmem>>, %arg10: memref<!tpu.dma_semaphore, #tpu.memory_space<semaphore_mem>>, %arg11: memref<12x!tpu.dma_semaphore, #tpu.memory_space<semaphore_mem>>) attributes {dimension_semantics = [#tpu.dimension_semantics<core_parallel>, #tpu.dimension_semantics<subcore_parallel>], iteration_bounds = array<i64: 2, 16>, scalar_prefetch = 0 : i64, scratch_operands = 6 : i64, tpu.core_type = #tpu.core_type<sc_vector_subcore>, window_params = [{transform_indices = #map}, {transform_indices = #map}, {transform_indices = #map}, {transform_indices = #map1}]} {
    %mul3A = arith.constant 2 : i32
    %mul3A_0 = arith.muli %arg1, %mul3A : i32
    %add3A = arith.addi %mul3A_0, %arg0 : i32
    %mul3A_1 = arith.constant 512 : i32
    %mul3A_2 = arith.muli %add3A, %mul3A_1 : i32
    %dma_start3A = arith.constant 0 : i32
    %dma_start3A_3 = tpu.memref_slice %arg4[%dma_start3A, %mul3A_2] : memref<2x16384xi32, #tpu.memory_space<hbm>> -> memref<1x512xi32, #tpu.memory_space<hbm>>
    %dma_start3A_4 = tpu.memref_squeeze %dma_start3A_3 : memref<1x512xi32, #tpu.memory_space<hbm>> -> memref<512xi32, #tpu.memory_space<hbm>>
    %dma_start3A_5 = tpu.memref_slice %arg4[%dma_start3A, %mul3A_2] : memref<2x16384xi32, #tpu.memory_space<hbm>> -> memref<1x512xi32, #tpu.memory_space<hbm>>
    %dma_start3A_6 = tpu.memref_squeeze %dma_start3A_5 : memref<1x512xi32, #tpu.memory_space<hbm>> -> memref<512xi32, #tpu.memory_space<hbm>>
    tpu.enqueue_dma source(%dma_start3A_6 : memref<512xi32, #tpu.memory_space<hbm>>) target(%arg8 : memref<512xi32, #tpu.memory_space<vmem>>) target_semaphore(%arg10 : memref<!tpu.dma_semaphore, #tpu.memory_space<semaphore_mem>>)
    %dma_start3A_7 = arith.constant 1 : i32
    %dma_start3A_8 = tpu.memref_slice %arg4[%dma_start3A_7, %mul3A_2] : memref<2x16384xi32, #tpu.memory_space<hbm>> -> memref<1x512xi32, #tpu.memory_space<hbm>>
    %dma_start3A_9 = tpu.memref_squeeze %dma_start3A_8 : memref<1x512xi32, #tpu.memory_space<hbm>> -> memref<512xi32, #tpu.memory_space<hbm>>
    %dma_start3A_10 = tpu.memref_slice %arg4[%dma_start3A_7, %mul3A_2] : memref<2x16384xi32, #tpu.memory_space<hbm>> -> memref<1x512xi32, #tpu.memory_space<hbm>>
    %dma_start3A_11 = tpu.memref_squeeze %dma_start3A_10 : memref<1x512xi32, #tpu.memory_space<hbm>> -> memref<512xi32, #tpu.memory_space<hbm>>
    tpu.enqueue_dma source(%dma_start3A_11 : memref<512xi32, #tpu.memory_space<hbm>>) target(%arg9 : memref<512xi32, #tpu.memory_space<vmem>>) target_semaphore(%arg10 : memref<!tpu.dma_semaphore, #tpu.memory_space<semaphore_mem>>)
    %dma_wait3A = arith.constant 0 : i32
    %dma_wait3A_12 = tpu.memref_slice %arg4[%dma_wait3A, %mul3A_2] : memref<2x16384xi32, #tpu.memory_space<hbm>> -> memref<1x512xi32, #tpu.memory_space<hbm>>
    %dma_wait3A_13 = tpu.memref_squeeze %dma_wait3A_12 : memref<1x512xi32, #tpu.memory_space<hbm>> -> memref<512xi32, #tpu.memory_space<hbm>>
    %dma_wait3A_14 = tpu.memref_slice %arg4[%dma_wait3A, %mul3A_2] : memref<2x16384xi32, #tpu.memory_space<hbm>> -> memref<1x512xi32, #tpu.memory_space<hbm>>
    %dma_wait3A_15 = tpu.memref_squeeze %dma_wait3A_14 : memref<1x512xi32, #tpu.memory_space<hbm>> -> memref<512xi32, #tpu.memory_space<hbm>>
    tpu.wait_dma2 semaphore(%arg10 : memref<!tpu.dma_semaphore, #tpu.memory_space<semaphore_mem>>) src(%dma_wait3A_15 : memref<512xi32, #tpu.memory_space<hbm>>) dst(%arg8 : memref<512xi32, #tpu.memory_space<vmem>>)
    %dma_wait3A_16 = arith.constant 1 : i32
    %dma_wait3A_17 = tpu.memref_slice %arg4[%dma_wait3A_16, %mul3A_2] : memref<2x16384xi32, #tpu.memory_space<hbm>> -> memref<1x512xi32, #tpu.memory_space<hbm>>
    %dma_wait3A_18 = tpu.memref_squeeze %dma_wait3A_17 : memref<1x512xi32, #tpu.memory_space<hbm>> -> memref<512xi32, #tpu.memory_space<hbm>>
    %dma_wait3A_19 = tpu.memref_slice %arg4[%dma_wait3A_16, %mul3A_2] : memref<2x16384xi32, #tpu.memory_space<hbm>> -> memref<1x512xi32, #tpu.memory_space<hbm>>
    %dma_wait3A_20 = tpu.memref_squeeze %dma_wait3A_19 : memref<1x512xi32, #tpu.memory_space<hbm>> -> memref<512xi32, #tpu.memory_space<hbm>>
    tpu.wait_dma2 semaphore(%arg10 : memref<!tpu.dma_semaphore, #tpu.memory_space<semaphore_mem>>) src(%dma_wait3A_20 : memref<512xi32, #tpu.memory_space<hbm>>) dst(%arg9 : memref<512xi32, #tpu.memory_space<vmem>>)
    %iota3A = tpu.iota {dimensions = array<i32: 0>} : vector<16xi32>
    %eq3A = arith.constant 15 : i32
    %eq3A_21 = vector.broadcast %eq3A : i32 to vector<16xi32>
    %eq3A_22 = arith.cmpi eq, %iota3A, %eq3A_21 : vector<16xi32>
    %get3A = arith.constant 0 : index
    %get3A_23 = tpu.vector_load %arg8[%get3A] {strides = array<i32>} : memref<512xi32, #tpu.memory_space<vmem>>, vector<16xi32>,
    %get3A_24 = arith.constant 0 : index
    %get3A_25 = tpu.vector_load %arg9[%get3A_24] {strides = array<i32>} : memref<512xi32, #tpu.memory_space<vmem>>, vector<16xi32>,
    %slice3A = vector.extract_strided_slice %get3A_23 {offsets = [0], sizes = [1], strides = [1]} : vector<16xi32> to vector<1xi32>
    %squeeze3A = vector.extract %slice3A[0] : i32 from vector<1xi32>
    %slice3A_26 = vector.extract_strided_slice %get3A_25 {offsets = [0], sizes = [1], strides = [1]} : vector<16xi32> to vector<1xi32>
    %squeeze3A_27 = vector.extract %slice3A_26[0] : i32 from vector<1xi32>
    %shift_right_arithmetic3A = arith.constant 7 : i32
    %shift_right_arithmetic3A_28 = arith.shrsi %squeeze3A, %shift_right_arithmetic3A : i32
    %mul3A_29 = arith.constant 128 : i32
    %mul3A_30 = arith.muli %shift_right_arithmetic3A_28, %mul3A_29 : i32
    %multiple_of3A = tpu.assume_multiple %mul3A_30, 128 : i32
    %shift_right_arithmetic3A_31 = arith.constant 7 : i32
    %shift_right_arithmetic3A_32 = arith.shrsi %squeeze3A_27, %shift_right_arithmetic3A_31 : i32
    %mul3A_33 = arith.constant 128 : i32
    %mul3A_34 = arith.muli %shift_right_arithmetic3A_32, %mul3A_33 : i32
    %multiple_of3A_35 = tpu.assume_multiple %mul3A_34, 128 : i32
    %dma_start3A_36 = arith.constant 0 : i32
    %dma_start3A_37 = arith.constant 0 : i32
    %dma_start3A_38 = arith.constant 0 : i32
    %dma_start3A_39 = arith.constant 0 : i32
    %dma_start3A_40 = arith.constant 0 : i32
    %dma_start3A_41 = tpu.memref_slice %arg6[%dma_start3A_36, %dma_start3A_37, %dma_start3A_39, %dma_start3A_40] : memref<12x2x32x128xf32, #tpu.memory_space<vmem>> -> memref<1x1x32x128xf32, #tpu.memory_space<vmem>>
    %dma_start3A_42 = tpu.memref_squeeze %dma_start3A_41 : memref<1x1x32x128xf32, #tpu.memory_space<vmem>> -> memref<32x128xf32, #tpu.memory_space<vmem>>
    %dma_start3A_43 = arith.constant 0 : i32
    %dma_start3A_44 = tpu.memref_slice %arg2[%dma_start3A_43, %multiple_of3A] : memref<32x1000000xf32, #tpu.memory_space<hbm>> -> memref<32x128xf32, #tpu.memory_space<hbm>>
    %dma_start3A_45 = tpu.memref_slice %arg11[%dma_start3A_38] : memref<12x!tpu.dma_semaphore, #tpu.memory_space<semaphore_mem>> -> memref<1x!tpu.dma_semaphore, #tpu.memory_space<semaphore_mem>>
    %dma_start3A_46 = tpu.memref_squeeze %dma_start3A_45 : memref<1x!tpu.dma_semaphore, #tpu.memory_space<semaphore_mem>> -> memref<!tpu.dma_semaphore, #tpu.memory_space<semaphore_mem>>
    %dma_start3A_47 = arith.constant 0 : i32
    %dma_start3A_48 = arith.constant 0 : i32
    %dma_start3A_49 = tpu.memref_slice %arg6[%dma_start3A_36, %dma_start3A_37, %dma_start3A_47, %dma_start3A_48] : memref<12x2x32x128xf32, #tpu.memory_space<vmem>> -> memref<1x1x32x128xf32, #tpu.memory_space<vmem>>
    %dma_start3A_50 = tpu.memref_squeeze %dma_start3A_49 : memref<1x1x32x128xf32, #tpu.memory_space<vmem>> -> memref<32x128xf32, #tpu.memory_space<vmem>>
    %dma_start3A_51 = arith.constant 0 : i32
    %dma_start3A_52 = tpu.memref_slice %arg2[%dma_start3A_51, %multiple_of3A] : memref<32x1000000xf32, #tpu.memory_space<hbm>> -> memref<32x128xf32, #tpu.memory_space<hbm>>
    tpu.enqueue_dma source(%dma_start3A_52 : memref<32x128xf32, #tpu.memory_space<hbm>>) target(%dma_start3A_50 : memref<32x128xf32, #tpu.memory_space<vmem>>) target_semaphore(%dma_start3A_46 : memref<!tpu.dma_semaphore, #tpu.memory_space<semaphore_mem>>)
    %dma_start3A_53 = arith.constant 0 : i32
    %dma_start3A_54 = arith.constant 1 : i32
    %dma_start3A_55 = arith.constant 0 : i32
    %dma_start3A_56 = arith.constant 0 : i32
    %dma_start3A_57 = arith.constant 0 : i32
    %dma_start3A_58 = tpu.memref_slice %arg6[%dma_start3A_53, %dma_start3A_54, %dma_start3A_56, %dma_start3A_57] : memref<12x2x32x128xf32, #tpu.memory_space<vmem>> -> memref<1x1x32x128xf32, #tpu.memory_space<vmem>>
    %dma_start3A_59 = tpu.memref_squeeze %dma_start3A_58 : memref<1x1x32x128xf32, #tpu.memory_space<vmem>> -> memref<32x128xf32, #tpu.memory_space<vmem>>
    %dma_start3A_60 = arith.constant 0 : i32
    %dma_start3A_61 = tpu.memref_slice %arg3[%dma_start3A_60, %multiple_of3A_35] : memref<32x1000000xf32, #tpu.memory_space<hbm>> -> memref<32x128xf32, #tpu.memory_space<hbm>>
    %dma_start3A_62 = tpu.memref_slice %arg11[%dma_start3A_55] : memref<12x!tpu.dma_semaphore, #tpu.memory_space<semaphore_mem>> -> memref<1x!tpu.dma_semaphore, #tpu.memory_space<semaphore_mem>>
    %dma_start3A_63 = tpu.memref_squeeze %dma_start3A_62 : memref<1x!tpu.dma_semaphore, #tpu.memory_space<semaphore_mem>> -> memref<!tpu.dma_semaphore, #tpu.memory_space<semaphore_mem>>
    %dma_start3A_64 = arith.constant 0 : i32
    %dma_start3A_65 = arith.constant 0 : i32
    %dma_start3A_66 = tpu.memref_slice %arg6[%dma_start3A_53, %dma_start3A_54, %dma_start3A_64, %dma_start3A_65] : memref<12x2x32x128xf32, #tpu.memory_space<vmem>> -> memref<1x1x32x128xf32, #tpu.memory_space<vmem>>
    %dma_start3A_67 = tpu.memref_squeeze %dma_start3A_66 : memref<1x1x32x128xf32, #tpu.memory_space<vmem>> -> memref<32x128xf32, #tpu.memory_space<vmem>>
    %dma_start3A_68 = arith.constant 0 : i32
    %dma_start3A_69 = tpu.memref_slice %arg3[%dma_start3A_68, %multiple_of3A_35] : memref<32x1000000xf32, #tpu.memory_space<hbm>> -> memref<32x128xf32, #tpu.memory_space<hbm>>
    tpu.enqueue_dma source(%dma_start3A_69 : memref<32x128xf32, #tpu.memory_space<hbm>>) target(%dma_start3A_67 : memref<32x128xf32, #tpu.memory_space<vmem>>) target_semaphore(%dma_start3A_63 : memref<!tpu.dma_semaphore, #tpu.memory_space<semaphore_mem>>)
    %slice3A_70 = vector.extract_strided_slice %get3A_23 {offsets = [1], sizes = [1], strides = [1]} : vector<16xi32> to vector<1xi32>
    %squeeze3A_71 = vector.extract %slice3A_70[0] : i32 from vector<1xi32>
    %slice3A_72 = vector.extract_strided_slice %get3A_25 {offsets = [1], sizes = [1], strides = [1]} : vector<16xi32> to vector<1xi32>
    %squeeze3A_73 = vector.extract %slice3A_72[0] : i32 from vector<1xi32>
    %shift_right_arithmetic3A_74 = arith.constant 7 : i32
    %shift_right_arithmetic3A_75 = arith.shrsi %squeeze3A_71, %shift_right_arithmetic3A_74 : i32
    %mul3A_76 = arith.constant 128 : i32
    %mul3A_77 = arith.muli %shift_right_arithmetic3A_75, %mul3A_76 : i32
    %multiple_of3A_78 = tpu.assume_multiple %mul3A_77, 128 : i32
    %shift_right_arithmetic3A_79 = arith.constant 7 : i32
    %shift_right_arithmetic3A_80 = arith.shrsi %squeeze3A_73, %shift_right_arithmetic3A_79 : i32
    %mul3A_81 = arith.constant 128 : i32
    %mul3A_82 = arith.muli %shift_right_arithmetic3A_80, %mul3A_81 : i32
    %multiple_of3A_83 = tpu.assume_multiple %mul3A_82, 128 : i32
    %dma_start3A_84 = arith.constant 1 : i32
    %dma_start3A_85 = arith.constant 0 : i32
    %dma_start3A_86 = arith.constant 1 : i32
    %dma_start3A_87 = arith.constant 0 : i32
    %dma_start3A_88 = arith.constant 0 : i32
    %dma_start3A_89 = tpu.memref_slice %arg6[%dma_start3A_84, %dma_start3A_85, %dma_start3A_87, %dma_start3A_88] : memref<12x2x32x128xf32, #tpu.memory_space<vmem>> -> memref<1x1x32x128xf32, #tpu.memory_space<vmem>>
    %dma_start3A_90 = tpu.memref_squeeze %dma_start3A_89 : memref<1x1x32x128xf32, #tpu.memory_space<vmem>> -> memref<32x128xf32, #tpu.memory_space<vmem>>
    %dma_start3A_91 = arith.constant 0 : i32
    %dma_start3A_92 = tpu.memref_slice %arg2[%dma_start3A_91, %multiple_of3A_78] : memref<32x1000000xf32, #tpu.memory_space<hbm>> -> memref<32x128xf32, #tpu.memory_space<hbm>>
    %dma_start3A_93 = tpu.memref_slice %arg11[%dma_start3A_86] : memref<12x!tpu.dma_semaphore, #tpu.memory_space<semaphore_mem>> -> memref<1x!tpu.dma_semaphore, #tpu.memory_space<semaphore_mem>>
    %dma_start3A_94 = tpu.memref_squeeze %dma_start3A_93 : memref<1x!tpu.dma_semaphore, #tpu.memory_space<semaphore_mem>> -> memref<!tpu.dma_semaphore, #tpu.memory_space<semaphore_mem>>
    %dma_start3A_95 = arith.constant 0 : i32
    %dma_start3A_96 = arith.constant 0 : i32
    %dma_start3A_97 = tpu.memref_slice %arg6[%dma_start3A_84, %dma_start3A_85, %dma_start3A_95, %dma_start3A_96] : memref<12x2x32x128xf32, #tpu.memory_space<vmem>> -> memref<1x1x32x128xf32, #tpu.memory_space<vmem>>
    %dma_start3A_98 = tpu.memref_squeeze %dma_start3A_97 : memref<1x1x32x128xf32, #tpu.memory_space<vmem>> -> memref<32x128xf32, #tpu.memory_space<vmem>>
    %dma_start3A_99 = arith.constant 0 : i32
    %dma_start3A_100 = tpu.memref_slice %arg2[%dma_start3A_99, %multiple_of3A_78] : memref<32x1000000xf32, #tpu.memory_space<hbm>> -> memref<32x128xf32, #tpu.memory_space<hbm>>
    tpu.enqueue_dma source(%dma_start3A_100 : memref<32x128xf32, #tpu.memory_space<hbm>>) target(%dma_start3A_98 : memref<32x128xf32, #tpu.memory_space<vmem>>) target_semaphore(%dma_start3A_94 : memref<!tpu.dma_semaphore, #tpu.memory_space<semaphore_mem>>)
    %dma_start3A_101 = arith.constant 1 : i32
    %dma_start3A_102 = arith.constant 1 : i32
    %dma_start3A_103 = arith.constant 1 : i32
    %dma_start3A_104 = arith.constant 0 : i32
    %dma_start3A_105 = arith.constant 0 : i32
    %dma_start3A_106 = tpu.memref_slice %arg6[%dma_start3A_101, %dma_start3A_102, %dma_start3A_104, %dma_start3A_105] : memref<12x2x32x128xf32, #tpu.memory_space<vmem>> -> memref<1x1x32x128xf32, #tpu.memory_space<vmem>>
    %dma_start3A_107 = tpu.memref_squeeze %dma_start3A_106 : memref<1x1x32x128xf32, #tpu.memory_space<vmem>> -> memref<32x128xf32, #tpu.memory_space<vmem>>
    %dma_start3A_108 = arith.constant 0 : i32
    %dma_start3A_109 = tpu.memref_slice %arg3[%dma_start3A_108, %multiple_of3A_83] : memref<32x1000000xf32, #tpu.memory_space<hbm>> -> memref<32x128xf32, #tpu.memory_space<hbm>>
    %dma_start3A_110 = tpu.memref_slice %arg11[%dma_start3A_103] : memref<12x!tpu.dma_semaphore, #tpu.memory_space<semaphore_mem>> -> memref<1x!tpu.dma_semaphore, #tpu.memory_space<semaphore_mem>>
    %dma_start3A_111 = tpu.memref_squeeze %dma_start3A_110 : memref<1x!tpu.dma_semaphore, #tpu.memory_space<semaphore_mem>> -> memref<!tpu.dma_semaphore, #tpu.memory_space<semaphore_mem>>
    %dma_start3A_112 = arith.constant 0 : i32
    %dma_start3A_113 = arith.constant 0 : i32
    %dma_start3A_114 = tpu.memref_slice %arg6[%dma_start3A_101, %dma_start3A_102, %dma_start3A_112, %dma_start3A_113] : memref<12x2x32x128xf32, #tpu.memory_space<vmem>> -> memref<1x1x32x128xf32, #tpu.memory_space<vmem>>
    %dma_start3A_115 = tpu.memref_squeeze %dma_start3A_114 : memref<1x1x32x128xf32, #tpu.memory_space<vmem>> -> memref<32x128xf32, #tpu.memory_space<vmem>>
    %dma_start3A_116 = arith.constant 0 : i32
    %dma_start3A_117 = tpu.memref_slice %arg3[%dma_start3A_116, %multiple_of3A_83] : memref<32x1000000xf32, #tpu.memory_space<hbm>> -> memref<32x128xf32, #tpu.memory_space<hbm>>
    tpu.enqueue_dma source(%dma_start3A_117 : memref<32x128xf32, #tpu.memory_space<hbm>>) target(%dma_start3A_115 : memref<32x128xf32, #tpu.memory_space<vmem>>) target_semaphore(%dma_start3A_111 : memref<!tpu.dma_semaphore, #tpu.memory_space<semaphore_mem>>)
    %slice3A_118 = vector.extract_strided_slice %get3A_23 {offsets = [2], sizes = [1], strides = [1]} : vector<16xi32> to vector<1xi32>
    %squeeze3A_119 = vector.extract %slice3A_118[0] : i32 from vector<1xi32>
    %slice3A_120 = vector.extract_strided_slice %get3A_25 {offsets = [2], sizes = [1], strides = [1]} : vector<16xi32> to vector<1xi32>
    %squeeze3A_121 = vector.extract %slice3A_120[0] : i32 from vector<1xi32>
    %shift_right_arithmetic3A_122 = arith.constant 7 : i32
    %shift_right_arithmetic3A_123 = arith.shrsi %squeeze3A_119, %shift_right_arithmetic3A_122 : i32
    %mul3A_124 = arith.constant 128 : i32
    %mul3A_125 = arith.muli %shift_right_arithmetic3A_123, %mul3A_124 : i32
    %multiple_of3A_126 = tpu.assume_multiple %mul3A_125, 128 : i32
    %shift_right_arithmetic3A_127 = arith.constant 7 : i32
    %shift_right_arithmetic3A_128 = arith.shrsi %squeeze3A_121, %shift_right_arithmetic3A_127 : i32
    %mul3A_129 = arith.constant 128 : i32
    %mul3A_130 = arith.muli %shift_right_arithmetic3A_128, %mul3A_129 : i32
    %multiple_of3A_131 = tpu.assume_multiple %mul3A_130, 128 : i32
    %dma_start3A_132 = arith.constant 2 : i32
    %dma_start3A_133 = arith.constant 0 : i32
    %dma_start3A_134 = arith.constant 2 : i32
    %dma_start3A_135 = arith.constant 0 : i32
    %dma_start3A_136 = arith.constant 0 : i32
    %dma_start3A_137 = tpu.memref_slice %arg6[%dma_start3A_132, %dma_start3A_133, %dma_start3A_135, %dma_start3A_136] : memref<12x2x32x128xf32, #tpu.memory_space<vmem>> -> memref<1x1x32x128xf32, #tpu.memory_space<vmem>>
    %dma_start3A_138 = tpu.memref_squeeze %dma_start3A_137 : memref<1x1x32x128xf32, #tpu.memory_space<vmem>> -> memref<32x128xf32, #tpu.memory_space<vmem>>
    %dma_start3A_139 = arith.constant 0 : i32
    %dma_start3A_140 = tpu.memref_slice %arg2[%dma_start3A_139, %multiple_of3A_126] : memref<32x1000000xf32, #tpu.memory_space<hbm>> -> memref<32x128xf32, #tpu.memory_space<hbm>>
    %dma_start3A_141 = tpu.memref_slice %arg11[%dma_start3A_134] : memref<12x!tpu.dma_semaphore, #tpu.memory_space<semaphore_mem>> -> memref<1x!tpu.dma_semaphore, #tpu.memory_space<semaphore_mem>>
    %dma_start3A_142 = tpu.memref_squeeze %dma_start3A_141 : memref<1x!tpu.dma_semaphore, #tpu.memory_space<semaphore_mem>> -> memref<!tpu.dma_semaphore, #tpu.memory_space<semaphore_mem>>
    %dma_start3A_143 = arith.constant 0 : i32
    %dma_start3A_144 = arith.constant 0 : i32
    %dma_start3A_145 = tpu.memref_slice %arg6[%dma_start3A_132, %dma_start3A_133, %dma_start3A_143, %dma_start3A_144] : memref<12x2x32x128xf32, #tpu.memory_space<vmem>> -> memref<1x1x32x128xf32, #tpu.memory_space<vmem>>
    %dma_start3A_146 = tpu.memref_squeeze %dma_start3A_145 : memref<1x1x32x128xf32, #tpu.memory_space<vmem>> -> memref<32x128xf32, #tpu.memory_space<vmem>>
    %dma_start3A_147 = arith.constant 0 : i32
    %dma_start3A_148 = tpu.memref_slice %arg2[%dma_start3A_147, %multiple_of3A_126] : memref<32x1000000xf32, #tpu.memory_space<hbm>> -> memref<32x128xf32, #tpu.memory_space<hbm>>
    tpu.enqueue_dma source(%dma_start3A_148 : memref<32x128xf32, #tpu.memory_space<hbm>>) target(%dma_start3A_146 : memref<32x128xf32, #tpu.memory_space<vmem>>) target_semaphore(%dma_start3A_142 : memref<!tpu.dma_semaphore, #tpu.memory_space<semaphore_mem>>)
    %dma_start3A_149 = arith.constant 2 : i32
    %dma_start3A_150 = arith.constant 1 : i32
    %dma_start3A_151 = arith.constant 2 : i32
    %dma_start3A_152 = arith.constant 0 : i32
    %dma_start3A_153 = arith.constant 0 : i32
    %dma_start3A_154 = tpu.memref_slice %arg6[%dma_start3A_149, %dma_start3A_150, %dma_start3A_152, %dma_start3A_153] : memref<12x2x32x128xf32, #tpu.memory_space<vmem>> -> memref<1x1x32x128xf32, #tpu.memory_space<vmem>>
    %dma_start3A_155 = tpu.memref_squeeze %dma_start3A_154 : memref<1x1x32x128xf32, #tpu.memory_space<vmem>> -> memref<32x128xf32, #tpu.memory_space<vmem>>
    %dma_start3A_156 = arith.constant 0 : i32
    %dma_start3A_157 = tpu.memref_slice %arg3[%dma_start3A_156, %multiple_of3A_131] : memref<32x1000000xf32, #tpu.memory_space<hbm>> -> memref<32x128xf32, #tpu.memory_space<hbm>>
    %dma_start3A_158 = tpu.memref_slice %arg11[%dma_start3A_151] : memref<12x!tpu.dma_semaphore, #tpu.memory_space<semaphore_mem>> -> memref<1x!tpu.dma_semaphore, #tpu.memory_space<semaphore_mem>>
    %dma_start3A_159 = tpu.memref_squeeze %dma_start3A_158 : memref<1x!tpu.dma_semaphore, #tpu.memory_space<semaphore_mem>> -> memref<!tpu.dma_semaphore, #tpu.memory_space<semaphore_mem>>
    %dma_start3A_160 = arith.constant 0 : i32
    %dma_start3A_161 = arith.constant 0 : i32
    %dma_start3A_162 = tpu.memref_slice %arg6[%dma_start3A_149, %dma_start3A_150, %dma_start3A_160, %dma_start3A_161] : memref<12x2x32x128xf32, #tpu.memory_space<vmem>> -> memref<1x1x32x128xf32, #tpu.memory_space<vmem>>
    %dma_start3A_163 = tpu.memref_squeeze %dma_start3A_162 : memref<1x1x32x128xf32, #tpu.memory_space<vmem>> -> memref<32x128xf32, #tpu.memory_space<vmem>>
    %dma_start3A_164 = arith.constant 0 : i32
    %dma_start3A_165 = tpu.memref_slice %arg3[%dma_start3A_164, %multiple_of3A_131] : memref<32x1000000xf32, #tpu.memory_space<hbm>> -> memref<32x128xf32, #tpu.memory_space<hbm>>
    tpu.enqueue_dma source(%dma_start3A_165 : memref<32x128xf32, #tpu.memory_space<hbm>>) target(%dma_start3A_163 : memref<32x128xf32, #tpu.memory_space<vmem>>) target_semaphore(%dma_start3A_159 : memref<!tpu.dma_semaphore, #tpu.memory_space<semaphore_mem>>)
    %slice3A_166 = vector.extract_strided_slice %get3A_23 {offsets = [3], sizes = [1], strides = [1]} : vector<16xi32> to vector<1xi32>
    %squeeze3A_167 = vector.extract %slice3A_166[0] : i32 from vector<1xi32>
    %slice3A_168 = vector.extract_strided_slice %get3A_25 {offsets = [3], sizes = [1], strides = [1]} : vector<16xi32> to vector<1xi32>
    %squeeze3A_169 = vector.extract %slice3A_168[0] : i32 from vector<1xi32>
    %shift_right_arithmetic3A_170 = arith.constant 7 : i32
    %shift_right_arithmetic3A_171 = arith.shrsi %squeeze3A_167, %shift_right_arithmetic3A_170 : i32
    %mul3A_172 = arith.constant 128 : i32
    %mul3A_173 = arith.muli %shift_right_arithmetic3A_171, %mul3A_172 : i32
    %multiple_of3A_174 = tpu.assume_multiple %mul3A_173, 128 : i32
    %shift_right_arithmetic3A_175 = arith.constant 7 : i32
    %shift_right_arithmetic3A_176 = arith.shrsi %squeeze3A_169, %shift_right_arithmetic3A_175 : i32
    %mul3A_177 = arith.constant 128 : i32
    %mul3A_178 = arith.muli %shift_right_arithmetic3A_176, %mul3A_177 : i32
    %multiple_of3A_179 = tpu.assume_multiple %mul3A_178, 128 : i32
    %dma_start3A_180 = arith.constant 3 : i32
    %dma_start3A_181 = arith.constant 0 : i32
    %dma_start3A_182 = arith.constant 3 : i32
    %dma_start3A_183 = arith.constant 0 : i32
    %dma_start3A_184 = arith.constant 0 : i32
    %dma_start3A_185 = tpu.memref_slice %arg6[%dma_start3A_180, %dma_start3A_181, %dma_start3A_183, %dma_start3A_184] : memref<12x2x32x128xf32, #tpu.memory_space<vmem>> -> memref<1x1x32x128xf32, #tpu.memory_space<vmem>>
    %dma_start3A_186 = tpu.memref_squeeze %dma_start3A_185 : memref<1x1x32x128xf32, #tpu.memory_space<vmem>> -> memref<32x128xf32, #tpu.memory_space<vmem>>
    %dma_start3A_187 = arith.constant 0 : i32
    %dma_start3A_188 = tpu.memref_slice %arg2[%dma_start3A_187, %multiple_of3A_174] : memref<32x1000000xf32, #tpu.memory_space<hbm>> -> memref<32x128xf32, #tpu.memory_space<hbm>>
    %dma_start3A_189 = tpu.memref_slice %arg11[%dma_start3A_182] : memref<12x!tpu.dma_semaphore, #tpu.memory_space<semaphore_mem>> -> memref<1x!tpu.dma_semaphore, #tpu.memory_space<semaphore_mem>>
    %dma_start3A_190 = tpu.memref_squeeze %dma_start3A_189 : memref<1x!tpu.dma_semaphore, #tpu.memory_space<semaphore_mem>> -> memref<!tpu.dma_semaphore, #tpu.memory_space<semaphore_mem>>
    %dma_start3A_191 = arith.constant 0 : i32
    %dma_start3A_192 = arith.constant 0 : i32
    %dma_start3A_193 = tpu.memref_slice %arg6[%dma_start3A_180, %dma_start3A_181, %dma_start3A_191, %dma_start3A_192] : memref<12x2x32x128xf32, #tpu.memory_space<vmem>> -> memref<1x1x32x128xf32, #tpu.memory_space<vmem>>
    %dma_start3A_194 = tpu.memref_squeeze %dma_start3A_193 : memref<1x1x32x128xf32, #tpu.memory_space<vmem>> -> memref<32x128xf32, #tpu.memory_space<vmem>>
    %dma_start3A_195 = arith.constant 0 : i32
    %dma_start3A_196 = tpu.memref_slice %arg2[%dma_start3A_195, %multiple_of3A_174] : memref<32x1000000xf32, #tpu.memory_space<hbm>> -> memref<32x128xf32, #tpu.memory_space<hbm>>
    tpu.enqueue_dma source(%dma_start3A_196 : memref<32x128xf32, #tpu.memory_space<hbm>>) target(%dma_start3A_194 : memref<32x128xf32, #tpu.memory_space<vmem>>) target_semaphore(%dma_start3A_190 : memref<!tpu.dma_semaphore, #tpu.memory_space<semaphore_mem>>)
    %dma_start3A_197 = arith.constant 3 : i32
    %dma_start3A_198 = arith.constant 1 : i32
    %dma_start3A_199 = arith.constant 3 : i32
    %dma_start3A_200 = arith.constant 0 : i32
    %dma_start3A_201 = arith.constant 0 : i32
    %dma_start3A_202 = tpu.memref_slice %arg6[%dma_start3A_197, %dma_start3A_198, %dma_start3A_200, %dma_start3A_201] : memref<12x2x32x128xf32, #tpu.memory_space<vmem>> -> memref<1x1x32x128xf32, #tpu.memory_space<vmem>>
    %dma_start3A_203 = tpu.memref_squeeze %dma_start3A_202 : memref<1x1x32x128xf32, #tpu.memory_space<vmem>> -> memref<32x128xf32, #tpu.memory_space<vmem>>
    %dma_start3A_204 = arith.constant 0 : i32
    %dma_start3A_205 = tpu.memref_slice %arg3[%dma_start3A_204, %multiple_of3A_179] : memref<32x1000000xf32, #tpu.memory_space<hbm>> -> memref<32x128xf32, #tpu.memory_space<hbm>>
    %dma_start3A_206 = tpu.memref_slice %arg11[%dma_start3A_199] : memref<12x!tpu.dma_semaphore, #tpu.memory_space<semaphore_mem>> -> memref<1x!tpu.dma_semaphore, #tpu.memory_space<semaphore_mem>>
    %dma_start3A_207 = tpu.memref_squeeze %dma_start3A_206 : memref<1x!tpu.dma_semaphore, #tpu.memory_space<semaphore_mem>> -> memref<!tpu.dma_semaphore, #tpu.memory_space<semaphore_mem>>
    %dma_start3A_208 = arith.constant 0 : i32
    %dma_start3A_209 = arith.constant 0 : i32
    %dma_start3A_210 = tpu.memref_slice %arg6[%dma_start3A_197, %dma_start3A_198, %dma_start3A_208, %dma_start3A_209] : memref<12x2x32x128xf32, #tpu.memory_space<vmem>> -> memref<1x1x32x128xf32, #tpu.memory_space<vmem>>
    %dma_start3A_211 = tpu.memref_squeeze %dma_start3A_210 : memref<1x1x32x128xf32, #tpu.memory_space<vmem>> -> memref<32x128xf32, #tpu.memory_space<vmem>>
    %dma_start3A_212 = arith.constant 0 : i32
    %dma_start3A_213 = tpu.memref_slice %arg3[%dma_start3A_212, %multiple_of3A_179] : memref<32x1000000xf32, #tpu.memory_space<hbm>> -> memref<32x128xf32, #tpu.memory_space<hbm>>
    tpu.enqueue_dma source(%dma_start3A_213 : memref<32x128xf32, #tpu.memory_space<hbm>>) target(%dma_start3A_211 : memref<32x128xf32, #tpu.memory_space<vmem>>) target_semaphore(%dma_start3A_207 : memref<!tpu.dma_semaphore, #tpu.memory_space<semaphore_mem>>)
    %slice3A_214 = vector.extract_strided_slice %get3A_23 {offsets = [4], sizes = [1], strides = [1]} : vector<16xi32> to vector<1xi32>
    %squeeze3A_215 = vector.extract %slice3A_214[0] : i32 from vector<1xi32>
    %slice3A_216 = vector.extract_strided_slice %get3A_25 {offsets = [4], sizes = [1], strides = [1]} : vector<16xi32> to vector<1xi32>
    %squeeze3A_217 = vector.extract %slice3A_216[0] : i32 from vector<1xi32>
    %shift_right_arithmetic3A_218 = arith.constant 7 : i32
    %shift_right_arithmetic3A_219 = arith.shrsi %squeeze3A_215, %shift_right_arithmetic3A_218 : i32
    %mul3A_220 = arith.constant 128 : i32
    %mul3A_221 = arith.muli %shift_right_arithmetic3A_219, %mul3A_220 : i32
    %multiple_of3A_222 = tpu.assume_multiple %mul3A_221, 128 : i32
    %shift_right_arithmetic3A_223 = arith.constant 7 : i32
    %shift_right_arithmetic3A_224 = arith.shrsi %squeeze3A_217, %shift_right_arithmetic3A_223 : i32
    %mul3A_225 = arith.constant 128 : i32
    %mul3A_226 = arith.muli %shift_right_arithmetic3A_224, %mul3A_225 : i32
    %multiple_of3A_227 = tpu.assume_multiple %mul3A_226, 128 : i32
    %dma_start3A_228 = arith.constant 4 : i32
    %dma_start3A_229 = arith.constant 0 : i32
    %dma_start3A_230 = arith.constant 4 : i32
    %dma_start3A_231 = arith.constant 0 : i32
    %dma_start3A_232 = arith.constant 0 : i32
    %dma_start3A_233 = tpu.memref_slice %arg6[%dma_start3A_228, %dma_start3A_229, %dma_start3A_231, %dma_start3A_232] : memref<12x2x32x128xf32, #tpu.memory_space<vmem>> -> memref<1x1x32x128xf32, #tpu.memory_space<vmem>>
    %dma_start3A_234 = tpu.memref_squeeze %dma_start3A_233 : memref<1x1x32x128xf32, #tpu.memory_space<vmem>> -> memref<32x128xf32, #tpu.memory_space<vmem>>
    %dma_start3A_235 = arith.constant 0 : i32
    %dma_start3A_236 = tpu.memref_slice %arg2[%dma_start3A_235, %multiple_of3A_222] : memref<32x1000000xf32, #tpu.memory_space<hbm>> -> memref<32x128xf32, #tpu.memory_space<hbm>>
    %dma_start3A_237 = tpu.memref_slice %arg11[%dma_start3A_230] : memref<12x!tpu.dma_semaphore, #tpu.memory_space<semaphore_mem>> -> memref<1x!tpu.dma_semaphore, #tpu.memory_space<semaphore_mem>>
    %dma_start3A_238 = tpu.memref_squeeze %dma_start3A_237 : memref<1x!tpu.dma_semaphore, #tpu.memory_space<semaphore_mem>> -> memref<!tpu.dma_semaphore, #tpu.memory_space<semaphore_mem>>
    %dma_start3A_239 = arith.constant 0 : i32
    %dma_start3A_240 = arith.constant 0 : i32
    %dma_start3A_241 = tpu.memref_slice %arg6[%dma_start3A_228, %dma_start3A_229, %dma_start3A_239, %dma_start3A_240] : memref<12x2x32x128xf32, #tpu.memory_space<vmem>> -> memref<1x1x32x128xf32, #tpu.memory_space<vmem>>
    %dma_start3A_242 = tpu.memref_squeeze %dma_start3A_241 : memref<1x1x32x128xf32, #tpu.memory_space<vmem>> -> memref<32x128xf32, #tpu.memory_space<vmem>>
    %dma_start3A_243 = arith.constant 0 : i32
    %dma_start3A_244 = tpu.memref_slice %arg2[%dma_start3A_243, %multiple_of3A_222] : memref<32x1000000xf32, #tpu.memory_space<hbm>> -> memref<32x128xf32, #tpu.memory_space<hbm>>
    tpu.enqueue_dma source(%dma_start3A_244 : memref<32x128xf32, #tpu.memory_space<hbm>>) target(%dma_start3A_242 : memref<32x128xf32, #tpu.memory_space<vmem>>) target_semaphore(%dma_start3A_238 : memref<!tpu.dma_semaphore, #tpu.memory_space<semaphore_mem>>)
    %dma_start3A_245 = arith.constant 4 : i32
    %dma_start3A_246 = arith.constant 1 : i32
    %dma_start3A_247 = arith.constant 4 : i32
    %dma_start3A_248 = arith.constant 0 : i32
    %dma_start3A_249 = arith.constant 0 : i32
    %dma_start3A_250 = tpu.memref_slice %arg6[%dma_start3A_245, %dma_start3A_246, %dma_start3A_248, %dma_start3A_249] : memref<12x2x32x128xf32, #tpu.memory_space<vmem>> -> memref<1x1x32x128xf32, #tpu.memory_space<vmem>>
    %dma_start3A_251 = tpu.memref_squeeze %dma_start3A_250 : memref<1x1x32x128xf32, #tpu.memory_space<vmem>> -> memref<32x128xf32, #tpu.memory_space<vmem>>
    %dma_start3A_252 = arith.constant 0 : i32
    %dma_start3A_253 = tpu.memref_slice %arg3[%dma_start3A_252, %multiple_of3A_227] : memref<32x1000000xf32, #tpu.memory_space<hbm>> -> memref<32x128xf32, #tpu.memory_space<hbm>>
    %dma_start3A_254 = tpu.memref_slice %arg11[%dma_start3A_247] : memref<12x!tpu.dma_semaphore, #tpu.memory_space<semaphore_mem>> -> memref<1x!tpu.dma_semaphore, #tpu.memory_space<semaphore_mem>>
    %dma_start3A_255 = tpu.memref_squeeze %dma_start3A_254 : memref<1x!tpu.dma_semaphore, #tpu.memory_space<semaphore_mem>> -> memref<!tpu.dma_semaphore, #tpu.memory_space<semaphore_mem>>
    %dma_start3A_256 = arith.constant 0 : i32
    %dma_start3A_257 = arith.constant 0 : i32
    %dma_start3A_258 = tpu.memref_slice %arg6[%dma_start3A_245, %dma_start3A_246, %dma_start3A_256, %dma_start3A_257] : memref<12x2x32x128xf32, #tpu.memory_space<vmem>> -> memref<1x1x32x128xf32, #tpu.memory_space<vmem>>
    %dma_start3A_259 = tpu.memref_squeeze %dma_start3A_258 : memref<1x1x32x128xf32, #tpu.memory_space<vmem>> -> memref<32x128xf32, #tpu.memory_space<vmem>>
    %dma_start3A_260 = arith.constant 0 : i32
    %dma_start3A_261 = tpu.memref_slice %arg3[%dma_start3A_260, %multiple_of3A_227] : memref<32x1000000xf32, #tpu.memory_space<hbm>> -> memref<32x128xf32, #tpu.memory_space<hbm>>
    tpu.enqueue_dma source(%dma_start3A_261 : memref<32x128xf32, #tpu.memory_space<hbm>>) target(%dma_start3A_259 : memref<32x128xf32, #tpu.memory_space<vmem>>) target_semaphore(%dma_start3A_255 : memref<!tpu.dma_semaphore, #tpu.memory_space<semaphore_mem>>)
    %slice3A_262 = vector.extract_strided_slice %get3A_23 {offsets = [5], sizes = [1], strides = [1]} : vector<16xi32> to vector<1xi32>
    %squeeze3A_263 = vector.extract %slice3A_262[0] : i32 from vector<1xi32>
    %slice3A_264 = vector.extract_strided_slice %get3A_25 {offsets = [5], sizes = [1], strides = [1]} : vector<16xi32> to vector<1xi32>
    %squeeze3A_265 = vector.extract %slice3A_264[0] : i32 from vector<1xi32>
    %shift_right_arithmetic3A_266 = arith.constant 7 : i32
    %shift_right_arithmetic3A_267 = arith.shrsi %squeeze3A_263, %shift_right_arithmetic3A_266 : i32
    %mul3A_268 = arith.constant 128 : i32
    %mul3A_269 = arith.muli %shift_right_arithmetic3A_267, %mul3A_268 : i32
    %multiple_of3A_270 = tpu.assume_multiple %mul3A_269, 128 : i32
    %shift_right_arithmetic3A_271 = arith.constant 7 : i32
    %shift_right_arithmetic3A_272 = arith.shrsi %squeeze3A_265, %shift_right_arithmetic3A_271 : i32
    %mul3A_273 = arith.constant 128 : i32
    %mul3A_274 = arith.muli %shift_right_arithmetic3A_272, %mul3A_273 : i32
    %multiple_of3A_275 = tpu.assume_multiple %mul3A_274, 128 : i32
    %dma_start3A_276 = arith.constant 5 : i32
    %dma_start3A_277 = arith.constant 0 : i32
    %dma_start3A_278 = arith.constant 5 : i32
    %dma_start3A_279 = arith.constant 0 : i32
    %dma_start3A_280 = arith.constant 0 : i32
    %dma_start3A_281 = tpu.memref_slice %arg6[%dma_start3A_276, %dma_start3A_277, %dma_start3A_279, %dma_start3A_280] : memref<12x2x32x128xf32, #tpu.memory_space<vmem>> -> memref<1x1x32x128xf32, #tpu.memory_space<vmem>>
    %dma_start3A_282 = tpu.memref_squeeze %dma_start3A_281 : memref<1x1x32x128xf32, #tpu.memory_space<vmem>> -> memref<32x128xf32, #tpu.memory_space<vmem>>
    %dma_start3A_283 = arith.constant 0 : i32
    %dma_start3A_284 = tpu.memref_slice %arg2[%dma_start3A_283, %multiple_of3A_270] : memref<32x1000000xf32, #tpu.memory_space<hbm>> -> memref<32x128xf32, #tpu.memory_space<hbm>>
    %dma_start3A_285 = tpu.memref_slice %arg11[%dma_start3A_278] : memref<12x!tpu.dma_semaphore, #tpu.memory_space<semaphore_mem>> -> memref<1x!tpu.dma_semaphore, #tpu.memory_space<semaphore_mem>>
    %dma_start3A_286 = tpu.memref_squeeze %dma_start3A_285 : memref<1x!tpu.dma_semaphore, #tpu.memory_space<semaphore_mem>> -> memref<!tpu.dma_semaphore, #tpu.memory_space<semaphore_mem>>
    %dma_start3A_287 = arith.constant 0 : i32
    %dma_start3A_288 = arith.constant 0 : i32
    %dma_start3A_289 = tpu.memref_slice %arg6[%dma_start3A_276, %dma_start3A_277, %dma_start3A_287, %dma_start3A_288] : memref<12x2x32x128xf32, #tpu.memory_space<vmem>> -> memref<1x1x32x128xf32, #tpu.memory_space<vmem>>
    %dma_start3A_290 = tpu.memref_squeeze %dma_start3A_289 : memref<1x1x32x128xf32, #tpu.memory_space<vmem>> -> memref<32x128xf32, #tpu.memory_space<vmem>>
    %dma_start3A_291 = arith.constant 0 : i32
    %dma_start3A_292 = tpu.memref_slice %arg2[%dma_start3A_291, %multiple_of3A_270] : memref<32x1000000xf32, #tpu.memory_space<hbm>> -> memref<32x128xf32, #tpu.memory_space<hbm>>
    tpu.enqueue_dma source(%dma_start3A_292 : memref<32x128xf32, #tpu.memory_space<hbm>>) target(%dma_start3A_290 : memref<32x128xf32, #tpu.memory_space<vmem>>) target_semaphore(%dma_start3A_286 : memref<!tpu.dma_semaphore, #tpu.memory_space<semaphore_mem>>)
    %dma_start3A_293 = arith.constant 5 : i32
    %dma_start3A_294 = arith.constant 1 : i32
    %dma_start3A_295 = arith.constant 5 : i32
    %dma_start3A_296 = arith.constant 0 : i32
    %dma_start3A_297 = arith.constant 0 : i32
    %dma_start3A_298 = tpu.memref_slice %arg6[%dma_start3A_293, %dma_start3A_294, %dma_start3A_296, %dma_start3A_297] : memref<12x2x32x128xf32, #tpu.memory_space<vmem>> -> memref<1x1x32x128xf32, #tpu.memory_space<vmem>>
    %dma_start3A_299 = tpu.memref_squeeze %dma_start3A_298 : memref<1x1x32x128xf32, #tpu.memory_space<vmem>> -> memref<32x128xf32, #tpu.memory_space<vmem>>
    %dma_start3A_300 = arith.constant 0 : i32
    %dma_start3A_301 = tpu.memref_slice %arg3[%dma_start3A_300, %multiple_of3A_275] : memref<32x1000000xf32, #tpu.memory_space<hbm>> -> memref<32x128xf32, #tpu.memory_space<hbm>>
    %dma_start3A_302 = tpu.memref_slice %arg11[%dma_start3A_295] : memref<12x!tpu.dma_semaphore, #tpu.memory_space<semaphore_mem>> -> memref<1x!tpu.dma_semaphore, #tpu.memory_space<semaphore_mem>>
    %dma_start3A_303 = tpu.memref_squeeze %dma_start3A_302 : memref<1x!tpu.dma_semaphore, #tpu.memory_space<semaphore_mem>> -> memref<!tpu.dma_semaphore, #tpu.memory_space<semaphore_mem>>
    %dma_start3A_304 = arith.constant 0 : i32
    %dma_start3A_305 = arith.constant 0 : i32
    %dma_start3A_306 = tpu.memref_slice %arg6[%dma_start3A_293, %dma_start3A_294, %dma_start3A_304, %dma_start3A_305] : memref<12x2x32x128xf32, #tpu.memory_space<vmem>> -> memref<1x1x32x128xf32, #tpu.memory_space<vmem>>
    %dma_start3A_307 = tpu.memref_squeeze %dma_start3A_306 : memref<1x1x32x128xf32, #tpu.memory_space<vmem>> -> memref<32x128xf32, #tpu.memory_space<vmem>>
    %dma_start3A_308 = arith.constant 0 : i32
    %dma_start3A_309 = tpu.memref_slice %arg3[%dma_start3A_308, %multiple_of3A_275] : memref<32x1000000xf32, #tpu.memory_space<hbm>> -> memref<32x128xf32, #tpu.memory_space<hbm>>
    tpu.enqueue_dma source(%dma_start3A_309 : memref<32x128xf32, #tpu.memory_space<hbm>>) target(%dma_start3A_307 : memref<32x128xf32, #tpu.memory_space<vmem>>) target_semaphore(%dma_start3A_303 : memref<!tpu.dma_semaphore, #tpu.memory_space<semaphore_mem>>)
    %slice3A_310 = vector.extract_strided_slice %get3A_23 {offsets = [6], sizes = [1], strides = [1]} : vector<16xi32> to vector<1xi32>
    %squeeze3A_311 = vector.extract %slice3A_310[0] : i32 from vector<1xi32>
    %slice3A_312 = vector.extract_strided_slice %get3A_25 {offsets = [6], sizes = [1], strides = [1]} : vector<16xi32> to vector<1xi32>
    %squeeze3A_313 = vector.extract %slice3A_312[0] : i32 from vector<1xi32>
    %shift_right_arithmetic3A_314 = arith.constant 7 : i32
    %shift_right_arithmetic3A_315 = arith.shrsi %squeeze3A_311, %shift_right_arithmetic3A_314 : i32
    %mul3A_316 = arith.constant 128 : i32
    %mul3A_317 = arith.muli %shift_right_arithmetic3A_315, %mul3A_316 : i32
    %multiple_of3A_318 = tpu.assume_multiple %mul3A_317, 128 : i32
    %shift_right_arithmetic3A_319 = arith.constant 7 : i32
    %shift_right_arithmetic3A_320 = arith.shrsi %squeeze3A_313, %shift_right_arithmetic3A_319 : i32
    %mul3A_321 = arith.constant 128 : i32
    %mul3A_322 = arith.muli %shift_right_arithmetic3A_320, %mul3A_321 : i32
    %multiple_of3A_323 = tpu.assume_multiple %mul3A_322, 128 : i32
    %dma_start3A_324 = arith.constant 6 : i32
    %dma_start3A_325 = arith.constant 0 : i32
    %dma_start3A_326 = arith.constant 6 : i32
    %dma_start3A_327 = arith.constant 0 : i32
    %dma_start3A_328 = arith.constant 0 : i32
    %dma_start3A_329 = tpu.memref_slice %arg6[%dma_start3A_324, %dma_start3A_325, %dma_start3A_327, %dma_start3A_328] : memref<12x2x32x128xf32, #tpu.memory_space<vmem>> -> memref<1x1x32x128xf32, #tpu.memory_space<vmem>>
    %dma_start3A_330 = tpu.memref_squeeze %dma_start3A_329 : memref<1x1x32x128xf32, #tpu.memory_space<vmem>> -> memref<32x128xf32, #tpu.memory_space<vmem>>
    %dma_start3A_331 = arith.constant 0 : i32
    %dma_start3A_332 = tpu.memref_slice %arg2[%dma_start3A_331, %multiple_of3A_318] : memref<32x1000000xf32, #tpu.memory_space<hbm>> -> memref<32x128xf32, #tpu.memory_space<hbm>>
    %dma_start3A_333 = tpu.memref_slice %arg11[%dma_start3A_326] : memref<12x!tpu.dma_semaphore, #tpu.memory_space<semaphore_mem>> -> memref<1x!tpu.dma_semaphore, #tpu.memory_space<semaphore_mem>>
    %dma_start3A_334 = tpu.memref_squeeze %dma_start3A_333 : memref<1x!tpu.dma_semaphore, #tpu.memory_space<semaphore_mem>> -> memref<!tpu.dma_semaphore, #tpu.memory_space<semaphore_mem>>
    %dma_start3A_335 = arith.constant 0 : i32
    %dma_start3A_336 = arith.constant 0 : i32
    %dma_start3A_337 = tpu.memref_slice %arg6[%dma_start3A_324, %dma_start3A_325, %dma_start3A_335, %dma_start3A_336] : memref<12x2x32x128xf32, #tpu.memory_space<vmem>> -> memref<1x1x32x128xf32, #tpu.memory_space<vmem>>
    %dma_start3A_338 = tpu.memref_squeeze %dma_start3A_337 : memref<1x1x32x128xf32, #tpu.memory_space<vmem>> -> memref<32x128xf32, #tpu.memory_space<vmem>>
    %dma_start3A_339 = arith.constant 0 : i32
    %dma_start3A_340 = tpu.memref_slice %arg2[%dma_start3A_339, %multiple_of3A_318] : memref<32x1000000xf32, #tpu.memory_space<hbm>> -> memref<32x128xf32, #tpu.memory_space<hbm>>
    tpu.enqueue_dma source(%dma_start3A_340 : memref<32x128xf32, #tpu.memory_space<hbm>>) target(%dma_start3A_338 : memref<32x128xf32, #tpu.memory_space<vmem>>) target_semaphore(%dma_start3A_334 : memref<!tpu.dma_semaphore, #tpu.memory_space<semaphore_mem>>)
    %dma_start3A_341 = arith.constant 6 : i32
    %dma_start3A_342 = arith.constant 1 : i32
    %dma_start3A_343 = arith.constant 6 : i32
    %dma_start3A_344 = arith.constant 0 : i32
    %dma_start3A_345 = arith.constant 0 : i32
    %dma_start3A_346 = tpu.memref_slice %arg6[%dma_start3A_341, %dma_start3A_342, %dma_start3A_344, %dma_start3A_345] : memref<12x2x32x128xf32, #tpu.memory_space<vmem>> -> memref<1x1x32x128xf32, #tpu.memory_space<vmem>>
    %dma_start3A_347 = tpu.memref_squeeze %dma_start3A_346 : memref<1x1x32x128xf32, #tpu.memory_space<vmem>> -> memref<32x128xf32, #tpu.memory_space<vmem>>
    %dma_start3A_348 = arith.constant 0 : i32
    %dma_start3A_349 = tpu.memref_slice %arg3[%dma_start3A_348, %multiple_of3A_323] : memref<32x1000000xf32, #tpu.memory_space<hbm>> -> memref<32x128xf32, #tpu.memory_space<hbm>>
    %dma_start3A_350 = tpu.memref_slice %arg11[%dma_start3A_343] : memref<12x!tpu.dma_semaphore, #tpu.memory_space<semaphore_mem>> -> memref<1x!tpu.dma_semaphore, #tpu.memory_space<semaphore_mem>>
    %dma_start3A_351 = tpu.memref_squeeze %dma_start3A_350 : memref<1x!tpu.dma_semaphore, #tpu.memory_space<semaphore_mem>> -> memref<!tpu.dma_semaphore, #tpu.memory_space<semaphore_mem>>
    %dma_start3A_352 = arith.constant 0 : i32
    %dma_start3A_353 = arith.constant 0 : i32
    %dma_start3A_354 = tpu.memref_slice %arg6[%dma_start3A_341, %dma_start3A_342, %dma_start3A_352, %dma_start3A_353] : memref<12x2x32x128xf32, #tpu.memory_space<vmem>> -> memref<1x1x32x128xf32, #tpu.memory_space<vmem>>
    %dma_start3A_355 = tpu.memref_squeeze %dma_start3A_354 : memref<1x1x32x128xf32, #tpu.memory_space<vmem>> -> memref<32x128xf32, #tpu.memory_space<vmem>>
    %dma_start3A_356 = arith.constant 0 : i32
    %dma_start3A_357 = tpu.memref_slice %arg3[%dma_start3A_356, %multiple_of3A_323] : memref<32x1000000xf32, #tpu.memory_space<hbm>> -> memref<32x128xf32, #tpu.memory_space<hbm>>
    tpu.enqueue_dma source(%dma_start3A_357 : memref<32x128xf32, #tpu.memory_space<hbm>>) target(%dma_start3A_355 : memref<32x128xf32, #tpu.memory_space<vmem>>) target_semaphore(%dma_start3A_351 : memref<!tpu.dma_semaphore, #tpu.memory_space<semaphore_mem>>)
    %slice3A_358 = vector.extract_strided_slice %get3A_23 {offsets = [7], sizes = [1], strides = [1]} : vector<16xi32> to vector<1xi32>
    %squeeze3A_359 = vector.extract %slice3A_358[0] : i32 from vector<1xi32>
    %slice3A_360 = vector.extract_strided_slice %get3A_25 {offsets = [7], sizes = [1], strides = [1]} : vector<16xi32> to vector<1xi32>
    %squeeze3A_361 = vector.extract %slice3A_360[0] : i32 from vector<1xi32>
    %shift_right_arithmetic3A_362 = arith.constant 7 : i32
    %shift_right_arithmetic3A_363 = arith.shrsi %squeeze3A_359, %shift_right_arithmetic3A_362 : i32
    %mul3A_364 = arith.constant 128 : i32
    %mul3A_365 = arith.muli %shift_right_arithmetic3A_363, %mul3A_364 : i32
    %multiple_of3A_366 = tpu.assume_multiple %mul3A_365, 128 : i32
    %shift_right_arithmetic3A_367 = arith.constant 7 : i32
    %shift_right_arithmetic3A_368 = arith.shrsi %squeeze3A_361, %shift_right_arithmetic3A_367 : i32
    %mul3A_369 = arith.constant 128 : i32
    %mul3A_370 = arith.muli %shift_right_arithmetic3A_368, %mul3A_369 : i32
    %multiple_of3A_371 = tpu.assume_multiple %mul3A_370, 128 : i32
    %dma_start3A_372 = arith.constant 7 : i32
    %dma_start3A_373 = arith.constant 0 : i32
    %dma_start3A_374 = arith.constant 7 : i32
    %dma_start3A_375 = arith.constant 0 : i32
    %dma_start3A_376 = arith.constant 0 : i32
    %dma_start3A_377 = tpu.memref_slice %arg6[%dma_start3A_372, %dma_start3A_373, %dma_start3A_375, %dma_start3A_376] : memref<12x2x32x128xf32, #tpu.memory_space<vmem>> -> memref<1x1x32x128xf32, #tpu.memory_space<vmem>>
    %dma_start3A_378 = tpu.memref_squeeze %dma_start3A_377 : memref<1x1x32x128xf32, #tpu.memory_space<vmem>> -> memref<32x128xf32, #tpu.memory_space<vmem>>
    %dma_start3A_379 = arith.constant 0 : i32
    %dma_start3A_380 = tpu.memref_slice %arg2[%dma_start3A_379, %multiple_of3A_366] : memref<32x1000000xf32, #tpu.memory_space<hbm>> -> memref<32x128xf32, #tpu.memory_space<hbm>>
    %dma_start3A_381 = tpu.memref_slice %arg11[%dma_start3A_374] : memref<12x!tpu.dma_semaphore, #tpu.memory_space<semaphore_mem>> -> memref<1x!tpu.dma_semaphore, #tpu.memory_space<semaphore_mem>>
    %dma_start3A_382 = tpu.memref_squeeze %dma_start3A_381 : memref<1x!tpu.dma_semaphore, #tpu.memory_space<semaphore_mem>> -> memref<!tpu.dma_semaphore, #tpu.memory_space<semaphore_mem>>
    %dma_start3A_383 = arith.constant 0 : i32
    %dma_start3A_384 = arith.constant 0 : i32
    %dma_start3A_385 = tpu.memref_slice %arg6[%dma_start3A_372, %dma_start3A_373, %dma_start3A_383, %dma_start3A_384] : memref<12x2x32x128xf32, #tpu.memory_space<vmem>> -> memref<1x1x32x128xf32, #tpu.memory_space<vmem>>
    %dma_start3A_386 = tpu.memref_squeeze %dma_start3A_385 : memref<1x1x32x128xf32, #tpu.memory_space<vmem>> -> memref<32x128xf32, #tpu.memory_space<vmem>>
    %dma_start3A_387 = arith.constant 0 : i32
    %dma_start3A_388 = tpu.memref_slice %arg2[%dma_start3A_387, %multiple_of3A_366] : memref<32x1000000xf32, #tpu.memory_space<hbm>> -> memref<32x128xf32, #tpu.memory_space<hbm>>
    tpu.enqueue_dma source(%dma_start3A_388 : memref<32x128xf32, #tpu.memory_space<hbm>>) target(%dma_start3A_386 : memref<32x128xf32, #tpu.memory_space<vmem>>) target_semaphore(%dma_start3A_382 : memref<!tpu.dma_semaphore, #tpu.memory_space<semaphore_mem>>)
    %dma_start3A_389 = arith.constant 7 : i32
    %dma_start3A_390 = arith.constant 1 : i32
    %dma_start3A_391 = arith.constant 7 : i32
    %dma_start3A_392 = arith.constant 0 : i32
    %dma_start3A_393 = arith.constant 0 : i32
    %dma_start3A_394 = tpu.memref_slice %arg6[%dma_start3A_389, %dma_start3A_390, %dma_start3A_392, %dma_start3A_393] : memref<12x2x32x128xf32, #tpu.memory_space<vmem>> -> memref<1x1x32x128xf32, #tpu.memory_space<vmem>>
    %dma_start3A_395 = tpu.memref_squeeze %dma_start3A_394 : memref<1x1x32x128xf32, #tpu.memory_space<vmem>> -> memref<32x128xf32, #tpu.memory_space<vmem>>
    %dma_start3A_396 = arith.constant 0 : i32
    %dma_start3A_397 = tpu.memref_slice %arg3[%dma_start3A_396, %multiple_of3A_371] : memref<32x1000000xf32, #tpu.memory_space<hbm>> -> memref<32x128xf32, #tpu.memory_space<hbm>>
    %dma_start3A_398 = tpu.memref_slice %arg11[%dma_start3A_391] : memref<12x!tpu.dma_semaphore, #tpu.memory_space<semaphore_mem>> -> memref<1x!tpu.dma_semaphore, #tpu.memory_space<semaphore_mem>>
    %dma_start3A_399 = tpu.memref_squeeze %dma_start3A_398 : memref<1x!tpu.dma_semaphore, #tpu.memory_space<semaphore_mem>> -> memref<!tpu.dma_semaphore, #tpu.memory_space<semaphore_mem>>
    %dma_start3A_400 = arith.constant 0 : i32
    %dma_start3A_401 = arith.constant 0 : i32
    %dma_start3A_402 = tpu.memref_slice %arg6[%dma_start3A_389, %dma_start3A_390, %dma_start3A_400, %dma_start3A_401] : memref<12x2x32x128xf32, #tpu.memory_space<vmem>> -> memref<1x1x32x128xf32, #tpu.memory_space<vmem>>
    %dma_start3A_403 = tpu.memref_squeeze %dma_start3A_402 : memref<1x1x32x128xf32, #tpu.memory_space<vmem>> -> memref<32x128xf32, #tpu.memory_space<vmem>>
    %dma_start3A_404 = arith.constant 0 : i32
    %dma_start3A_405 = tpu.memref_slice %arg3[%dma_start3A_404, %multiple_of3A_371] : memref<32x1000000xf32, #tpu.memory_space<hbm>> -> memref<32x128xf32, #tpu.memory_space<hbm>>
    tpu.enqueue_dma source(%dma_start3A_405 : memref<32x128xf32, #tpu.memory_space<hbm>>) target(%dma_start3A_403 : memref<32x128xf32, #tpu.memory_space<vmem>>) target_semaphore(%dma_start3A_399 : memref<!tpu.dma_semaphore, #tpu.memory_space<semaphore_mem>>)
    %slice3A_406 = vector.extract_strided_slice %get3A_23 {offsets = [8], sizes = [1], strides = [1]} : vector<16xi32> to vector<1xi32>
    %squeeze3A_407 = vector.extract %slice3A_406[0] : i32 from vector<1xi32>
    %slice3A_408 = vector.extract_strided_slice %get3A_25 {offsets = [8], sizes = [1], strides = [1]} : vector<16xi32> to vector<1xi32>
    %squeeze3A_409 = vector.extract %slice3A_408[0] : i32 from vector<1xi32>
    %shift_right_arithmetic3A_410 = arith.constant 7 : i32
    %shift_right_arithmetic3A_411 = arith.shrsi %squeeze3A_407, %shift_right_arithmetic3A_410 : i32
    %mul3A_412 = arith.constant 128 : i32
    %mul3A_413 = arith.muli %shift_right_arithmetic3A_411, %mul3A_412 : i32
    %multiple_of3A_414 = tpu.assume_multiple %mul3A_413, 128 : i32
    %shift_right_arithmetic3A_415 = arith.constant 7 : i32
    %shift_right_arithmetic3A_416 = arith.shrsi %squeeze3A_409, %shift_right_arithmetic3A_415 : i32
    %mul3A_417 = arith.constant 128 : i32
    %mul3A_418 = arith.muli %shift_right_arithmetic3A_416, %mul3A_417 : i32
    %multiple_of3A_419 = tpu.assume_multiple %mul3A_418, 128 : i32
    %dma_start3A_420 = arith.constant 8 : i32
    %dma_start3A_421 = arith.constant 0 : i32
    %dma_start3A_422 = arith.constant 8 : i32
    %dma_start3A_423 = arith.constant 0 : i32
    %dma_start3A_424 = arith.constant 0 : i32
    %dma_start3A_425 = tpu.memref_slice %arg6[%dma_start3A_420, %dma_start3A_421, %dma_start3A_423, %dma_start3A_424] : memref<12x2x32x128xf32, #tpu.memory_space<vmem>> -> memref<1x1x32x128xf32, #tpu.memory_space<vmem>>
    %dma_start3A_426 = tpu.memref_squeeze %dma_start3A_425 : memref<1x1x32x128xf32, #tpu.memory_space<vmem>> -> memref<32x128xf32, #tpu.memory_space<vmem>>
    %dma_start3A_427 = arith.constant 0 : i32
    %dma_start3A_428 = tpu.memref_slice %arg2[%dma_start3A_427, %multiple_of3A_414] : memref<32x1000000xf32, #tpu.memory_space<hbm>> -> memref<32x128xf32, #tpu.memory_space<hbm>>
    %dma_start3A_429 = tpu.memref_slice %arg11[%dma_start3A_422] : memref<12x!tpu.dma_semaphore, #tpu.memory_space<semaphore_mem>> -> memref<1x!tpu.dma_semaphore, #tpu.memory_space<semaphore_mem>>
    %dma_start3A_430 = tpu.memref_squeeze %dma_start3A_429 : memref<1x!tpu.dma_semaphore, #tpu.memory_space<semaphore_mem>> -> memref<!tpu.dma_semaphore, #tpu.memory_space<semaphore_mem>>
    %dma_start3A_431 = arith.constant 0 : i32
    %dma_start3A_432 = arith.constant 0 : i32
    %dma_start3A_433 = tpu.memref_slice %arg6[%dma_start3A_420, %dma_start3A_421, %dma_start3A_431, %dma_start3A_432] : memref<12x2x32x128xf32, #tpu.memory_space<vmem>> -> memref<1x1x32x128xf32, #tpu.memory_space<vmem>>
    %dma_start3A_434 = tpu.memref_squeeze %dma_start3A_433 : memref<1x1x32x128xf32, #tpu.memory_space<vmem>> -> memref<32x128xf32, #tpu.memory_space<vmem>>
    %dma_start3A_435 = arith.constant 0 : i32
    %dma_start3A_436 = tpu.memref_slice %arg2[%dma_start3A_435, %multiple_of3A_414] : memref<32x1000000xf32, #tpu.memory_space<hbm>> -> memref<32x128xf32, #tpu.memory_space<hbm>>
    tpu.enqueue_dma source(%dma_start3A_436 : memref<32x128xf32, #tpu.memory_space<hbm>>) target(%dma_start3A_434 : memref<32x128xf32, #tpu.memory_space<vmem>>) target_semaphore(%dma_start3A_430 : memref<!tpu.dma_semaphore, #tpu.memory_space<semaphore_mem>>)
    %dma_start3A_437 = arith.constant 8 : i32
    %dma_start3A_438 = arith.constant 1 : i32
    %dma_start3A_439 = arith.constant 8 : i32
    %dma_start3A_440 = arith.constant 0 : i32
    %dma_start3A_441 = arith.constant 0 : i32
    %dma_start3A_442 = tpu.memref_slice %arg6[%dma_start3A_437, %dma_start3A_438, %dma_start3A_440, %dma_start3A_441] : memref<12x2x32x128xf32, #tpu.memory_space<vmem>> -> memref<1x1x32x128xf32, #tpu.memory_space<vmem>>
    %dma_start3A_443 = tpu.memref_squeeze %dma_start3A_442 : memref<1x1x32x128xf32, #tpu.memory_space<vmem>> -> memref<32x128xf32, #tpu.memory_space<vmem>>
    %dma_start3A_444 = arith.constant 0 : i32
    %dma_start3A_445 = tpu.memref_slice %arg3[%dma_start3A_444, %multiple_of3A_419] : memref<32x1000000xf32, #tpu.memory_space<hbm>> -> memref<32x128xf32, #tpu.memory_space<hbm>>
    %dma_start3A_446 = tpu.memref_slice %arg11[%dma_start3A_439] : memref<12x!tpu.dma_semaphore, #tpu.memory_space<semaphore_mem>> -> memref<1x!tpu.dma_semaphore, #tpu.memory_space<semaphore_mem>>
    %dma_start3A_447 = tpu.memref_squeeze %dma_start3A_446 : memref<1x!tpu.dma_semaphore, #tpu.memory_space<semaphore_mem>> -> memref<!tpu.dma_semaphore, #tpu.memory_space<semaphore_mem>>
    %dma_start3A_448 = arith.constant 0 : i32
    %dma_start3A_449 = arith.constant 0 : i32
    %dma_start3A_450 = tpu.memref_slice %arg6[%dma_start3A_437, %dma_start3A_438, %dma_start3A_448, %dma_start3A_449] : memref<12x2x32x128xf32, #tpu.memory_space<vmem>> -> memref<1x1x32x128xf32, #tpu.memory_space<vmem>>
    %dma_start3A_451 = tpu.memref_squeeze %dma_start3A_450 : memref<1x1x32x128xf32, #tpu.memory_space<vmem>> -> memref<32x128xf32, #tpu.memory_space<vmem>>
    %dma_start3A_452 = arith.constant 0 : i32
    %dma_start3A_453 = tpu.memref_slice %arg3[%dma_start3A_452, %multiple_of3A_419] : memref<32x1000000xf32, #tpu.memory_space<hbm>> -> memref<32x128xf32, #tpu.memory_space<hbm>>
    tpu.enqueue_dma source(%dma_start3A_453 : memref<32x128xf32, #tpu.memory_space<hbm>>) target(%dma_start3A_451 : memref<32x128xf32, #tpu.memory_space<vmem>>) target_semaphore(%dma_start3A_447 : memref<!tpu.dma_semaphore, #tpu.memory_space<semaphore_mem>>)
    %slice3A_454 = vector.extract_strided_slice %get3A_23 {offsets = [9], sizes = [1], strides = [1]} : vector<16xi32> to vector<1xi32>
    %squeeze3A_455 = vector.extract %slice3A_454[0] : i32 from vector<1xi32>
    %slice3A_456 = vector.extract_strided_slice %get3A_25 {offsets = [9], sizes = [1], strides = [1]} : vector<16xi32> to vector<1xi32>
    %squeeze3A_457 = vector.extract %slice3A_456[0] : i32 from vector<1xi32>
    %shift_right_arithmetic3A_458 = arith.constant 7 : i32
    %shift_right_arithmetic3A_459 = arith.shrsi %squeeze3A_455, %shift_right_arithmetic3A_458 : i32
    %mul3A_460 = arith.constant 128 : i32
    %mul3A_461 = arith.muli %shift_right_arithmetic3A_459, %mul3A_460 : i32
    %multiple_of3A_462 = tpu.assume_multiple %mul3A_461, 128 : i32
    %shift_right_arithmetic3A_463 = arith.constant 7 : i32
    %shift_right_arithmetic3A_464 = arith.shrsi %squeeze3A_457, %shift_right_arithmetic3A_463 : i32
    %mul3A_465 = arith.constant 128 : i32
    %mul3A_466 = arith.muli %shift_right_arithmetic3A_464, %mul3A_465 : i32
    %multiple_of3A_467 = tpu.assume_multiple %mul3A_466, 128 : i32
    %dma_start3A_468 = arith.constant 9 : i32
    %dma_start3A_469 = arith.constant 0 : i32
    %dma_start3A_470 = arith.constant 9 : i32
    %dma_start3A_471 = arith.constant 0 : i32
    %dma_start3A_472 = arith.constant 0 : i32
    %dma_start3A_473 = tpu.memref_slice %arg6[%dma_start3A_468, %dma_start3A_469, %dma_start3A_471, %dma_start3A_472] : memref<12x2x32x128xf32, #tpu.memory_space<vmem>> -> memref<1x1x32x128xf32, #tpu.memory_space<vmem>>
    %dma_start3A_474 = tpu.memref_squeeze %dma_start3A_473 : memref<1x1x32x128xf32, #tpu.memory_space<vmem>> -> memref<32x128xf32, #tpu.memory_space<vmem>>
    %dma_start3A_475 = arith.constant 0 : i32
    %dma_start3A_476 = tpu.memref_slice %arg2[%dma_start3A_475, %multiple_of3A_462] : memref<32x1000000xf32, #tpu.memory_space<hbm>> -> memref<32x128xf32, #tpu.memory_space<hbm>>
    %dma_start3A_477 = tpu.memref_slice %arg11[%dma_start3A_470] : memref<12x!tpu.dma_semaphore, #tpu.memory_space<semaphore_mem>> -> memref<1x!tpu.dma_semaphore, #tpu.memory_space<semaphore_mem>>
    %dma_start3A_478 = tpu.memref_squeeze %dma_start3A_477 : memref<1x!tpu.dma_semaphore, #tpu.memory_space<semaphore_mem>> -> memref<!tpu.dma_semaphore, #tpu.memory_space<semaphore_mem>>
    %dma_start3A_479 = arith.constant 0 : i32
    %dma_start3A_480 = arith.constant 0 : i32
    %dma_start3A_481 = tpu.memref_slice %arg6[%dma_start3A_468, %dma_start3A_469, %dma_start3A_479, %dma_start3A_480] : memref<12x2x32x128xf32, #tpu.memory_space<vmem>> -> memref<1x1x32x128xf32, #tpu.memory_space<vmem>>
    %dma_start3A_482 = tpu.memref_squeeze %dma_start3A_481 : memref<1x1x32x128xf32, #tpu.memory_space<vmem>> -> memref<32x128xf32, #tpu.memory_space<vmem>>
    %dma_start3A_483 = arith.constant 0 : i32
    %dma_start3A_484 = tpu.memref_slice %arg2[%dma_start3A_483, %multiple_of3A_462] : memref<32x1000000xf32, #tpu.memory_space<hbm>> -> memref<32x128xf32, #tpu.memory_space<hbm>>
    tpu.enqueue_dma source(%dma_start3A_484 : memref<32x128xf32, #tpu.memory_space<hbm>>) target(%dma_start3A_482 : memref<32x128xf32, #tpu.memory_space<vmem>>) target_semaphore(%dma_start3A_478 : memref<!tpu.dma_semaphore, #tpu.memory_space<semaphore_mem>>)
    %dma_start3A_485 = arith.constant 9 : i32
    %dma_start3A_486 = arith.constant 1 : i32
    %dma_start3A_487 = arith.constant 9 : i32
    %dma_start3A_488 = arith.constant 0 : i32
    %dma_start3A_489 = arith.constant 0 : i32
    %dma_start3A_490 = tpu.memref_slice %arg6[%dma_start3A_485, %dma_start3A_486, %dma_start3A_488, %dma_start3A_489] : memref<12x2x32x128xf32, #tpu.memory_space<vmem>> -> memref<1x1x32x128xf32, #tpu.memory_space<vmem>>
    %dma_start3A_491 = tpu.memref_squeeze %dma_start3A_490 : memref<1x1x32x128xf32, #tpu.memory_space<vmem>> -> memref<32x128xf32, #tpu.memory_space<vmem>>
    %dma_start3A_492 = arith.constant 0 : i32
    %dma_start3A_493 = tpu.memref_slice %arg3[%dma_start3A_492, %multiple_of3A_467] : memref<32x1000000xf32, #tpu.memory_space<hbm>> -> memref<32x128xf32, #tpu.memory_space<hbm>>
    %dma_start3A_494 = tpu.memref_slice %arg11[%dma_start3A_487] : memref<12x!tpu.dma_semaphore, #tpu.memory_space<semaphore_mem>> -> memref<1x!tpu.dma_semaphore, #tpu.memory_space<semaphore_mem>>
    %dma_start3A_495 = tpu.memref_squeeze %dma_start3A_494 : memref<1x!tpu.dma_semaphore, #tpu.memory_space<semaphore_mem>> -> memref<!tpu.dma_semaphore, #tpu.memory_space<semaphore_mem>>
    %dma_start3A_496 = arith.constant 0 : i32
    %dma_start3A_497 = arith.constant 0 : i32
    %dma_start3A_498 = tpu.memref_slice %arg6[%dma_start3A_485, %dma_start3A_486, %dma_start3A_496, %dma_start3A_497] : memref<12x2x32x128xf32, #tpu.memory_space<vmem>> -> memref<1x1x32x128xf32, #tpu.memory_space<vmem>>
    %dma_start3A_499 = tpu.memref_squeeze %dma_start3A_498 : memref<1x1x32x128xf32, #tpu.memory_space<vmem>> -> memref<32x128xf32, #tpu.memory_space<vmem>>
    %dma_start3A_500 = arith.constant 0 : i32
    %dma_start3A_501 = tpu.memref_slice %arg3[%dma_start3A_500, %multiple_of3A_467] : memref<32x1000000xf32, #tpu.memory_space<hbm>> -> memref<32x128xf32, #tpu.memory_space<hbm>>
    tpu.enqueue_dma source(%dma_start3A_501 : memref<32x128xf32, #tpu.memory_space<hbm>>) target(%dma_start3A_499 : memref<32x128xf32, #tpu.memory_space<vmem>>) target_semaphore(%dma_start3A_495 : memref<!tpu.dma_semaphore, #tpu.memory_space<semaphore_mem>>)
    %slice3A_502 = vector.extract_strided_slice %get3A_23 {offsets = [10], sizes = [1], strides = [1]} : vector<16xi32> to vector<1xi32>
    %squeeze3A_503 = vector.extract %slice3A_502[0] : i32 from vector<1xi32>
    %slice3A_504 = vector.extract_strided_slice %get3A_25 {offsets = [10], sizes = [1], strides = [1]} : vector<16xi32> to vector<1xi32>
    %squeeze3A_505 = vector.extract %slice3A_504[0] : i32 from vector<1xi32>
    %shift_right_arithmetic3A_506 = arith.constant 7 : i32
    %shift_right_arithmetic3A_507 = arith.shrsi %squeeze3A_503, %shift_right_arithmetic3A_506 : i32
    %mul3A_508 = arith.constant 128 : i32
    %mul3A_509 = arith.muli %shift_right_arithmetic3A_507, %mul3A_508 : i32
    %multiple_of3A_510 = tpu.assume_multiple %mul3A_509, 128 : i32
    %shift_right_arithmetic3A_511 = arith.constant 7 : i32
    %shift_right_arithmetic3A_512 = arith.shrsi %squeeze3A_505, %shift_right_arithmetic3A_511 : i32
    %mul3A_513 = arith.constant 128 : i32
    %mul3A_514 = arith.muli %shift_right_arithmetic3A_512, %mul3A_513 : i32
    %multiple_of3A_515 = tpu.assume_multiple %mul3A_514, 128 : i32
    %dma_start3A_516 = arith.constant 10 : i32
    %dma_start3A_517 = arith.constant 0 : i32
    %dma_start3A_518 = arith.constant 10 : i32
    %dma_start3A_519 = arith.constant 0 : i32
    %dma_start3A_520 = arith.constant 0 : i32
    %dma_start3A_521 = tpu.memref_slice %arg6[%dma_start3A_516, %dma_start3A_517, %dma_start3A_519, %dma_start3A_520] : memref<12x2x32x128xf32, #tpu.memory_space<vmem>> -> memref<1x1x32x128xf32, #tpu.memory_space<vmem>>
    %dma_start3A_522 = tpu.memref_squeeze %dma_start3A_521 : memref<1x1x32x128xf32, #tpu.memory_space<vmem>> -> memref<32x128xf32, #tpu.memory_space<vmem>>
    %dma_start3A_523 = arith.constant 0 : i32
    %dma_start3A_524 = tpu.memref_slice %arg2[%dma_start3A_523, %multiple_of3A_510] : memref<32x1000000xf32, #tpu.memory_space<hbm>> -> memref<32x128xf32, #tpu.memory_space<hbm>>
    %dma_start3A_525 = tpu.memref_slice %arg11[%dma_start3A_518] : memref<12x!tpu.dma_semaphore, #tpu.memory_space<semaphore_mem>> -> memref<1x!tpu.dma_semaphore, #tpu.memory_space<semaphore_mem>>
    %dma_start3A_526 = tpu.memref_squeeze %dma_start3A_525 : memref<1x!tpu.dma_semaphore, #tpu.memory_space<semaphore_mem>> -> memref<!tpu.dma_semaphore, #tpu.memory_space<semaphore_mem>>
    %dma_start3A_527 = arith.constant 0 : i32
    %dma_start3A_528 = arith.constant 0 : i32
    %dma_start3A_529 = tpu.memref_slice %arg6[%dma_start3A_516, %dma_start3A_517, %dma_start3A_527, %dma_start3A_528] : memref<12x2x32x128xf32, #tpu.memory_space<vmem>> -> memref<1x1x32x128xf32, #tpu.memory_space<vmem>>
    %dma_start3A_530 = tpu.memref_squeeze %dma_start3A_529 : memref<1x1x32x128xf32, #tpu.memory_space<vmem>> -> memref<32x128xf32, #tpu.memory_space<vmem>>
    %dma_start3A_531 = arith.constant 0 : i32
    %dma_start3A_532 = tpu.memref_slice %arg2[%dma_start3A_531, %multiple_of3A_510] : memref<32x1000000xf32, #tpu.memory_space<hbm>> -> memref<32x128xf32, #tpu.memory_space<hbm>>
    tpu.enqueue_dma source(%dma_start3A_532 : memref<32x128xf32, #tpu.memory_space<hbm>>) target(%dma_start3A_530 : memref<32x128xf32, #tpu.memory_space<vmem>>) target_semaphore(%dma_start3A_526 : memref<!tpu.dma_semaphore, #tpu.memory_space<semaphore_mem>>)
    %dma_start3A_533 = arith.constant 10 : i32
    %dma_start3A_534 = arith.constant 1 : i32
    %dma_start3A_535 = arith.constant 10 : i32
    %dma_start3A_536 = arith.constant 0 : i32
    %dma_start3A_537 = arith.constant 0 : i32
    %dma_start3A_538 = tpu.memref_slice %arg6[%dma_start3A_533, %dma_start3A_534, %dma_start3A_536, %dma_start3A_537] : memref<12x2x32x128xf32, #tpu.memory_space<vmem>> -> memref<1x1x32x128xf32, #tpu.memory_space<vmem>>
    %dma_start3A_539 = tpu.memref_squeeze %dma_start3A_538 : memref<1x1x32x128xf32, #tpu.memory_space<vmem>> -> memref<32x128xf32, #tpu.memory_space<vmem>>
    %dma_start3A_540 = arith.constant 0 : i32
    %dma_start3A_541 = tpu.memref_slice %arg3[%dma_start3A_540, %multiple_of3A_515] : memref<32x1000000xf32, #tpu.memory_space<hbm>> -> memref<32x128xf32, #tpu.memory_space<hbm>>
    %dma_start3A_542 = tpu.memref_slice %arg11[%dma_start3A_535] : memref<12x!tpu.dma_semaphore, #tpu.memory_space<semaphore_mem>> -> memref<1x!tpu.dma_semaphore, #tpu.memory_space<semaphore_mem>>
    %dma_start3A_543 = tpu.memref_squeeze %dma_start3A_542 : memref<1x!tpu.dma_semaphore, #tpu.memory_space<semaphore_mem>> -> memref<!tpu.dma_semaphore, #tpu.memory_space<semaphore_mem>>
    %dma_start3A_544 = arith.constant 0 : i32
    %dma_start3A_545 = arith.constant 0 : i32
    %dma_start3A_546 = tpu.memref_slice %arg6[%dma_start3A_533, %dma_start3A_534, %dma_start3A_544, %dma_start3A_545] : memref<12x2x32x128xf32, #tpu.memory_space<vmem>> -> memref<1x1x32x128xf32, #tpu.memory_space<vmem>>
    %dma_start3A_547 = tpu.memref_squeeze %dma_start3A_546 : memref<1x1x32x128xf32, #tpu.memory_space<vmem>> -> memref<32x128xf32, #tpu.memory_space<vmem>>
    %dma_start3A_548 = arith.constant 0 : i32
    %dma_start3A_549 = tpu.memref_slice %arg3[%dma_start3A_548, %multiple_of3A_515] : memref<32x1000000xf32, #tpu.memory_space<hbm>> -> memref<32x128xf32, #tpu.memory_space<hbm>>
    tpu.enqueue_dma source(%dma_start3A_549 : memref<32x128xf32, #tpu.memory_space<hbm>>) target(%dma_start3A_547 : memref<32x128xf32, #tpu.memory_space<vmem>>) target_semaphore(%dma_start3A_543 : memref<!tpu.dma_semaphore, #tpu.memory_space<semaphore_mem>>)
    %slice3A_550 = vector.extract_strided_slice %get3A_23 {offsets = [11], sizes = [1], strides = [1]} : vector<16xi32> to vector<1xi32>
    %squeeze3A_551 = vector.extract %slice3A_550[0] : i32 from vector<1xi32>
    %slice3A_552 = vector.extract_strided_slice %get3A_25 {offsets = [11], sizes = [1], strides = [1]} : vector<16xi32> to vector<1xi32>
    %squeeze3A_553 = vector.extract %slice3A_552[0] : i32 from vector<1xi32>
    %shift_right_arithmetic3A_554 = arith.constant 7 : i32
    %shift_right_arithmetic3A_555 = arith.shrsi %squeeze3A_551, %shift_right_arithmetic3A_554 : i32
    %mul3A_556 = arith.constant 128 : i32
    %mul3A_557 = arith.muli %shift_right_arithmetic3A_555, %mul3A_556 : i32
    %multiple_of3A_558 = tpu.assume_multiple %mul3A_557, 128 : i32
    %shift_right_arithmetic3A_559 = arith.constant 7 : i32
    %shift_right_arithmetic3A_560 = arith.shrsi %squeeze3A_553, %shift_right_arithmetic3A_559 : i32
    %mul3A_561 = arith.constant 128 : i32
    %mul3A_562 = arith.muli %shift_right_arithmetic3A_560, %mul3A_561 : i32
    %multiple_of3A_563 = tpu.assume_multiple %mul3A_562, 128 : i32
    %dma_start3A_564 = arith.constant 11 : i32
    %dma_start3A_565 = arith.constant 0 : i32
    %dma_start3A_566 = arith.constant 11 : i32
    %dma_start3A_567 = arith.constant 0 : i32
    %dma_start3A_568 = arith.constant 0 : i32
    %dma_start3A_569 = tpu.memref_slice %arg6[%dma_start3A_564, %dma_start3A_565, %dma_start3A_567, %dma_start3A_568] : memref<12x2x32x128xf32, #tpu.memory_space<vmem>> -> memref<1x1x32x128xf32, #tpu.memory_space<vmem>>
    %dma_start3A_570 = tpu.memref_squeeze %dma_start3A_569 : memref<1x1x32x128xf32, #tpu.memory_space<vmem>> -> memref<32x128xf32, #tpu.memory_space<vmem>>
    %dma_start3A_571 = arith.constant 0 : i32
    %dma_start3A_572 = tpu.memref_slice %arg2[%dma_start3A_571, %multiple_of3A_558] : memref<32x1000000xf32, #tpu.memory_space<hbm>> -> memref<32x128xf32, #tpu.memory_space<hbm>>
    %dma_start3A_573 = tpu.memref_slice %arg11[%dma_start3A_566] : memref<12x!tpu.dma_semaphore, #tpu.memory_space<semaphore_mem>> -> memref<1x!tpu.dma_semaphore, #tpu.memory_space<semaphore_mem>>
    %dma_start3A_574 = tpu.memref_squeeze %dma_start3A_573 : memref<1x!tpu.dma_semaphore, #tpu.memory_space<semaphore_mem>> -> memref<!tpu.dma_semaphore, #tpu.memory_space<semaphore_mem>>
    %dma_start3A_575 = arith.constant 0 : i32
    %dma_start3A_576 = arith.constant 0 : i32
    %dma_start3A_577 = tpu.memref_slice %arg6[%dma_start3A_564, %dma_start3A_565, %dma_start3A_575, %dma_start3A_576] : memref<12x2x32x128xf32, #tpu.memory_space<vmem>> -> memref<1x1x32x128xf32, #tpu.memory_space<vmem>>
    %dma_start3A_578 = tpu.memref_squeeze %dma_start3A_577 : memref<1x1x32x128xf32, #tpu.memory_space<vmem>> -> memref<32x128xf32, #tpu.memory_space<vmem>>
    %dma_start3A_579 = arith.constant 0 : i32
    %dma_start3A_580 = tpu.memref_slice %arg2[%dma_start3A_579, %multiple_of3A_558] : memref<32x1000000xf32, #tpu.memory_space<hbm>> -> memref<32x128xf32, #tpu.memory_space<hbm>>
    tpu.enqueue_dma source(%dma_start3A_580 : memref<32x128xf32, #tpu.memory_space<hbm>>) target(%dma_start3A_578 : memref<32x128xf32, #tpu.memory_space<vmem>>) target_semaphore(%dma_start3A_574 : memref<!tpu.dma_semaphore, #tpu.memory_space<semaphore_mem>>)
    %dma_start3A_581 = arith.constant 11 : i32
    %dma_start3A_582 = arith.constant 1 : i32
    %dma_start3A_583 = arith.constant 11 : i32
    %dma_start3A_584 = arith.constant 0 : i32
    %dma_start3A_585 = arith.constant 0 : i32
    %dma_start3A_586 = tpu.memref_slice %arg6[%dma_start3A_581, %dma_start3A_582, %dma_start3A_584, %dma_start3A_585] : memref<12x2x32x128xf32, #tpu.memory_space<vmem>> -> memref<1x1x32x128xf32, #tpu.memory_space<vmem>>
    %dma_start3A_587 = tpu.memref_squeeze %dma_start3A_586 : memref<1x1x32x128xf32, #tpu.memory_space<vmem>> -> memref<32x128xf32, #tpu.memory_space<vmem>>
    %dma_start3A_588 = arith.constant 0 : i32
    %dma_start3A_589 = tpu.memref_slice %arg3[%dma_start3A_588, %multiple_of3A_563] : memref<32x1000000xf32, #tpu.memory_space<hbm>> -> memref<32x128xf32, #tpu.memory_space<hbm>>
    %dma_start3A_590 = tpu.memref_slice %arg11[%dma_start3A_583] : memref<12x!tpu.dma_semaphore, #tpu.memory_space<semaphore_mem>> -> memref<1x!tpu.dma_semaphore, #tpu.memory_space<semaphore_mem>>
    %dma_start3A_591 = tpu.memref_squeeze %dma_start3A_590 : memref<1x!tpu.dma_semaphore, #tpu.memory_space<semaphore_mem>> -> memref<!tpu.dma_semaphore, #tpu.memory_space<semaphore_mem>>
    %dma_start3A_592 = arith.constant 0 : i32
    %dma_start3A_593 = arith.constant 0 : i32
    %dma_start3A_594 = tpu.memref_slice %arg6[%dma_start3A_581, %dma_start3A_582, %dma_start3A_592, %dma_start3A_593] : memref<12x2x32x128xf32, #tpu.memory_space<vmem>> -> memref<1x1x32x128xf32, #tpu.memory_space<vmem>>
    %dma_start3A_595 = tpu.memref_squeeze %dma_start3A_594 : memref<1x1x32x128xf32, #tpu.memory_space<vmem>> -> memref<32x128xf32, #tpu.memory_space<vmem>>
    %dma_start3A_596 = arith.constant 0 : i32
    %dma_start3A_597 = tpu.memref_slice %arg3[%dma_start3A_596, %multiple_of3A_563] : memref<32x1000000xf32, #tpu.memory_space<hbm>> -> memref<32x128xf32, #tpu.memory_space<hbm>>
    tpu.enqueue_dma source(%dma_start3A_597 : memref<32x128xf32, #tpu.memory_space<hbm>>) target(%dma_start3A_595 : memref<32x128xf32, #tpu.memory_space<vmem>>) target_semaphore(%dma_start3A_591 : memref<!tpu.dma_semaphore, #tpu.memory_space<semaphore_mem>>)
    %scan3A = arith.constant 0 : i32
    %scan3A_598 = arith.constant 32 : i32
    %scan3A_599 = arith.addi %scan3A, %scan3A_598 : i32
    %scan3A_600 = arith.constant 1 : i32
    scf.for %scan3A_602 = %scan3A to %scan3A_599 step %scan3A_600  : i32 {
      %mul3A_603 = arith.constant 1 : i32
      %mul3A_604 = arith.muli %scan3A_602, %mul3A_603 : i32
      %add3A_605 = arith.constant 0 : i32
      %add3A_606 = arith.addi %add3A_605, %mul3A_604 : i32
      %mul3A_607 = arith.constant 16 : i32
      %mul3A_608 = arith.muli %add3A_606, %mul3A_607 : i32
      %get3A_609 = arith.index_cast %mul3A_608 : i32 to index
      %get3A_610 = tpu.vector_load %arg8[%get3A_609] {strides = array<i32>} : memref<512xi32, #tpu.memory_space<vmem>>, vector<16xi32>,
      %get3A_611 = arith.index_cast %mul3A_608 : i32 to index
      %get3A_612 = tpu.vector_load %arg9[%get3A_611] {strides = array<i32>} : memref<512xi32, #tpu.memory_space<vmem>>, vector<16xi32>,
      %and3A = arith.constant 127 : i32
      %and3A_613 = vector.broadcast %and3A : i32 to vector<16xi32>
      %and3A_614 = arith.andi %get3A_610, %and3A_613 : vector<16xi32>
      %and3A_615 = arith.constant 127 : i32
      %and3A_616 = vector.broadcast %and3A_615 : i32 to vector<16xi32>
      %and3A_617 = arith.andi %get3A_612, %and3A_616 : vector<16xi32>
      %add3A_618 = arith.constant 0 : i32
      %add3A_619 = arith.addi %mul3A_608, %add3A_618 : i32
      %rem3A = arith.constant 12 : i32
      %rem3A_620 = arith.remsi %add3A_619, %rem3A : i32
      %dma_wait3A_621 = arith.constant 0 : i32
      %dma_wait3A_622 = arith.constant 0 : i32
      %dma_wait3A_623 = arith.constant 0 : i32
      %dma_wait3A_624 = tpu.memref_slice %arg6[%rem3A_620, %dma_wait3A_621, %dma_wait3A_622, %dma_wait3A_623] : memref<12x2x32x128xf32, #tpu.memory_space<vmem>> -> memref<1x1x32x128xf32, #tpu.memory_space<vmem>>
      %dma_wait3A_625 = tpu.memref_squeeze %dma_wait3A_624 : memref<1x1x32x128xf32, #tpu.memory_space<vmem>> -> memref<32x128xf32, #tpu.memory_space<vmem>>
      %dma_wait3A_626 = arith.constant 0 : i32
      %dma_wait3A_627 = arith.constant 0 : i32
      %dma_wait3A_628 = tpu.memref_slice %arg2[%dma_wait3A_626, %dma_wait3A_627] : memref<32x1000000xf32, #tpu.memory_space<hbm>> -> memref<32x128xf32, #tpu.memory_space<hbm>>
      %dma_wait3A_629 = tpu.memref_slice %arg11[%rem3A_620] : memref<12x!tpu.dma_semaphore, #tpu.memory_space<semaphore_mem>> -> memref<1x!tpu.dma_semaphore, #tpu.memory_space<semaphore_mem>>
      %dma_wait3A_630 = tpu.memref_squeeze %dma_wait3A_629 : memref<1x!tpu.dma_semaphore, #tpu.memory_space<semaphore_mem>> -> memref<!tpu.dma_semaphore, #tpu.memory_space<semaphore_mem>>
      %dma_wait3A_631 = arith.constant 0 : i32
      %dma_wait3A_632 = arith.constant 0 : i32
      %dma_wait3A_633 = tpu.memref_slice %arg6[%rem3A_620, %dma_wait3A_621, %dma_wait3A_631, %dma_wait3A_632] : memref<12x2x32x128xf32, #tpu.memory_space<vmem>> -> memref<1x1x32x128xf32, #tpu.memory_space<vmem>>
      %dma_wait3A_634 = tpu.memref_squeeze %dma_wait3A_633 : memref<1x1x32x128xf32, #tpu.memory_space<vmem>> -> memref<32x128xf32, #tpu.memory_space<vmem>>
      %dma_wait3A_635 = arith.constant 0 : i32
      %dma_wait3A_636 = arith.constant 0 : i32
      %dma_wait3A_637 = tpu.memref_slice %arg2[%dma_wait3A_635, %dma_wait3A_636] : memref<32x1000000xf32, #tpu.memory_space<hbm>> -> memref<32x128xf32, #tpu.memory_space<hbm>>
      tpu.wait_dma2 semaphore(%dma_wait3A_630 : memref<!tpu.dma_semaphore, #tpu.memory_space<semaphore_mem>>) src(%dma_wait3A_637 : memref<32x128xf32, #tpu.memory_space<hbm>>) dst(%dma_wait3A_634 : memref<32x128xf32, #tpu.memory_space<vmem>>)
      %dma_wait3A_638 = arith.constant 1 : i32
      %dma_wait3A_639 = arith.constant 0 : i32
      %dma_wait3A_640 = arith.constant 0 : i32
      %dma_wait3A_641 = tpu.memref_slice %arg6[%rem3A_620, %dma_wait3A_638, %dma_wait3A_639, %dma_wait3A_640] : memref<12x2x32x128xf32, #tpu.memory_space<vmem>> -> memref<1x1x32x128xf32, #tpu.memory_space<vmem>>
      %dma_wait3A_642 = tpu.memref_squeeze %dma_wait3A_641 : memref<1x1x32x128xf32, #tpu.memory_space<vmem>> -> memref<32x128xf32, #tpu.memory_space<vmem>>
      %dma_wait3A_643 = arith.constant 0 : i32
      %dma_wait3A_644 = arith.constant 0 : i32
      %dma_wait3A_645 = tpu.memref_slice %arg3[%dma_wait3A_643, %dma_wait3A_644] : memref<32x1000000xf32, #tpu.memory_space<hbm>> -> memref<32x128xf32, #tpu.memory_space<hbm>>
      %dma_wait3A_646 = tpu.memref_slice %arg11[%rem3A_620] : memref<12x!tpu.dma_semaphore, #tpu.memory_space<semaphore_mem>> -> memref<1x!tpu.dma_semaphore, #tpu.memory_space<semaphore_mem>>
      %dma_wait3A_647 = tpu.memref_squeeze %dma_wait3A_646 : memref<1x!tpu.dma_semaphore, #tpu.memory_space<semaphore_mem>> -> memref<!tpu.dma_semaphore, #tpu.memory_space<semaphore_mem>>
      %dma_wait3A_648 = arith.constant 0 : i32
      %dma_wait3A_649 = arith.constant 0 : i32
      %dma_wait3A_650 = tpu.memref_slice %arg6[%rem3A_620, %dma_wait3A_638, %dma_wait3A_648, %dma_wait3A_649] : memref<12x2x32x128xf32, #tpu.memory_space<vmem>> -> memref<1x1x32x128xf32, #tpu.memory_space<vmem>>
      %dma_wait3A_651 = tpu.memref_squeeze %dma_wait3A_650 : memref<1x1x32x128xf32, #tpu.memory_space<vmem>> -> memref<32x128xf32, #tpu.memory_space<vmem>>
      %dma_wait3A_652 = arith.constant 0 : i32
      %dma_wait3A_653 = arith.constant 0 : i32
      %dma_wait3A_654 = tpu.memref_slice %arg3[%dma_wait3A_652, %dma_wait3A_653] : memref<32x1000000xf32, #tpu.memory_space<hbm>> -> memref<32x128xf32, #tpu.memory_space<hbm>>
      tpu.wait_dma2 semaphore(%dma_wait3A_647 : memref<!tpu.dma_semaphore, #tpu.memory_space<semaphore_mem>>) src(%dma_wait3A_654 : memref<32x128xf32, #tpu.memory_space<hbm>>) dst(%dma_wait3A_651 : memref<32x128xf32, #tpu.memory_space<vmem>>)
      %broadcast_in_dim3A = vector.broadcast %rem3A_620 : i32 to vector<16xi32>
      %slice3A_655 = vector.extract_strided_slice %and3A_614 {offsets = [0], sizes = [1], strides = [1]} : vector<16xi32> to vector<1xi32>
      %squeeze3A_656 = vector.extract %slice3A_655[0] : i32 from vector<1xi32>
      %broadcast_in_dim3A_657 = vector.broadcast %squeeze3A_656 : i32 to vector<16xi32>
      %slice3A_658 = vector.extract_strided_slice %and3A_617 {offsets = [0], sizes = [1], strides = [1]} : vector<16xi32> to vector<1xi32>
      %squeeze3A_659 = vector.extract %slice3A_658[0] : i32 from vector<1xi32>
      %broadcast_in_dim3A_660 = vector.broadcast %squeeze3A_659 : i32 to vector<16xi32>
      %broadcast_in_dim3A_661 = arith.constant 0 : i32
      %broadcast_in_dim3A_662 = vector.broadcast %broadcast_in_dim3A_661 : i32 to vector<16xi32>
      %broadcast_in_dim3A_663 = arith.constant 1 : i32
      %broadcast_in_dim3A_664 = vector.broadcast %broadcast_in_dim3A_663 : i32 to vector<16xi32>
      %gather3A = tpu.vector_load_idx %arg6[%broadcast_in_dim3A, %broadcast_in_dim3A_662, %iota3A, %broadcast_in_dim3A_657] : memref<12x2x32x128xf32, #tpu.memory_space<vmem>>[vector<16xi32>, vector<16xi32>, vector<16xi32>, vector<16xi32>], vector<16xf32>,
      %add3A_665 = arith.constant 16 : i32
      %add3A_666 = vector.broadcast %add3A_665 : i32 to vector<16xi32>
      %add3A_667 = arith.addi %iota3A, %add3A_666 : vector<16xi32>
      %gather3A_668 = tpu.vector_load_idx %arg6[%broadcast_in_dim3A, %broadcast_in_dim3A_662, %add3A_667, %broadcast_in_dim3A_657] : memref<12x2x32x128xf32, #tpu.memory_space<vmem>>[vector<16xi32>, vector<16xi32>, vector<16xi32>, vector<16xi32>], vector<16xf32>,
      %gather3A_669 = tpu.vector_load_idx %arg6[%broadcast_in_dim3A, %broadcast_in_dim3A_664, %iota3A, %broadcast_in_dim3A_660] : memref<12x2x32x128xf32, #tpu.memory_space<vmem>>[vector<16xi32>, vector<16xi32>, vector<16xi32>, vector<16xi32>], vector<16xf32>,
      %add3A_670 = arith.constant 16 : i32
      %add3A_671 = vector.broadcast %add3A_670 : i32 to vector<16xi32>
      %add3A_672 = arith.addi %iota3A, %add3A_671 : vector<16xi32>
      %gather3A_673 = tpu.vector_load_idx %arg6[%broadcast_in_dim3A, %broadcast_in_dim3A_664, %add3A_672, %broadcast_in_dim3A_660] : memref<12x2x32x128xf32, #tpu.memory_space<vmem>>[vector<16xi32>, vector<16xi32>, vector<16xi32>, vector<16xi32>], vector<16xf32>,
      %mul3A_674 = arith.mulf %gather3A, %gather3A_669 : vector<16xf32>
      %mul3A_675 = arith.mulf %gather3A_668, %gather3A_673 : vector<16xf32>
      %add3A_676 = arith.addf %mul3A_674, %mul3A_675 : vector<16xf32>
      %broadcast_in_dim3A_677 = arith.constant true
      %broadcast_in_dim3A_678 = vector.broadcast %broadcast_in_dim3A_677 : i1 to vector<16xi1>
      %masked_cumsum3A = tpu.scan <sum>, %add3A_676 masked %broadcast_in_dim3A_678 : vector<16xf32>, vector<16xi1> -> vector<16xf32>
      %add3A_679 = arith.constant 0 : i32
      %add3A_680 = arith.addi %mul3A_608, %add3A_679 : i32
      %broadcast_in_dim3A_681 = vector.broadcast %add3A_680 : i32 to vector<16xi32>
      tpu.vector_store_idx %arg7[%broadcast_in_dim3A_681], %masked_cumsum3A masked %eq3A_22 : memref<512xf32, #tpu.memory_space<vmem>>[vector<16xi32>], vector<16xf32>, vector<16xi1>
      %slice3A_682 = vector.extract_strided_slice %get3A_610 {offsets = [12], sizes = [1], strides = [1]} : vector<16xi32> to vector<1xi32>
      %squeeze3A_683 = vector.extract %slice3A_682[0] : i32 from vector<1xi32>
      %slice3A_684 = vector.extract_strided_slice %get3A_612 {offsets = [12], sizes = [1], strides = [1]} : vector<16xi32> to vector<1xi32>
      %squeeze3A_685 = vector.extract %slice3A_684[0] : i32 from vector<1xi32>
      %shift_right_arithmetic3A_686 = arith.constant 7 : i32
      %shift_right_arithmetic3A_687 = arith.shrsi %squeeze3A_683, %shift_right_arithmetic3A_686 : i32
      %mul3A_688 = arith.constant 128 : i32
      %mul3A_689 = arith.muli %shift_right_arithmetic3A_687, %mul3A_688 : i32
      %multiple_of3A_690 = tpu.assume_multiple %mul3A_689, 128 : i32
      %shift_right_arithmetic3A_691 = arith.constant 7 : i32
      %shift_right_arithmetic3A_692 = arith.shrsi %squeeze3A_685, %shift_right_arithmetic3A_691 : i32
      %mul3A_693 = arith.constant 128 : i32
      %mul3A_694 = arith.muli %shift_right_arithmetic3A_692, %mul3A_693 : i32
      %multiple_of3A_695 = tpu.assume_multiple %mul3A_694, 128 : i32
      %dma_start3A_696 = arith.constant 0 : i32
      %dma_start3A_697 = arith.constant 0 : i32
      %dma_start3A_698 = arith.constant 0 : i32
      %dma_start3A_699 = tpu.memref_slice %arg6[%rem3A_620, %dma_start3A_696, %dma_start3A_697, %dma_start3A_698] : memref<12x2x32x128xf32, #tpu.memory_space<vmem>> -> memref<1x1x32x128xf32, #tpu.memory_space<vmem>>
      %dma_start3A_700 = tpu.memref_squeeze %dma_start3A_699 : memref<1x1x32x128xf32, #tpu.memory_space<vmem>> -> memref<32x128xf32, #tpu.memory_space<vmem>>
      %dma_start3A_701 = arith.constant 0 : i32
      %dma_start3A_702 = tpu.memref_slice %arg2[%dma_start3A_701, %multiple_of3A_690] : memref<32x1000000xf32, #tpu.memory_space<hbm>> -> memref<32x128xf32, #tpu.memory_space<hbm>>
      %dma_start3A_703 = tpu.memref_slice %arg11[%rem3A_620] : memref<12x!tpu.dma_semaphore, #tpu.memory_space<semaphore_mem>> -> memref<1x!tpu.dma_semaphore, #tpu.memory_space<semaphore_mem>>
      %dma_start3A_704 = tpu.memref_squeeze %dma_start3A_703 : memref<1x!tpu.dma_semaphore, #tpu.memory_space<semaphore_mem>> -> memref<!tpu.dma_semaphore, #tpu.memory_space<semaphore_mem>>
      %dma_start3A_705 = arith.constant 0 : i32
      %dma_start3A_706 = arith.constant 0 : i32
      %dma_start3A_707 = tpu.memref_slice %arg6[%rem3A_620, %dma_start3A_696, %dma_start3A_705, %dma_start3A_706] : memref<12x2x32x128xf32, #tpu.memory_space<vmem>> -> memref<1x1x32x128xf32, #tpu.memory_space<vmem>>
      %dma_start3A_708 = tpu.memref_squeeze %dma_start3A_707 : memref<1x1x32x128xf32, #tpu.memory_space<vmem>> -> memref<32x128xf32, #tpu.memory_space<vmem>>
      %dma_start3A_709 = arith.constant 0 : i32
      %dma_start3A_710 = tpu.memref_slice %arg2[%dma_start3A_709, %multiple_of3A_690] : memref<32x1000000xf32, #tpu.memory_space<hbm>> -> memref<32x128xf32, #tpu.memory_space<hbm>>
      tpu.enqueue_dma source(%dma_start3A_710 : memref<32x128xf32, #tpu.memory_space<hbm>>) target(%dma_start3A_708 : memref<32x128xf32, #tpu.memory_space<vmem>>) target_semaphore(%dma_start3A_704 : memref<!tpu.dma_semaphore, #tpu.memory_space<semaphore_mem>>)
      %dma_start3A_711 = arith.constant 1 : i32
      %dma_start3A_712 = arith.constant 0 : i32
      %dma_start3A_713 = arith.constant 0 : i32
      %dma_start3A_714 = tpu.memref_slice %arg6[%rem3A_620, %dma_start3A_711, %dma_start3A_712, %dma_start3A_713] : memref<12x2x32x128xf32, #tpu.memory_space<vmem>> -> memref<1x1x32x128xf32, #tpu.memory_space<vmem>>
      %dma_start3A_715 = tpu.memref_squeeze %dma_start3A_714 : memref<1x1x32x128xf32, #tpu.memory_space<vmem>> -> memref<32x128xf32, #tpu.memory_space<vmem>>
      %dma_start3A_716 = arith.constant 0 : i32
      %dma_start3A_717 = tpu.memref_slice %arg3[%dma_start3A_716, %multiple_of3A_695] : memref<32x1000000xf32, #tpu.memory_space<hbm>> -> memref<32x128xf32, #tpu.memory_space<hbm>>
      %dma_start3A_718 = tpu.memref_slice %arg11[%rem3A_620] : memref<12x!tpu.dma_semaphore, #tpu.memory_space<semaphore_mem>> -> memref<1x!tpu.dma_semaphore, #tpu.memory_space<semaphore_mem>>
      %dma_start3A_719 = tpu.memref_squeeze %dma_start3A_718 : memref<1x!tpu.dma_semaphore, #tpu.memory_space<semaphore_mem>> -> memref<!tpu.dma_semaphore, #tpu.memory_space<semaphore_mem>>
      %dma_start3A_720 = arith.constant 0 : i32
      %dma_start3A_721 = arith.constant 0 : i32
      %dma_start3A_722 = tpu.memref_slice %arg6[%rem3A_620, %dma_start3A_711, %dma_start3A_720, %dma_start3A_721] : memref<12x2x32x128xf32, #tpu.memory_space<vmem>> -> memref<1x1x32x128xf32, #tpu.memory_space<vmem>>
      %dma_start3A_723 = tpu.memref_squeeze %dma_start3A_722 : memref<1x1x32x128xf32, #tpu.memory_space<vmem>> -> memref<32x128xf32, #tpu.memory_space<vmem>>
      %dma_start3A_724 = arith.constant 0 : i32
      %dma_start3A_725 = tpu.memref_slice %arg3[%dma_start3A_724, %multiple_of3A_695] : memref<32x1000000xf32, #tpu.memory_space<hbm>> -> memref<32x128xf32, #tpu.memory_space<hbm>>
      tpu.enqueue_dma source(%dma_start3A_725 : memref<32x128xf32, #tpu.memory_space<hbm>>) target(%dma_start3A_723 : memref<32x128xf32, #tpu.memory_space<vmem>>) target_semaphore(%dma_start3A_719 : memref<!tpu.dma_semaphore, #tpu.memory_space<semaphore_mem>>)
      %add3A_726 = arith.constant 1 : i32
      %add3A_727 = arith.addi %mul3A_608, %add3A_726 : i32
      %rem3A_728 = arith.constant 12 : i32
      %rem3A_729 = arith.remsi %add3A_727, %rem3A_728 : i32
      %dma_wait3A_730 = arith.constant 0 : i32
      %dma_wait3A_731 = arith.constant 0 : i32
      %dma_wait3A_732 = arith.constant 0 : i32
      %dma_wait3A_733 = tpu.memref_slice %arg6[%rem3A_729, %dma_wait3A_730, %dma_wait3A_731, %dma_wait3A_732] : memref<12x2x32x128xf32, #tpu.memory_space<vmem>> -> memref<1x1x32x128xf32, #tpu.memory_space<vmem>>
      %dma_wait3A_734 = tpu.memref_squeeze %dma_wait3A_733 : memref<1x1x32x128xf32, #tpu.memory_space<vmem>> -> memref<32x128xf32, #tpu.memory_space<vmem>>
      %dma_wait3A_735 = arith.constant 0 : i32
      %dma_wait3A_736 = arith.constant 0 : i32
      %dma_wait3A_737 = tpu.memref_slice %arg2[%dma_wait3A_735, %dma_wait3A_736] : memref<32x1000000xf32, #tpu.memory_space<hbm>> -> memref<32x128xf32, #tpu.memory_space<hbm>>
      %dma_wait3A_738 = tpu.memref_slice %arg11[%rem3A_729] : memref<12x!tpu.dma_semaphore, #tpu.memory_space<semaphore_mem>> -> memref<1x!tpu.dma_semaphore, #tpu.memory_space<semaphore_mem>>
      %dma_wait3A_739 = tpu.memref_squeeze %dma_wait3A_738 : memref<1x!tpu.dma_semaphore, #tpu.memory_space<semaphore_mem>> -> memref<!tpu.dma_semaphore, #tpu.memory_space<semaphore_mem>>
      %dma_wait3A_740 = arith.constant 0 : i32
      %dma_wait3A_741 = arith.constant 0 : i32
      %dma_wait3A_742 = tpu.memref_slice %arg6[%rem3A_729, %dma_wait3A_730, %dma_wait3A_740, %dma_wait3A_741] : memref<12x2x32x128xf32, #tpu.memory_space<vmem>> -> memref<1x1x32x128xf32, #tpu.memory_space<vmem>>
      %dma_wait3A_743 = tpu.memref_squeeze %dma_wait3A_742 : memref<1x1x32x128xf32, #tpu.memory_space<vmem>> -> memref<32x128xf32, #tpu.memory_space<vmem>>
      %dma_wait3A_744 = arith.constant 0 : i32
      %dma_wait3A_745 = arith.constant 0 : i32
      %dma_wait3A_746 = tpu.memref_slice %arg2[%dma_wait3A_744, %dma_wait3A_745] : memref<32x1000000xf32, #tpu.memory_space<hbm>> -> memref<32x128xf32, #tpu.memory_space<hbm>>
      tpu.wait_dma2 semaphore(%dma_wait3A_739 : memref<!tpu.dma_semaphore, #tpu.memory_space<semaphore_mem>>) src(%dma_wait3A_746 : memref<32x128xf32, #tpu.memory_space<hbm>>) dst(%dma_wait3A_743 : memref<32x128xf32, #tpu.memory_space<vmem>>)
      %dma_wait3A_747 = arith.constant 1 : i32
      %dma_wait3A_748 = arith.constant 0 : i32
      %dma_wait3A_749 = arith.constant 0 : i32
      %dma_wait3A_750 = tpu.memref_slice %arg6[%rem3A_729, %dma_wait3A_747, %dma_wait3A_748, %dma_wait3A_749] : memref<12x2x32x128xf32, #tpu.memory_space<vmem>> -> memref<1x1x32x128xf32, #tpu.memory_space<vmem>>
      %dma_wait3A_751 = tpu.memref_squeeze %dma_wait3A_750 : memref<1x1x32x128xf32, #tpu.memory_space<vmem>> -> memref<32x128xf32, #tpu.memory_space<vmem>>
      %dma_wait3A_752 = arith.constant 0 : i32
      %dma_wait3A_753 = arith.constant 0 : i32
      %dma_wait3A_754 = tpu.memref_slice %arg3[%dma_wait3A_752, %dma_wait3A_753] : memref<32x1000000xf32, #tpu.memory_space<hbm>> -> memref<32x128xf32, #tpu.memory_space<hbm>>
      %dma_wait3A_755 = tpu.memref_slice %arg11[%rem3A_729] : memref<12x!tpu.dma_semaphore, #tpu.memory_space<semaphore_mem>> -> memref<1x!tpu.dma_semaphore, #tpu.memory_space<semaphore_mem>>
      %dma_wait3A_756 = tpu.memref_squeeze %dma_wait3A_755 : memref<1x!tpu.dma_semaphore, #tpu.memory_space<semaphore_mem>> -> memref<!tpu.dma_semaphore, #tpu.memory_space<semaphore_mem>>
      %dma_wait3A_757 = arith.constant 0 : i32
      %dma_wait3A_758 = arith.constant 0 : i32
      %dma_wait3A_759 = tpu.memref_slice %arg6[%rem3A_729, %dma_wait3A_747, %dma_wait3A_757, %dma_wait3A_758] : memref<12x2x32x128xf32, #tpu.memory_space<vmem>> -> memref<1x1x32x128xf32, #tpu.memory_space<vmem>>
      %dma_wait3A_760 = tpu.memref_squeeze %dma_wait3A_759 : memref<1x1x32x128xf32, #tpu.memory_space<vmem>> -> memref<32x128xf32, #tpu.memory_space<vmem>>
      %dma_wait3A_761 = arith.constant 0 : i32
      %dma_wait3A_762 = arith.constant 0 : i32
      %dma_wait3A_763 = tpu.memref_slice %arg3[%dma_wait3A_761, %dma_wait3A_762] : memref<32x1000000xf32, #tpu.memory_space<hbm>> -> memref<32x128xf32, #tpu.memory_space<hbm>>
      tpu.wait_dma2 semaphore(%dma_wait3A_756 : memref<!tpu.dma_semaphore, #tpu.memory_space<semaphore_mem>>) src(%dma_wait3A_763 : memref<32x128xf32, #tpu.memory_space<hbm>>) dst(%dma_wait3A_760 : memref<32x128xf32, #tpu.memory_space<vmem>>)
      %broadcast_in_dim3A_764 = vector.broadcast %rem3A_729 : i32 to vector<16xi32>
      %slice3A_765 = vector.extract_strided_slice %and3A_614 {offsets = [1], sizes = [1], strides = [1]} : vector<16xi32> to vector<1xi32>
      %squeeze3A_766 = vector.extract %slice3A_765[0] : i32 from vector<1xi32>
      %broadcast_in_dim3A_767 = vector.broadcast %squeeze3A_766 : i32 to vector<16xi32>
      %slice3A_768 = vector.extract_strided_slice %and3A_617 {offsets = [1], sizes = [1], strides = [1]} : vector<16xi32> to vector<1xi32>
      %squeeze3A_769 = vector.extract %slice3A_768[0] : i32 from vector<1xi32>
      %broadcast_in_dim3A_770 = vector.broadcast %squeeze3A_769 : i32 to vector<16xi32>
      %broadcast_in_dim3A_771 = arith.constant 0 : i32
      %broadcast_in_dim3A_772 = vector.broadcast %broadcast_in_dim3A_771 : i32 to vector<16xi32>
      %broadcast_in_dim3A_773 = arith.constant 1 : i32
      %broadcast_in_dim3A_774 = vector.broadcast %broadcast_in_dim3A_773 : i32 to vector<16xi32>
      %gather3A_775 = tpu.vector_load_idx %arg6[%broadcast_in_dim3A_764, %broadcast_in_dim3A_772, %iota3A, %broadcast_in_dim3A_767] : memref<12x2x32x128xf32, #tpu.memory_space<vmem>>[vector<16xi32>, vector<16xi32>, vector<16xi32>, vector<16xi32>], vector<16xf32>,
      %add3A_776 = arith.constant 16 : i32
      %add3A_777 = vector.broadcast %add3A_776 : i32 to vector<16xi32>
      %add3A_778 = arith.addi %iota3A, %add3A_777 : vector<16xi32>
      %gather3A_779 = tpu.vector_load_idx %arg6[%broadcast_in_dim3A_764, %broadcast_in_dim3A_772, %add3A_778, %broadcast_in_dim3A_767] : memref<12x2x32x128xf32, #tpu.memory_space<vmem>>[vector<16xi32>, vector<16xi32>, vector<16xi32>, vector<16xi32>], vector<16xf32>,
      %gather3A_780 = tpu.vector_load_idx %arg6[%broadcast_in_dim3A_764, %broadcast_in_dim3A_774, %iota3A, %broadcast_in_dim3A_770] : memref<12x2x32x128xf32, #tpu.memory_space<vmem>>[vector<16xi32>, vector<16xi32>, vector<16xi32>, vector<16xi32>], vector<16xf32>,
      %add3A_781 = arith.constant 16 : i32
      %add3A_782 = vector.broadcast %add3A_781 : i32 to vector<16xi32>
      %add3A_783 = arith.addi %iota3A, %add3A_782 : vector<16xi32>
      %gather3A_784 = tpu.vector_load_idx %arg6[%broadcast_in_dim3A_764, %broadcast_in_dim3A_774, %add3A_783, %broadcast_in_dim3A_770] : memref<12x2x32x128xf32, #tpu.memory_space<vmem>>[vector<16xi32>, vector<16xi32>, vector<16xi32>, vector<16xi32>], vector<16xf32>,
      %mul3A_785 = arith.mulf %gather3A_775, %gather3A_780 : vector<16xf32>
      %mul3A_786 = arith.mulf %gather3A_779, %gather3A_784 : vector<16xf32>
      %add3A_787 = arith.addf %mul3A_785, %mul3A_786 : vector<16xf32>
      %broadcast_in_dim3A_788 = arith.constant true
      %broadcast_in_dim3A_789 = vector.broadcast %broadcast_in_dim3A_788 : i1 to vector<16xi1>
      %masked_cumsum3A_790 = tpu.scan <sum>, %add3A_787 masked %broadcast_in_dim3A_789 : vector<16xf32>, vector<16xi1> -> vector<16xf32>
      %add3A_791 = arith.constant 1 : i32
      %add3A_792 = arith.addi %mul3A_608, %add3A_791 : i32
      %broadcast_in_dim3A_793 = vector.broadcast %add3A_792 : i32 to vector<16xi32>
      tpu.vector_store_idx %arg7[%broadcast_in_dim3A_793], %masked_cumsum3A_790 masked %eq3A_22 : memref<512xf32, #tpu.memory_space<vmem>>[vector<16xi32>], vector<16xf32>, vector<16xi1>
      %slice3A_794 = vector.extract_strided_slice %get3A_610 {offsets = [13], sizes = [1], strides = [1]} : vector<16xi32> to vector<1xi32>
      %squeeze3A_795 = vector.extract %slice3A_794[0] : i32 from vector<1xi32>
      %slice3A_796 = vector.extract_strided_slice %get3A_612 {offsets = [13], sizes = [1], strides = [1]} : vector<16xi32> to vector<1xi32>
      %squeeze3A_797 = vector.extract %slice3A_796[0] : i32 from vector<1xi32>
      %shift_right_arithmetic3A_798 = arith.constant 7 : i32
      %shift_right_arithmetic3A_799 = arith.shrsi %squeeze3A_795, %shift_right_arithmetic3A_798 : i32
      %mul3A_800 = arith.constant 128 : i32
      %mul3A_801 = arith.muli %shift_right_arithmetic3A_799, %mul3A_800 : i32
      %multiple_of3A_802 = tpu.assume_multiple %mul3A_801, 128 : i32
      %shift_right_arithmetic3A_803 = arith.constant 7 : i32
      %shift_right_arithmetic3A_804 = arith.shrsi %squeeze3A_797, %shift_right_arithmetic3A_803 : i32
      %mul3A_805 = arith.constant 128 : i32
      %mul3A_806 = arith.muli %shift_right_arithmetic3A_804, %mul3A_805 : i32
      %multiple_of3A_807 = tpu.assume_multiple %mul3A_806, 128 : i32
      %dma_start3A_808 = arith.constant 0 : i32
      %dma_start3A_809 = arith.constant 0 : i32
      %dma_start3A_810 = arith.constant 0 : i32
      %dma_start3A_811 = tpu.memref_slice %arg6[%rem3A_729, %dma_start3A_808, %dma_start3A_809, %dma_start3A_810] : memref<12x2x32x128xf32, #tpu.memory_space<vmem>> -> memref<1x1x32x128xf32, #tpu.memory_space<vmem>>
      %dma_start3A_812 = tpu.memref_squeeze %dma_start3A_811 : memref<1x1x32x128xf32, #tpu.memory_space<vmem>> -> memref<32x128xf32, #tpu.memory_space<vmem>>
      %dma_start3A_813 = arith.constant 0 : i32
      %dma_start3A_814 = tpu.memref_slice %arg2[%dma_start3A_813, %multiple_of3A_802] : memref<32x1000000xf32, #tpu.memory_space<hbm>> -> memref<32x128xf32, #tpu.memory_space<hbm>>
      %dma_start3A_815 = tpu.memref_slice %arg11[%rem3A_729] : memref<12x!tpu.dma_semaphore, #tpu.memory_space<semaphore_mem>> -> memref<1x!tpu.dma_semaphore, #tpu.memory_space<semaphore_mem>>
      %dma_start3A_816 = tpu.memref_squeeze %dma_start3A_815 : memref<1x!tpu.dma_semaphore, #tpu.memory_space<semaphore_mem>> -> memref<!tpu.dma_semaphore, #tpu.memory_space<semaphore_mem>>
      %dma_start3A_817 = arith.constant 0 : i32
      %dma_start3A_818 = arith.constant 0 : i32
      %dma_start3A_819 = tpu.memref_slice %arg6[%rem3A_729, %dma_start3A_808, %dma_start3A_817, %dma_start3A_818] : memref<12x2x32x128xf32, #tpu.memory_space<vmem>> -> memref<1x1x32x128xf32, #tpu.memory_space<vmem>>
      %dma_start3A_820 = tpu.memref_squeeze %dma_start3A_819 : memref<1x1x32x128xf32, #tpu.memory_space<vmem>> -> memref<32x128xf32, #tpu.memory_space<vmem>>
      %dma_start3A_821 = arith.constant 0 : i32
      %dma_start3A_822 = tpu.memref_slice %arg2[%dma_start3A_821, %multiple_of3A_802] : memref<32x1000000xf32, #tpu.memory_space<hbm>> -> memref<32x128xf32, #tpu.memory_space<hbm>>
      tpu.enqueue_dma source(%dma_start3A_822 : memref<32x128xf32, #tpu.memory_space<hbm>>) target(%dma_start3A_820 : memref<32x128xf32, #tpu.memory_space<vmem>>) target_semaphore(%dma_start3A_816 : memref<!tpu.dma_semaphore, #tpu.memory_space<semaphore_mem>>)
      %dma_start3A_823 = arith.constant 1 : i32
      %dma_start3A_824 = arith.constant 0 : i32
      %dma_start3A_825 = arith.constant 0 : i32
      %dma_start3A_826 = tpu.memref_slice %arg6[%rem3A_729, %dma_start3A_823, %dma_start3A_824, %dma_start3A_825] : memref<12x2x32x128xf32, #tpu.memory_space<vmem>> -> memref<1x1x32x128xf32, #tpu.memory_space<vmem>>
      %dma_start3A_827 = tpu.memref_squeeze %dma_start3A_826 : memref<1x1x32x128xf32, #tpu.memory_space<vmem>> -> memref<32x128xf32, #tpu.memory_space<vmem>>
      %dma_start3A_828 = arith.constant 0 : i32
      %dma_start3A_829 = tpu.memref_slice %arg3[%dma_start3A_828, %multiple_of3A_807] : memref<32x1000000xf32, #tpu.memory_space<hbm>> -> memref<32x128xf32, #tpu.memory_space<hbm>>
      %dma_start3A_830 = tpu.memref_slice %arg11[%rem3A_729] : memref<12x!tpu.dma_semaphore, #tpu.memory_space<semaphore_mem>> -> memref<1x!tpu.dma_semaphore, #tpu.memory_space<semaphore_mem>>
      %dma_start3A_831 = tpu.memref_squeeze %dma_start3A_830 : memref<1x!tpu.dma_semaphore, #tpu.memory_space<semaphore_mem>> -> memref<!tpu.dma_semaphore, #tpu.memory_space<semaphore_mem>>
      %dma_start3A_832 = arith.constant 0 : i32
      %dma_start3A_833 = arith.constant 0 : i32
      %dma_start3A_834 = tpu.memref_slice %arg6[%rem3A_729, %dma_start3A_823, %dma_start3A_832, %dma_start3A_833] : memref<12x2x32x128xf32, #tpu.memory_space<vmem>> -> memref<1x1x32x128xf32, #tpu.memory_space<vmem>>
      %dma_start3A_835 = tpu.memref_squeeze %dma_start3A_834 : memref<1x1x32x128xf32, #tpu.memory_space<vmem>> -> memref<32x128xf32, #tpu.memory_space<vmem>>
      %dma_start3A_836 = arith.constant 0 : i32
      %dma_start3A_837 = tpu.memref_slice %arg3[%dma_start3A_836, %multiple_of3A_807] : memref<32x1000000xf32, #tpu.memory_space<hbm>> -> memref<32x128xf32, #tpu.memory_space<hbm>>
      tpu.enqueue_dma source(%dma_start3A_837 : memref<32x128xf32, #tpu.memory_space<hbm>>) target(%dma_start3A_835 : memref<32x128xf32, #tpu.memory_space<vmem>>) target_semaphore(%dma_start3A_831 : memref<!tpu.dma_semaphore, #tpu.memory_space<semaphore_mem>>)
      %add3A_838 = arith.constant 2 : i32
      %add3A_839 = arith.addi %mul3A_608, %add3A_838 : i32
      %rem3A_840 = arith.constant 12 : i32
      %rem3A_841 = arith.remsi %add3A_839, %rem3A_840 : i32
      %dma_wait3A_842 = arith.constant 0 : i32
      %dma_wait3A_843 = arith.constant 0 : i32
      %dma_wait3A_844 = arith.constant 0 : i32
      %dma_wait3A_845 = tpu.memref_slice %arg6[%rem3A_841, %dma_wait3A_842, %dma_wait3A_843, %dma_wait3A_844] : memref<12x2x32x128xf32, #tpu.memory_space<vmem>> -> memref<1x1x32x128xf32, #tpu.memory_space<vmem>>
      %dma_wait3A_846 = tpu.memref_squeeze %dma_wait3A_845 : memref<1x1x32x128xf32, #tpu.memory_space<vmem>> -> memref<32x128xf32, #tpu.memory_space<vmem>>
      %dma_wait3A_847 = arith.constant 0 : i32
      %dma_wait3A_848 = arith.constant 0 : i32
      %dma_wait3A_849 = tpu.memref_slice %arg2[%dma_wait3A_847, %dma_wait3A_848] : memref<32x1000000xf32, #tpu.memory_space<hbm>> -> memref<32x128xf32, #tpu.memory_space<hbm>>
      %dma_wait3A_850 = tpu.memref_slice %arg11[%rem3A_841] : memref<12x!tpu.dma_semaphore, #tpu.memory_space<semaphore_mem>> -> memref<1x!tpu.dma_semaphore, #tpu.memory_space<semaphore_mem>>
      %dma_wait3A_851 = tpu.memref_squeeze %dma_wait3A_850 : memref<1x!tpu.dma_semaphore, #tpu.memory_space<semaphore_mem>> -> memref<!tpu.dma_semaphore, #tpu.memory_space<semaphore_mem>>
      %dma_wait3A_852 = arith.constant 0 : i32
      %dma_wait3A_853 = arith.constant 0 : i32
      %dma_wait3A_854 = tpu.memref_slice %arg6[%rem3A_841, %dma_wait3A_842, %dma_wait3A_852, %dma_wait3A_853] : memref<12x2x32x128xf32, #tpu.memory_space<vmem>> -> memref<1x1x32x128xf32, #tpu.memory_space<vmem>>
      %dma_wait3A_855 = tpu.memref_squeeze %dma_wait3A_854 : memref<1x1x32x128xf32, #tpu.memory_space<vmem>> -> memref<32x128xf32, #tpu.memory_space<vmem>>
      %dma_wait3A_856 = arith.constant 0 : i32
      %dma_wait3A_857 = arith.constant 0 : i32
      %dma_wait3A_858 = tpu.memref_slice %arg2[%dma_wait3A_856, %dma_wait3A_857] : memref<32x1000000xf32, #tpu.memory_space<hbm>> -> memref<32x128xf32, #tpu.memory_space<hbm>>
      tpu.wait_dma2 semaphore(%dma_wait3A_851 : memref<!tpu.dma_semaphore, #tpu.memory_space<semaphore_mem>>) src(%dma_wait3A_858 : memref<32x128xf32, #tpu.memory_space<hbm>>) dst(%dma_wait3A_855 : memref<32x128xf32, #tpu.memory_space<vmem>>)
      %dma_wait3A_859 = arith.constant 1 : i32
      %dma_wait3A_860 = arith.constant 0 : i32
      %dma_wait3A_861 = arith.constant 0 : i32
      %dma_wait3A_862 = tpu.memref_slice %arg6[%rem3A_841, %dma_wait3A_859, %dma_wait3A_860, %dma_wait3A_861] : memref<12x2x32x128xf32, #tpu.memory_space<vmem>> -> memref<1x1x32x128xf32, #tpu.memory_space<vmem>>
      %dma_wait3A_863 = tpu.memref_squeeze %dma_wait3A_862 : memref<1x1x32x128xf32, #tpu.memory_space<vmem>> -> memref<32x128xf32, #tpu.memory_space<vmem>>
      %dma_wait3A_864 = arith.constant 0 : i32
      %dma_wait3A_865 = arith.constant 0 : i32
      %dma_wait3A_866 = tpu.memref_slice %arg3[%dma_wait3A_864, %dma_wait3A_865] : memref<32x1000000xf32, #tpu.memory_space<hbm>> -> memref<32x128xf32, #tpu.memory_space<hbm>>
      %dma_wait3A_867 = tpu.memref_slice %arg11[%rem3A_841] : memref<12x!tpu.dma_semaphore, #tpu.memory_space<semaphore_mem>> -> memref<1x!tpu.dma_semaphore, #tpu.memory_space<semaphore_mem>>
      %dma_wait3A_868 = tpu.memref_squeeze %dma_wait3A_867 : memref<1x!tpu.dma_semaphore, #tpu.memory_space<semaphore_mem>> -> memref<!tpu.dma_semaphore, #tpu.memory_space<semaphore_mem>>
      %dma_wait3A_869 = arith.constant 0 : i32
      %dma_wait3A_870 = arith.constant 0 : i32
      %dma_wait3A_871 = tpu.memref_slice %arg6[%rem3A_841, %dma_wait3A_859, %dma_wait3A_869, %dma_wait3A_870] : memref<12x2x32x128xf32, #tpu.memory_space<vmem>> -> memref<1x1x32x128xf32, #tpu.memory_space<vmem>>
      %dma_wait3A_872 = tpu.memref_squeeze %dma_wait3A_871 : memref<1x1x32x128xf32, #tpu.memory_space<vmem>> -> memref<32x128xf32, #tpu.memory_space<vmem>>
      %dma_wait3A_873 = arith.constant 0 : i32
      %dma_wait3A_874 = arith.constant 0 : i32
      %dma_wait3A_875 = tpu.memref_slice %arg3[%dma_wait3A_873, %dma_wait3A_874] : memref<32x1000000xf32, #tpu.memory_space<hbm>> -> memref<32x128xf32, #tpu.memory_space<hbm>>
      tpu.wait_dma2 semaphore(%dma_wait3A_868 : memref<!tpu.dma_semaphore, #tpu.memory_space<semaphore_mem>>) src(%dma_wait3A_875 : memref<32x128xf32, #tpu.memory_space<hbm>>) dst(%dma_wait3A_872 : memref<32x128xf32, #tpu.memory_space<vmem>>)
      %broadcast_in_dim3A_876 = vector.broadcast %rem3A_841 : i32 to vector<16xi32>
      %slice3A_877 = vector.extract_strided_slice %and3A_614 {offsets = [2], sizes = [1], strides = [1]} : vector<16xi32> to vector<1xi32>
      %squeeze3A_878 = vector.extract %slice3A_877[0] : i32 from vector<1xi32>
      %broadcast_in_dim3A_879 = vector.broadcast %squeeze3A_878 : i32 to vector<16xi32>
      %slice3A_880 = vector.extract_strided_slice %and3A_617 {offsets = [2], sizes = [1], strides = [1]} : vector<16xi32> to vector<1xi32>
      %squeeze3A_881 = vector.extract %slice3A_880[0] : i32 from vector<1xi32>
      %broadcast_in_dim3A_882 = vector.broadcast %squeeze3A_881 : i32 to vector<16xi32>
      %broadcast_in_dim3A_883 = arith.constant 0 : i32
      %broadcast_in_dim3A_884 = vector.broadcast %broadcast_in_dim3A_883 : i32 to vector<16xi32>
      %broadcast_in_dim3A_885 = arith.constant 1 : i32
      %broadcast_in_dim3A_886 = vector.broadcast %broadcast_in_dim3A_885 : i32 to vector<16xi32>
      %gather3A_887 = tpu.vector_load_idx %arg6[%broadcast_in_dim3A_876, %broadcast_in_dim3A_884, %iota3A, %broadcast_in_dim3A_879] : memref<12x2x32x128xf32, #tpu.memory_space<vmem>>[vector<16xi32>, vector<16xi32>, vector<16xi32>, vector<16xi32>], vector<16xf32>,
      %add3A_888 = arith.constant 16 : i32
      %add3A_889 = vector.broadcast %add3A_888 : i32 to vector<16xi32>
      %add3A_890 = arith.addi %iota3A, %add3A_889 : vector<16xi32>
      %gather3A_891 = tpu.vector_load_idx %arg6[%broadcast_in_dim3A_876, %broadcast_in_dim3A_884, %add3A_890, %broadcast_in_dim3A_879] : memref<12x2x32x128xf32, #tpu.memory_space<vmem>>[vector<16xi32>, vector<16xi32>, vector<16xi32>, vector<16xi32>], vector<16xf32>,
      %gather3A_892 = tpu.vector_load_idx %arg6[%broadcast_in_dim3A_876, %broadcast_in_dim3A_886, %iota3A, %broadcast_in_dim3A_882] : memref<12x2x32x128xf32, #tpu.memory_space<vmem>>[vector<16xi32>, vector<16xi32>, vector<16xi32>, vector<16xi32>], vector<16xf32>,
      %add3A_893 = arith.constant 16 : i32
      %add3A_894 = vector.broadcast %add3A_893 : i32 to vector<16xi32>
      %add3A_895 = arith.addi %iota3A, %add3A_894 : vector<16xi32>
      %gather3A_896 = tpu.vector_load_idx %arg6[%broadcast_in_dim3A_876, %broadcast_in_dim3A_886, %add3A_895, %broadcast_in_dim3A_882] : memref<12x2x32x128xf32, #tpu.memory_space<vmem>>[vector<16xi32>, vector<16xi32>, vector<16xi32>, vector<16xi32>], vector<16xf32>,
      %mul3A_897 = arith.mulf %gather3A_887, %gather3A_892 : vector<16xf32>
      %mul3A_898 = arith.mulf %gather3A_891, %gather3A_896 : vector<16xf32>
      %add3A_899 = arith.addf %mul3A_897, %mul3A_898 : vector<16xf32>
      %broadcast_in_dim3A_900 = arith.constant true
      %broadcast_in_dim3A_901 = vector.broadcast %broadcast_in_dim3A_900 : i1 to vector<16xi1>
      %masked_cumsum3A_902 = tpu.scan <sum>, %add3A_899 masked %broadcast_in_dim3A_901 : vector<16xf32>, vector<16xi1> -> vector<16xf32>
      %add3A_903 = arith.constant 2 : i32
      %add3A_904 = arith.addi %mul3A_608, %add3A_903 : i32
      %broadcast_in_dim3A_905 = vector.broadcast %add3A_904 : i32 to vector<16xi32>
      tpu.vector_store_idx %arg7[%broadcast_in_dim3A_905], %masked_cumsum3A_902 masked %eq3A_22 : memref<512xf32, #tpu.memory_space<vmem>>[vector<16xi32>], vector<16xf32>, vector<16xi1>
      %slice3A_906 = vector.extract_strided_slice %get3A_610 {offsets = [14], sizes = [1], strides = [1]} : vector<16xi32> to vector<1xi32>
      %squeeze3A_907 = vector.extract %slice3A_906[0] : i32 from vector<1xi32>
      %slice3A_908 = vector.extract_strided_slice %get3A_612 {offsets = [14], sizes = [1], strides = [1]} : vector<16xi32> to vector<1xi32>
      %squeeze3A_909 = vector.extract %slice3A_908[0] : i32 from vector<1xi32>
      %shift_right_arithmetic3A_910 = arith.constant 7 : i32
      %shift_right_arithmetic3A_911 = arith.shrsi %squeeze3A_907, %shift_right_arithmetic3A_910 : i32
      %mul3A_912 = arith.constant 128 : i32
      %mul3A_913 = arith.muli %shift_right_arithmetic3A_911, %mul3A_912 : i32
      %multiple_of3A_914 = tpu.assume_multiple %mul3A_913, 128 : i32
      %shift_right_arithmetic3A_915 = arith.constant 7 : i32
      %shift_right_arithmetic3A_916 = arith.shrsi %squeeze3A_909, %shift_right_arithmetic3A_915 : i32
      %mul3A_917 = arith.constant 128 : i32
      %mul3A_918 = arith.muli %shift_right_arithmetic3A_916, %mul3A_917 : i32
      %multiple_of3A_919 = tpu.assume_multiple %mul3A_918, 128 : i32
      %dma_start3A_920 = arith.constant 0 : i32
      %dma_start3A_921 = arith.constant 0 : i32
      %dma_start3A_922 = arith.constant 0 : i32
      %dma_start3A_923 = tpu.memref_slice %arg6[%rem3A_841, %dma_start3A_920, %dma_start3A_921, %dma_start3A_922] : memref<12x2x32x128xf32, #tpu.memory_space<vmem>> -> memref<1x1x32x128xf32, #tpu.memory_space<vmem>>
      %dma_start3A_924 = tpu.memref_squeeze %dma_start3A_923 : memref<1x1x32x128xf32, #tpu.memory_space<vmem>> -> memref<32x128xf32, #tpu.memory_space<vmem>>
      %dma_start3A_925 = arith.constant 0 : i32
      %dma_start3A_926 = tpu.memref_slice %arg2[%dma_start3A_925, %multiple_of3A_914] : memref<32x1000000xf32, #tpu.memory_space<hbm>> -> memref<32x128xf32, #tpu.memory_space<hbm>>
      %dma_start3A_927 = tpu.memref_slice %arg11[%rem3A_841] : memref<12x!tpu.dma_semaphore, #tpu.memory_space<semaphore_mem>> -> memref<1x!tpu.dma_semaphore, #tpu.memory_space<semaphore_mem>>
      %dma_start3A_928 = tpu.memref_squeeze %dma_start3A_927 : memref<1x!tpu.dma_semaphore, #tpu.memory_space<semaphore_mem>> -> memref<!tpu.dma_semaphore, #tpu.memory_space<semaphore_mem>>
      %dma_start3A_929 = arith.constant 0 : i32
      %dma_start3A_930 = arith.constant 0 : i32
      %dma_start3A_931 = tpu.memref_slice %arg6[%rem3A_841, %dma_start3A_920, %dma_start3A_929, %dma_start3A_930] : memref<12x2x32x128xf32, #tpu.memory_space<vmem>> -> memref<1x1x32x128xf32, #tpu.memory_space<vmem>>
      %dma_start3A_932 = tpu.memref_squeeze %dma_start3A_931 : memref<1x1x32x128xf32, #tpu.memory_space<vmem>> -> memref<32x128xf32, #tpu.memory_space<vmem>>
      %dma_start3A_933 = arith.constant 0 : i32
      %dma_start3A_934 = tpu.memref_slice %arg2[%dma_start3A_933, %multiple_of3A_914] : memref<32x1000000xf32, #tpu.memory_space<hbm>> -> memref<32x128xf32, #tpu.memory_space<hbm>>
      tpu.enqueue_dma source(%dma_start3A_934 : memref<32x128xf32, #tpu.memory_space<hbm>>) target(%dma_start3A_932 : memref<32x128xf32, #tpu.memory_space<vmem>>) target_semaphore(%dma_start3A_928 : memref<!tpu.dma_semaphore, #tpu.memory_space<semaphore_mem>>)
      %dma_start3A_935 = arith.constant 1 : i32
      %dma_start3A_936 = arith.constant 0 : i32
      %dma_start3A_937 = arith.constant 0 : i32
      %dma_start3A_938 = tpu.memref_slice %arg6[%rem3A_841, %dma_start3A_935, %dma_start3A_936, %dma_start3A_937] : memref<12x2x32x128xf32, #tpu.memory_space<vmem>> -> memref<1x1x32x128xf32, #tpu.memory_space<vmem>>
      %dma_start3A_939 = tpu.memref_squeeze %dma_start3A_938 : memref<1x1x32x128xf32, #tpu.memory_space<vmem>> -> memref<32x128xf32, #tpu.memory_space<vmem>>
      %dma_start3A_940 = arith.constant 0 : i32
      %dma_start3A_941 = tpu.memref_slice %arg3[%dma_start3A_940, %multiple_of3A_919] : memref<32x1000000xf32, #tpu.memory_space<hbm>> -> memref<32x128xf32, #tpu.memory_space<hbm>>
      %dma_start3A_942 = tpu.memref_slice %arg11[%rem3A_841] : memref<12x!tpu.dma_semaphore, #tpu.memory_space<semaphore_mem>> -> memref<1x!tpu.dma_semaphore, #tpu.memory_space<semaphore_mem>>
      %dma_start3A_943 = tpu.memref_squeeze %dma_start3A_942 : memref<1x!tpu.dma_semaphore, #tpu.memory_space<semaphore_mem>> -> memref<!tpu.dma_semaphore, #tpu.memory_space<semaphore_mem>>
      %dma_start3A_944 = arith.constant 0 : i32
      %dma_start3A_945 = arith.constant 0 : i32
      %dma_start3A_946 = tpu.memref_slice %arg6[%rem3A_841, %dma_start3A_935, %dma_start3A_944, %dma_start3A_945] : memref<12x2x32x128xf32, #tpu.memory_space<vmem>> -> memref<1x1x32x128xf32, #tpu.memory_space<vmem>>
      %dma_start3A_947 = tpu.memref_squeeze %dma_start3A_946 : memref<1x1x32x128xf32, #tpu.memory_space<vmem>> -> memref<32x128xf32, #tpu.memory_space<vmem>>
      %dma_start3A_948 = arith.constant 0 : i32
      %dma_start3A_949 = tpu.memref_slice %arg3[%dma_start3A_948, %multiple_of3A_919] : memref<32x1000000xf32, #tpu.memory_space<hbm>> -> memref<32x128xf32, #tpu.memory_space<hbm>>
      tpu.enqueue_dma source(%dma_start3A_949 : memref<32x128xf32, #tpu.memory_space<hbm>>) target(%dma_start3A_947 : memref<32x128xf32, #tpu.memory_space<vmem>>) target_semaphore(%dma_start3A_943 : memref<!tpu.dma_semaphore, #tpu.memory_space<semaphore_mem>>)
      %add3A_950 = arith.constant 3 : i32
      %add3A_951 = arith.addi %mul3A_608, %add3A_950 : i32
      %rem3A_952 = arith.constant 12 : i32
      %rem3A_953 = arith.remsi %add3A_951, %rem3A_952 : i32
      %dma_wait3A_954 = arith.constant 0 : i32
      %dma_wait3A_955 = arith.constant 0 : i32
      %dma_wait3A_956 = arith.constant 0 : i32
      %dma_wait3A_957 = tpu.memref_slice %arg6[%rem3A_953, %dma_wait3A_954, %dma_wait3A_955, %dma_wait3A_956] : memref<12x2x32x128xf32, #tpu.memory_space<vmem>> -> memref<1x1x32x128xf32, #tpu.memory_space<vmem>>
      %dma_wait3A_958 = tpu.memref_squeeze %dma_wait3A_957 : memref<1x1x32x128xf32, #tpu.memory_space<vmem>> -> memref<32x128xf32, #tpu.memory_space<vmem>>
      %dma_wait3A_959 = arith.constant 0 : i32
      %dma_wait3A_960 = arith.constant 0 : i32
      %dma_wait3A_961 = tpu.memref_slice %arg2[%dma_wait3A_959, %dma_wait3A_960] : memref<32x1000000xf32, #tpu.memory_space<hbm>> -> memref<32x128xf32, #tpu.memory_space<hbm>>
      %dma_wait3A_962 = tpu.memref_slice %arg11[%rem3A_953] : memref<12x!tpu.dma_semaphore, #tpu.memory_space<semaphore_mem>> -> memref<1x!tpu.dma_semaphore, #tpu.memory_space<semaphore_mem>>
      %dma_wait3A_963 = tpu.memref_squeeze %dma_wait3A_962 : memref<1x!tpu.dma_semaphore, #tpu.memory_space<semaphore_mem>> -> memref<!tpu.dma_semaphore, #tpu.memory_space<semaphore_mem>>
      %dma_wait3A_964 = arith.constant 0 : i32
      %dma_wait3A_965 = arith.constant 0 : i32
      %dma_wait3A_966 = tpu.memref_slice %arg6[%rem3A_953, %dma_wait3A_954, %dma_wait3A_964, %dma_wait3A_965] : memref<12x2x32x128xf32, #tpu.memory_space<vmem>> -> memref<1x1x32x128xf32, #tpu.memory_space<vmem>>
      %dma_wait3A_967 = tpu.memref_squeeze %dma_wait3A_966 : memref<1x1x32x128xf32, #tpu.memory_space<vmem>> -> memref<32x128xf32, #tpu.memory_space<vmem>>
      %dma_wait3A_968 = arith.constant 0 : i32
      %dma_wait3A_969 = arith.constant 0 : i32
      %dma_wait3A_970 = tpu.memref_slice %arg2[%dma_wait3A_968, %dma_wait3A_969] : memref<32x1000000xf32, #tpu.memory_space<hbm>> -> memref<32x128xf32, #tpu.memory_space<hbm>>
      tpu.wait_dma2 semaphore(%dma_wait3A_963 : memref<!tpu.dma_semaphore, #tpu.memory_space<semaphore_mem>>) src(%dma_wait3A_970 : memref<32x128xf32, #tpu.memory_space<hbm>>) dst(%dma_wait3A_967 : memref<32x128xf32, #tpu.memory_space<vmem>>)
      %dma_wait3A_971 = arith.constant 1 : i32
      %dma_wait3A_972 = arith.constant 0 : i32
      %dma_wait3A_973 = arith.constant 0 : i32
      %dma_wait3A_974 = tpu.memref_slice %arg6[%rem3A_953, %dma_wait3A_971, %dma_wait3A_972, %dma_wait3A_973] : memref<12x2x32x128xf32, #tpu.memory_space<vmem>> -> memref<1x1x32x128xf32, #tpu.memory_space<vmem>>
      %dma_wait3A_975 = tpu.memref_squeeze %dma_wait3A_974 : memref<1x1x32x128xf32, #tpu.memory_space<vmem>> -> memref<32x128xf32, #tpu.memory_space<vmem>>
      %dma_wait3A_976 = arith.constant 0 : i32
      %dma_wait3A_977 = arith.constant 0 : i32
      %dma_wait3A_978 = tpu.memref_slice %arg3[%dma_wait3A_976, %dma_wait3A_977] : memref<32x1000000xf32, #tpu.memory_space<hbm>> -> memref<32x128xf32, #tpu.memory_space<hbm>>
      %dma_wait3A_979 = tpu.memref_slice %arg11[%rem3A_953] : memref<12x!tpu.dma_semaphore, #tpu.memory_space<semaphore_mem>> -> memref<1x!tpu.dma_semaphore, #tpu.memory_space<semaphore_mem>>
      %dma_wait3A_980 = tpu.memref_squeeze %dma_wait3A_979 : memref<1x!tpu.dma_semaphore, #tpu.memory_space<semaphore_mem>> -> memref<!tpu.dma_semaphore, #tpu.memory_space<semaphore_mem>>
      %dma_wait3A_981 = arith.constant 0 : i32
      %dma_wait3A_982 = arith.constant 0 : i32
      %dma_wait3A_983 = tpu.memref_slice %arg6[%rem3A_953, %dma_wait3A_971, %dma_wait3A_981, %dma_wait3A_982] : memref<12x2x32x128xf32, #tpu.memory_space<vmem>> -> memref<1x1x32x128xf32, #tpu.memory_space<vmem>>
      %dma_wait3A_984 = tpu.memref_squeeze %dma_wait3A_983 : memref<1x1x32x128xf32, #tpu.memory_space<vmem>> -> memref<32x128xf32, #tpu.memory_space<vmem>>
      %dma_wait3A_985 = arith.constant 0 : i32
      %dma_wait3A_986 = arith.constant 0 : i32
      %dma_wait3A_987 = tpu.memref_slice %arg3[%dma_wait3A_985, %dma_wait3A_986] : memref<32x1000000xf32, #tpu.memory_space<hbm>> -> memref<32x128xf32, #tpu.memory_space<hbm>>
      tpu.wait_dma2 semaphore(%dma_wait3A_980 : memref<!tpu.dma_semaphore, #tpu.memory_space<semaphore_mem>>) src(%dma_wait3A_987 : memref<32x128xf32, #tpu.memory_space<hbm>>) dst(%dma_wait3A_984 : memref<32x128xf32, #tpu.memory_space<vmem>>)
      %broadcast_in_dim3A_988 = vector.broadcast %rem3A_953 : i32 to vector<16xi32>
      %slice3A_989 = vector.extract_strided_slice %and3A_614 {offsets = [3], sizes = [1], strides = [1]} : vector<16xi32> to vector<1xi32>
      %squeeze3A_990 = vector.extract %slice3A_989[0] : i32 from vector<1xi32>
      %broadcast_in_dim3A_991 = vector.broadcast %squeeze3A_990 : i32 to vector<16xi32>
      %slice3A_992 = vector.extract_strided_slice %and3A_617 {offsets = [3], sizes = [1], strides = [1]} : vector<16xi32> to vector<1xi32>
      %squeeze3A_993 = vector.extract %slice3A_992[0] : i32 from vector<1xi32>
      %broadcast_in_dim3A_994 = vector.broadcast %squeeze3A_993 : i32 to vector<16xi32>
      %broadcast_in_dim3A_995 = arith.constant 0 : i32
      %broadcast_in_dim3A_996 = vector.broadcast %broadcast_in_dim3A_995 : i32 to vector<16xi32>
      %broadcast_in_dim3A_997 = arith.constant 1 : i32
      %broadcast_in_dim3A_998 = vector.broadcast %broadcast_in_dim3A_997 : i32 to vector<16xi32>
      %gather3A_999 = tpu.vector_load_idx %arg6[%broadcast_in_dim3A_988, %broadcast_in_dim3A_996, %iota3A, %broadcast_in_dim3A_991] : memref<12x2x32x128xf32, #tpu.memory_space<vmem>>[vector<16xi32>, vector<16xi32>, vector<16xi32>, vector<16xi32>], vector<16xf32>,
      %add3A_1000 = arith.constant 16 : i32
      %add3A_1001 = vector.broadcast %add3A_1000 : i32 to vector<16xi32>
      %add3A_1002 = arith.addi %iota3A, %add3A_1001 : vector<16xi32>
      %gather3A_1003 = tpu.vector_load_idx %arg6[%broadcast_in_dim3A_988, %broadcast_in_dim3A_996, %add3A_1002, %broadcast_in_dim3A_991] : memref<12x2x32x128xf32, #tpu.memory_space<vmem>>[vector<16xi32>, vector<16xi32>, vector<16xi32>, vector<16xi32>], vector<16xf32>,
      %gather3A_1004 = tpu.vector_load_idx %arg6[%broadcast_in_dim3A_988, %broadcast_in_dim3A_998, %iota3A, %broadcast_in_dim3A_994] : memref<12x2x32x128xf32, #tpu.memory_space<vmem>>[vector<16xi32>, vector<16xi32>, vector<16xi32>, vector<16xi32>], vector<16xf32>,
      %add3A_1005 = arith.constant 16 : i32
      %add3A_1006 = vector.broadcast %add3A_1005 : i32 to vector<16xi32>
      %add3A_1007 = arith.addi %iota3A, %add3A_1006 : vector<16xi32>
      %gather3A_1008 = tpu.vector_load_idx %arg6[%broadcast_in_dim3A_988, %broadcast_in_dim3A_998, %add3A_1007, %broadcast_in_dim3A_994] : memref<12x2x32x128xf32, #tpu.memory_space<vmem>>[vector<16xi32>, vector<16xi32>, vector<16xi32>, vector<16xi32>], vector<16xf32>,
      %mul3A_1009 = arith.mulf %gather3A_999, %gather3A_1004 : vector<16xf32>
      %mul3A_1010 = arith.mulf %gather3A_1003, %gather3A_1008 : vector<16xf32>
      %add3A_1011 = arith.addf %mul3A_1009, %mul3A_1010 : vector<16xf32>
      %broadcast_in_dim3A_1012 = arith.constant true
      %broadcast_in_dim3A_1013 = vector.broadcast %broadcast_in_dim3A_1012 : i1 to vector<16xi1>
      %masked_cumsum3A_1014 = tpu.scan <sum>, %add3A_1011 masked %broadcast_in_dim3A_1013 : vector<16xf32>, vector<16xi1> -> vector<16xf32>
      %add3A_1015 = arith.constant 3 : i32
      %add3A_1016 = arith.addi %mul3A_608, %add3A_1015 : i32
      %broadcast_in_dim3A_1017 = vector.broadcast %add3A_1016 : i32 to vector<16xi32>
      tpu.vector_store_idx %arg7[%broadcast_in_dim3A_1017], %masked_cumsum3A_1014 masked %eq3A_22 : memref<512xf32, #tpu.memory_space<vmem>>[vector<16xi32>], vector<16xf32>, vector<16xi1>
      %slice3A_1018 = vector.extract_strided_slice %get3A_610 {offsets = [15], sizes = [1], strides = [1]} : vector<16xi32> to vector<1xi32>
      %squeeze3A_1019 = vector.extract %slice3A_1018[0] : i32 from vector<1xi32>
      %slice3A_1020 = vector.extract_strided_slice %get3A_612 {offsets = [15], sizes = [1], strides = [1]} : vector<16xi32> to vector<1xi32>
      %squeeze3A_1021 = vector.extract %slice3A_1020[0] : i32 from vector<1xi32>
      %shift_right_arithmetic3A_1022 = arith.constant 7 : i32
      %shift_right_arithmetic3A_1023 = arith.shrsi %squeeze3A_1019, %shift_right_arithmetic3A_1022 : i32
      %mul3A_1024 = arith.constant 128 : i32
      %mul3A_1025 = arith.muli %shift_right_arithmetic3A_1023, %mul3A_1024 : i32
      %multiple_of3A_1026 = tpu.assume_multiple %mul3A_1025, 128 : i32
      %shift_right_arithmetic3A_1027 = arith.constant 7 : i32
      %shift_right_arithmetic3A_1028 = arith.shrsi %squeeze3A_1021, %shift_right_arithmetic3A_1027 : i32
      %mul3A_1029 = arith.constant 128 : i32
      %mul3A_1030 = arith.muli %shift_right_arithmetic3A_1028, %mul3A_1029 : i32
      %multiple_of3A_1031 = tpu.assume_multiple %mul3A_1030, 128 : i32
      %dma_start3A_1032 = arith.constant 0 : i32
      %dma_start3A_1033 = arith.constant 0 : i32
      %dma_start3A_1034 = arith.constant 0 : i32
      %dma_start3A_1035 = tpu.memref_slice %arg6[%rem3A_953, %dma_start3A_1032, %dma_start3A_1033, %dma_start3A_1034] : memref<12x2x32x128xf32, #tpu.memory_space<vmem>> -> memref<1x1x32x128xf32, #tpu.memory_space<vmem>>
      %dma_start3A_1036 = tpu.memref_squeeze %dma_start3A_1035 : memref<1x1x32x128xf32, #tpu.memory_space<vmem>> -> memref<32x128xf32, #tpu.memory_space<vmem>>
      %dma_start3A_1037 = arith.constant 0 : i32
      %dma_start3A_1038 = tpu.memref_slice %arg2[%dma_start3A_1037, %multiple_of3A_1026] : memref<32x1000000xf32, #tpu.memory_space<hbm>> -> memref<32x128xf32, #tpu.memory_space<hbm>>
      %dma_start3A_1039 = tpu.memref_slice %arg11[%rem3A_953] : memref<12x!tpu.dma_semaphore, #tpu.memory_space<semaphore_mem>> -> memref<1x!tpu.dma_semaphore, #tpu.memory_space<semaphore_mem>>
      %dma_start3A_1040 = tpu.memref_squeeze %dma_start3A_1039 : memref<1x!tpu.dma_semaphore, #tpu.memory_space<semaphore_mem>> -> memref<!tpu.dma_semaphore, #tpu.memory_space<semaphore_mem>>
      %dma_start3A_1041 = arith.constant 0 : i32
      %dma_start3A_1042 = arith.constant 0 : i32
      %dma_start3A_1043 = tpu.memref_slice %arg6[%rem3A_953, %dma_start3A_1032, %dma_start3A_1041, %dma_start3A_1042] : memref<12x2x32x128xf32, #tpu.memory_space<vmem>> -> memref<1x1x32x128xf32, #tpu.memory_space<vmem>>
      %dma_start3A_1044 = tpu.memref_squeeze %dma_start3A_1043 : memref<1x1x32x128xf32, #tpu.memory_space<vmem>> -> memref<32x128xf32, #tpu.memory_space<vmem>>
      %dma_start3A_1045 = arith.constant 0 : i32
      %dma_start3A_1046 = tpu.memref_slice %arg2[%dma_start3A_1045, %multiple_of3A_1026] : memref<32x1000000xf32, #tpu.memory_space<hbm>> -> memref<32x128xf32, #tpu.memory_space<hbm>>
      tpu.enqueue_dma source(%dma_start3A_1046 : memref<32x128xf32, #tpu.memory_space<hbm>>) target(%dma_start3A_1044 : memref<32x128xf32, #tpu.memory_space<vmem>>) target_semaphore(%dma_start3A_1040 : memref<!tpu.dma_semaphore, #tpu.memory_space<semaphore_mem>>)
      %dma_start3A_1047 = arith.constant 1 : i32
      %dma_start3A_1048 = arith.constant 0 : i32
      %dma_start3A_1049 = arith.constant 0 : i32
      %dma_start3A_1050 = tpu.memref_slice %arg6[%rem3A_953, %dma_start3A_1047, %dma_start3A_1048, %dma_start3A_1049] : memref<12x2x32x128xf32, #tpu.memory_space<vmem>> -> memref<1x1x32x128xf32, #tpu.memory_space<vmem>>
      %dma_start3A_1051 = tpu.memref_squeeze %dma_start3A_1050 : memref<1x1x32x128xf32, #tpu.memory_space<vmem>> -> memref<32x128xf32, #tpu.memory_space<vmem>>
      %dma_start3A_1052 = arith.constant 0 : i32
      %dma_start3A_1053 = tpu.memref_slice %arg3[%dma_start3A_1052, %multiple_of3A_1031] : memref<32x1000000xf32, #tpu.memory_space<hbm>> -> memref<32x128xf32, #tpu.memory_space<hbm>>
      %dma_start3A_1054 = tpu.memref_slice %arg11[%rem3A_953] : memref<12x!tpu.dma_semaphore, #tpu.memory_space<semaphore_mem>> -> memref<1x!tpu.dma_semaphore, #tpu.memory_space<semaphore_mem>>
      %dma_start3A_1055 = tpu.memref_squeeze %dma_start3A_1054 : memref<1x!tpu.dma_semaphore, #tpu.memory_space<semaphore_mem>> -> memref<!tpu.dma_semaphore, #tpu.memory_space<semaphore_mem>>
      %dma_start3A_1056 = arith.constant 0 : i32
      %dma_start3A_1057 = arith.constant 0 : i32
      %dma_start3A_1058 = tpu.memref_slice %arg6[%rem3A_953, %dma_start3A_1047, %dma_start3A_1056, %dma_start3A_1057] : memref<12x2x32x128xf32, #tpu.memory_space<vmem>> -> memref<1x1x32x128xf32, #tpu.memory_space<vmem>>
      %dma_start3A_1059 = tpu.memref_squeeze %dma_start3A_1058 : memref<1x1x32x128xf32, #tpu.memory_space<vmem>> -> memref<32x128xf32, #tpu.memory_space<vmem>>
      %dma_start3A_1060 = arith.constant 0 : i32
      %dma_start3A_1061 = tpu.memref_slice %arg3[%dma_start3A_1060, %multiple_of3A_1031] : memref<32x1000000xf32, #tpu.memory_space<hbm>> -> memref<32x128xf32, #tpu.memory_space<hbm>>
      tpu.enqueue_dma source(%dma_start3A_1061 : memref<32x128xf32, #tpu.memory_space<hbm>>) target(%dma_start3A_1059 : memref<32x128xf32, #tpu.memory_space<vmem>>) target_semaphore(%dma_start3A_1055 : memref<!tpu.dma_semaphore, #tpu.memory_space<semaphore_mem>>)
      %add3A_1062 = arith.constant 4 : i32
      %add3A_1063 = arith.addi %mul3A_608, %add3A_1062 : i32
      %rem3A_1064 = arith.constant 12 : i32
      %rem3A_1065 = arith.remsi %add3A_1063, %rem3A_1064 : i32
      %dma_wait3A_1066 = arith.constant 0 : i32
      %dma_wait3A_1067 = arith.constant 0 : i32
      %dma_wait3A_1068 = arith.constant 0 : i32
      %dma_wait3A_1069 = tpu.memref_slice %arg6[%rem3A_1065, %dma_wait3A_1066, %dma_wait3A_1067, %dma_wait3A_1068] : memref<12x2x32x128xf32, #tpu.memory_space<vmem>> -> memref<1x1x32x128xf32, #tpu.memory_space<vmem>>
      %dma_wait3A_1070 = tpu.memref_squeeze %dma_wait3A_1069 : memref<1x1x32x128xf32, #tpu.memory_space<vmem>> -> memref<32x128xf32, #tpu.memory_space<vmem>>
      %dma_wait3A_1071 = arith.constant 0 : i32
      %dma_wait3A_1072 = arith.constant 0 : i32
      %dma_wait3A_1073 = tpu.memref_slice %arg2[%dma_wait3A_1071, %dma_wait3A_1072] : memref<32x1000000xf32, #tpu.memory_space<hbm>> -> memref<32x128xf32, #tpu.memory_space<hbm>>
      %dma_wait3A_1074 = tpu.memref_slice %arg11[%rem3A_1065] : memref<12x!tpu.dma_semaphore, #tpu.memory_space<semaphore_mem>> -> memref<1x!tpu.dma_semaphore, #tpu.memory_space<semaphore_mem>>
      %dma_wait3A_1075 = tpu.memref_squeeze %dma_wait3A_1074 : memref<1x!tpu.dma_semaphore, #tpu.memory_space<semaphore_mem>> -> memref<!tpu.dma_semaphore, #tpu.memory_space<semaphore_mem>>
      %dma_wait3A_1076 = arith.constant 0 : i32
      %dma_wait3A_1077 = arith.constant 0 : i32
      %dma_wait3A_1078 = tpu.memref_slice %arg6[%rem3A_1065, %dma_wait3A_1066, %dma_wait3A_1076, %dma_wait3A_1077] : memref<12x2x32x128xf32, #tpu.memory_space<vmem>> -> memref<1x1x32x128xf32, #tpu.memory_space<vmem>>
      %dma_wait3A_1079 = tpu.memref_squeeze %dma_wait3A_1078 : memref<1x1x32x128xf32, #tpu.memory_space<vmem>> -> memref<32x128xf32, #tpu.memory_space<vmem>>
      %dma_wait3A_1080 = arith.constant 0 : i32
      %dma_wait3A_1081 = arith.constant 0 : i32
      %dma_wait3A_1082 = tpu.memref_slice %arg2[%dma_wait3A_1080, %dma_wait3A_1081] : memref<32x1000000xf32, #tpu.memory_space<hbm>> -> memref<32x128xf32, #tpu.memory_space<hbm>>
      tpu.wait_dma2 semaphore(%dma_wait3A_1075 : memref<!tpu.dma_semaphore, #tpu.memory_space<semaphore_mem>>) src(%dma_wait3A_1082 : memref<32x128xf32, #tpu.memory_space<hbm>>) dst(%dma_wait3A_1079 : memref<32x128xf32, #tpu.memory_space<vmem>>)
      %dma_wait3A_1083 = arith.constant 1 : i32
      %dma_wait3A_1084 = arith.constant 0 : i32
      %dma_wait3A_1085 = arith.constant 0 : i32
      %dma_wait3A_1086 = tpu.memref_slice %arg6[%rem3A_1065, %dma_wait3A_1083, %dma_wait3A_1084, %dma_wait3A_1085] : memref<12x2x32x128xf32, #tpu.memory_space<vmem>> -> memref<1x1x32x128xf32, #tpu.memory_space<vmem>>
      %dma_wait3A_1087 = tpu.memref_squeeze %dma_wait3A_1086 : memref<1x1x32x128xf32, #tpu.memory_space<vmem>> -> memref<32x128xf32, #tpu.memory_space<vmem>>
      %dma_wait3A_1088 = arith.constant 0 : i32
      %dma_wait3A_1089 = arith.constant 0 : i32
      %dma_wait3A_1090 = tpu.memref_slice %arg3[%dma_wait3A_1088, %dma_wait3A_1089] : memref<32x1000000xf32, #tpu.memory_space<hbm>> -> memref<32x128xf32, #tpu.memory_space<hbm>>
      %dma_wait3A_1091 = tpu.memref_slice %arg11[%rem3A_1065] : memref<12x!tpu.dma_semaphore, #tpu.memory_space<semaphore_mem>> -> memref<1x!tpu.dma_semaphore, #tpu.memory_space<semaphore_mem>>
      %dma_wait3A_1092 = tpu.memref_squeeze %dma_wait3A_1091 : memref<1x!tpu.dma_semaphore, #tpu.memory_space<semaphore_mem>> -> memref<!tpu.dma_semaphore, #tpu.memory_space<semaphore_mem>>
      %dma_wait3A_1093 = arith.constant 0 : i32
      %dma_wait3A_1094 = arith.constant 0 : i32
      %dma_wait3A_1095 = tpu.memref_slice %arg6[%rem3A_1065, %dma_wait3A_1083, %dma_wait3A_1093, %dma_wait3A_1094] : memref<12x2x32x128xf32, #tpu.memory_space<vmem>> -> memref<1x1x32x128xf32, #tpu.memory_space<vmem>>
      %dma_wait3A_1096 = tpu.memref_squeeze %dma_wait3A_1095 : memref<1x1x32x128xf32, #tpu.memory_space<vmem>> -> memref<32x128xf32, #tpu.memory_space<vmem>>
      %dma_wait3A_1097 = arith.constant 0 : i32
      %dma_wait3A_1098 = arith.constant 0 : i32
      %dma_wait3A_1099 = tpu.memref_slice %arg3[%dma_wait3A_1097, %dma_wait3A_1098] : memref<32x1000000xf32, #tpu.memory_space<hbm>> -> memref<32x128xf32, #tpu.memory_space<hbm>>
      tpu.wait_dma2 semaphore(%dma_wait3A_1092 : memref<!tpu.dma_semaphore, #tpu.memory_space<semaphore_mem>>) src(%dma_wait3A_1099 : memref<32x128xf32, #tpu.memory_space<hbm>>) dst(%dma_wait3A_1096 : memref<32x128xf32, #tpu.memory_space<vmem>>)
      %broadcast_in_dim3A_1100 = vector.broadcast %rem3A_1065 : i32 to vector<16xi32>
      %slice3A_1101 = vector.extract_strided_slice %and3A_614 {offsets = [4], sizes = [1], strides = [1]} : vector<16xi32> to vector<1xi32>
      %squeeze3A_1102 = vector.extract %slice3A_1101[0] : i32 from vector<1xi32>
      %broadcast_in_dim3A_1103 = vector.broadcast %squeeze3A_1102 : i32 to vector<16xi32>
      %slice3A_1104 = vector.extract_strided_slice %and3A_617 {offsets = [4], sizes = [1], strides = [1]} : vector<16xi32> to vector<1xi32>
      %squeeze3A_1105 = vector.extract %slice3A_1104[0] : i32 from vector<1xi32>
      %broadcast_in_dim3A_1106 = vector.broadcast %squeeze3A_1105 : i32 to vector<16xi32>
      %broadcast_in_dim3A_1107 = arith.constant 0 : i32
      %broadcast_in_dim3A_1108 = vector.broadcast %broadcast_in_dim3A_1107 : i32 to vector<16xi32>
      %broadcast_in_dim3A_1109 = arith.constant 1 : i32
      %broadcast_in_dim3A_1110 = vector.broadcast %broadcast_in_dim3A_1109 : i32 to vector<16xi32>
      %gather3A_1111 = tpu.vector_load_idx %arg6[%broadcast_in_dim3A_1100, %broadcast_in_dim3A_1108, %iota3A, %broadcast_in_dim3A_1103] : memref<12x2x32x128xf32, #tpu.memory_space<vmem>>[vector<16xi32>, vector<16xi32>, vector<16xi32>, vector<16xi32>], vector<16xf32>,
      %add3A_1112 = arith.constant 16 : i32
      %add3A_1113 = vector.broadcast %add3A_1112 : i32 to vector<16xi32>
      %add3A_1114 = arith.addi %iota3A, %add3A_1113 : vector<16xi32>
      %gather3A_1115 = tpu.vector_load_idx %arg6[%broadcast_in_dim3A_1100, %broadcast_in_dim3A_1108, %add3A_1114, %broadcast_in_dim3A_1103] : memref<12x2x32x128xf32, #tpu.memory_space<vmem>>[vector<16xi32>, vector<16xi32>, vector<16xi32>, vector<16xi32>], vector<16xf32>,
      %gather3A_1116 = tpu.vector_load_idx %arg6[%broadcast_in_dim3A_1100, %broadcast_in_dim3A_1110, %iota3A, %broadcast_in_dim3A_1106] : memref<12x2x32x128xf32, #tpu.memory_space<vmem>>[vector<16xi32>, vector<16xi32>, vector<16xi32>, vector<16xi32>], vector<16xf32>,
      %add3A_1117 = arith.constant 16 : i32
      %add3A_1118 = vector.broadcast %add3A_1117 : i32 to vector<16xi32>
      %add3A_1119 = arith.addi %iota3A, %add3A_1118 : vector<16xi32>
      %gather3A_1120 = tpu.vector_load_idx %arg6[%broadcast_in_dim3A_1100, %broadcast_in_dim3A_1110, %add3A_1119, %broadcast_in_dim3A_1106] : memref<12x2x32x128xf32, #tpu.memory_space<vmem>>[vector<16xi32>, vector<16xi32>, vector<16xi32>, vector<16xi32>], vector<16xf32>,
      %mul3A_1121 = arith.mulf %gather3A_1111, %gather3A_1116 : vector<16xf32>
      %mul3A_1122 = arith.mulf %gather3A_1115, %gather3A_1120 : vector<16xf32>
      %add3A_1123 = arith.addf %mul3A_1121, %mul3A_1122 : vector<16xf32>
      %broadcast_in_dim3A_1124 = arith.constant true
      %broadcast_in_dim3A_1125 = vector.broadcast %broadcast_in_dim3A_1124 : i1 to vector<16xi1>
      %masked_cumsum3A_1126 = tpu.scan <sum>, %add3A_1123 masked %broadcast_in_dim3A_1125 : vector<16xf32>, vector<16xi1> -> vector<16xf32>
      %add3A_1127 = arith.constant 4 : i32
      %add3A_1128 = arith.addi %mul3A_608, %add3A_1127 : i32
      %broadcast_in_dim3A_1129 = vector.broadcast %add3A_1128 : i32 to vector<16xi32>
      tpu.vector_store_idx %arg7[%broadcast_in_dim3A_1129], %masked_cumsum3A_1126 masked %eq3A_22 : memref<512xf32, #tpu.memory_space<vmem>>[vector<16xi32>], vector<16xf32>, vector<16xi1>
      %lt3A = arith.constant 31 : i32
      %lt3A_1130 = arith.cmpi slt, %add3A_606, %lt3A : i32
      %convert_element_type3A = arith.extui %lt3A_1130 : i1 to i32
      %cond3A = arith.constant 0 : i32
      %cond3A_1131 = arith.cmpi ne, %convert_element_type3A, %cond3A : i32
      scf.if %cond3A_1131 {
        %add3A_1935 = arith.constant 16 : i32
        %add3A_1936 = arith.addi %mul3A_608, %add3A_1935 : i32
        %get3A_1937 = arith.index_cast %add3A_1936 : i32 to index
        %get3A_1938 = tpu.vector_load %arg8[%get3A_1937] {strides = array<i32>} : memref<512xi32, #tpu.memory_space<vmem>>, vector<16xi32>,
        %add3A_1939 = arith.constant 16 : i32
        %add3A_1940 = arith.addi %mul3A_608, %add3A_1939 : i32
        %get3A_1941 = arith.index_cast %add3A_1940 : i32 to index
        %get3A_1942 = tpu.vector_load %arg9[%get3A_1941] {strides = array<i32>} : memref<512xi32, #tpu.memory_space<vmem>>, vector<16xi32>,
        %slice3A_1943 = vector.extract_strided_slice %get3A_1938 {offsets = [0], sizes = [1], strides = [1]} : vector<16xi32> to vector<1xi32>
        %squeeze3A_1944 = vector.extract %slice3A_1943[0] : i32 from vector<1xi32>
        %slice3A_1945 = vector.extract_strided_slice %get3A_1942 {offsets = [0], sizes = [1], strides = [1]} : vector<16xi32> to vector<1xi32>
        %squeeze3A_1946 = vector.extract %slice3A_1945[0] : i32 from vector<1xi32>
        %shift_right_arithmetic3A_1947 = arith.constant 7 : i32
        %shift_right_arithmetic3A_1948 = arith.shrsi %squeeze3A_1944, %shift_right_arithmetic3A_1947 : i32
        %mul3A_1949 = arith.constant 128 : i32
        %mul3A_1950 = arith.muli %shift_right_arithmetic3A_1948, %mul3A_1949 : i32
        %multiple_of3A_1951 = tpu.assume_multiple %mul3A_1950, 128 : i32
        %shift_right_arithmetic3A_1952 = arith.constant 7 : i32
        %shift_right_arithmetic3A_1953 = arith.shrsi %squeeze3A_1946, %shift_right_arithmetic3A_1952 : i32
        %mul3A_1954 = arith.constant 128 : i32
        %mul3A_1955 = arith.muli %shift_right_arithmetic3A_1953, %mul3A_1954 : i32
        %multiple_of3A_1956 = tpu.assume_multiple %mul3A_1955, 128 : i32
        %dma_start3A_1957 = arith.constant 0 : i32
        %dma_start3A_1958 = arith.constant 0 : i32
        %dma_start3A_1959 = arith.constant 0 : i32
        %dma_start3A_1960 = tpu.memref_slice %arg6[%rem3A_1065, %dma_start3A_1957, %dma_start3A_1958, %dma_start3A_1959] : memref<12x2x32x128xf32, #tpu.memory_space<vmem>> -> memref<1x1x32x128xf32, #tpu.memory_space<vmem>>
        %dma_start3A_1961 = tpu.memref_squeeze %dma_start3A_1960 : memref<1x1x32x128xf32, #tpu.memory_space<vmem>> -> memref<32x128xf32, #tpu.memory_space<vmem>>
        %dma_start3A_1962 = arith.constant 0 : i32
        %dma_start3A_1963 = tpu.memref_slice %arg2[%dma_start3A_1962, %multiple_of3A_1951] : memref<32x1000000xf32, #tpu.memory_space<hbm>> -> memref<32x128xf32, #tpu.memory_space<hbm>>
        %dma_start3A_1964 = tpu.memref_slice %arg11[%rem3A_1065] : memref<12x!tpu.dma_semaphore, #tpu.memory_space<semaphore_mem>> -> memref<1x!tpu.dma_semaphore, #tpu.memory_space<semaphore_mem>>
        %dma_start3A_1965 = tpu.memref_squeeze %dma_start3A_1964 : memref<1x!tpu.dma_semaphore, #tpu.memory_space<semaphore_mem>> -> memref<!tpu.dma_semaphore, #tpu.memory_space<semaphore_mem>>
        %dma_start3A_1966 = arith.constant 0 : i32
        %dma_start3A_1967 = arith.constant 0 : i32
        %dma_start3A_1968 = tpu.memref_slice %arg6[%rem3A_1065, %dma_start3A_1957, %dma_start3A_1966, %dma_start3A_1967] : memref<12x2x32x128xf32, #tpu.memory_space<vmem>> -> memref<1x1x32x128xf32, #tpu.memory_space<vmem>>
        %dma_start3A_1969 = tpu.memref_squeeze %dma_start3A_1968 : memref<1x1x32x128xf32, #tpu.memory_space<vmem>> -> memref<32x128xf32, #tpu.memory_space<vmem>>
        %dma_start3A_1970 = arith.constant 0 : i32
        %dma_start3A_1971 = tpu.memref_slice %arg2[%dma_start3A_1970, %multiple_of3A_1951] : memref<32x1000000xf32, #tpu.memory_space<hbm>> -> memref<32x128xf32, #tpu.memory_space<hbm>>
        tpu.enqueue_dma source(%dma_start3A_1971 : memref<32x128xf32, #tpu.memory_space<hbm>>) target(%dma_start3A_1969 : memref<32x128xf32, #tpu.memory_space<vmem>>) target_semaphore(%dma_start3A_1965 : memref<!tpu.dma_semaphore, #tpu.memory_space<semaphore_mem>>)
        %dma_start3A_1972 = arith.constant 1 : i32
        %dma_start3A_1973 = arith.constant 0 : i32
        %dma_start3A_1974 = arith.constant 0 : i32
        %dma_start3A_1975 = tpu.memref_slice %arg6[%rem3A_1065, %dma_start3A_1972, %dma_start3A_1973, %dma_start3A_1974] : memref<12x2x32x128xf32, #tpu.memory_space<vmem>> -> memref<1x1x32x128xf32, #tpu.memory_space<vmem>>
        %dma_start3A_1976 = tpu.memref_squeeze %dma_start3A_1975 : memref<1x1x32x128xf32, #tpu.memory_space<vmem>> -> memref<32x128xf32, #tpu.memory_space<vmem>>
        %dma_start3A_1977 = arith.constant 0 : i32
        %dma_start3A_1978 = tpu.memref_slice %arg3[%dma_start3A_1977, %multiple_of3A_1956] : memref<32x1000000xf32, #tpu.memory_space<hbm>> -> memref<32x128xf32, #tpu.memory_space<hbm>>
        %dma_start3A_1979 = tpu.memref_slice %arg11[%rem3A_1065] : memref<12x!tpu.dma_semaphore, #tpu.memory_space<semaphore_mem>> -> memref<1x!tpu.dma_semaphore, #tpu.memory_space<semaphore_mem>>
        %dma_start3A_1980 = tpu.memref_squeeze %dma_start3A_1979 : memref<1x!tpu.dma_semaphore, #tpu.memory_space<semaphore_mem>> -> memref<!tpu.dma_semaphore, #tpu.memory_space<semaphore_mem>>
        %dma_start3A_1981 = arith.constant 0 : i32
        %dma_start3A_1982 = arith.constant 0 : i32
        %dma_start3A_1983 = tpu.memref_slice %arg6[%rem3A_1065, %dma_start3A_1972, %dma_start3A_1981, %dma_start3A_1982] : memref<12x2x32x128xf32, #tpu.memory_space<vmem>> -> memref<1x1x32x128xf32, #tpu.memory_space<vmem>>
        %dma_start3A_1984 = tpu.memref_squeeze %dma_start3A_1983 : memref<1x1x32x128xf32, #tpu.memory_space<vmem>> -> memref<32x128xf32, #tpu.memory_space<vmem>>
        %dma_start3A_1985 = arith.constant 0 : i32
        %dma_start3A_1986 = tpu.memref_slice %arg3[%dma_start3A_1985, %multiple_of3A_1956] : memref<32x1000000xf32, #tpu.memory_space<hbm>> -> memref<32x128xf32, #tpu.memory_space<hbm>>
        tpu.enqueue_dma source(%dma_start3A_1986 : memref<32x128xf32, #tpu.memory_space<hbm>>) target(%dma_start3A_1984 : memref<32x128xf32, #tpu.memory_space<vmem>>) target_semaphore(%dma_start3A_1980 : memref<!tpu.dma_semaphore, #tpu.memory_space<semaphore_mem>>)
      } else {
      }
      %add3A_1132 = arith.constant 5 : i32
      %add3A_1133 = arith.addi %mul3A_608, %add3A_1132 : i32
      %rem3A_1134 = arith.constant 12 : i32
      %rem3A_1135 = arith.remsi %add3A_1133, %rem3A_1134 : i32
      %dma_wait3A_1136 = arith.constant 0 : i32
      %dma_wait3A_1137 = arith.constant 0 : i32
      %dma_wait3A_1138 = arith.constant 0 : i32
      %dma_wait3A_1139 = tpu.memref_slice %arg6[%rem3A_1135, %dma_wait3A_1136, %dma_wait3A_1137, %dma_wait3A_1138] : memref<12x2x32x128xf32, #tpu.memory_space<vmem>> -> memref<1x1x32x128xf32, #tpu.memory_space<vmem>>
      %dma_wait3A_1140 = tpu.memref_squeeze %dma_wait3A_1139 : memref<1x1x32x128xf32, #tpu.memory_space<vmem>> -> memref<32x128xf32, #tpu.memory_space<vmem>>
      %dma_wait3A_1141 = arith.constant 0 : i32
      %dma_wait3A_1142 = arith.constant 0 : i32
      %dma_wait3A_1143 = tpu.memref_slice %arg2[%dma_wait3A_1141, %dma_wait3A_1142] : memref<32x1000000xf32, #tpu.memory_space<hbm>> -> memref<32x128xf32, #tpu.memory_space<hbm>>
      %dma_wait3A_1144 = tpu.memref_slice %arg11[%rem3A_1135] : memref<12x!tpu.dma_semaphore, #tpu.memory_space<semaphore_mem>> -> memref<1x!tpu.dma_semaphore, #tpu.memory_space<semaphore_mem>>
      %dma_wait3A_1145 = tpu.memref_squeeze %dma_wait3A_1144 : memref<1x!tpu.dma_semaphore, #tpu.memory_space<semaphore_mem>> -> memref<!tpu.dma_semaphore, #tpu.memory_space<semaphore_mem>>
      %dma_wait3A_1146 = arith.constant 0 : i32
      %dma_wait3A_1147 = arith.constant 0 : i32
      %dma_wait3A_1148 = tpu.memref_slice %arg6[%rem3A_1135, %dma_wait3A_1136, %dma_wait3A_1146, %dma_wait3A_1147] : memref<12x2x32x128xf32, #tpu.memory_space<vmem>> -> memref<1x1x32x128xf32, #tpu.memory_space<vmem>>
      %dma_wait3A_1149 = tpu.memref_squeeze %dma_wait3A_1148 : memref<1x1x32x128xf32, #tpu.memory_space<vmem>> -> memref<32x128xf32, #tpu.memory_space<vmem>>
      %dma_wait3A_1150 = arith.constant 0 : i32
      %dma_wait3A_1151 = arith.constant 0 : i32
      %dma_wait3A_1152 = tpu.memref_slice %arg2[%dma_wait3A_1150, %dma_wait3A_1151] : memref<32x1000000xf32, #tpu.memory_space<hbm>> -> memref<32x128xf32, #tpu.memory_space<hbm>>
      tpu.wait_dma2 semaphore(%dma_wait3A_1145 : memref<!tpu.dma_semaphore, #tpu.memory_space<semaphore_mem>>) src(%dma_wait3A_1152 : memref<32x128xf32, #tpu.memory_space<hbm>>) dst(%dma_wait3A_1149 : memref<32x128xf32, #tpu.memory_space<vmem>>)
      %dma_wait3A_1153 = arith.constant 1 : i32
      %dma_wait3A_1154 = arith.constant 0 : i32
      %dma_wait3A_1155 = arith.constant 0 : i32
      %dma_wait3A_1156 = tpu.memref_slice %arg6[%rem3A_1135, %dma_wait3A_1153, %dma_wait3A_1154, %dma_wait3A_1155] : memref<12x2x32x128xf32, #tpu.memory_space<vmem>> -> memref<1x1x32x128xf32, #tpu.memory_space<vmem>>
      %dma_wait3A_1157 = tpu.memref_squeeze %dma_wait3A_1156 : memref<1x1x32x128xf32, #tpu.memory_space<vmem>> -> memref<32x128xf32, #tpu.memory_space<vmem>>
      %dma_wait3A_1158 = arith.constant 0 : i32
      %dma_wait3A_1159 = arith.constant 0 : i32
      %dma_wait3A_1160 = tpu.memref_slice %arg3[%dma_wait3A_1158, %dma_wait3A_1159] : memref<32x1000000xf32, #tpu.memory_space<hbm>> -> memref<32x128xf32, #tpu.memory_space<hbm>>
      %dma_wait3A_1161 = tpu.memref_slice %arg11[%rem3A_1135] : memref<12x!tpu.dma_semaphore, #tpu.memory_space<semaphore_mem>> -> memref<1x!tpu.dma_semaphore, #tpu.memory_space<semaphore_mem>>
      %dma_wait3A_1162 = tpu.memref_squeeze %dma_wait3A_1161 : memref<1x!tpu.dma_semaphore, #tpu.memory_space<semaphore_mem>> -> memref<!tpu.dma_semaphore, #tpu.memory_space<semaphore_mem>>
      %dma_wait3A_1163 = arith.constant 0 : i32
      %dma_wait3A_1164 = arith.constant 0 : i32
      %dma_wait3A_1165 = tpu.memref_slice %arg6[%rem3A_1135, %dma_wait3A_1153, %dma_wait3A_1163, %dma_wait3A_1164] : memref<12x2x32x128xf32, #tpu.memory_space<vmem>> -> memref<1x1x32x128xf32, #tpu.memory_space<vmem>>
      %dma_wait3A_1166 = tpu.memref_squeeze %dma_wait3A_1165 : memref<1x1x32x128xf32, #tpu.memory_space<vmem>> -> memref<32x128xf32, #tpu.memory_space<vmem>>
      %dma_wait3A_1167 = arith.constant 0 : i32
      %dma_wait3A_1168 = arith.constant 0 : i32
      %dma_wait3A_1169 = tpu.memref_slice %arg3[%dma_wait3A_1167, %dma_wait3A_1168] : memref<32x1000000xf32, #tpu.memory_space<hbm>> -> memref<32x128xf32, #tpu.memory_space<hbm>>
      tpu.wait_dma2 semaphore(%dma_wait3A_1162 : memref<!tpu.dma_semaphore, #tpu.memory_space<semaphore_mem>>) src(%dma_wait3A_1169 : memref<32x128xf32, #tpu.memory_space<hbm>>) dst(%dma_wait3A_1166 : memref<32x128xf32, #tpu.memory_space<vmem>>)
      %broadcast_in_dim3A_1170 = vector.broadcast %rem3A_1135 : i32 to vector<16xi32>
      %slice3A_1171 = vector.extract_strided_slice %and3A_614 {offsets = [5], sizes = [1], strides = [1]} : vector<16xi32> to vector<1xi32>
      %squeeze3A_1172 = vector.extract %slice3A_1171[0] : i32 from vector<1xi32>
      %broadcast_in_dim3A_1173 = vector.broadcast %squeeze3A_1172 : i32 to vector<16xi32>
      %slice3A_1174 = vector.extract_strided_slice %and3A_617 {offsets = [5], sizes = [1], strides = [1]} : vector<16xi32> to vector<1xi32>
      %squeeze3A_1175 = vector.extract %slice3A_1174[0] : i32 from vector<1xi32>
      %broadcast_in_dim3A_1176 = vector.broadcast %squeeze3A_1175 : i32 to vector<16xi32>
      %broadcast_in_dim3A_1177 = arith.constant 0 : i32
      %broadcast_in_dim3A_1178 = vector.broadcast %broadcast_in_dim3A_1177 : i32 to vector<16xi32>
      %broadcast_in_dim3A_1179 = arith.constant 1 : i32
      %broadcast_in_dim3A_1180 = vector.broadcast %broadcast_in_dim3A_1179 : i32 to vector<16xi32>
      %gather3A_1181 = tpu.vector_load_idx %arg6[%broadcast_in_dim3A_1170, %broadcast_in_dim3A_1178, %iota3A, %broadcast_in_dim3A_1173] : memref<12x2x32x128xf32, #tpu.memory_space<vmem>>[vector<16xi32>, vector<16xi32>, vector<16xi32>, vector<16xi32>], vector<16xf32>,
      %add3A_1182 = arith.constant 16 : i32
      %add3A_1183 = vector.broadcast %add3A_1182 : i32 to vector<16xi32>
      %add3A_1184 = arith.addi %iota3A, %add3A_1183 : vector<16xi32>
      %gather3A_1185 = tpu.vector_load_idx %arg6[%broadcast_in_dim3A_1170, %broadcast_in_dim3A_1178, %add3A_1184, %broadcast_in_dim3A_1173] : memref<12x2x32x128xf32, #tpu.memory_space<vmem>>[vector<16xi32>, vector<16xi32>, vector<16xi32>, vector<16xi32>], vector<16xf32>,
      %gather3A_1186 = tpu.vector_load_idx %arg6[%broadcast_in_dim3A_1170, %broadcast_in_dim3A_1180, %iota3A, %broadcast_in_dim3A_1176] : memref<12x2x32x128xf32, #tpu.memory_space<vmem>>[vector<16xi32>, vector<16xi32>, vector<16xi32>, vector<16xi32>], vector<16xf32>,
      %add3A_1187 = arith.constant 16 : i32
      %add3A_1188 = vector.broadcast %add3A_1187 : i32 to vector<16xi32>
      %add3A_1189 = arith.addi %iota3A, %add3A_1188 : vector<16xi32>
      %gather3A_1190 = tpu.vector_load_idx %arg6[%broadcast_in_dim3A_1170, %broadcast_in_dim3A_1180, %add3A_1189, %broadcast_in_dim3A_1176] : memref<12x2x32x128xf32, #tpu.memory_space<vmem>>[vector<16xi32>, vector<16xi32>, vector<16xi32>, vector<16xi32>], vector<16xf32>,
      %mul3A_1191 = arith.mulf %gather3A_1181, %gather3A_1186 : vector<16xf32>
      %mul3A_1192 = arith.mulf %gather3A_1185, %gather3A_1190 : vector<16xf32>
      %add3A_1193 = arith.addf %mul3A_1191, %mul3A_1192 : vector<16xf32>
      %broadcast_in_dim3A_1194 = arith.constant true
      %broadcast_in_dim3A_1195 = vector.broadcast %broadcast_in_dim3A_1194 : i1 to vector<16xi1>
      %masked_cumsum3A_1196 = tpu.scan <sum>, %add3A_1193 masked %broadcast_in_dim3A_1195 : vector<16xf32>, vector<16xi1> -> vector<16xf32>
      %add3A_1197 = arith.constant 5 : i32
      %add3A_1198 = arith.addi %mul3A_608, %add3A_1197 : i32
      %broadcast_in_dim3A_1199 = vector.broadcast %add3A_1198 : i32 to vector<16xi32>
      tpu.vector_store_idx %arg7[%broadcast_in_dim3A_1199], %masked_cumsum3A_1196 masked %eq3A_22 : memref<512xf32, #tpu.memory_space<vmem>>[vector<16xi32>], vector<16xf32>, vector<16xi1>
      %lt3A_1200 = arith.constant 31 : i32
      %lt3A_1201 = arith.cmpi slt, %add3A_606, %lt3A_1200 : i32
      %convert_element_type3A_1202 = arith.extui %lt3A_1201 : i1 to i32
      %cond3A_1203 = arith.constant 0 : i32
      %cond3A_1204 = arith.cmpi ne, %convert_element_type3A_1202, %cond3A_1203 : i32
      scf.if %cond3A_1204 {
        %add3A_1935 = arith.constant 16 : i32
        %add3A_1936 = arith.addi %mul3A_608, %add3A_1935 : i32
        %get3A_1937 = arith.index_cast %add3A_1936 : i32 to index
        %get3A_1938 = tpu.vector_load %arg8[%get3A_1937] {strides = array<i32>} : memref<512xi32, #tpu.memory_space<vmem>>, vector<16xi32>,
        %add3A_1939 = arith.constant 16 : i32
        %add3A_1940 = arith.addi %mul3A_608, %add3A_1939 : i32
        %get3A_1941 = arith.index_cast %add3A_1940 : i32 to index
        %get3A_1942 = tpu.vector_load %arg9[%get3A_1941] {strides = array<i32>} : memref<512xi32, #tpu.memory_space<vmem>>, vector<16xi32>,
        %slice3A_1943 = vector.extract_strided_slice %get3A_1938 {offsets = [1], sizes = [1], strides = [1]} : vector<16xi32> to vector<1xi32>
        %squeeze3A_1944 = vector.extract %slice3A_1943[0] : i32 from vector<1xi32>
        %slice3A_1945 = vector.extract_strided_slice %get3A_1942 {offsets = [1], sizes = [1], strides = [1]} : vector<16xi32> to vector<1xi32>
        %squeeze3A_1946 = vector.extract %slice3A_1945[0] : i32 from vector<1xi32>
        %shift_right_arithmetic3A_1947 = arith.constant 7 : i32
        %shift_right_arithmetic3A_1948 = arith.shrsi %squeeze3A_1944, %shift_right_arithmetic3A_1947 : i32
        %mul3A_1949 = arith.constant 128 : i32
        %mul3A_1950 = arith.muli %shift_right_arithmetic3A_1948, %mul3A_1949 : i32
        %multiple_of3A_1951 = tpu.assume_multiple %mul3A_1950, 128 : i32
        %shift_right_arithmetic3A_1952 = arith.constant 7 : i32
        %shift_right_arithmetic3A_1953 = arith.shrsi %squeeze3A_1946, %shift_right_arithmetic3A_1952 : i32
        %mul3A_1954 = arith.constant 128 : i32
        %mul3A_1955 = arith.muli %shift_right_arithmetic3A_1953, %mul3A_1954 : i32
        %multiple_of3A_1956 = tpu.assume_multiple %mul3A_1955, 128 : i32
        %dma_start3A_1957 = arith.constant 0 : i32
        %dma_start3A_1958 = arith.constant 0 : i32
        %dma_start3A_1959 = arith.constant 0 : i32
        %dma_start3A_1960 = tpu.memref_slice %arg6[%rem3A_1135, %dma_start3A_1957, %dma_start3A_1958, %dma_start3A_1959] : memref<12x2x32x128xf32, #tpu.memory_space<vmem>> -> memref<1x1x32x128xf32, #tpu.memory_space<vmem>>
        %dma_start3A_1961 = tpu.memref_squeeze %dma_start3A_1960 : memref<1x1x32x128xf32, #tpu.memory_space<vmem>> -> memref<32x128xf32, #tpu.memory_space<vmem>>
        %dma_start3A_1962 = arith.constant 0 : i32
        %dma_start3A_1963 = tpu.memref_slice %arg2[%dma_start3A_1962, %multiple_of3A_1951] : memref<32x1000000xf32, #tpu.memory_space<hbm>> -> memref<32x128xf32, #tpu.memory_space<hbm>>
        %dma_start3A_1964 = tpu.memref_slice %arg11[%rem3A_1135] : memref<12x!tpu.dma_semaphore, #tpu.memory_space<semaphore_mem>> -> memref<1x!tpu.dma_semaphore, #tpu.memory_space<semaphore_mem>>
        %dma_start3A_1965 = tpu.memref_squeeze %dma_start3A_1964 : memref<1x!tpu.dma_semaphore, #tpu.memory_space<semaphore_mem>> -> memref<!tpu.dma_semaphore, #tpu.memory_space<semaphore_mem>>
        %dma_start3A_1966 = arith.constant 0 : i32
        %dma_start3A_1967 = arith.constant 0 : i32
        %dma_start3A_1968 = tpu.memref_slice %arg6[%rem3A_1135, %dma_start3A_1957, %dma_start3A_1966, %dma_start3A_1967] : memref<12x2x32x128xf32, #tpu.memory_space<vmem>> -> memref<1x1x32x128xf32, #tpu.memory_space<vmem>>
        %dma_start3A_1969 = tpu.memref_squeeze %dma_start3A_1968 : memref<1x1x32x128xf32, #tpu.memory_space<vmem>> -> memref<32x128xf32, #tpu.memory_space<vmem>>
        %dma_start3A_1970 = arith.constant 0 : i32
        %dma_start3A_1971 = tpu.memref_slice %arg2[%dma_start3A_1970, %multiple_of3A_1951] : memref<32x1000000xf32, #tpu.memory_space<hbm>> -> memref<32x128xf32, #tpu.memory_space<hbm>>
        tpu.enqueue_dma source(%dma_start3A_1971 : memref<32x128xf32, #tpu.memory_space<hbm>>) target(%dma_start3A_1969 : memref<32x128xf32, #tpu.memory_space<vmem>>) target_semaphore(%dma_start3A_1965 : memref<!tpu.dma_semaphore, #tpu.memory_space<semaphore_mem>>)
        %dma_start3A_1972 = arith.constant 1 : i32
        %dma_start3A_1973 = arith.constant 0 : i32
        %dma_start3A_1974 = arith.constant 0 : i32
        %dma_start3A_1975 = tpu.memref_slice %arg6[%rem3A_1135, %dma_start3A_1972, %dma_start3A_1973, %dma_start3A_1974] : memref<12x2x32x128xf32, #tpu.memory_space<vmem>> -> memref<1x1x32x128xf32, #tpu.memory_space<vmem>>
        %dma_start3A_1976 = tpu.memref_squeeze %dma_start3A_1975 : memref<1x1x32x128xf32, #tpu.memory_space<vmem>> -> memref<32x128xf32, #tpu.memory_space<vmem>>
        %dma_start3A_1977 = arith.constant 0 : i32
        %dma_start3A_1978 = tpu.memref_slice %arg3[%dma_start3A_1977, %multiple_of3A_1956] : memref<32x1000000xf32, #tpu.memory_space<hbm>> -> memref<32x128xf32, #tpu.memory_space<hbm>>
        %dma_start3A_1979 = tpu.memref_slice %arg11[%rem3A_1135] : memref<12x!tpu.dma_semaphore, #tpu.memory_space<semaphore_mem>> -> memref<1x!tpu.dma_semaphore, #tpu.memory_space<semaphore_mem>>
        %dma_start3A_1980 = tpu.memref_squeeze %dma_start3A_1979 : memref<1x!tpu.dma_semaphore, #tpu.memory_space<semaphore_mem>> -> memref<!tpu.dma_semaphore, #tpu.memory_space<semaphore_mem>>
        %dma_start3A_1981 = arith.constant 0 : i32
        %dma_start3A_1982 = arith.constant 0 : i32
        %dma_start3A_1983 = tpu.memref_slice %arg6[%rem3A_1135, %dma_start3A_1972, %dma_start3A_1981, %dma_start3A_1982] : memref<12x2x32x128xf32, #tpu.memory_space<vmem>> -> memref<1x1x32x128xf32, #tpu.memory_space<vmem>>
        %dma_start3A_1984 = tpu.memref_squeeze %dma_start3A_1983 : memref<1x1x32x128xf32, #tpu.memory_space<vmem>> -> memref<32x128xf32, #tpu.memory_space<vmem>>
        %dma_start3A_1985 = arith.constant 0 : i32
        %dma_start3A_1986 = tpu.memref_slice %arg3[%dma_start3A_1985, %multiple_of3A_1956] : memref<32x1000000xf32, #tpu.memory_space<hbm>> -> memref<32x128xf32, #tpu.memory_space<hbm>>
        tpu.enqueue_dma source(%dma_start3A_1986 : memref<32x128xf32, #tpu.memory_space<hbm>>) target(%dma_start3A_1984 : memref<32x128xf32, #tpu.memory_space<vmem>>) target_semaphore(%dma_start3A_1980 : memref<!tpu.dma_semaphore, #tpu.memory_space<semaphore_mem>>)
      } else {
      }
      %add3A_1205 = arith.constant 6 : i32
      %add3A_1206 = arith.addi %mul3A_608, %add3A_1205 : i32
      %rem3A_1207 = arith.constant 12 : i32
      %rem3A_1208 = arith.remsi %add3A_1206, %rem3A_1207 : i32
      %dma_wait3A_1209 = arith.constant 0 : i32
      %dma_wait3A_1210 = arith.constant 0 : i32
      %dma_wait3A_1211 = arith.constant 0 : i32
      %dma_wait3A_1212 = tpu.memref_slice %arg6[%rem3A_1208, %dma_wait3A_1209, %dma_wait3A_1210, %dma_wait3A_1211] : memref<12x2x32x128xf32, #tpu.memory_space<vmem>> -> memref<1x1x32x128xf32, #tpu.memory_space<vmem>>
      %dma_wait3A_1213 = tpu.memref_squeeze %dma_wait3A_1212 : memref<1x1x32x128xf32, #tpu.memory_space<vmem>> -> memref<32x128xf32, #tpu.memory_space<vmem>>
      %dma_wait3A_1214 = arith.constant 0 : i32
      %dma_wait3A_1215 = arith.constant 0 : i32
      %dma_wait3A_1216 = tpu.memref_slice %arg2[%dma_wait3A_1214, %dma_wait3A_1215] : memref<32x1000000xf32, #tpu.memory_space<hbm>> -> memref<32x128xf32, #tpu.memory_space<hbm>>
      %dma_wait3A_1217 = tpu.memref_slice %arg11[%rem3A_1208] : memref<12x!tpu.dma_semaphore, #tpu.memory_space<semaphore_mem>> -> memref<1x!tpu.dma_semaphore, #tpu.memory_space<semaphore_mem>>
      %dma_wait3A_1218 = tpu.memref_squeeze %dma_wait3A_1217 : memref<1x!tpu.dma_semaphore, #tpu.memory_space<semaphore_mem>> -> memref<!tpu.dma_semaphore, #tpu.memory_space<semaphore_mem>>
      %dma_wait3A_1219 = arith.constant 0 : i32
      %dma_wait3A_1220 = arith.constant 0 : i32
      %dma_wait3A_1221 = tpu.memref_slice %arg6[%rem3A_1208, %dma_wait3A_1209, %dma_wait3A_1219, %dma_wait3A_1220] : memref<12x2x32x128xf32, #tpu.memory_space<vmem>> -> memref<1x1x32x128xf32, #tpu.memory_space<vmem>>
      %dma_wait3A_1222 = tpu.memref_squeeze %dma_wait3A_1221 : memref<1x1x32x128xf32, #tpu.memory_space<vmem>> -> memref<32x128xf32, #tpu.memory_space<vmem>>
      %dma_wait3A_1223 = arith.constant 0 : i32
      %dma_wait3A_1224 = arith.constant 0 : i32
      %dma_wait3A_1225 = tpu.memref_slice %arg2[%dma_wait3A_1223, %dma_wait3A_1224] : memref<32x1000000xf32, #tpu.memory_space<hbm>> -> memref<32x128xf32, #tpu.memory_space<hbm>>
      tpu.wait_dma2 semaphore(%dma_wait3A_1218 : memref<!tpu.dma_semaphore, #tpu.memory_space<semaphore_mem>>) src(%dma_wait3A_1225 : memref<32x128xf32, #tpu.memory_space<hbm>>) dst(%dma_wait3A_1222 : memref<32x128xf32, #tpu.memory_space<vmem>>)
      %dma_wait3A_1226 = arith.constant 1 : i32
      %dma_wait3A_1227 = arith.constant 0 : i32
      %dma_wait3A_1228 = arith.constant 0 : i32
      %dma_wait3A_1229 = tpu.memref_slice %arg6[%rem3A_1208, %dma_wait3A_1226, %dma_wait3A_1227, %dma_wait3A_1228] : memref<12x2x32x128xf32, #tpu.memory_space<vmem>> -> memref<1x1x32x128xf32, #tpu.memory_space<vmem>>
      %dma_wait3A_1230 = tpu.memref_squeeze %dma_wait3A_1229 : memref<1x1x32x128xf32, #tpu.memory_space<vmem>> -> memref<32x128xf32, #tpu.memory_space<vmem>>
      %dma_wait3A_1231 = arith.constant 0 : i32
      %dma_wait3A_1232 = arith.constant 0 : i32
      %dma_wait3A_1233 = tpu.memref_slice %arg3[%dma_wait3A_1231, %dma_wait3A_1232] : memref<32x1000000xf32, #tpu.memory_space<hbm>> -> memref<32x128xf32, #tpu.memory_space<hbm>>
      %dma_wait3A_1234 = tpu.memref_slice %arg11[%rem3A_1208] : memref<12x!tpu.dma_semaphore, #tpu.memory_space<semaphore_mem>> -> memref<1x!tpu.dma_semaphore, #tpu.memory_space<semaphore_mem>>
      %dma_wait3A_1235 = tpu.memref_squeeze %dma_wait3A_1234 : memref<1x!tpu.dma_semaphore, #tpu.memory_space<semaphore_mem>> -> memref<!tpu.dma_semaphore, #tpu.memory_space<semaphore_mem>>
      %dma_wait3A_1236 = arith.constant 0 : i32
      %dma_wait3A_1237 = arith.constant 0 : i32
      %dma_wait3A_1238 = tpu.memref_slice %arg6[%rem3A_1208, %dma_wait3A_1226, %dma_wait3A_1236, %dma_wait3A_1237] : memref<12x2x32x128xf32, #tpu.memory_space<vmem>> -> memref<1x1x32x128xf32, #tpu.memory_space<vmem>>
      %dma_wait3A_1239 = tpu.memref_squeeze %dma_wait3A_1238 : memref<1x1x32x128xf32, #tpu.memory_space<vmem>> -> memref<32x128xf32, #tpu.memory_space<vmem>>
      %dma_wait3A_1240 = arith.constant 0 : i32
      %dma_wait3A_1241 = arith.constant 0 : i32
      %dma_wait3A_1242 = tpu.memref_slice %arg3[%dma_wait3A_1240, %dma_wait3A_1241] : memref<32x1000000xf32, #tpu.memory_space<hbm>> -> memref<32x128xf32, #tpu.memory_space<hbm>>
      tpu.wait_dma2 semaphore(%dma_wait3A_1235 : memref<!tpu.dma_semaphore, #tpu.memory_space<semaphore_mem>>) src(%dma_wait3A_1242 : memref<32x128xf32, #tpu.memory_space<hbm>>) dst(%dma_wait3A_1239 : memref<32x128xf32, #tpu.memory_space<vmem>>)
      %broadcast_in_dim3A_1243 = vector.broadcast %rem3A_1208 : i32 to vector<16xi32>
      %slice3A_1244 = vector.extract_strided_slice %and3A_614 {offsets = [6], sizes = [1], strides = [1]} : vector<16xi32> to vector<1xi32>
      %squeeze3A_1245 = vector.extract %slice3A_1244[0] : i32 from vector<1xi32>
      %broadcast_in_dim3A_1246 = vector.broadcast %squeeze3A_1245 : i32 to vector<16xi32>
      %slice3A_1247 = vector.extract_strided_slice %and3A_617 {offsets = [6], sizes = [1], strides = [1]} : vector<16xi32> to vector<1xi32>
      %squeeze3A_1248 = vector.extract %slice3A_1247[0] : i32 from vector<1xi32>
      %broadcast_in_dim3A_1249 = vector.broadcast %squeeze3A_1248 : i32 to vector<16xi32>
      %broadcast_in_dim3A_1250 = arith.constant 0 : i32
      %broadcast_in_dim3A_1251 = vector.broadcast %broadcast_in_dim3A_1250 : i32 to vector<16xi32>
      %broadcast_in_dim3A_1252 = arith.constant 1 : i32
      %broadcast_in_dim3A_1253 = vector.broadcast %broadcast_in_dim3A_1252 : i32 to vector<16xi32>
      %gather3A_1254 = tpu.vector_load_idx %arg6[%broadcast_in_dim3A_1243, %broadcast_in_dim3A_1251, %iota3A, %broadcast_in_dim3A_1246] : memref<12x2x32x128xf32, #tpu.memory_space<vmem>>[vector<16xi32>, vector<16xi32>, vector<16xi32>, vector<16xi32>], vector<16xf32>,
      %add3A_1255 = arith.constant 16 : i32
      %add3A_1256 = vector.broadcast %add3A_1255 : i32 to vector<16xi32>
      %add3A_1257 = arith.addi %iota3A, %add3A_1256 : vector<16xi32>
      %gather3A_1258 = tpu.vector_load_idx %arg6[%broadcast_in_dim3A_1243, %broadcast_in_dim3A_1251, %add3A_1257, %broadcast_in_dim3A_1246] : memref<12x2x32x128xf32, #tpu.memory_space<vmem>>[vector<16xi32>, vector<16xi32>, vector<16xi32>, vector<16xi32>], vector<16xf32>,
      %gather3A_1259 = tpu.vector_load_idx %arg6[%broadcast_in_dim3A_1243, %broadcast_in_dim3A_1253, %iota3A, %broadcast_in_dim3A_1249] : memref<12x2x32x128xf32, #tpu.memory_space<vmem>>[vector<16xi32>, vector<16xi32>, vector<16xi32>, vector<16xi32>], vector<16xf32>,
      %add3A_1260 = arith.constant 16 : i32
      %add3A_1261 = vector.broadcast %add3A_1260 : i32 to vector<16xi32>
      %add3A_1262 = arith.addi %iota3A, %add3A_1261 : vector<16xi32>
      %gather3A_1263 = tpu.vector_load_idx %arg6[%broadcast_in_dim3A_1243, %broadcast_in_dim3A_1253, %add3A_1262, %broadcast_in_dim3A_1249] : memref<12x2x32x128xf32, #tpu.memory_space<vmem>>[vector<16xi32>, vector<16xi32>, vector<16xi32>, vector<16xi32>], vector<16xf32>,
      %mul3A_1264 = arith.mulf %gather3A_1254, %gather3A_1259 : vector<16xf32>
      %mul3A_1265 = arith.mulf %gather3A_1258, %gather3A_1263 : vector<16xf32>
      %add3A_1266 = arith.addf %mul3A_1264, %mul3A_1265 : vector<16xf32>
      %broadcast_in_dim3A_1267 = arith.constant true
      %broadcast_in_dim3A_1268 = vector.broadcast %broadcast_in_dim3A_1267 : i1 to vector<16xi1>
      %masked_cumsum3A_1269 = tpu.scan <sum>, %add3A_1266 masked %broadcast_in_dim3A_1268 : vector<16xf32>, vector<16xi1> -> vector<16xf32>
      %add3A_1270 = arith.constant 6 : i32
      %add3A_1271 = arith.addi %mul3A_608, %add3A_1270 : i32
      %broadcast_in_dim3A_1272 = vector.broadcast %add3A_1271 : i32 to vector<16xi32>
      tpu.vector_store_idx %arg7[%broadcast_in_dim3A_1272], %masked_cumsum3A_1269 masked %eq3A_22 : memref<512xf32, #tpu.memory_space<vmem>>[vector<16xi32>], vector<16xf32>, vector<16xi1>
      %lt3A_1273 = arith.constant 31 : i32
      %lt3A_1274 = arith.cmpi slt, %add3A_606, %lt3A_1273 : i32
      %convert_element_type3A_1275 = arith.extui %lt3A_1274 : i1 to i32
      %cond3A_1276 = arith.constant 0 : i32
      %cond3A_1277 = arith.cmpi ne, %convert_element_type3A_1275, %cond3A_1276 : i32
      scf.if %cond3A_1277 {
        %add3A_1935 = arith.constant 16 : i32
        %add3A_1936 = arith.addi %mul3A_608, %add3A_1935 : i32
        %get3A_1937 = arith.index_cast %add3A_1936 : i32 to index
        %get3A_1938 = tpu.vector_load %arg8[%get3A_1937] {strides = array<i32>} : memref<512xi32, #tpu.memory_space<vmem>>, vector<16xi32>,
        %add3A_1939 = arith.constant 16 : i32
        %add3A_1940 = arith.addi %mul3A_608, %add3A_1939 : i32
        %get3A_1941 = arith.index_cast %add3A_1940 : i32 to index
        %get3A_1942 = tpu.vector_load %arg9[%get3A_1941] {strides = array<i32>} : memref<512xi32, #tpu.memory_space<vmem>>, vector<16xi32>,
        %slice3A_1943 = vector.extract_strided_slice %get3A_1938 {offsets = [2], sizes = [1], strides = [1]} : vector<16xi32> to vector<1xi32>
        %squeeze3A_1944 = vector.extract %slice3A_1943[0] : i32 from vector<1xi32>
        %slice3A_1945 = vector.extract_strided_slice %get3A_1942 {offsets = [2], sizes = [1], strides = [1]} : vector<16xi32> to vector<1xi32>
        %squeeze3A_1946 = vector.extract %slice3A_1945[0] : i32 from vector<1xi32>
        %shift_right_arithmetic3A_1947 = arith.constant 7 : i32
        %shift_right_arithmetic3A_1948 = arith.shrsi %squeeze3A_1944, %shift_right_arithmetic3A_1947 : i32
        %mul3A_1949 = arith.constant 128 : i32
        %mul3A_1950 = arith.muli %shift_right_arithmetic3A_1948, %mul3A_1949 : i32
        %multiple_of3A_1951 = tpu.assume_multiple %mul3A_1950, 128 : i32
        %shift_right_arithmetic3A_1952 = arith.constant 7 : i32
        %shift_right_arithmetic3A_1953 = arith.shrsi %squeeze3A_1946, %shift_right_arithmetic3A_1952 : i32
        %mul3A_1954 = arith.constant 128 : i32
        %mul3A_1955 = arith.muli %shift_right_arithmetic3A_1953, %mul3A_1954 : i32
        %multiple_of3A_1956 = tpu.assume_multiple %mul3A_1955, 128 : i32
        %dma_start3A_1957 = arith.constant 0 : i32
        %dma_start3A_1958 = arith.constant 0 : i32
        %dma_start3A_1959 = arith.constant 0 : i32
        %dma_start3A_1960 = tpu.memref_slice %arg6[%rem3A_1208, %dma_start3A_1957, %dma_start3A_1958, %dma_start3A_1959] : memref<12x2x32x128xf32, #tpu.memory_space<vmem>> -> memref<1x1x32x128xf32, #tpu.memory_space<vmem>>
        %dma_start3A_1961 = tpu.memref_squeeze %dma_start3A_1960 : memref<1x1x32x128xf32, #tpu.memory_space<vmem>> -> memref<32x128xf32, #tpu.memory_space<vmem>>
        %dma_start3A_1962 = arith.constant 0 : i32
        %dma_start3A_1963 = tpu.memref_slice %arg2[%dma_start3A_1962, %multiple_of3A_1951] : memref<32x1000000xf32, #tpu.memory_space<hbm>> -> memref<32x128xf32, #tpu.memory_space<hbm>>
        %dma_start3A_1964 = tpu.memref_slice %arg11[%rem3A_1208] : memref<12x!tpu.dma_semaphore, #tpu.memory_space<semaphore_mem>> -> memref<1x!tpu.dma_semaphore, #tpu.memory_space<semaphore_mem>>
        %dma_start3A_1965 = tpu.memref_squeeze %dma_start3A_1964 : memref<1x!tpu.dma_semaphore, #tpu.memory_space<semaphore_mem>> -> memref<!tpu.dma_semaphore, #tpu.memory_space<semaphore_mem>>
        %dma_start3A_1966 = arith.constant 0 : i32
        %dma_start3A_1967 = arith.constant 0 : i32
        %dma_start3A_1968 = tpu.memref_slice %arg6[%rem3A_1208, %dma_start3A_1957, %dma_start3A_1966, %dma_start3A_1967] : memref<12x2x32x128xf32, #tpu.memory_space<vmem>> -> memref<1x1x32x128xf32, #tpu.memory_space<vmem>>
        %dma_start3A_1969 = tpu.memref_squeeze %dma_start3A_1968 : memref<1x1x32x128xf32, #tpu.memory_space<vmem>> -> memref<32x128xf32, #tpu.memory_space<vmem>>
        %dma_start3A_1970 = arith.constant 0 : i32
        %dma_start3A_1971 = tpu.memref_slice %arg2[%dma_start3A_1970, %multiple_of3A_1951] : memref<32x1000000xf32, #tpu.memory_space<hbm>> -> memref<32x128xf32, #tpu.memory_space<hbm>>
        tpu.enqueue_dma source(%dma_start3A_1971 : memref<32x128xf32, #tpu.memory_space<hbm>>) target(%dma_start3A_1969 : memref<32x128xf32, #tpu.memory_space<vmem>>) target_semaphore(%dma_start3A_1965 : memref<!tpu.dma_semaphore, #tpu.memory_space<semaphore_mem>>)
        %dma_start3A_1972 = arith.constant 1 : i32
        %dma_start3A_1973 = arith.constant 0 : i32
        %dma_start3A_1974 = arith.constant 0 : i32
        %dma_start3A_1975 = tpu.memref_slice %arg6[%rem3A_1208, %dma_start3A_1972, %dma_start3A_1973, %dma_start3A_1974] : memref<12x2x32x128xf32, #tpu.memory_space<vmem>> -> memref<1x1x32x128xf32, #tpu.memory_space<vmem>>
        %dma_start3A_1976 = tpu.memref_squeeze %dma_start3A_1975 : memref<1x1x32x128xf32, #tpu.memory_space<vmem>> -> memref<32x128xf32, #tpu.memory_space<vmem>>
        %dma_start3A_1977 = arith.constant 0 : i32
        %dma_start3A_1978 = tpu.memref_slice %arg3[%dma_start3A_1977, %multiple_of3A_1956] : memref<32x1000000xf32, #tpu.memory_space<hbm>> -> memref<32x128xf32, #tpu.memory_space<hbm>>
        %dma_start3A_1979 = tpu.memref_slice %arg11[%rem3A_1208] : memref<12x!tpu.dma_semaphore, #tpu.memory_space<semaphore_mem>> -> memref<1x!tpu.dma_semaphore, #tpu.memory_space<semaphore_mem>>
        %dma_start3A_1980 = tpu.memref_squeeze %dma_start3A_1979 : memref<1x!tpu.dma_semaphore, #tpu.memory_space<semaphore_mem>> -> memref<!tpu.dma_semaphore, #tpu.memory_space<semaphore_mem>>
        %dma_start3A_1981 = arith.constant 0 : i32
        %dma_start3A_1982 = arith.constant 0 : i32
        %dma_start3A_1983 = tpu.memref_slice %arg6[%rem3A_1208, %dma_start3A_1972, %dma_start3A_1981, %dma_start3A_1982] : memref<12x2x32x128xf32, #tpu.memory_space<vmem>> -> memref<1x1x32x128xf32, #tpu.memory_space<vmem>>
        %dma_start3A_1984 = tpu.memref_squeeze %dma_start3A_1983 : memref<1x1x32x128xf32, #tpu.memory_space<vmem>> -> memref<32x128xf32, #tpu.memory_space<vmem>>
        %dma_start3A_1985 = arith.constant 0 : i32
        %dma_start3A_1986 = tpu.memref_slice %arg3[%dma_start3A_1985, %multiple_of3A_1956] : memref<32x1000000xf32, #tpu.memory_space<hbm>> -> memref<32x128xf32, #tpu.memory_space<hbm>>
        tpu.enqueue_dma source(%dma_start3A_1986 : memref<32x128xf32, #tpu.memory_space<hbm>>) target(%dma_start3A_1984 : memref<32x128xf32, #tpu.memory_space<vmem>>) target_semaphore(%dma_start3A_1980 : memref<!tpu.dma_semaphore, #tpu.memory_space<semaphore_mem>>)
      } else {
      }
      %add3A_1278 = arith.constant 7 : i32
      %add3A_1279 = arith.addi %mul3A_608, %add3A_1278 : i32
      %rem3A_1280 = arith.constant 12 : i32
      %rem3A_1281 = arith.remsi %add3A_1279, %rem3A_1280 : i32
      %dma_wait3A_1282 = arith.constant 0 : i32
      %dma_wait3A_1283 = arith.constant 0 : i32
      %dma_wait3A_1284 = arith.constant 0 : i32
      %dma_wait3A_1285 = tpu.memref_slice %arg6[%rem3A_1281, %dma_wait3A_1282, %dma_wait3A_1283, %dma_wait3A_1284] : memref<12x2x32x128xf32, #tpu.memory_space<vmem>> -> memref<1x1x32x128xf32, #tpu.memory_space<vmem>>
      %dma_wait3A_1286 = tpu.memref_squeeze %dma_wait3A_1285 : memref<1x1x32x128xf32, #tpu.memory_space<vmem>> -> memref<32x128xf32, #tpu.memory_space<vmem>>
      %dma_wait3A_1287 = arith.constant 0 : i32
      %dma_wait3A_1288 = arith.constant 0 : i32
      %dma_wait3A_1289 = tpu.memref_slice %arg2[%dma_wait3A_1287, %dma_wait3A_1288] : memref<32x1000000xf32, #tpu.memory_space<hbm>> -> memref<32x128xf32, #tpu.memory_space<hbm>>
      %dma_wait3A_1290 = tpu.memref_slice %arg11[%rem3A_1281] : memref<12x!tpu.dma_semaphore, #tpu.memory_space<semaphore_mem>> -> memref<1x!tpu.dma_semaphore, #tpu.memory_space<semaphore_mem>>
      %dma_wait3A_1291 = tpu.memref_squeeze %dma_wait3A_1290 : memref<1x!tpu.dma_semaphore, #tpu.memory_space<semaphore_mem>> -> memref<!tpu.dma_semaphore, #tpu.memory_space<semaphore_mem>>
      %dma_wait3A_1292 = arith.constant 0 : i32
      %dma_wait3A_1293 = arith.constant 0 : i32
      %dma_wait3A_1294 = tpu.memref_slice %arg6[%rem3A_1281, %dma_wait3A_1282, %dma_wait3A_1292, %dma_wait3A_1293] : memref<12x2x32x128xf32, #tpu.memory_space<vmem>> -> memref<1x1x32x128xf32, #tpu.memory_space<vmem>>
      %dma_wait3A_1295 = tpu.memref_squeeze %dma_wait3A_1294 : memref<1x1x32x128xf32, #tpu.memory_space<vmem>> -> memref<32x128xf32, #tpu.memory_space<vmem>>
      %dma_wait3A_1296 = arith.constant 0 : i32
      %dma_wait3A_1297 = arith.constant 0 : i32
      %dma_wait3A_1298 = tpu.memref_slice %arg2[%dma_wait3A_1296, %dma_wait3A_1297] : memref<32x1000000xf32, #tpu.memory_space<hbm>> -> memref<32x128xf32, #tpu.memory_space<hbm>>
      tpu.wait_dma2 semaphore(%dma_wait3A_1291 : memref<!tpu.dma_semaphore, #tpu.memory_space<semaphore_mem>>) src(%dma_wait3A_1298 : memref<32x128xf32, #tpu.memory_space<hbm>>) dst(%dma_wait3A_1295 : memref<32x128xf32, #tpu.memory_space<vmem>>)
      %dma_wait3A_1299 = arith.constant 1 : i32
      %dma_wait3A_1300 = arith.constant 0 : i32
      %dma_wait3A_1301 = arith.constant 0 : i32
      %dma_wait3A_1302 = tpu.memref_slice %arg6[%rem3A_1281, %dma_wait3A_1299, %dma_wait3A_1300, %dma_wait3A_1301] : memref<12x2x32x128xf32, #tpu.memory_space<vmem>> -> memref<1x1x32x128xf32, #tpu.memory_space<vmem>>
      %dma_wait3A_1303 = tpu.memref_squeeze %dma_wait3A_1302 : memref<1x1x32x128xf32, #tpu.memory_space<vmem>> -> memref<32x128xf32, #tpu.memory_space<vmem>>
      %dma_wait3A_1304 = arith.constant 0 : i32
      %dma_wait3A_1305 = arith.constant 0 : i32
      %dma_wait3A_1306 = tpu.memref_slice %arg3[%dma_wait3A_1304, %dma_wait3A_1305] : memref<32x1000000xf32, #tpu.memory_space<hbm>> -> memref<32x128xf32, #tpu.memory_space<hbm>>
      %dma_wait3A_1307 = tpu.memref_slice %arg11[%rem3A_1281] : memref<12x!tpu.dma_semaphore, #tpu.memory_space<semaphore_mem>> -> memref<1x!tpu.dma_semaphore, #tpu.memory_space<semaphore_mem>>
      %dma_wait3A_1308 = tpu.memref_squeeze %dma_wait3A_1307 : memref<1x!tpu.dma_semaphore, #tpu.memory_space<semaphore_mem>> -> memref<!tpu.dma_semaphore, #tpu.memory_space<semaphore_mem>>
      %dma_wait3A_1309 = arith.constant 0 : i32
      %dma_wait3A_1310 = arith.constant 0 : i32
      %dma_wait3A_1311 = tpu.memref_slice %arg6[%rem3A_1281, %dma_wait3A_1299, %dma_wait3A_1309, %dma_wait3A_1310] : memref<12x2x32x128xf32, #tpu.memory_space<vmem>> -> memref<1x1x32x128xf32, #tpu.memory_space<vmem>>
      %dma_wait3A_1312 = tpu.memref_squeeze %dma_wait3A_1311 : memref<1x1x32x128xf32, #tpu.memory_space<vmem>> -> memref<32x128xf32, #tpu.memory_space<vmem>>
      %dma_wait3A_1313 = arith.constant 0 : i32
      %dma_wait3A_1314 = arith.constant 0 : i32
      %dma_wait3A_1315 = tpu.memref_slice %arg3[%dma_wait3A_1313, %dma_wait3A_1314] : memref<32x1000000xf32, #tpu.memory_space<hbm>> -> memref<32x128xf32, #tpu.memory_space<hbm>>
      tpu.wait_dma2 semaphore(%dma_wait3A_1308 : memref<!tpu.dma_semaphore, #tpu.memory_space<semaphore_mem>>) src(%dma_wait3A_1315 : memref<32x128xf32, #tpu.memory_space<hbm>>) dst(%dma_wait3A_1312 : memref<32x128xf32, #tpu.memory_space<vmem>>)
      %broadcast_in_dim3A_1316 = vector.broadcast %rem3A_1281 : i32 to vector<16xi32>
      %slice3A_1317 = vector.extract_strided_slice %and3A_614 {offsets = [7], sizes = [1], strides = [1]} : vector<16xi32> to vector<1xi32>
      %squeeze3A_1318 = vector.extract %slice3A_1317[0] : i32 from vector<1xi32>
      %broadcast_in_dim3A_1319 = vector.broadcast %squeeze3A_1318 : i32 to vector<16xi32>
      %slice3A_1320 = vector.extract_strided_slice %and3A_617 {offsets = [7], sizes = [1], strides = [1]} : vector<16xi32> to vector<1xi32>
      %squeeze3A_1321 = vector.extract %slice3A_1320[0] : i32 from vector<1xi32>
      %broadcast_in_dim3A_1322 = vector.broadcast %squeeze3A_1321 : i32 to vector<16xi32>
      %broadcast_in_dim3A_1323 = arith.constant 0 : i32
      %broadcast_in_dim3A_1324 = vector.broadcast %broadcast_in_dim3A_1323 : i32 to vector<16xi32>
      %broadcast_in_dim3A_1325 = arith.constant 1 : i32
      %broadcast_in_dim3A_1326 = vector.broadcast %broadcast_in_dim3A_1325 : i32 to vector<16xi32>
      %gather3A_1327 = tpu.vector_load_idx %arg6[%broadcast_in_dim3A_1316, %broadcast_in_dim3A_1324, %iota3A, %broadcast_in_dim3A_1319] : memref<12x2x32x128xf32, #tpu.memory_space<vmem>>[vector<16xi32>, vector<16xi32>, vector<16xi32>, vector<16xi32>], vector<16xf32>,
      %add3A_1328 = arith.constant 16 : i32
      %add3A_1329 = vector.broadcast %add3A_1328 : i32 to vector<16xi32>
      %add3A_1330 = arith.addi %iota3A, %add3A_1329 : vector<16xi32>
      %gather3A_1331 = tpu.vector_load_idx %arg6[%broadcast_in_dim3A_1316, %broadcast_in_dim3A_1324, %add3A_1330, %broadcast_in_dim3A_1319] : memref<12x2x32x128xf32, #tpu.memory_space<vmem>>[vector<16xi32>, vector<16xi32>, vector<16xi32>, vector<16xi32>], vector<16xf32>,
      %gather3A_1332 = tpu.vector_load_idx %arg6[%broadcast_in_dim3A_1316, %broadcast_in_dim3A_1326, %iota3A, %broadcast_in_dim3A_1322] : memref<12x2x32x128xf32, #tpu.memory_space<vmem>>[vector<16xi32>, vector<16xi32>, vector<16xi32>, vector<16xi32>], vector<16xf32>,
      %add3A_1333 = arith.constant 16 : i32
      %add3A_1334 = vector.broadcast %add3A_1333 : i32 to vector<16xi32>
      %add3A_1335 = arith.addi %iota3A, %add3A_1334 : vector<16xi32>
      %gather3A_1336 = tpu.vector_load_idx %arg6[%broadcast_in_dim3A_1316, %broadcast_in_dim3A_1326, %add3A_1335, %broadcast_in_dim3A_1322] : memref<12x2x32x128xf32, #tpu.memory_space<vmem>>[vector<16xi32>, vector<16xi32>, vector<16xi32>, vector<16xi32>], vector<16xf32>,
      %mul3A_1337 = arith.mulf %gather3A_1327, %gather3A_1332 : vector<16xf32>
      %mul3A_1338 = arith.mulf %gather3A_1331, %gather3A_1336 : vector<16xf32>
      %add3A_1339 = arith.addf %mul3A_1337, %mul3A_1338 : vector<16xf32>
      %broadcast_in_dim3A_1340 = arith.constant true
      %broadcast_in_dim3A_1341 = vector.broadcast %broadcast_in_dim3A_1340 : i1 to vector<16xi1>
      %masked_cumsum3A_1342 = tpu.scan <sum>, %add3A_1339 masked %broadcast_in_dim3A_1341 : vector<16xf32>, vector<16xi1> -> vector<16xf32>
      %add3A_1343 = arith.constant 7 : i32
      %add3A_1344 = arith.addi %mul3A_608, %add3A_1343 : i32
      %broadcast_in_dim3A_1345 = vector.broadcast %add3A_1344 : i32 to vector<16xi32>
      tpu.vector_store_idx %arg7[%broadcast_in_dim3A_1345], %masked_cumsum3A_1342 masked %eq3A_22 : memref<512xf32, #tpu.memory_space<vmem>>[vector<16xi32>], vector<16xf32>, vector<16xi1>
      %lt3A_1346 = arith.constant 31 : i32
      %lt3A_1347 = arith.cmpi slt, %add3A_606, %lt3A_1346 : i32
      %convert_element_type3A_1348 = arith.extui %lt3A_1347 : i1 to i32
      %cond3A_1349 = arith.constant 0 : i32
      %cond3A_1350 = arith.cmpi ne, %convert_element_type3A_1348, %cond3A_1349 : i32
      scf.if %cond3A_1350 {
        %add3A_1935 = arith.constant 16 : i32
        %add3A_1936 = arith.addi %mul3A_608, %add3A_1935 : i32
        %get3A_1937 = arith.index_cast %add3A_1936 : i32 to index
        %get3A_1938 = tpu.vector_load %arg8[%get3A_1937] {strides = array<i32>} : memref<512xi32, #tpu.memory_space<vmem>>, vector<16xi32>,
        %add3A_1939 = arith.constant 16 : i32
        %add3A_1940 = arith.addi %mul3A_608, %add3A_1939 : i32
        %get3A_1941 = arith.index_cast %add3A_1940 : i32 to index
        %get3A_1942 = tpu.vector_load %arg9[%get3A_1941] {strides = array<i32>} : memref<512xi32, #tpu.memory_space<vmem>>, vector<16xi32>,
        %slice3A_1943 = vector.extract_strided_slice %get3A_1938 {offsets = [3], sizes = [1], strides = [1]} : vector<16xi32> to vector<1xi32>
        %squeeze3A_1944 = vector.extract %slice3A_1943[0] : i32 from vector<1xi32>
        %slice3A_1945 = vector.extract_strided_slice %get3A_1942 {offsets = [3], sizes = [1], strides = [1]} : vector<16xi32> to vector<1xi32>
        %squeeze3A_1946 = vector.extract %slice3A_1945[0] : i32 from vector<1xi32>
        %shift_right_arithmetic3A_1947 = arith.constant 7 : i32
        %shift_right_arithmetic3A_1948 = arith.shrsi %squeeze3A_1944, %shift_right_arithmetic3A_1947 : i32
        %mul3A_1949 = arith.constant 128 : i32
        %mul3A_1950 = arith.muli %shift_right_arithmetic3A_1948, %mul3A_1949 : i32
        %multiple_of3A_1951 = tpu.assume_multiple %mul3A_1950, 128 : i32
        %shift_right_arithmetic3A_1952 = arith.constant 7 : i32
        %shift_right_arithmetic3A_1953 = arith.shrsi %squeeze3A_1946, %shift_right_arithmetic3A_1952 : i32
        %mul3A_1954 = arith.constant 128 : i32
        %mul3A_1955 = arith.muli %shift_right_arithmetic3A_1953, %mul3A_1954 : i32
        %multiple_of3A_1956 = tpu.assume_multiple %mul3A_1955, 128 : i32
        %dma_start3A_1957 = arith.constant 0 : i32
        %dma_start3A_1958 = arith.constant 0 : i32
        %dma_start3A_1959 = arith.constant 0 : i32
        %dma_start3A_1960 = tpu.memref_slice %arg6[%rem3A_1281, %dma_start3A_1957, %dma_start3A_1958, %dma_start3A_1959] : memref<12x2x32x128xf32, #tpu.memory_space<vmem>> -> memref<1x1x32x128xf32, #tpu.memory_space<vmem>>
        %dma_start3A_1961 = tpu.memref_squeeze %dma_start3A_1960 : memref<1x1x32x128xf32, #tpu.memory_space<vmem>> -> memref<32x128xf32, #tpu.memory_space<vmem>>
        %dma_start3A_1962 = arith.constant 0 : i32
        %dma_start3A_1963 = tpu.memref_slice %arg2[%dma_start3A_1962, %multiple_of3A_1951] : memref<32x1000000xf32, #tpu.memory_space<hbm>> -> memref<32x128xf32, #tpu.memory_space<hbm>>
        %dma_start3A_1964 = tpu.memref_slice %arg11[%rem3A_1281] : memref<12x!tpu.dma_semaphore, #tpu.memory_space<semaphore_mem>> -> memref<1x!tpu.dma_semaphore, #tpu.memory_space<semaphore_mem>>
        %dma_start3A_1965 = tpu.memref_squeeze %dma_start3A_1964 : memref<1x!tpu.dma_semaphore, #tpu.memory_space<semaphore_mem>> -> memref<!tpu.dma_semaphore, #tpu.memory_space<semaphore_mem>>
        %dma_start3A_1966 = arith.constant 0 : i32
        %dma_start3A_1967 = arith.constant 0 : i32
        %dma_start3A_1968 = tpu.memref_slice %arg6[%rem3A_1281, %dma_start3A_1957, %dma_start3A_1966, %dma_start3A_1967] : memref<12x2x32x128xf32, #tpu.memory_space<vmem>> -> memref<1x1x32x128xf32, #tpu.memory_space<vmem>>
        %dma_start3A_1969 = tpu.memref_squeeze %dma_start3A_1968 : memref<1x1x32x128xf32, #tpu.memory_space<vmem>> -> memref<32x128xf32, #tpu.memory_space<vmem>>
        %dma_start3A_1970 = arith.constant 0 : i32
        %dma_start3A_1971 = tpu.memref_slice %arg2[%dma_start3A_1970, %multiple_of3A_1951] : memref<32x1000000xf32, #tpu.memory_space<hbm>> -> memref<32x128xf32, #tpu.memory_space<hbm>>
        tpu.enqueue_dma source(%dma_start3A_1971 : memref<32x128xf32, #tpu.memory_space<hbm>>) target(%dma_start3A_1969 : memref<32x128xf32, #tpu.memory_space<vmem>>) target_semaphore(%dma_start3A_1965 : memref<!tpu.dma_semaphore, #tpu.memory_space<semaphore_mem>>)
        %dma_start3A_1972 = arith.constant 1 : i32
        %dma_start3A_1973 = arith.constant 0 : i32
        %dma_start3A_1974 = arith.constant 0 : i32
        %dma_start3A_1975 = tpu.memref_slice %arg6[%rem3A_1281, %dma_start3A_1972, %dma_start3A_1973, %dma_start3A_1974] : memref<12x2x32x128xf32, #tpu.memory_space<vmem>> -> memref<1x1x32x128xf32, #tpu.memory_space<vmem>>
        %dma_start3A_1976 = tpu.memref_squeeze %dma_start3A_1975 : memref<1x1x32x128xf32, #tpu.memory_space<vmem>> -> memref<32x128xf32, #tpu.memory_space<vmem>>
        %dma_start3A_1977 = arith.constant 0 : i32
        %dma_start3A_1978 = tpu.memref_slice %arg3[%dma_start3A_1977, %multiple_of3A_1956] : memref<32x1000000xf32, #tpu.memory_space<hbm>> -> memref<32x128xf32, #tpu.memory_space<hbm>>
        %dma_start3A_1979 = tpu.memref_slice %arg11[%rem3A_1281] : memref<12x!tpu.dma_semaphore, #tpu.memory_space<semaphore_mem>> -> memref<1x!tpu.dma_semaphore, #tpu.memory_space<semaphore_mem>>
        %dma_start3A_1980 = tpu.memref_squeeze %dma_start3A_1979 : memref<1x!tpu.dma_semaphore, #tpu.memory_space<semaphore_mem>> -> memref<!tpu.dma_semaphore, #tpu.memory_space<semaphore_mem>>
        %dma_start3A_1981 = arith.constant 0 : i32
        %dma_start3A_1982 = arith.constant 0 : i32
        %dma_start3A_1983 = tpu.memref_slice %arg6[%rem3A_1281, %dma_start3A_1972, %dma_start3A_1981, %dma_start3A_1982] : memref<12x2x32x128xf32, #tpu.memory_space<vmem>> -> memref<1x1x32x128xf32, #tpu.memory_space<vmem>>
        %dma_start3A_1984 = tpu.memref_squeeze %dma_start3A_1983 : memref<1x1x32x128xf32, #tpu.memory_space<vmem>> -> memref<32x128xf32, #tpu.memory_space<vmem>>
        %dma_start3A_1985 = arith.constant 0 : i32
        %dma_start3A_1986 = tpu.memref_slice %arg3[%dma_start3A_1985, %multiple_of3A_1956] : memref<32x1000000xf32, #tpu.memory_space<hbm>> -> memref<32x128xf32, #tpu.memory_space<hbm>>
        tpu.enqueue_dma source(%dma_start3A_1986 : memref<32x128xf32, #tpu.memory_space<hbm>>) target(%dma_start3A_1984 : memref<32x128xf32, #tpu.memory_space<vmem>>) target_semaphore(%dma_start3A_1980 : memref<!tpu.dma_semaphore, #tpu.memory_space<semaphore_mem>>)
      } else {
      }
      %add3A_1351 = arith.constant 8 : i32
      %add3A_1352 = arith.addi %mul3A_608, %add3A_1351 : i32
      %rem3A_1353 = arith.constant 12 : i32
      %rem3A_1354 = arith.remsi %add3A_1352, %rem3A_1353 : i32
      %dma_wait3A_1355 = arith.constant 0 : i32
      %dma_wait3A_1356 = arith.constant 0 : i32
      %dma_wait3A_1357 = arith.constant 0 : i32
      %dma_wait3A_1358 = tpu.memref_slice %arg6[%rem3A_1354, %dma_wait3A_1355, %dma_wait3A_1356, %dma_wait3A_1357] : memref<12x2x32x128xf32, #tpu.memory_space<vmem>> -> memref<1x1x32x128xf32, #tpu.memory_space<vmem>>
      %dma_wait3A_1359 = tpu.memref_squeeze %dma_wait3A_1358 : memref<1x1x32x128xf32, #tpu.memory_space<vmem>> -> memref<32x128xf32, #tpu.memory_space<vmem>>
      %dma_wait3A_1360 = arith.constant 0 : i32
      %dma_wait3A_1361 = arith.constant 0 : i32
      %dma_wait3A_1362 = tpu.memref_slice %arg2[%dma_wait3A_1360, %dma_wait3A_1361] : memref<32x1000000xf32, #tpu.memory_space<hbm>> -> memref<32x128xf32, #tpu.memory_space<hbm>>
      %dma_wait3A_1363 = tpu.memref_slice %arg11[%rem3A_1354] : memref<12x!tpu.dma_semaphore, #tpu.memory_space<semaphore_mem>> -> memref<1x!tpu.dma_semaphore, #tpu.memory_space<semaphore_mem>>
      %dma_wait3A_1364 = tpu.memref_squeeze %dma_wait3A_1363 : memref<1x!tpu.dma_semaphore, #tpu.memory_space<semaphore_mem>> -> memref<!tpu.dma_semaphore, #tpu.memory_space<semaphore_mem>>
      %dma_wait3A_1365 = arith.constant 0 : i32
      %dma_wait3A_1366 = arith.constant 0 : i32
      %dma_wait3A_1367 = tpu.memref_slice %arg6[%rem3A_1354, %dma_wait3A_1355, %dma_wait3A_1365, %dma_wait3A_1366] : memref<12x2x32x128xf32, #tpu.memory_space<vmem>> -> memref<1x1x32x128xf32, #tpu.memory_space<vmem>>
      %dma_wait3A_1368 = tpu.memref_squeeze %dma_wait3A_1367 : memref<1x1x32x128xf32, #tpu.memory_space<vmem>> -> memref<32x128xf32, #tpu.memory_space<vmem>>
      %dma_wait3A_1369 = arith.constant 0 : i32
      %dma_wait3A_1370 = arith.constant 0 : i32
      %dma_wait3A_1371 = tpu.memref_slice %arg2[%dma_wait3A_1369, %dma_wait3A_1370] : memref<32x1000000xf32, #tpu.memory_space<hbm>> -> memref<32x128xf32, #tpu.memory_space<hbm>>
      tpu.wait_dma2 semaphore(%dma_wait3A_1364 : memref<!tpu.dma_semaphore, #tpu.memory_space<semaphore_mem>>) src(%dma_wait3A_1371 : memref<32x128xf32, #tpu.memory_space<hbm>>) dst(%dma_wait3A_1368 : memref<32x128xf32, #tpu.memory_space<vmem>>)
      %dma_wait3A_1372 = arith.constant 1 : i32
      %dma_wait3A_1373 = arith.constant 0 : i32
      %dma_wait3A_1374 = arith.constant 0 : i32
      %dma_wait3A_1375 = tpu.memref_slice %arg6[%rem3A_1354, %dma_wait3A_1372, %dma_wait3A_1373, %dma_wait3A_1374] : memref<12x2x32x128xf32, #tpu.memory_space<vmem>> -> memref<1x1x32x128xf32, #tpu.memory_space<vmem>>
      %dma_wait3A_1376 = tpu.memref_squeeze %dma_wait3A_1375 : memref<1x1x32x128xf32, #tpu.memory_space<vmem>> -> memref<32x128xf32, #tpu.memory_space<vmem>>
      %dma_wait3A_1377 = arith.constant 0 : i32
      %dma_wait3A_1378 = arith.constant 0 : i32
      %dma_wait3A_1379 = tpu.memref_slice %arg3[%dma_wait3A_1377, %dma_wait3A_1378] : memref<32x1000000xf32, #tpu.memory_space<hbm>> -> memref<32x128xf32, #tpu.memory_space<hbm>>
      %dma_wait3A_1380 = tpu.memref_slice %arg11[%rem3A_1354] : memref<12x!tpu.dma_semaphore, #tpu.memory_space<semaphore_mem>> -> memref<1x!tpu.dma_semaphore, #tpu.memory_space<semaphore_mem>>
      %dma_wait3A_1381 = tpu.memref_squeeze %dma_wait3A_1380 : memref<1x!tpu.dma_semaphore, #tpu.memory_space<semaphore_mem>> -> memref<!tpu.dma_semaphore, #tpu.memory_space<semaphore_mem>>
      %dma_wait3A_1382 = arith.constant 0 : i32
      %dma_wait3A_1383 = arith.constant 0 : i32
      %dma_wait3A_1384 = tpu.memref_slice %arg6[%rem3A_1354, %dma_wait3A_1372, %dma_wait3A_1382, %dma_wait3A_1383] : memref<12x2x32x128xf32, #tpu.memory_space<vmem>> -> memref<1x1x32x128xf32, #tpu.memory_space<vmem>>
      %dma_wait3A_1385 = tpu.memref_squeeze %dma_wait3A_1384 : memref<1x1x32x128xf32, #tpu.memory_space<vmem>> -> memref<32x128xf32, #tpu.memory_space<vmem>>
      %dma_wait3A_1386 = arith.constant 0 : i32
      %dma_wait3A_1387 = arith.constant 0 : i32
      %dma_wait3A_1388 = tpu.memref_slice %arg3[%dma_wait3A_1386, %dma_wait3A_1387] : memref<32x1000000xf32, #tpu.memory_space<hbm>> -> memref<32x128xf32, #tpu.memory_space<hbm>>
      tpu.wait_dma2 semaphore(%dma_wait3A_1381 : memref<!tpu.dma_semaphore, #tpu.memory_space<semaphore_mem>>) src(%dma_wait3A_1388 : memref<32x128xf32, #tpu.memory_space<hbm>>) dst(%dma_wait3A_1385 : memref<32x128xf32, #tpu.memory_space<vmem>>)
      %broadcast_in_dim3A_1389 = vector.broadcast %rem3A_1354 : i32 to vector<16xi32>
      %slice3A_1390 = vector.extract_strided_slice %and3A_614 {offsets = [8], sizes = [1], strides = [1]} : vector<16xi32> to vector<1xi32>
      %squeeze3A_1391 = vector.extract %slice3A_1390[0] : i32 from vector<1xi32>
      %broadcast_in_dim3A_1392 = vector.broadcast %squeeze3A_1391 : i32 to vector<16xi32>
      %slice3A_1393 = vector.extract_strided_slice %and3A_617 {offsets = [8], sizes = [1], strides = [1]} : vector<16xi32> to vector<1xi32>
      %squeeze3A_1394 = vector.extract %slice3A_1393[0] : i32 from vector<1xi32>
      %broadcast_in_dim3A_1395 = vector.broadcast %squeeze3A_1394 : i32 to vector<16xi32>
      %broadcast_in_dim3A_1396 = arith.constant 0 : i32
      %broadcast_in_dim3A_1397 = vector.broadcast %broadcast_in_dim3A_1396 : i32 to vector<16xi32>
      %broadcast_in_dim3A_1398 = arith.constant 1 : i32
      %broadcast_in_dim3A_1399 = vector.broadcast %broadcast_in_dim3A_1398 : i32 to vector<16xi32>
      %gather3A_1400 = tpu.vector_load_idx %arg6[%broadcast_in_dim3A_1389, %broadcast_in_dim3A_1397, %iota3A, %broadcast_in_dim3A_1392] : memref<12x2x32x128xf32, #tpu.memory_space<vmem>>[vector<16xi32>, vector<16xi32>, vector<16xi32>, vector<16xi32>], vector<16xf32>,
      %add3A_1401 = arith.constant 16 : i32
      %add3A_1402 = vector.broadcast %add3A_1401 : i32 to vector<16xi32>
      %add3A_1403 = arith.addi %iota3A, %add3A_1402 : vector<16xi32>
      %gather3A_1404 = tpu.vector_load_idx %arg6[%broadcast_in_dim3A_1389, %broadcast_in_dim3A_1397, %add3A_1403, %broadcast_in_dim3A_1392] : memref<12x2x32x128xf32, #tpu.memory_space<vmem>>[vector<16xi32>, vector<16xi32>, vector<16xi32>, vector<16xi32>], vector<16xf32>,
      %gather3A_1405 = tpu.vector_load_idx %arg6[%broadcast_in_dim3A_1389, %broadcast_in_dim3A_1399, %iota3A, %broadcast_in_dim3A_1395] : memref<12x2x32x128xf32, #tpu.memory_space<vmem>>[vector<16xi32>, vector<16xi32>, vector<16xi32>, vector<16xi32>], vector<16xf32>,
      %add3A_1406 = arith.constant 16 : i32
      %add3A_1407 = vector.broadcast %add3A_1406 : i32 to vector<16xi32>
      %add3A_1408 = arith.addi %iota3A, %add3A_1407 : vector<16xi32>
      %gather3A_1409 = tpu.vector_load_idx %arg6[%broadcast_in_dim3A_1389, %broadcast_in_dim3A_1399, %add3A_1408, %broadcast_in_dim3A_1395] : memref<12x2x32x128xf32, #tpu.memory_space<vmem>>[vector<16xi32>, vector<16xi32>, vector<16xi32>, vector<16xi32>], vector<16xf32>,
      %mul3A_1410 = arith.mulf %gather3A_1400, %gather3A_1405 : vector<16xf32>
      %mul3A_1411 = arith.mulf %gather3A_1404, %gather3A_1409 : vector<16xf32>
      %add3A_1412 = arith.addf %mul3A_1410, %mul3A_1411 : vector<16xf32>
      %broadcast_in_dim3A_1413 = arith.constant true
      %broadcast_in_dim3A_1414 = vector.broadcast %broadcast_in_dim3A_1413 : i1 to vector<16xi1>
      %masked_cumsum3A_1415 = tpu.scan <sum>, %add3A_1412 masked %broadcast_in_dim3A_1414 : vector<16xf32>, vector<16xi1> -> vector<16xf32>
      %add3A_1416 = arith.constant 8 : i32
      %add3A_1417 = arith.addi %mul3A_608, %add3A_1416 : i32
      %broadcast_in_dim3A_1418 = vector.broadcast %add3A_1417 : i32 to vector<16xi32>
      tpu.vector_store_idx %arg7[%broadcast_in_dim3A_1418], %masked_cumsum3A_1415 masked %eq3A_22 : memref<512xf32, #tpu.memory_space<vmem>>[vector<16xi32>], vector<16xf32>, vector<16xi1>
      %lt3A_1419 = arith.constant 31 : i32
      %lt3A_1420 = arith.cmpi slt, %add3A_606, %lt3A_1419 : i32
      %convert_element_type3A_1421 = arith.extui %lt3A_1420 : i1 to i32
      %cond3A_1422 = arith.constant 0 : i32
      %cond3A_1423 = arith.cmpi ne, %convert_element_type3A_1421, %cond3A_1422 : i32
      scf.if %cond3A_1423 {
        %add3A_1935 = arith.constant 16 : i32
        %add3A_1936 = arith.addi %mul3A_608, %add3A_1935 : i32
        %get3A_1937 = arith.index_cast %add3A_1936 : i32 to index
        %get3A_1938 = tpu.vector_load %arg8[%get3A_1937] {strides = array<i32>} : memref<512xi32, #tpu.memory_space<vmem>>, vector<16xi32>,
        %add3A_1939 = arith.constant 16 : i32
        %add3A_1940 = arith.addi %mul3A_608, %add3A_1939 : i32
        %get3A_1941 = arith.index_cast %add3A_1940 : i32 to index
        %get3A_1942 = tpu.vector_load %arg9[%get3A_1941] {strides = array<i32>} : memref<512xi32, #tpu.memory_space<vmem>>, vector<16xi32>,
        %slice3A_1943 = vector.extract_strided_slice %get3A_1938 {offsets = [4], sizes = [1], strides = [1]} : vector<16xi32> to vector<1xi32>
        %squeeze3A_1944 = vector.extract %slice3A_1943[0] : i32 from vector<1xi32>
        %slice3A_1945 = vector.extract_strided_slice %get3A_1942 {offsets = [4], sizes = [1], strides = [1]} : vector<16xi32> to vector<1xi32>
        %squeeze3A_1946 = vector.extract %slice3A_1945[0] : i32 from vector<1xi32>
        %shift_right_arithmetic3A_1947 = arith.constant 7 : i32
        %shift_right_arithmetic3A_1948 = arith.shrsi %squeeze3A_1944, %shift_right_arithmetic3A_1947 : i32
        %mul3A_1949 = arith.constant 128 : i32
        %mul3A_1950 = arith.muli %shift_right_arithmetic3A_1948, %mul3A_1949 : i32
        %multiple_of3A_1951 = tpu.assume_multiple %mul3A_1950, 128 : i32
        %shift_right_arithmetic3A_1952 = arith.constant 7 : i32
        %shift_right_arithmetic3A_1953 = arith.shrsi %squeeze3A_1946, %shift_right_arithmetic3A_1952 : i32
        %mul3A_1954 = arith.constant 128 : i32
        %mul3A_1955 = arith.muli %shift_right_arithmetic3A_1953, %mul3A_1954 : i32
        %multiple_of3A_1956 = tpu.assume_multiple %mul3A_1955, 128 : i32
        %dma_start3A_1957 = arith.constant 0 : i32
        %dma_start3A_1958 = arith.constant 0 : i32
        %dma_start3A_1959 = arith.constant 0 : i32
        %dma_start3A_1960 = tpu.memref_slice %arg6[%rem3A_1354, %dma_start3A_1957, %dma_start3A_1958, %dma_start3A_1959] : memref<12x2x32x128xf32, #tpu.memory_space<vmem>> -> memref<1x1x32x128xf32, #tpu.memory_space<vmem>>
        %dma_start3A_1961 = tpu.memref_squeeze %dma_start3A_1960 : memref<1x1x32x128xf32, #tpu.memory_space<vmem>> -> memref<32x128xf32, #tpu.memory_space<vmem>>
        %dma_start3A_1962 = arith.constant 0 : i32
        %dma_start3A_1963 = tpu.memref_slice %arg2[%dma_start3A_1962, %multiple_of3A_1951] : memref<32x1000000xf32, #tpu.memory_space<hbm>> -> memref<32x128xf32, #tpu.memory_space<hbm>>
        %dma_start3A_1964 = tpu.memref_slice %arg11[%rem3A_1354] : memref<12x!tpu.dma_semaphore, #tpu.memory_space<semaphore_mem>> -> memref<1x!tpu.dma_semaphore, #tpu.memory_space<semaphore_mem>>
        %dma_start3A_1965 = tpu.memref_squeeze %dma_start3A_1964 : memref<1x!tpu.dma_semaphore, #tpu.memory_space<semaphore_mem>> -> memref<!tpu.dma_semaphore, #tpu.memory_space<semaphore_mem>>
        %dma_start3A_1966 = arith.constant 0 : i32
        %dma_start3A_1967 = arith.constant 0 : i32
        %dma_start3A_1968 = tpu.memref_slice %arg6[%rem3A_1354, %dma_start3A_1957, %dma_start3A_1966, %dma_start3A_1967] : memref<12x2x32x128xf32, #tpu.memory_space<vmem>> -> memref<1x1x32x128xf32, #tpu.memory_space<vmem>>
        %dma_start3A_1969 = tpu.memref_squeeze %dma_start3A_1968 : memref<1x1x32x128xf32, #tpu.memory_space<vmem>> -> memref<32x128xf32, #tpu.memory_space<vmem>>
        %dma_start3A_1970 = arith.constant 0 : i32
        %dma_start3A_1971 = tpu.memref_slice %arg2[%dma_start3A_1970, %multiple_of3A_1951] : memref<32x1000000xf32, #tpu.memory_space<hbm>> -> memref<32x128xf32, #tpu.memory_space<hbm>>
        tpu.enqueue_dma source(%dma_start3A_1971 : memref<32x128xf32, #tpu.memory_space<hbm>>) target(%dma_start3A_1969 : memref<32x128xf32, #tpu.memory_space<vmem>>) target_semaphore(%dma_start3A_1965 : memref<!tpu.dma_semaphore, #tpu.memory_space<semaphore_mem>>)
        %dma_start3A_1972 = arith.constant 1 : i32
        %dma_start3A_1973 = arith.constant 0 : i32
        %dma_start3A_1974 = arith.constant 0 : i32
        %dma_start3A_1975 = tpu.memref_slice %arg6[%rem3A_1354, %dma_start3A_1972, %dma_start3A_1973, %dma_start3A_1974] : memref<12x2x32x128xf32, #tpu.memory_space<vmem>> -> memref<1x1x32x128xf32, #tpu.memory_space<vmem>>
        %dma_start3A_1976 = tpu.memref_squeeze %dma_start3A_1975 : memref<1x1x32x128xf32, #tpu.memory_space<vmem>> -> memref<32x128xf32, #tpu.memory_space<vmem>>
        %dma_start3A_1977 = arith.constant 0 : i32
        %dma_start3A_1978 = tpu.memref_slice %arg3[%dma_start3A_1977, %multiple_of3A_1956] : memref<32x1000000xf32, #tpu.memory_space<hbm>> -> memref<32x128xf32, #tpu.memory_space<hbm>>
        %dma_start3A_1979 = tpu.memref_slice %arg11[%rem3A_1354] : memref<12x!tpu.dma_semaphore, #tpu.memory_space<semaphore_mem>> -> memref<1x!tpu.dma_semaphore, #tpu.memory_space<semaphore_mem>>
        %dma_start3A_1980 = tpu.memref_squeeze %dma_start3A_1979 : memref<1x!tpu.dma_semaphore, #tpu.memory_space<semaphore_mem>> -> memref<!tpu.dma_semaphore, #tpu.memory_space<semaphore_mem>>
        %dma_start3A_1981 = arith.constant 0 : i32
        %dma_start3A_1982 = arith.constant 0 : i32
        %dma_start3A_1983 = tpu.memref_slice %arg6[%rem3A_1354, %dma_start3A_1972, %dma_start3A_1981, %dma_start3A_1982] : memref<12x2x32x128xf32, #tpu.memory_space<vmem>> -> memref<1x1x32x128xf32, #tpu.memory_space<vmem>>
        %dma_start3A_1984 = tpu.memref_squeeze %dma_start3A_1983 : memref<1x1x32x128xf32, #tpu.memory_space<vmem>> -> memref<32x128xf32, #tpu.memory_space<vmem>>
        %dma_start3A_1985 = arith.constant 0 : i32
        %dma_start3A_1986 = tpu.memref_slice %arg3[%dma_start3A_1985, %multiple_of3A_1956] : memref<32x1000000xf32, #tpu.memory_space<hbm>> -> memref<32x128xf32, #tpu.memory_space<hbm>>
        tpu.enqueue_dma source(%dma_start3A_1986 : memref<32x128xf32, #tpu.memory_space<hbm>>) target(%dma_start3A_1984 : memref<32x128xf32, #tpu.memory_space<vmem>>) target_semaphore(%dma_start3A_1980 : memref<!tpu.dma_semaphore, #tpu.memory_space<semaphore_mem>>)
      } else {
      }
      %add3A_1424 = arith.constant 9 : i32
      %add3A_1425 = arith.addi %mul3A_608, %add3A_1424 : i32
      %rem3A_1426 = arith.constant 12 : i32
      %rem3A_1427 = arith.remsi %add3A_1425, %rem3A_1426 : i32
      %dma_wait3A_1428 = arith.constant 0 : i32
      %dma_wait3A_1429 = arith.constant 0 : i32
      %dma_wait3A_1430 = arith.constant 0 : i32
      %dma_wait3A_1431 = tpu.memref_slice %arg6[%rem3A_1427, %dma_wait3A_1428, %dma_wait3A_1429, %dma_wait3A_1430] : memref<12x2x32x128xf32, #tpu.memory_space<vmem>> -> memref<1x1x32x128xf32, #tpu.memory_space<vmem>>
      %dma_wait3A_1432 = tpu.memref_squeeze %dma_wait3A_1431 : memref<1x1x32x128xf32, #tpu.memory_space<vmem>> -> memref<32x128xf32, #tpu.memory_space<vmem>>
      %dma_wait3A_1433 = arith.constant 0 : i32
      %dma_wait3A_1434 = arith.constant 0 : i32
      %dma_wait3A_1435 = tpu.memref_slice %arg2[%dma_wait3A_1433, %dma_wait3A_1434] : memref<32x1000000xf32, #tpu.memory_space<hbm>> -> memref<32x128xf32, #tpu.memory_space<hbm>>
      %dma_wait3A_1436 = tpu.memref_slice %arg11[%rem3A_1427] : memref<12x!tpu.dma_semaphore, #tpu.memory_space<semaphore_mem>> -> memref<1x!tpu.dma_semaphore, #tpu.memory_space<semaphore_mem>>
      %dma_wait3A_1437 = tpu.memref_squeeze %dma_wait3A_1436 : memref<1x!tpu.dma_semaphore, #tpu.memory_space<semaphore_mem>> -> memref<!tpu.dma_semaphore, #tpu.memory_space<semaphore_mem>>
      %dma_wait3A_1438 = arith.constant 0 : i32
      %dma_wait3A_1439 = arith.constant 0 : i32
      %dma_wait3A_1440 = tpu.memref_slice %arg6[%rem3A_1427, %dma_wait3A_1428, %dma_wait3A_1438, %dma_wait3A_1439] : memref<12x2x32x128xf32, #tpu.memory_space<vmem>> -> memref<1x1x32x128xf32, #tpu.memory_space<vmem>>
      %dma_wait3A_1441 = tpu.memref_squeeze %dma_wait3A_1440 : memref<1x1x32x128xf32, #tpu.memory_space<vmem>> -> memref<32x128xf32, #tpu.memory_space<vmem>>
      %dma_wait3A_1442 = arith.constant 0 : i32
      %dma_wait3A_1443 = arith.constant 0 : i32
      %dma_wait3A_1444 = tpu.memref_slice %arg2[%dma_wait3A_1442, %dma_wait3A_1443] : memref<32x1000000xf32, #tpu.memory_space<hbm>> -> memref<32x128xf32, #tpu.memory_space<hbm>>
      tpu.wait_dma2 semaphore(%dma_wait3A_1437 : memref<!tpu.dma_semaphore, #tpu.memory_space<semaphore_mem>>) src(%dma_wait3A_1444 : memref<32x128xf32, #tpu.memory_space<hbm>>) dst(%dma_wait3A_1441 : memref<32x128xf32, #tpu.memory_space<vmem>>)
      %dma_wait3A_1445 = arith.constant 1 : i32
      %dma_wait3A_1446 = arith.constant 0 : i32
      %dma_wait3A_1447 = arith.constant 0 : i32
      %dma_wait3A_1448 = tpu.memref_slice %arg6[%rem3A_1427, %dma_wait3A_1445, %dma_wait3A_1446, %dma_wait3A_1447] : memref<12x2x32x128xf32, #tpu.memory_space<vmem>> -> memref<1x1x32x128xf32, #tpu.memory_space<vmem>>
      %dma_wait3A_1449 = tpu.memref_squeeze %dma_wait3A_1448 : memref<1x1x32x128xf32, #tpu.memory_space<vmem>> -> memref<32x128xf32, #tpu.memory_space<vmem>>
      %dma_wait3A_1450 = arith.constant 0 : i32
      %dma_wait3A_1451 = arith.constant 0 : i32
      %dma_wait3A_1452 = tpu.memref_slice %arg3[%dma_wait3A_1450, %dma_wait3A_1451] : memref<32x1000000xf32, #tpu.memory_space<hbm>> -> memref<32x128xf32, #tpu.memory_space<hbm>>
      %dma_wait3A_1453 = tpu.memref_slice %arg11[%rem3A_1427] : memref<12x!tpu.dma_semaphore, #tpu.memory_space<semaphore_mem>> -> memref<1x!tpu.dma_semaphore, #tpu.memory_space<semaphore_mem>>
      %dma_wait3A_1454 = tpu.memref_squeeze %dma_wait3A_1453 : memref<1x!tpu.dma_semaphore, #tpu.memory_space<semaphore_mem>> -> memref<!tpu.dma_semaphore, #tpu.memory_space<semaphore_mem>>
      %dma_wait3A_1455 = arith.constant 0 : i32
      %dma_wait3A_1456 = arith.constant 0 : i32
      %dma_wait3A_1457 = tpu.memref_slice %arg6[%rem3A_1427, %dma_wait3A_1445, %dma_wait3A_1455, %dma_wait3A_1456] : memref<12x2x32x128xf32, #tpu.memory_space<vmem>> -> memref<1x1x32x128xf32, #tpu.memory_space<vmem>>
      %dma_wait3A_1458 = tpu.memref_squeeze %dma_wait3A_1457 : memref<1x1x32x128xf32, #tpu.memory_space<vmem>> -> memref<32x128xf32, #tpu.memory_space<vmem>>
      %dma_wait3A_1459 = arith.constant 0 : i32
      %dma_wait3A_1460 = arith.constant 0 : i32
      %dma_wait3A_1461 = tpu.memref_slice %arg3[%dma_wait3A_1459, %dma_wait3A_1460] : memref<32x1000000xf32, #tpu.memory_space<hbm>> -> memref<32x128xf32, #tpu.memory_space<hbm>>
      tpu.wait_dma2 semaphore(%dma_wait3A_1454 : memref<!tpu.dma_semaphore, #tpu.memory_space<semaphore_mem>>) src(%dma_wait3A_1461 : memref<32x128xf32, #tpu.memory_space<hbm>>) dst(%dma_wait3A_1458 : memref<32x128xf32, #tpu.memory_space<vmem>>)
      %broadcast_in_dim3A_1462 = vector.broadcast %rem3A_1427 : i32 to vector<16xi32>
      %slice3A_1463 = vector.extract_strided_slice %and3A_614 {offsets = [9], sizes = [1], strides = [1]} : vector<16xi32> to vector<1xi32>
      %squeeze3A_1464 = vector.extract %slice3A_1463[0] : i32 from vector<1xi32>
      %broadcast_in_dim3A_1465 = vector.broadcast %squeeze3A_1464 : i32 to vector<16xi32>
      %slice3A_1466 = vector.extract_strided_slice %and3A_617 {offsets = [9], sizes = [1], strides = [1]} : vector<16xi32> to vector<1xi32>
      %squeeze3A_1467 = vector.extract %slice3A_1466[0] : i32 from vector<1xi32>
      %broadcast_in_dim3A_1468 = vector.broadcast %squeeze3A_1467 : i32 to vector<16xi32>
      %broadcast_in_dim3A_1469 = arith.constant 0 : i32
      %broadcast_in_dim3A_1470 = vector.broadcast %broadcast_in_dim3A_1469 : i32 to vector<16xi32>
      %broadcast_in_dim3A_1471 = arith.constant 1 : i32
      %broadcast_in_dim3A_1472 = vector.broadcast %broadcast_in_dim3A_1471 : i32 to vector<16xi32>
      %gather3A_1473 = tpu.vector_load_idx %arg6[%broadcast_in_dim3A_1462, %broadcast_in_dim3A_1470, %iota3A, %broadcast_in_dim3A_1465] : memref<12x2x32x128xf32, #tpu.memory_space<vmem>>[vector<16xi32>, vector<16xi32>, vector<16xi32>, vector<16xi32>], vector<16xf32>,
      %add3A_1474 = arith.constant 16 : i32
      %add3A_1475 = vector.broadcast %add3A_1474 : i32 to vector<16xi32>
      %add3A_1476 = arith.addi %iota3A, %add3A_1475 : vector<16xi32>
      %gather3A_1477 = tpu.vector_load_idx %arg6[%broadcast_in_dim3A_1462, %broadcast_in_dim3A_1470, %add3A_1476, %broadcast_in_dim3A_1465] : memref<12x2x32x128xf32, #tpu.memory_space<vmem>>[vector<16xi32>, vector<16xi32>, vector<16xi32>, vector<16xi32>], vector<16xf32>,
      %gather3A_1478 = tpu.vector_load_idx %arg6[%broadcast_in_dim3A_1462, %broadcast_in_dim3A_1472, %iota3A, %broadcast_in_dim3A_1468] : memref<12x2x32x128xf32, #tpu.memory_space<vmem>>[vector<16xi32>, vector<16xi32>, vector<16xi32>, vector<16xi32>], vector<16xf32>,
      %add3A_1479 = arith.constant 16 : i32
      %add3A_1480 = vector.broadcast %add3A_1479 : i32 to vector<16xi32>
      %add3A_1481 = arith.addi %iota3A, %add3A_1480 : vector<16xi32>
      %gather3A_1482 = tpu.vector_load_idx %arg6[%broadcast_in_dim3A_1462, %broadcast_in_dim3A_1472, %add3A_1481, %broadcast_in_dim3A_1468] : memref<12x2x32x128xf32, #tpu.memory_space<vmem>>[vector<16xi32>, vector<16xi32>, vector<16xi32>, vector<16xi32>], vector<16xf32>,
      %mul3A_1483 = arith.mulf %gather3A_1473, %gather3A_1478 : vector<16xf32>
      %mul3A_1484 = arith.mulf %gather3A_1477, %gather3A_1482 : vector<16xf32>
      %add3A_1485 = arith.addf %mul3A_1483, %mul3A_1484 : vector<16xf32>
      %broadcast_in_dim3A_1486 = arith.constant true
      %broadcast_in_dim3A_1487 = vector.broadcast %broadcast_in_dim3A_1486 : i1 to vector<16xi1>
      %masked_cumsum3A_1488 = tpu.scan <sum>, %add3A_1485 masked %broadcast_in_dim3A_1487 : vector<16xf32>, vector<16xi1> -> vector<16xf32>
      %add3A_1489 = arith.constant 9 : i32
      %add3A_1490 = arith.addi %mul3A_608, %add3A_1489 : i32
      %broadcast_in_dim3A_1491 = vector.broadcast %add3A_1490 : i32 to vector<16xi32>
      tpu.vector_store_idx %arg7[%broadcast_in_dim3A_1491], %masked_cumsum3A_1488 masked %eq3A_22 : memref<512xf32, #tpu.memory_space<vmem>>[vector<16xi32>], vector<16xf32>, vector<16xi1>
      %lt3A_1492 = arith.constant 31 : i32
      %lt3A_1493 = arith.cmpi slt, %add3A_606, %lt3A_1492 : i32
      %convert_element_type3A_1494 = arith.extui %lt3A_1493 : i1 to i32
      %cond3A_1495 = arith.constant 0 : i32
      %cond3A_1496 = arith.cmpi ne, %convert_element_type3A_1494, %cond3A_1495 : i32
      scf.if %cond3A_1496 {
        %add3A_1935 = arith.constant 16 : i32
        %add3A_1936 = arith.addi %mul3A_608, %add3A_1935 : i32
        %get3A_1937 = arith.index_cast %add3A_1936 : i32 to index
        %get3A_1938 = tpu.vector_load %arg8[%get3A_1937] {strides = array<i32>} : memref<512xi32, #tpu.memory_space<vmem>>, vector<16xi32>,
        %add3A_1939 = arith.constant 16 : i32
        %add3A_1940 = arith.addi %mul3A_608, %add3A_1939 : i32
        %get3A_1941 = arith.index_cast %add3A_1940 : i32 to index
        %get3A_1942 = tpu.vector_load %arg9[%get3A_1941] {strides = array<i32>} : memref<512xi32, #tpu.memory_space<vmem>>, vector<16xi32>,
        %slice3A_1943 = vector.extract_strided_slice %get3A_1938 {offsets = [5], sizes = [1], strides = [1]} : vector<16xi32> to vector<1xi32>
        %squeeze3A_1944 = vector.extract %slice3A_1943[0] : i32 from vector<1xi32>
        %slice3A_1945 = vector.extract_strided_slice %get3A_1942 {offsets = [5], sizes = [1], strides = [1]} : vector<16xi32> to vector<1xi32>
        %squeeze3A_1946 = vector.extract %slice3A_1945[0] : i32 from vector<1xi32>
        %shift_right_arithmetic3A_1947 = arith.constant 7 : i32
        %shift_right_arithmetic3A_1948 = arith.shrsi %squeeze3A_1944, %shift_right_arithmetic3A_1947 : i32
        %mul3A_1949 = arith.constant 128 : i32
        %mul3A_1950 = arith.muli %shift_right_arithmetic3A_1948, %mul3A_1949 : i32
        %multiple_of3A_1951 = tpu.assume_multiple %mul3A_1950, 128 : i32
        %shift_right_arithmetic3A_1952 = arith.constant 7 : i32
        %shift_right_arithmetic3A_1953 = arith.shrsi %squeeze3A_1946, %shift_right_arithmetic3A_1952 : i32
        %mul3A_1954 = arith.constant 128 : i32
        %mul3A_1955 = arith.muli %shift_right_arithmetic3A_1953, %mul3A_1954 : i32
        %multiple_of3A_1956 = tpu.assume_multiple %mul3A_1955, 128 : i32
        %dma_start3A_1957 = arith.constant 0 : i32
        %dma_start3A_1958 = arith.constant 0 : i32
        %dma_start3A_1959 = arith.constant 0 : i32
        %dma_start3A_1960 = tpu.memref_slice %arg6[%rem3A_1427, %dma_start3A_1957, %dma_start3A_1958, %dma_start3A_1959] : memref<12x2x32x128xf32, #tpu.memory_space<vmem>> -> memref<1x1x32x128xf32, #tpu.memory_space<vmem>>
        %dma_start3A_1961 = tpu.memref_squeeze %dma_start3A_1960 : memref<1x1x32x128xf32, #tpu.memory_space<vmem>> -> memref<32x128xf32, #tpu.memory_space<vmem>>
        %dma_start3A_1962 = arith.constant 0 : i32
        %dma_start3A_1963 = tpu.memref_slice %arg2[%dma_start3A_1962, %multiple_of3A_1951] : memref<32x1000000xf32, #tpu.memory_space<hbm>> -> memref<32x128xf32, #tpu.memory_space<hbm>>
        %dma_start3A_1964 = tpu.memref_slice %arg11[%rem3A_1427] : memref<12x!tpu.dma_semaphore, #tpu.memory_space<semaphore_mem>> -> memref<1x!tpu.dma_semaphore, #tpu.memory_space<semaphore_mem>>
        %dma_start3A_1965 = tpu.memref_squeeze %dma_start3A_1964 : memref<1x!tpu.dma_semaphore, #tpu.memory_space<semaphore_mem>> -> memref<!tpu.dma_semaphore, #tpu.memory_space<semaphore_mem>>
        %dma_start3A_1966 = arith.constant 0 : i32
        %dma_start3A_1967 = arith.constant 0 : i32
        %dma_start3A_1968 = tpu.memref_slice %arg6[%rem3A_1427, %dma_start3A_1957, %dma_start3A_1966, %dma_start3A_1967] : memref<12x2x32x128xf32, #tpu.memory_space<vmem>> -> memref<1x1x32x128xf32, #tpu.memory_space<vmem>>
        %dma_start3A_1969 = tpu.memref_squeeze %dma_start3A_1968 : memref<1x1x32x128xf32, #tpu.memory_space<vmem>> -> memref<32x128xf32, #tpu.memory_space<vmem>>
        %dma_start3A_1970 = arith.constant 0 : i32
        %dma_start3A_1971 = tpu.memref_slice %arg2[%dma_start3A_1970, %multiple_of3A_1951] : memref<32x1000000xf32, #tpu.memory_space<hbm>> -> memref<32x128xf32, #tpu.memory_space<hbm>>
        tpu.enqueue_dma source(%dma_start3A_1971 : memref<32x128xf32, #tpu.memory_space<hbm>>) target(%dma_start3A_1969 : memref<32x128xf32, #tpu.memory_space<vmem>>) target_semaphore(%dma_start3A_1965 : memref<!tpu.dma_semaphore, #tpu.memory_space<semaphore_mem>>)
        %dma_start3A_1972 = arith.constant 1 : i32
        %dma_start3A_1973 = arith.constant 0 : i32
        %dma_start3A_1974 = arith.constant 0 : i32
        %dma_start3A_1975 = tpu.memref_slice %arg6[%rem3A_1427, %dma_start3A_1972, %dma_start3A_1973, %dma_start3A_1974] : memref<12x2x32x128xf32, #tpu.memory_space<vmem>> -> memref<1x1x32x128xf32, #tpu.memory_space<vmem>>
        %dma_start3A_1976 = tpu.memref_squeeze %dma_start3A_1975 : memref<1x1x32x128xf32, #tpu.memory_space<vmem>> -> memref<32x128xf32, #tpu.memory_space<vmem>>
        %dma_start3A_1977 = arith.constant 0 : i32
        %dma_start3A_1978 = tpu.memref_slice %arg3[%dma_start3A_1977, %multiple_of3A_1956] : memref<32x1000000xf32, #tpu.memory_space<hbm>> -> memref<32x128xf32, #tpu.memory_space<hbm>>
        %dma_start3A_1979 = tpu.memref_slice %arg11[%rem3A_1427] : memref<12x!tpu.dma_semaphore, #tpu.memory_space<semaphore_mem>> -> memref<1x!tpu.dma_semaphore, #tpu.memory_space<semaphore_mem>>
        %dma_start3A_1980 = tpu.memref_squeeze %dma_start3A_1979 : memref<1x!tpu.dma_semaphore, #tpu.memory_space<semaphore_mem>> -> memref<!tpu.dma_semaphore, #tpu.memory_space<semaphore_mem>>
        %dma_start3A_1981 = arith.constant 0 : i32
        %dma_start3A_1982 = arith.constant 0 : i32
        %dma_start3A_1983 = tpu.memref_slice %arg6[%rem3A_1427, %dma_start3A_1972, %dma_start3A_1981, %dma_start3A_1982] : memref<12x2x32x128xf32, #tpu.memory_space<vmem>> -> memref<1x1x32x128xf32, #tpu.memory_space<vmem>>
        %dma_start3A_1984 = tpu.memref_squeeze %dma_start3A_1983 : memref<1x1x32x128xf32, #tpu.memory_space<vmem>> -> memref<32x128xf32, #tpu.memory_space<vmem>>
        %dma_start3A_1985 = arith.constant 0 : i32
        %dma_start3A_1986 = tpu.memref_slice %arg3[%dma_start3A_1985, %multiple_of3A_1956] : memref<32x1000000xf32, #tpu.memory_space<hbm>> -> memref<32x128xf32, #tpu.memory_space<hbm>>
        tpu.enqueue_dma source(%dma_start3A_1986 : memref<32x128xf32, #tpu.memory_space<hbm>>) target(%dma_start3A_1984 : memref<32x128xf32, #tpu.memory_space<vmem>>) target_semaphore(%dma_start3A_1980 : memref<!tpu.dma_semaphore, #tpu.memory_space<semaphore_mem>>)
      } else {
      }
      %add3A_1497 = arith.constant 10 : i32
      %add3A_1498 = arith.addi %mul3A_608, %add3A_1497 : i32
      %rem3A_1499 = arith.constant 12 : i32
      %rem3A_1500 = arith.remsi %add3A_1498, %rem3A_1499 : i32
      %dma_wait3A_1501 = arith.constant 0 : i32
      %dma_wait3A_1502 = arith.constant 0 : i32
      %dma_wait3A_1503 = arith.constant 0 : i32
      %dma_wait3A_1504 = tpu.memref_slice %arg6[%rem3A_1500, %dma_wait3A_1501, %dma_wait3A_1502, %dma_wait3A_1503] : memref<12x2x32x128xf32, #tpu.memory_space<vmem>> -> memref<1x1x32x128xf32, #tpu.memory_space<vmem>>
      %dma_wait3A_1505 = tpu.memref_squeeze %dma_wait3A_1504 : memref<1x1x32x128xf32, #tpu.memory_space<vmem>> -> memref<32x128xf32, #tpu.memory_space<vmem>>
      %dma_wait3A_1506 = arith.constant 0 : i32
      %dma_wait3A_1507 = arith.constant 0 : i32
      %dma_wait3A_1508 = tpu.memref_slice %arg2[%dma_wait3A_1506, %dma_wait3A_1507] : memref<32x1000000xf32, #tpu.memory_space<hbm>> -> memref<32x128xf32, #tpu.memory_space<hbm>>
      %dma_wait3A_1509 = tpu.memref_slice %arg11[%rem3A_1500] : memref<12x!tpu.dma_semaphore, #tpu.memory_space<semaphore_mem>> -> memref<1x!tpu.dma_semaphore, #tpu.memory_space<semaphore_mem>>
      %dma_wait3A_1510 = tpu.memref_squeeze %dma_wait3A_1509 : memref<1x!tpu.dma_semaphore, #tpu.memory_space<semaphore_mem>> -> memref<!tpu.dma_semaphore, #tpu.memory_space<semaphore_mem>>
      %dma_wait3A_1511 = arith.constant 0 : i32
      %dma_wait3A_1512 = arith.constant 0 : i32
      %dma_wait3A_1513 = tpu.memref_slice %arg6[%rem3A_1500, %dma_wait3A_1501, %dma_wait3A_1511, %dma_wait3A_1512] : memref<12x2x32x128xf32, #tpu.memory_space<vmem>> -> memref<1x1x32x128xf32, #tpu.memory_space<vmem>>
      %dma_wait3A_1514 = tpu.memref_squeeze %dma_wait3A_1513 : memref<1x1x32x128xf32, #tpu.memory_space<vmem>> -> memref<32x128xf32, #tpu.memory_space<vmem>>
      %dma_wait3A_1515 = arith.constant 0 : i32
      %dma_wait3A_1516 = arith.constant 0 : i32
      %dma_wait3A_1517 = tpu.memref_slice %arg2[%dma_wait3A_1515, %dma_wait3A_1516] : memref<32x1000000xf32, #tpu.memory_space<hbm>> -> memref<32x128xf32, #tpu.memory_space<hbm>>
      tpu.wait_dma2 semaphore(%dma_wait3A_1510 : memref<!tpu.dma_semaphore, #tpu.memory_space<semaphore_mem>>) src(%dma_wait3A_1517 : memref<32x128xf32, #tpu.memory_space<hbm>>) dst(%dma_wait3A_1514 : memref<32x128xf32, #tpu.memory_space<vmem>>)
      %dma_wait3A_1518 = arith.constant 1 : i32
      %dma_wait3A_1519 = arith.constant 0 : i32
      %dma_wait3A_1520 = arith.constant 0 : i32
      %dma_wait3A_1521 = tpu.memref_slice %arg6[%rem3A_1500, %dma_wait3A_1518, %dma_wait3A_1519, %dma_wait3A_1520] : memref<12x2x32x128xf32, #tpu.memory_space<vmem>> -> memref<1x1x32x128xf32, #tpu.memory_space<vmem>>
      %dma_wait3A_1522 = tpu.memref_squeeze %dma_wait3A_1521 : memref<1x1x32x128xf32, #tpu.memory_space<vmem>> -> memref<32x128xf32, #tpu.memory_space<vmem>>
      %dma_wait3A_1523 = arith.constant 0 : i32
      %dma_wait3A_1524 = arith.constant 0 : i32
      %dma_wait3A_1525 = tpu.memref_slice %arg3[%dma_wait3A_1523, %dma_wait3A_1524] : memref<32x1000000xf32, #tpu.memory_space<hbm>> -> memref<32x128xf32, #tpu.memory_space<hbm>>
      %dma_wait3A_1526 = tpu.memref_slice %arg11[%rem3A_1500] : memref<12x!tpu.dma_semaphore, #tpu.memory_space<semaphore_mem>> -> memref<1x!tpu.dma_semaphore, #tpu.memory_space<semaphore_mem>>
      %dma_wait3A_1527 = tpu.memref_squeeze %dma_wait3A_1526 : memref<1x!tpu.dma_semaphore, #tpu.memory_space<semaphore_mem>> -> memref<!tpu.dma_semaphore, #tpu.memory_space<semaphore_mem>>
      %dma_wait3A_1528 = arith.constant 0 : i32
      %dma_wait3A_1529 = arith.constant 0 : i32
      %dma_wait3A_1530 = tpu.memref_slice %arg6[%rem3A_1500, %dma_wait3A_1518, %dma_wait3A_1528, %dma_wait3A_1529] : memref<12x2x32x128xf32, #tpu.memory_space<vmem>> -> memref<1x1x32x128xf32, #tpu.memory_space<vmem>>
      %dma_wait3A_1531 = tpu.memref_squeeze %dma_wait3A_1530 : memref<1x1x32x128xf32, #tpu.memory_space<vmem>> -> memref<32x128xf32, #tpu.memory_space<vmem>>
      %dma_wait3A_1532 = arith.constant 0 : i32
      %dma_wait3A_1533 = arith.constant 0 : i32
      %dma_wait3A_1534 = tpu.memref_slice %arg3[%dma_wait3A_1532, %dma_wait3A_1533] : memref<32x1000000xf32, #tpu.memory_space<hbm>> -> memref<32x128xf32, #tpu.memory_space<hbm>>
      tpu.wait_dma2 semaphore(%dma_wait3A_1527 : memref<!tpu.dma_semaphore, #tpu.memory_space<semaphore_mem>>) src(%dma_wait3A_1534 : memref<32x128xf32, #tpu.memory_space<hbm>>) dst(%dma_wait3A_1531 : memref<32x128xf32, #tpu.memory_space<vmem>>)
      %broadcast_in_dim3A_1535 = vector.broadcast %rem3A_1500 : i32 to vector<16xi32>
      %slice3A_1536 = vector.extract_strided_slice %and3A_614 {offsets = [10], sizes = [1], strides = [1]} : vector<16xi32> to vector<1xi32>
      %squeeze3A_1537 = vector.extract %slice3A_1536[0] : i32 from vector<1xi32>
      %broadcast_in_dim3A_1538 = vector.broadcast %squeeze3A_1537 : i32 to vector<16xi32>
      %slice3A_1539 = vector.extract_strided_slice %and3A_617 {offsets = [10], sizes = [1], strides = [1]} : vector<16xi32> to vector<1xi32>
      %squeeze3A_1540 = vector.extract %slice3A_1539[0] : i32 from vector<1xi32>
      %broadcast_in_dim3A_1541 = vector.broadcast %squeeze3A_1540 : i32 to vector<16xi32>
      %broadcast_in_dim3A_1542 = arith.constant 0 : i32
      %broadcast_in_dim3A_1543 = vector.broadcast %broadcast_in_dim3A_1542 : i32 to vector<16xi32>
      %broadcast_in_dim3A_1544 = arith.constant 1 : i32
      %broadcast_in_dim3A_1545 = vector.broadcast %broadcast_in_dim3A_1544 : i32 to vector<16xi32>
      %gather3A_1546 = tpu.vector_load_idx %arg6[%broadcast_in_dim3A_1535, %broadcast_in_dim3A_1543, %iota3A, %broadcast_in_dim3A_1538] : memref<12x2x32x128xf32, #tpu.memory_space<vmem>>[vector<16xi32>, vector<16xi32>, vector<16xi32>, vector<16xi32>], vector<16xf32>,
      %add3A_1547 = arith.constant 16 : i32
      %add3A_1548 = vector.broadcast %add3A_1547 : i32 to vector<16xi32>
      %add3A_1549 = arith.addi %iota3A, %add3A_1548 : vector<16xi32>
      %gather3A_1550 = tpu.vector_load_idx %arg6[%broadcast_in_dim3A_1535, %broadcast_in_dim3A_1543, %add3A_1549, %broadcast_in_dim3A_1538] : memref<12x2x32x128xf32, #tpu.memory_space<vmem>>[vector<16xi32>, vector<16xi32>, vector<16xi32>, vector<16xi32>], vector<16xf32>,
      %gather3A_1551 = tpu.vector_load_idx %arg6[%broadcast_in_dim3A_1535, %broadcast_in_dim3A_1545, %iota3A, %broadcast_in_dim3A_1541] : memref<12x2x32x128xf32, #tpu.memory_space<vmem>>[vector<16xi32>, vector<16xi32>, vector<16xi32>, vector<16xi32>], vector<16xf32>,
      %add3A_1552 = arith.constant 16 : i32
      %add3A_1553 = vector.broadcast %add3A_1552 : i32 to vector<16xi32>
      %add3A_1554 = arith.addi %iota3A, %add3A_1553 : vector<16xi32>
      %gather3A_1555 = tpu.vector_load_idx %arg6[%broadcast_in_dim3A_1535, %broadcast_in_dim3A_1545, %add3A_1554, %broadcast_in_dim3A_1541] : memref<12x2x32x128xf32, #tpu.memory_space<vmem>>[vector<16xi32>, vector<16xi32>, vector<16xi32>, vector<16xi32>], vector<16xf32>,
      %mul3A_1556 = arith.mulf %gather3A_1546, %gather3A_1551 : vector<16xf32>
      %mul3A_1557 = arith.mulf %gather3A_1550, %gather3A_1555 : vector<16xf32>
      %add3A_1558 = arith.addf %mul3A_1556, %mul3A_1557 : vector<16xf32>
      %broadcast_in_dim3A_1559 = arith.constant true
      %broadcast_in_dim3A_1560 = vector.broadcast %broadcast_in_dim3A_1559 : i1 to vector<16xi1>
      %masked_cumsum3A_1561 = tpu.scan <sum>, %add3A_1558 masked %broadcast_in_dim3A_1560 : vector<16xf32>, vector<16xi1> -> vector<16xf32>
      %add3A_1562 = arith.constant 10 : i32
      %add3A_1563 = arith.addi %mul3A_608, %add3A_1562 : i32
      %broadcast_in_dim3A_1564 = vector.broadcast %add3A_1563 : i32 to vector<16xi32>
      tpu.vector_store_idx %arg7[%broadcast_in_dim3A_1564], %masked_cumsum3A_1561 masked %eq3A_22 : memref<512xf32, #tpu.memory_space<vmem>>[vector<16xi32>], vector<16xf32>, vector<16xi1>
      %lt3A_1565 = arith.constant 31 : i32
      %lt3A_1566 = arith.cmpi slt, %add3A_606, %lt3A_1565 : i32
      %convert_element_type3A_1567 = arith.extui %lt3A_1566 : i1 to i32
      %cond3A_1568 = arith.constant 0 : i32
      %cond3A_1569 = arith.cmpi ne, %convert_element_type3A_1567, %cond3A_1568 : i32
      scf.if %cond3A_1569 {
        %add3A_1935 = arith.constant 16 : i32
        %add3A_1936 = arith.addi %mul3A_608, %add3A_1935 : i32
        %get3A_1937 = arith.index_cast %add3A_1936 : i32 to index
        %get3A_1938 = tpu.vector_load %arg8[%get3A_1937] {strides = array<i32>} : memref<512xi32, #tpu.memory_space<vmem>>, vector<16xi32>,
        %add3A_1939 = arith.constant 16 : i32
        %add3A_1940 = arith.addi %mul3A_608, %add3A_1939 : i32
        %get3A_1941 = arith.index_cast %add3A_1940 : i32 to index
        %get3A_1942 = tpu.vector_load %arg9[%get3A_1941] {strides = array<i32>} : memref<512xi32, #tpu.memory_space<vmem>>, vector<16xi32>,
        %slice3A_1943 = vector.extract_strided_slice %get3A_1938 {offsets = [6], sizes = [1], strides = [1]} : vector<16xi32> to vector<1xi32>
        %squeeze3A_1944 = vector.extract %slice3A_1943[0] : i32 from vector<1xi32>
        %slice3A_1945 = vector.extract_strided_slice %get3A_1942 {offsets = [6], sizes = [1], strides = [1]} : vector<16xi32> to vector<1xi32>
        %squeeze3A_1946 = vector.extract %slice3A_1945[0] : i32 from vector<1xi32>
        %shift_right_arithmetic3A_1947 = arith.constant 7 : i32
        %shift_right_arithmetic3A_1948 = arith.shrsi %squeeze3A_1944, %shift_right_arithmetic3A_1947 : i32
        %mul3A_1949 = arith.constant 128 : i32
        %mul3A_1950 = arith.muli %shift_right_arithmetic3A_1948, %mul3A_1949 : i32
        %multiple_of3A_1951 = tpu.assume_multiple %mul3A_1950, 128 : i32
        %shift_right_arithmetic3A_1952 = arith.constant 7 : i32
        %shift_right_arithmetic3A_1953 = arith.shrsi %squeeze3A_1946, %shift_right_arithmetic3A_1952 : i32
        %mul3A_1954 = arith.constant 128 : i32
        %mul3A_1955 = arith.muli %shift_right_arithmetic3A_1953, %mul3A_1954 : i32
        %multiple_of3A_1956 = tpu.assume_multiple %mul3A_1955, 128 : i32
        %dma_start3A_1957 = arith.constant 0 : i32
        %dma_start3A_1958 = arith.constant 0 : i32
        %dma_start3A_1959 = arith.constant 0 : i32
        %dma_start3A_1960 = tpu.memref_slice %arg6[%rem3A_1500, %dma_start3A_1957, %dma_start3A_1958, %dma_start3A_1959] : memref<12x2x32x128xf32, #tpu.memory_space<vmem>> -> memref<1x1x32x128xf32, #tpu.memory_space<vmem>>
        %dma_start3A_1961 = tpu.memref_squeeze %dma_start3A_1960 : memref<1x1x32x128xf32, #tpu.memory_space<vmem>> -> memref<32x128xf32, #tpu.memory_space<vmem>>
        %dma_start3A_1962 = arith.constant 0 : i32
        %dma_start3A_1963 = tpu.memref_slice %arg2[%dma_start3A_1962, %multiple_of3A_1951] : memref<32x1000000xf32, #tpu.memory_space<hbm>> -> memref<32x128xf32, #tpu.memory_space<hbm>>
        %dma_start3A_1964 = tpu.memref_slice %arg11[%rem3A_1500] : memref<12x!tpu.dma_semaphore, #tpu.memory_space<semaphore_mem>> -> memref<1x!tpu.dma_semaphore, #tpu.memory_space<semaphore_mem>>
        %dma_start3A_1965 = tpu.memref_squeeze %dma_start3A_1964 : memref<1x!tpu.dma_semaphore, #tpu.memory_space<semaphore_mem>> -> memref<!tpu.dma_semaphore, #tpu.memory_space<semaphore_mem>>
        %dma_start3A_1966 = arith.constant 0 : i32
        %dma_start3A_1967 = arith.constant 0 : i32
        %dma_start3A_1968 = tpu.memref_slice %arg6[%rem3A_1500, %dma_start3A_1957, %dma_start3A_1966, %dma_start3A_1967] : memref<12x2x32x128xf32, #tpu.memory_space<vmem>> -> memref<1x1x32x128xf32, #tpu.memory_space<vmem>>
        %dma_start3A_1969 = tpu.memref_squeeze %dma_start3A_1968 : memref<1x1x32x128xf32, #tpu.memory_space<vmem>> -> memref<32x128xf32, #tpu.memory_space<vmem>>
        %dma_start3A_1970 = arith.constant 0 : i32
        %dma_start3A_1971 = tpu.memref_slice %arg2[%dma_start3A_1970, %multiple_of3A_1951] : memref<32x1000000xf32, #tpu.memory_space<hbm>> -> memref<32x128xf32, #tpu.memory_space<hbm>>
        tpu.enqueue_dma source(%dma_start3A_1971 : memref<32x128xf32, #tpu.memory_space<hbm>>) target(%dma_start3A_1969 : memref<32x128xf32, #tpu.memory_space<vmem>>) target_semaphore(%dma_start3A_1965 : memref<!tpu.dma_semaphore, #tpu.memory_space<semaphore_mem>>)
        %dma_start3A_1972 = arith.constant 1 : i32
        %dma_start3A_1973 = arith.constant 0 : i32
        %dma_start3A_1974 = arith.constant 0 : i32
        %dma_start3A_1975 = tpu.memref_slice %arg6[%rem3A_1500, %dma_start3A_1972, %dma_start3A_1973, %dma_start3A_1974] : memref<12x2x32x128xf32, #tpu.memory_space<vmem>> -> memref<1x1x32x128xf32, #tpu.memory_space<vmem>>
        %dma_start3A_1976 = tpu.memref_squeeze %dma_start3A_1975 : memref<1x1x32x128xf32, #tpu.memory_space<vmem>> -> memref<32x128xf32, #tpu.memory_space<vmem>>
        %dma_start3A_1977 = arith.constant 0 : i32
        %dma_start3A_1978 = tpu.memref_slice %arg3[%dma_start3A_1977, %multiple_of3A_1956] : memref<32x1000000xf32, #tpu.memory_space<hbm>> -> memref<32x128xf32, #tpu.memory_space<hbm>>
        %dma_start3A_1979 = tpu.memref_slice %arg11[%rem3A_1500] : memref<12x!tpu.dma_semaphore, #tpu.memory_space<semaphore_mem>> -> memref<1x!tpu.dma_semaphore, #tpu.memory_space<semaphore_mem>>
        %dma_start3A_1980 = tpu.memref_squeeze %dma_start3A_1979 : memref<1x!tpu.dma_semaphore, #tpu.memory_space<semaphore_mem>> -> memref<!tpu.dma_semaphore, #tpu.memory_space<semaphore_mem>>
        %dma_start3A_1981 = arith.constant 0 : i32
        %dma_start3A_1982 = arith.constant 0 : i32
        %dma_start3A_1983 = tpu.memref_slice %arg6[%rem3A_1500, %dma_start3A_1972, %dma_start3A_1981, %dma_start3A_1982] : memref<12x2x32x128xf32, #tpu.memory_space<vmem>> -> memref<1x1x32x128xf32, #tpu.memory_space<vmem>>
        %dma_start3A_1984 = tpu.memref_squeeze %dma_start3A_1983 : memref<1x1x32x128xf32, #tpu.memory_space<vmem>> -> memref<32x128xf32, #tpu.memory_space<vmem>>
        %dma_start3A_1985 = arith.constant 0 : i32
        %dma_start3A_1986 = tpu.memref_slice %arg3[%dma_start3A_1985, %multiple_of3A_1956] : memref<32x1000000xf32, #tpu.memory_space<hbm>> -> memref<32x128xf32, #tpu.memory_space<hbm>>
        tpu.enqueue_dma source(%dma_start3A_1986 : memref<32x128xf32, #tpu.memory_space<hbm>>) target(%dma_start3A_1984 : memref<32x128xf32, #tpu.memory_space<vmem>>) target_semaphore(%dma_start3A_1980 : memref<!tpu.dma_semaphore, #tpu.memory_space<semaphore_mem>>)
      } else {
      }
      %add3A_1570 = arith.constant 11 : i32
      %add3A_1571 = arith.addi %mul3A_608, %add3A_1570 : i32
      %rem3A_1572 = arith.constant 12 : i32
      %rem3A_1573 = arith.remsi %add3A_1571, %rem3A_1572 : i32
      %dma_wait3A_1574 = arith.constant 0 : i32
      %dma_wait3A_1575 = arith.constant 0 : i32
      %dma_wait3A_1576 = arith.constant 0 : i32
      %dma_wait3A_1577 = tpu.memref_slice %arg6[%rem3A_1573, %dma_wait3A_1574, %dma_wait3A_1575, %dma_wait3A_1576] : memref<12x2x32x128xf32, #tpu.memory_space<vmem>> -> memref<1x1x32x128xf32, #tpu.memory_space<vmem>>
      %dma_wait3A_1578 = tpu.memref_squeeze %dma_wait3A_1577 : memref<1x1x32x128xf32, #tpu.memory_space<vmem>> -> memref<32x128xf32, #tpu.memory_space<vmem>>
      %dma_wait3A_1579 = arith.constant 0 : i32
      %dma_wait3A_1580 = arith.constant 0 : i32
      %dma_wait3A_1581 = tpu.memref_slice %arg2[%dma_wait3A_1579, %dma_wait3A_1580] : memref<32x1000000xf32, #tpu.memory_space<hbm>> -> memref<32x128xf32, #tpu.memory_space<hbm>>
      %dma_wait3A_1582 = tpu.memref_slice %arg11[%rem3A_1573] : memref<12x!tpu.dma_semaphore, #tpu.memory_space<semaphore_mem>> -> memref<1x!tpu.dma_semaphore, #tpu.memory_space<semaphore_mem>>
      %dma_wait3A_1583 = tpu.memref_squeeze %dma_wait3A_1582 : memref<1x!tpu.dma_semaphore, #tpu.memory_space<semaphore_mem>> -> memref<!tpu.dma_semaphore, #tpu.memory_space<semaphore_mem>>
      %dma_wait3A_1584 = arith.constant 0 : i32
      %dma_wait3A_1585 = arith.constant 0 : i32
      %dma_wait3A_1586 = tpu.memref_slice %arg6[%rem3A_1573, %dma_wait3A_1574, %dma_wait3A_1584, %dma_wait3A_1585] : memref<12x2x32x128xf32, #tpu.memory_space<vmem>> -> memref<1x1x32x128xf32, #tpu.memory_space<vmem>>
      %dma_wait3A_1587 = tpu.memref_squeeze %dma_wait3A_1586 : memref<1x1x32x128xf32, #tpu.memory_space<vmem>> -> memref<32x128xf32, #tpu.memory_space<vmem>>
      %dma_wait3A_1588 = arith.constant 0 : i32
      %dma_wait3A_1589 = arith.constant 0 : i32
      %dma_wait3A_1590 = tpu.memref_slice %arg2[%dma_wait3A_1588, %dma_wait3A_1589] : memref<32x1000000xf32, #tpu.memory_space<hbm>> -> memref<32x128xf32, #tpu.memory_space<hbm>>
      tpu.wait_dma2 semaphore(%dma_wait3A_1583 : memref<!tpu.dma_semaphore, #tpu.memory_space<semaphore_mem>>) src(%dma_wait3A_1590 : memref<32x128xf32, #tpu.memory_space<hbm>>) dst(%dma_wait3A_1587 : memref<32x128xf32, #tpu.memory_space<vmem>>)
      %dma_wait3A_1591 = arith.constant 1 : i32
      %dma_wait3A_1592 = arith.constant 0 : i32
      %dma_wait3A_1593 = arith.constant 0 : i32
      %dma_wait3A_1594 = tpu.memref_slice %arg6[%rem3A_1573, %dma_wait3A_1591, %dma_wait3A_1592, %dma_wait3A_1593] : memref<12x2x32x128xf32, #tpu.memory_space<vmem>> -> memref<1x1x32x128xf32, #tpu.memory_space<vmem>>
      %dma_wait3A_1595 = tpu.memref_squeeze %dma_wait3A_1594 : memref<1x1x32x128xf32, #tpu.memory_space<vmem>> -> memref<32x128xf32, #tpu.memory_space<vmem>>
      %dma_wait3A_1596 = arith.constant 0 : i32
      %dma_wait3A_1597 = arith.constant 0 : i32
      %dma_wait3A_1598 = tpu.memref_slice %arg3[%dma_wait3A_1596, %dma_wait3A_1597] : memref<32x1000000xf32, #tpu.memory_space<hbm>> -> memref<32x128xf32, #tpu.memory_space<hbm>>
      %dma_wait3A_1599 = tpu.memref_slice %arg11[%rem3A_1573] : memref<12x!tpu.dma_semaphore, #tpu.memory_space<semaphore_mem>> -> memref<1x!tpu.dma_semaphore, #tpu.memory_space<semaphore_mem>>
      %dma_wait3A_1600 = tpu.memref_squeeze %dma_wait3A_1599 : memref<1x!tpu.dma_semaphore, #tpu.memory_space<semaphore_mem>> -> memref<!tpu.dma_semaphore, #tpu.memory_space<semaphore_mem>>
      %dma_wait3A_1601 = arith.constant 0 : i32
      %dma_wait3A_1602 = arith.constant 0 : i32
      %dma_wait3A_1603 = tpu.memref_slice %arg6[%rem3A_1573, %dma_wait3A_1591, %dma_wait3A_1601, %dma_wait3A_1602] : memref<12x2x32x128xf32, #tpu.memory_space<vmem>> -> memref<1x1x32x128xf32, #tpu.memory_space<vmem>>
      %dma_wait3A_1604 = tpu.memref_squeeze %dma_wait3A_1603 : memref<1x1x32x128xf32, #tpu.memory_space<vmem>> -> memref<32x128xf32, #tpu.memory_space<vmem>>
      %dma_wait3A_1605 = arith.constant 0 : i32
      %dma_wait3A_1606 = arith.constant 0 : i32
      %dma_wait3A_1607 = tpu.memref_slice %arg3[%dma_wait3A_1605, %dma_wait3A_1606] : memref<32x1000000xf32, #tpu.memory_space<hbm>> -> memref<32x128xf32, #tpu.memory_space<hbm>>
      tpu.wait_dma2 semaphore(%dma_wait3A_1600 : memref<!tpu.dma_semaphore, #tpu.memory_space<semaphore_mem>>) src(%dma_wait3A_1607 : memref<32x128xf32, #tpu.memory_space<hbm>>) dst(%dma_wait3A_1604 : memref<32x128xf32, #tpu.memory_space<vmem>>)
      %broadcast_in_dim3A_1608 = vector.broadcast %rem3A_1573 : i32 to vector<16xi32>
      %slice3A_1609 = vector.extract_strided_slice %and3A_614 {offsets = [11], sizes = [1], strides = [1]} : vector<16xi32> to vector<1xi32>
      %squeeze3A_1610 = vector.extract %slice3A_1609[0] : i32 from vector<1xi32>
      %broadcast_in_dim3A_1611 = vector.broadcast %squeeze3A_1610 : i32 to vector<16xi32>
      %slice3A_1612 = vector.extract_strided_slice %and3A_617 {offsets = [11], sizes = [1], strides = [1]} : vector<16xi32> to vector<1xi32>
      %squeeze3A_1613 = vector.extract %slice3A_1612[0] : i32 from vector<1xi32>
      %broadcast_in_dim3A_1614 = vector.broadcast %squeeze3A_1613 : i32 to vector<16xi32>
      %broadcast_in_dim3A_1615 = arith.constant 0 : i32
      %broadcast_in_dim3A_1616 = vector.broadcast %broadcast_in_dim3A_1615 : i32 to vector<16xi32>
      %broadcast_in_dim3A_1617 = arith.constant 1 : i32
      %broadcast_in_dim3A_1618 = vector.broadcast %broadcast_in_dim3A_1617 : i32 to vector<16xi32>
      %gather3A_1619 = tpu.vector_load_idx %arg6[%broadcast_in_dim3A_1608, %broadcast_in_dim3A_1616, %iota3A, %broadcast_in_dim3A_1611] : memref<12x2x32x128xf32, #tpu.memory_space<vmem>>[vector<16xi32>, vector<16xi32>, vector<16xi32>, vector<16xi32>], vector<16xf32>,
      %add3A_1620 = arith.constant 16 : i32
      %add3A_1621 = vector.broadcast %add3A_1620 : i32 to vector<16xi32>
      %add3A_1622 = arith.addi %iota3A, %add3A_1621 : vector<16xi32>
      %gather3A_1623 = tpu.vector_load_idx %arg6[%broadcast_in_dim3A_1608, %broadcast_in_dim3A_1616, %add3A_1622, %broadcast_in_dim3A_1611] : memref<12x2x32x128xf32, #tpu.memory_space<vmem>>[vector<16xi32>, vector<16xi32>, vector<16xi32>, vector<16xi32>], vector<16xf32>,
      %gather3A_1624 = tpu.vector_load_idx %arg6[%broadcast_in_dim3A_1608, %broadcast_in_dim3A_1618, %iota3A, %broadcast_in_dim3A_1614] : memref<12x2x32x128xf32, #tpu.memory_space<vmem>>[vector<16xi32>, vector<16xi32>, vector<16xi32>, vector<16xi32>], vector<16xf32>,
      %add3A_1625 = arith.constant 16 : i32
      %add3A_1626 = vector.broadcast %add3A_1625 : i32 to vector<16xi32>
      %add3A_1627 = arith.addi %iota3A, %add3A_1626 : vector<16xi32>
      %gather3A_1628 = tpu.vector_load_idx %arg6[%broadcast_in_dim3A_1608, %broadcast_in_dim3A_1618, %add3A_1627, %broadcast_in_dim3A_1614] : memref<12x2x32x128xf32, #tpu.memory_space<vmem>>[vector<16xi32>, vector<16xi32>, vector<16xi32>, vector<16xi32>], vector<16xf32>,
      %mul3A_1629 = arith.mulf %gather3A_1619, %gather3A_1624 : vector<16xf32>
      %mul3A_1630 = arith.mulf %gather3A_1623, %gather3A_1628 : vector<16xf32>
      %add3A_1631 = arith.addf %mul3A_1629, %mul3A_1630 : vector<16xf32>
      %broadcast_in_dim3A_1632 = arith.constant true
      %broadcast_in_dim3A_1633 = vector.broadcast %broadcast_in_dim3A_1632 : i1 to vector<16xi1>
      %masked_cumsum3A_1634 = tpu.scan <sum>, %add3A_1631 masked %broadcast_in_dim3A_1633 : vector<16xf32>, vector<16xi1> -> vector<16xf32>
      %add3A_1635 = arith.constant 11 : i32
      %add3A_1636 = arith.addi %mul3A_608, %add3A_1635 : i32
      %broadcast_in_dim3A_1637 = vector.broadcast %add3A_1636 : i32 to vector<16xi32>
      tpu.vector_store_idx %arg7[%broadcast_in_dim3A_1637], %masked_cumsum3A_1634 masked %eq3A_22 : memref<512xf32, #tpu.memory_space<vmem>>[vector<16xi32>], vector<16xf32>, vector<16xi1>
      %lt3A_1638 = arith.constant 31 : i32
      %lt3A_1639 = arith.cmpi slt, %add3A_606, %lt3A_1638 : i32
      %convert_element_type3A_1640 = arith.extui %lt3A_1639 : i1 to i32
      %cond3A_1641 = arith.constant 0 : i32
      %cond3A_1642 = arith.cmpi ne, %convert_element_type3A_1640, %cond3A_1641 : i32
      scf.if %cond3A_1642 {
        %add3A_1935 = arith.constant 16 : i32
        %add3A_1936 = arith.addi %mul3A_608, %add3A_1935 : i32
        %get3A_1937 = arith.index_cast %add3A_1936 : i32 to index
        %get3A_1938 = tpu.vector_load %arg8[%get3A_1937] {strides = array<i32>} : memref<512xi32, #tpu.memory_space<vmem>>, vector<16xi32>,
        %add3A_1939 = arith.constant 16 : i32
        %add3A_1940 = arith.addi %mul3A_608, %add3A_1939 : i32
        %get3A_1941 = arith.index_cast %add3A_1940 : i32 to index
        %get3A_1942 = tpu.vector_load %arg9[%get3A_1941] {strides = array<i32>} : memref<512xi32, #tpu.memory_space<vmem>>, vector<16xi32>,
        %slice3A_1943 = vector.extract_strided_slice %get3A_1938 {offsets = [7], sizes = [1], strides = [1]} : vector<16xi32> to vector<1xi32>
        %squeeze3A_1944 = vector.extract %slice3A_1943[0] : i32 from vector<1xi32>
        %slice3A_1945 = vector.extract_strided_slice %get3A_1942 {offsets = [7], sizes = [1], strides = [1]} : vector<16xi32> to vector<1xi32>
        %squeeze3A_1946 = vector.extract %slice3A_1945[0] : i32 from vector<1xi32>
        %shift_right_arithmetic3A_1947 = arith.constant 7 : i32
        %shift_right_arithmetic3A_1948 = arith.shrsi %squeeze3A_1944, %shift_right_arithmetic3A_1947 : i32
        %mul3A_1949 = arith.constant 128 : i32
        %mul3A_1950 = arith.muli %shift_right_arithmetic3A_1948, %mul3A_1949 : i32
        %multiple_of3A_1951 = tpu.assume_multiple %mul3A_1950, 128 : i32
        %shift_right_arithmetic3A_1952 = arith.constant 7 : i32
        %shift_right_arithmetic3A_1953 = arith.shrsi %squeeze3A_1946, %shift_right_arithmetic3A_1952 : i32
        %mul3A_1954 = arith.constant 128 : i32
        %mul3A_1955 = arith.muli %shift_right_arithmetic3A_1953, %mul3A_1954 : i32
        %multiple_of3A_1956 = tpu.assume_multiple %mul3A_1955, 128 : i32
        %dma_start3A_1957 = arith.constant 0 : i32
        %dma_start3A_1958 = arith.constant 0 : i32
        %dma_start3A_1959 = arith.constant 0 : i32
        %dma_start3A_1960 = tpu.memref_slice %arg6[%rem3A_1573, %dma_start3A_1957, %dma_start3A_1958, %dma_start3A_1959] : memref<12x2x32x128xf32, #tpu.memory_space<vmem>> -> memref<1x1x32x128xf32, #tpu.memory_space<vmem>>
        %dma_start3A_1961 = tpu.memref_squeeze %dma_start3A_1960 : memref<1x1x32x128xf32, #tpu.memory_space<vmem>> -> memref<32x128xf32, #tpu.memory_space<vmem>>
        %dma_start3A_1962 = arith.constant 0 : i32
        %dma_start3A_1963 = tpu.memref_slice %arg2[%dma_start3A_1962, %multiple_of3A_1951] : memref<32x1000000xf32, #tpu.memory_space<hbm>> -> memref<32x128xf32, #tpu.memory_space<hbm>>
        %dma_start3A_1964 = tpu.memref_slice %arg11[%rem3A_1573] : memref<12x!tpu.dma_semaphore, #tpu.memory_space<semaphore_mem>> -> memref<1x!tpu.dma_semaphore, #tpu.memory_space<semaphore_mem>>
        %dma_start3A_1965 = tpu.memref_squeeze %dma_start3A_1964 : memref<1x!tpu.dma_semaphore, #tpu.memory_space<semaphore_mem>> -> memref<!tpu.dma_semaphore, #tpu.memory_space<semaphore_mem>>
        %dma_start3A_1966 = arith.constant 0 : i32
        %dma_start3A_1967 = arith.constant 0 : i32
        %dma_start3A_1968 = tpu.memref_slice %arg6[%rem3A_1573, %dma_start3A_1957, %dma_start3A_1966, %dma_start3A_1967] : memref<12x2x32x128xf32, #tpu.memory_space<vmem>> -> memref<1x1x32x128xf32, #tpu.memory_space<vmem>>
        %dma_start3A_1969 = tpu.memref_squeeze %dma_start3A_1968 : memref<1x1x32x128xf32, #tpu.memory_space<vmem>> -> memref<32x128xf32, #tpu.memory_space<vmem>>
        %dma_start3A_1970 = arith.constant 0 : i32
        %dma_start3A_1971 = tpu.memref_slice %arg2[%dma_start3A_1970, %multiple_of3A_1951] : memref<32x1000000xf32, #tpu.memory_space<hbm>> -> memref<32x128xf32, #tpu.memory_space<hbm>>
        tpu.enqueue_dma source(%dma_start3A_1971 : memref<32x128xf32, #tpu.memory_space<hbm>>) target(%dma_start3A_1969 : memref<32x128xf32, #tpu.memory_space<vmem>>) target_semaphore(%dma_start3A_1965 : memref<!tpu.dma_semaphore, #tpu.memory_space<semaphore_mem>>)
        %dma_start3A_1972 = arith.constant 1 : i32
        %dma_start3A_1973 = arith.constant 0 : i32
        %dma_start3A_1974 = arith.constant 0 : i32
        %dma_start3A_1975 = tpu.memref_slice %arg6[%rem3A_1573, %dma_start3A_1972, %dma_start3A_1973, %dma_start3A_1974] : memref<12x2x32x128xf32, #tpu.memory_space<vmem>> -> memref<1x1x32x128xf32, #tpu.memory_space<vmem>>
        %dma_start3A_1976 = tpu.memref_squeeze %dma_start3A_1975 : memref<1x1x32x128xf32, #tpu.memory_space<vmem>> -> memref<32x128xf32, #tpu.memory_space<vmem>>
        %dma_start3A_1977 = arith.constant 0 : i32
        %dma_start3A_1978 = tpu.memref_slice %arg3[%dma_start3A_1977, %multiple_of3A_1956] : memref<32x1000000xf32, #tpu.memory_space<hbm>> -> memref<32x128xf32, #tpu.memory_space<hbm>>
        %dma_start3A_1979 = tpu.memref_slice %arg11[%rem3A_1573] : memref<12x!tpu.dma_semaphore, #tpu.memory_space<semaphore_mem>> -> memref<1x!tpu.dma_semaphore, #tpu.memory_space<semaphore_mem>>
        %dma_start3A_1980 = tpu.memref_squeeze %dma_start3A_1979 : memref<1x!tpu.dma_semaphore, #tpu.memory_space<semaphore_mem>> -> memref<!tpu.dma_semaphore, #tpu.memory_space<semaphore_mem>>
        %dma_start3A_1981 = arith.constant 0 : i32
        %dma_start3A_1982 = arith.constant 0 : i32
        %dma_start3A_1983 = tpu.memref_slice %arg6[%rem3A_1573, %dma_start3A_1972, %dma_start3A_1981, %dma_start3A_1982] : memref<12x2x32x128xf32, #tpu.memory_space<vmem>> -> memref<1x1x32x128xf32, #tpu.memory_space<vmem>>
        %dma_start3A_1984 = tpu.memref_squeeze %dma_start3A_1983 : memref<1x1x32x128xf32, #tpu.memory_space<vmem>> -> memref<32x128xf32, #tpu.memory_space<vmem>>
        %dma_start3A_1985 = arith.constant 0 : i32
        %dma_start3A_1986 = tpu.memref_slice %arg3[%dma_start3A_1985, %multiple_of3A_1956] : memref<32x1000000xf32, #tpu.memory_space<hbm>> -> memref<32x128xf32, #tpu.memory_space<hbm>>
        tpu.enqueue_dma source(%dma_start3A_1986 : memref<32x128xf32, #tpu.memory_space<hbm>>) target(%dma_start3A_1984 : memref<32x128xf32, #tpu.memory_space<vmem>>) target_semaphore(%dma_start3A_1980 : memref<!tpu.dma_semaphore, #tpu.memory_space<semaphore_mem>>)
      } else {
      }
      %add3A_1643 = arith.constant 12 : i32
      %add3A_1644 = arith.addi %mul3A_608, %add3A_1643 : i32
      %rem3A_1645 = arith.constant 12 : i32
      %rem3A_1646 = arith.remsi %add3A_1644, %rem3A_1645 : i32
      %dma_wait3A_1647 = arith.constant 0 : i32
      %dma_wait3A_1648 = arith.constant 0 : i32
      %dma_wait3A_1649 = arith.constant 0 : i32
      %dma_wait3A_1650 = tpu.memref_slice %arg6[%rem3A_1646, %dma_wait3A_1647, %dma_wait3A_1648, %dma_wait3A_1649] : memref<12x2x32x128xf32, #tpu.memory_space<vmem>> -> memref<1x1x32x128xf32, #tpu.memory_space<vmem>>
      %dma_wait3A_1651 = tpu.memref_squeeze %dma_wait3A_1650 : memref<1x1x32x128xf32, #tpu.memory_space<vmem>> -> memref<32x128xf32, #tpu.memory_space<vmem>>
      %dma_wait3A_1652 = arith.constant 0 : i32
      %dma_wait3A_1653 = arith.constant 0 : i32
      %dma_wait3A_1654 = tpu.memref_slice %arg2[%dma_wait3A_1652, %dma_wait3A_1653] : memref<32x1000000xf32, #tpu.memory_space<hbm>> -> memref<32x128xf32, #tpu.memory_space<hbm>>
      %dma_wait3A_1655 = tpu.memref_slice %arg11[%rem3A_1646] : memref<12x!tpu.dma_semaphore, #tpu.memory_space<semaphore_mem>> -> memref<1x!tpu.dma_semaphore, #tpu.memory_space<semaphore_mem>>
      %dma_wait3A_1656 = tpu.memref_squeeze %dma_wait3A_1655 : memref<1x!tpu.dma_semaphore, #tpu.memory_space<semaphore_mem>> -> memref<!tpu.dma_semaphore, #tpu.memory_space<semaphore_mem>>
      %dma_wait3A_1657 = arith.constant 0 : i32
      %dma_wait3A_1658 = arith.constant 0 : i32
      %dma_wait3A_1659 = tpu.memref_slice %arg6[%rem3A_1646, %dma_wait3A_1647, %dma_wait3A_1657, %dma_wait3A_1658] : memref<12x2x32x128xf32, #tpu.memory_space<vmem>> -> memref<1x1x32x128xf32, #tpu.memory_space<vmem>>
      %dma_wait3A_1660 = tpu.memref_squeeze %dma_wait3A_1659 : memref<1x1x32x128xf32, #tpu.memory_space<vmem>> -> memref<32x128xf32, #tpu.memory_space<vmem>>
      %dma_wait3A_1661 = arith.constant 0 : i32
      %dma_wait3A_1662 = arith.constant 0 : i32
      %dma_wait3A_1663 = tpu.memref_slice %arg2[%dma_wait3A_1661, %dma_wait3A_1662] : memref<32x1000000xf32, #tpu.memory_space<hbm>> -> memref<32x128xf32, #tpu.memory_space<hbm>>
      tpu.wait_dma2 semaphore(%dma_wait3A_1656 : memref<!tpu.dma_semaphore, #tpu.memory_space<semaphore_mem>>) src(%dma_wait3A_1663 : memref<32x128xf32, #tpu.memory_space<hbm>>) dst(%dma_wait3A_1660 : memref<32x128xf32, #tpu.memory_space<vmem>>)
      %dma_wait3A_1664 = arith.constant 1 : i32
      %dma_wait3A_1665 = arith.constant 0 : i32
      %dma_wait3A_1666 = arith.constant 0 : i32
      %dma_wait3A_1667 = tpu.memref_slice %arg6[%rem3A_1646, %dma_wait3A_1664, %dma_wait3A_1665, %dma_wait3A_1666] : memref<12x2x32x128xf32, #tpu.memory_space<vmem>> -> memref<1x1x32x128xf32, #tpu.memory_space<vmem>>
      %dma_wait3A_1668 = tpu.memref_squeeze %dma_wait3A_1667 : memref<1x1x32x128xf32, #tpu.memory_space<vmem>> -> memref<32x128xf32, #tpu.memory_space<vmem>>
      %dma_wait3A_1669 = arith.constant 0 : i32
      %dma_wait3A_1670 = arith.constant 0 : i32
      %dma_wait3A_1671 = tpu.memref_slice %arg3[%dma_wait3A_1669, %dma_wait3A_1670] : memref<32x1000000xf32, #tpu.memory_space<hbm>> -> memref<32x128xf32, #tpu.memory_space<hbm>>
      %dma_wait3A_1672 = tpu.memref_slice %arg11[%rem3A_1646] : memref<12x!tpu.dma_semaphore, #tpu.memory_space<semaphore_mem>> -> memref<1x!tpu.dma_semaphore, #tpu.memory_space<semaphore_mem>>
      %dma_wait3A_1673 = tpu.memref_squeeze %dma_wait3A_1672 : memref<1x!tpu.dma_semaphore, #tpu.memory_space<semaphore_mem>> -> memref<!tpu.dma_semaphore, #tpu.memory_space<semaphore_mem>>
      %dma_wait3A_1674 = arith.constant 0 : i32
      %dma_wait3A_1675 = arith.constant 0 : i32
      %dma_wait3A_1676 = tpu.memref_slice %arg6[%rem3A_1646, %dma_wait3A_1664, %dma_wait3A_1674, %dma_wait3A_1675] : memref<12x2x32x128xf32, #tpu.memory_space<vmem>> -> memref<1x1x32x128xf32, #tpu.memory_space<vmem>>
      %dma_wait3A_1677 = tpu.memref_squeeze %dma_wait3A_1676 : memref<1x1x32x128xf32, #tpu.memory_space<vmem>> -> memref<32x128xf32, #tpu.memory_space<vmem>>
      %dma_wait3A_1678 = arith.constant 0 : i32
      %dma_wait3A_1679 = arith.constant 0 : i32
      %dma_wait3A_1680 = tpu.memref_slice %arg3[%dma_wait3A_1678, %dma_wait3A_1679] : memref<32x1000000xf32, #tpu.memory_space<hbm>> -> memref<32x128xf32, #tpu.memory_space<hbm>>
      tpu.wait_dma2 semaphore(%dma_wait3A_1673 : memref<!tpu.dma_semaphore, #tpu.memory_space<semaphore_mem>>) src(%dma_wait3A_1680 : memref<32x128xf32, #tpu.memory_space<hbm>>) dst(%dma_wait3A_1677 : memref<32x128xf32, #tpu.memory_space<vmem>>)
      %broadcast_in_dim3A_1681 = vector.broadcast %rem3A_1646 : i32 to vector<16xi32>
      %slice3A_1682 = vector.extract_strided_slice %and3A_614 {offsets = [12], sizes = [1], strides = [1]} : vector<16xi32> to vector<1xi32>
      %squeeze3A_1683 = vector.extract %slice3A_1682[0] : i32 from vector<1xi32>
      %broadcast_in_dim3A_1684 = vector.broadcast %squeeze3A_1683 : i32 to vector<16xi32>
      %slice3A_1685 = vector.extract_strided_slice %and3A_617 {offsets = [12], sizes = [1], strides = [1]} : vector<16xi32> to vector<1xi32>
      %squeeze3A_1686 = vector.extract %slice3A_1685[0] : i32 from vector<1xi32>
      %broadcast_in_dim3A_1687 = vector.broadcast %squeeze3A_1686 : i32 to vector<16xi32>
      %broadcast_in_dim3A_1688 = arith.constant 0 : i32
      %broadcast_in_dim3A_1689 = vector.broadcast %broadcast_in_dim3A_1688 : i32 to vector<16xi32>
      %broadcast_in_dim3A_1690 = arith.constant 1 : i32
      %broadcast_in_dim3A_1691 = vector.broadcast %broadcast_in_dim3A_1690 : i32 to vector<16xi32>
      %gather3A_1692 = tpu.vector_load_idx %arg6[%broadcast_in_dim3A_1681, %broadcast_in_dim3A_1689, %iota3A, %broadcast_in_dim3A_1684] : memref<12x2x32x128xf32, #tpu.memory_space<vmem>>[vector<16xi32>, vector<16xi32>, vector<16xi32>, vector<16xi32>], vector<16xf32>,
      %add3A_1693 = arith.constant 16 : i32
      %add3A_1694 = vector.broadcast %add3A_1693 : i32 to vector<16xi32>
      %add3A_1695 = arith.addi %iota3A, %add3A_1694 : vector<16xi32>
      %gather3A_1696 = tpu.vector_load_idx %arg6[%broadcast_in_dim3A_1681, %broadcast_in_dim3A_1689, %add3A_1695, %broadcast_in_dim3A_1684] : memref<12x2x32x128xf32, #tpu.memory_space<vmem>>[vector<16xi32>, vector<16xi32>, vector<16xi32>, vector<16xi32>], vector<16xf32>,
      %gather3A_1697 = tpu.vector_load_idx %arg6[%broadcast_in_dim3A_1681, %broadcast_in_dim3A_1691, %iota3A, %broadcast_in_dim3A_1687] : memref<12x2x32x128xf32, #tpu.memory_space<vmem>>[vector<16xi32>, vector<16xi32>, vector<16xi32>, vector<16xi32>], vector<16xf32>,
      %add3A_1698 = arith.constant 16 : i32
      %add3A_1699 = vector.broadcast %add3A_1698 : i32 to vector<16xi32>
      %add3A_1700 = arith.addi %iota3A, %add3A_1699 : vector<16xi32>
      %gather3A_1701 = tpu.vector_load_idx %arg6[%broadcast_in_dim3A_1681, %broadcast_in_dim3A_1691, %add3A_1700, %broadcast_in_dim3A_1687] : memref<12x2x32x128xf32, #tpu.memory_space<vmem>>[vector<16xi32>, vector<16xi32>, vector<16xi32>, vector<16xi32>], vector<16xf32>,
      %mul3A_1702 = arith.mulf %gather3A_1692, %gather3A_1697 : vector<16xf32>
      %mul3A_1703 = arith.mulf %gather3A_1696, %gather3A_1701 : vector<16xf32>
      %add3A_1704 = arith.addf %mul3A_1702, %mul3A_1703 : vector<16xf32>
      %broadcast_in_dim3A_1705 = arith.constant true
      %broadcast_in_dim3A_1706 = vector.broadcast %broadcast_in_dim3A_1705 : i1 to vector<16xi1>
      %masked_cumsum3A_1707 = tpu.scan <sum>, %add3A_1704 masked %broadcast_in_dim3A_1706 : vector<16xf32>, vector<16xi1> -> vector<16xf32>
      %add3A_1708 = arith.constant 12 : i32
      %add3A_1709 = arith.addi %mul3A_608, %add3A_1708 : i32
      %broadcast_in_dim3A_1710 = vector.broadcast %add3A_1709 : i32 to vector<16xi32>
      tpu.vector_store_idx %arg7[%broadcast_in_dim3A_1710], %masked_cumsum3A_1707 masked %eq3A_22 : memref<512xf32, #tpu.memory_space<vmem>>[vector<16xi32>], vector<16xf32>, vector<16xi1>
      %lt3A_1711 = arith.constant 31 : i32
      %lt3A_1712 = arith.cmpi slt, %add3A_606, %lt3A_1711 : i32
      %convert_element_type3A_1713 = arith.extui %lt3A_1712 : i1 to i32
      %cond3A_1714 = arith.constant 0 : i32
      %cond3A_1715 = arith.cmpi ne, %convert_element_type3A_1713, %cond3A_1714 : i32
      scf.if %cond3A_1715 {
        %add3A_1935 = arith.constant 16 : i32
        %add3A_1936 = arith.addi %mul3A_608, %add3A_1935 : i32
        %get3A_1937 = arith.index_cast %add3A_1936 : i32 to index
        %get3A_1938 = tpu.vector_load %arg8[%get3A_1937] {strides = array<i32>} : memref<512xi32, #tpu.memory_space<vmem>>, vector<16xi32>,
        %add3A_1939 = arith.constant 16 : i32
        %add3A_1940 = arith.addi %mul3A_608, %add3A_1939 : i32
        %get3A_1941 = arith.index_cast %add3A_1940 : i32 to index
        %get3A_1942 = tpu.vector_load %arg9[%get3A_1941] {strides = array<i32>} : memref<512xi32, #tpu.memory_space<vmem>>, vector<16xi32>,
        %slice3A_1943 = vector.extract_strided_slice %get3A_1938 {offsets = [8], sizes = [1], strides = [1]} : vector<16xi32> to vector<1xi32>
        %squeeze3A_1944 = vector.extract %slice3A_1943[0] : i32 from vector<1xi32>
        %slice3A_1945 = vector.extract_strided_slice %get3A_1942 {offsets = [8], sizes = [1], strides = [1]} : vector<16xi32> to vector<1xi32>
        %squeeze3A_1946 = vector.extract %slice3A_1945[0] : i32 from vector<1xi32>
        %shift_right_arithmetic3A_1947 = arith.constant 7 : i32
        %shift_right_arithmetic3A_1948 = arith.shrsi %squeeze3A_1944, %shift_right_arithmetic3A_1947 : i32
        %mul3A_1949 = arith.constant 128 : i32
        %mul3A_1950 = arith.muli %shift_right_arithmetic3A_1948, %mul3A_1949 : i32
        %multiple_of3A_1951 = tpu.assume_multiple %mul3A_1950, 128 : i32
        %shift_right_arithmetic3A_1952 = arith.constant 7 : i32
        %shift_right_arithmetic3A_1953 = arith.shrsi %squeeze3A_1946, %shift_right_arithmetic3A_1952 : i32
        %mul3A_1954 = arith.constant 128 : i32
        %mul3A_1955 = arith.muli %shift_right_arithmetic3A_1953, %mul3A_1954 : i32
        %multiple_of3A_1956 = tpu.assume_multiple %mul3A_1955, 128 : i32
        %dma_start3A_1957 = arith.constant 0 : i32
        %dma_start3A_1958 = arith.constant 0 : i32
        %dma_start3A_1959 = arith.constant 0 : i32
        %dma_start3A_1960 = tpu.memref_slice %arg6[%rem3A_1646, %dma_start3A_1957, %dma_start3A_1958, %dma_start3A_1959] : memref<12x2x32x128xf32, #tpu.memory_space<vmem>> -> memref<1x1x32x128xf32, #tpu.memory_space<vmem>>
        %dma_start3A_1961 = tpu.memref_squeeze %dma_start3A_1960 : memref<1x1x32x128xf32, #tpu.memory_space<vmem>> -> memref<32x128xf32, #tpu.memory_space<vmem>>
        %dma_start3A_1962 = arith.constant 0 : i32
        %dma_start3A_1963 = tpu.memref_slice %arg2[%dma_start3A_1962, %multiple_of3A_1951] : memref<32x1000000xf32, #tpu.memory_space<hbm>> -> memref<32x128xf32, #tpu.memory_space<hbm>>
        %dma_start3A_1964 = tpu.memref_slice %arg11[%rem3A_1646] : memref<12x!tpu.dma_semaphore, #tpu.memory_space<semaphore_mem>> -> memref<1x!tpu.dma_semaphore, #tpu.memory_space<semaphore_mem>>
        %dma_start3A_1965 = tpu.memref_squeeze %dma_start3A_1964 : memref<1x!tpu.dma_semaphore, #tpu.memory_space<semaphore_mem>> -> memref<!tpu.dma_semaphore, #tpu.memory_space<semaphore_mem>>
        %dma_start3A_1966 = arith.constant 0 : i32
        %dma_start3A_1967 = arith.constant 0 : i32
        %dma_start3A_1968 = tpu.memref_slice %arg6[%rem3A_1646, %dma_start3A_1957, %dma_start3A_1966, %dma_start3A_1967] : memref<12x2x32x128xf32, #tpu.memory_space<vmem>> -> memref<1x1x32x128xf32, #tpu.memory_space<vmem>>
        %dma_start3A_1969 = tpu.memref_squeeze %dma_start3A_1968 : memref<1x1x32x128xf32, #tpu.memory_space<vmem>> -> memref<32x128xf32, #tpu.memory_space<vmem>>
        %dma_start3A_1970 = arith.constant 0 : i32
        %dma_start3A_1971 = tpu.memref_slice %arg2[%dma_start3A_1970, %multiple_of3A_1951] : memref<32x1000000xf32, #tpu.memory_space<hbm>> -> memref<32x128xf32, #tpu.memory_space<hbm>>
        tpu.enqueue_dma source(%dma_start3A_1971 : memref<32x128xf32, #tpu.memory_space<hbm>>) target(%dma_start3A_1969 : memref<32x128xf32, #tpu.memory_space<vmem>>) target_semaphore(%dma_start3A_1965 : memref<!tpu.dma_semaphore, #tpu.memory_space<semaphore_mem>>)
        %dma_start3A_1972 = arith.constant 1 : i32
        %dma_start3A_1973 = arith.constant 0 : i32
        %dma_start3A_1974 = arith.constant 0 : i32
        %dma_start3A_1975 = tpu.memref_slice %arg6[%rem3A_1646, %dma_start3A_1972, %dma_start3A_1973, %dma_start3A_1974] : memref<12x2x32x128xf32, #tpu.memory_space<vmem>> -> memref<1x1x32x128xf32, #tpu.memory_space<vmem>>
        %dma_start3A_1976 = tpu.memref_squeeze %dma_start3A_1975 : memref<1x1x32x128xf32, #tpu.memory_space<vmem>> -> memref<32x128xf32, #tpu.memory_space<vmem>>
        %dma_start3A_1977 = arith.constant 0 : i32
        %dma_start3A_1978 = tpu.memref_slice %arg3[%dma_start3A_1977, %multiple_of3A_1956] : memref<32x1000000xf32, #tpu.memory_space<hbm>> -> memref<32x128xf32, #tpu.memory_space<hbm>>
        %dma_start3A_1979 = tpu.memref_slice %arg11[%rem3A_1646] : memref<12x!tpu.dma_semaphore, #tpu.memory_space<semaphore_mem>> -> memref<1x!tpu.dma_semaphore, #tpu.memory_space<semaphore_mem>>
        %dma_start3A_1980 = tpu.memref_squeeze %dma_start3A_1979 : memref<1x!tpu.dma_semaphore, #tpu.memory_space<semaphore_mem>> -> memref<!tpu.dma_semaphore, #tpu.memory_space<semaphore_mem>>
        %dma_start3A_1981 = arith.constant 0 : i32
        %dma_start3A_1982 = arith.constant 0 : i32
        %dma_start3A_1983 = tpu.memref_slice %arg6[%rem3A_1646, %dma_start3A_1972, %dma_start3A_1981, %dma_start3A_1982] : memref<12x2x32x128xf32, #tpu.memory_space<vmem>> -> memref<1x1x32x128xf32, #tpu.memory_space<vmem>>
        %dma_start3A_1984 = tpu.memref_squeeze %dma_start3A_1983 : memref<1x1x32x128xf32, #tpu.memory_space<vmem>> -> memref<32x128xf32, #tpu.memory_space<vmem>>
        %dma_start3A_1985 = arith.constant 0 : i32
        %dma_start3A_1986 = tpu.memref_slice %arg3[%dma_start3A_1985, %multiple_of3A_1956] : memref<32x1000000xf32, #tpu.memory_space<hbm>> -> memref<32x128xf32, #tpu.memory_space<hbm>>
        tpu.enqueue_dma source(%dma_start3A_1986 : memref<32x128xf32, #tpu.memory_space<hbm>>) target(%dma_start3A_1984 : memref<32x128xf32, #tpu.memory_space<vmem>>) target_semaphore(%dma_start3A_1980 : memref<!tpu.dma_semaphore, #tpu.memory_space<semaphore_mem>>)
      } else {
      }
      %add3A_1716 = arith.constant 13 : i32
      %add3A_1717 = arith.addi %mul3A_608, %add3A_1716 : i32
      %rem3A_1718 = arith.constant 12 : i32
      %rem3A_1719 = arith.remsi %add3A_1717, %rem3A_1718 : i32
      %dma_wait3A_1720 = arith.constant 0 : i32
      %dma_wait3A_1721 = arith.constant 0 : i32
      %dma_wait3A_1722 = arith.constant 0 : i32
      %dma_wait3A_1723 = tpu.memref_slice %arg6[%rem3A_1719, %dma_wait3A_1720, %dma_wait3A_1721, %dma_wait3A_1722] : memref<12x2x32x128xf32, #tpu.memory_space<vmem>> -> memref<1x1x32x128xf32, #tpu.memory_space<vmem>>
      %dma_wait3A_1724 = tpu.memref_squeeze %dma_wait3A_1723 : memref<1x1x32x128xf32, #tpu.memory_space<vmem>> -> memref<32x128xf32, #tpu.memory_space<vmem>>
      %dma_wait3A_1725 = arith.constant 0 : i32
      %dma_wait3A_1726 = arith.constant 0 : i32
      %dma_wait3A_1727 = tpu.memref_slice %arg2[%dma_wait3A_1725, %dma_wait3A_1726] : memref<32x1000000xf32, #tpu.memory_space<hbm>> -> memref<32x128xf32, #tpu.memory_space<hbm>>
      %dma_wait3A_1728 = tpu.memref_slice %arg11[%rem3A_1719] : memref<12x!tpu.dma_semaphore, #tpu.memory_space<semaphore_mem>> -> memref<1x!tpu.dma_semaphore, #tpu.memory_space<semaphore_mem>>
      %dma_wait3A_1729 = tpu.memref_squeeze %dma_wait3A_1728 : memref<1x!tpu.dma_semaphore, #tpu.memory_space<semaphore_mem>> -> memref<!tpu.dma_semaphore, #tpu.memory_space<semaphore_mem>>
      %dma_wait3A_1730 = arith.constant 0 : i32
      %dma_wait3A_1731 = arith.constant 0 : i32
      %dma_wait3A_1732 = tpu.memref_slice %arg6[%rem3A_1719, %dma_wait3A_1720, %dma_wait3A_1730, %dma_wait3A_1731] : memref<12x2x32x128xf32, #tpu.memory_space<vmem>> -> memref<1x1x32x128xf32, #tpu.memory_space<vmem>>
      %dma_wait3A_1733 = tpu.memref_squeeze %dma_wait3A_1732 : memref<1x1x32x128xf32, #tpu.memory_space<vmem>> -> memref<32x128xf32, #tpu.memory_space<vmem>>
      %dma_wait3A_1734 = arith.constant 0 : i32
      %dma_wait3A_1735 = arith.constant 0 : i32
      %dma_wait3A_1736 = tpu.memref_slice %arg2[%dma_wait3A_1734, %dma_wait3A_1735] : memref<32x1000000xf32, #tpu.memory_space<hbm>> -> memref<32x128xf32, #tpu.memory_space<hbm>>
      tpu.wait_dma2 semaphore(%dma_wait3A_1729 : memref<!tpu.dma_semaphore, #tpu.memory_space<semaphore_mem>>) src(%dma_wait3A_1736 : memref<32x128xf32, #tpu.memory_space<hbm>>) dst(%dma_wait3A_1733 : memref<32x128xf32, #tpu.memory_space<vmem>>)
      %dma_wait3A_1737 = arith.constant 1 : i32
      %dma_wait3A_1738 = arith.constant 0 : i32
      %dma_wait3A_1739 = arith.constant 0 : i32
      %dma_wait3A_1740 = tpu.memref_slice %arg6[%rem3A_1719, %dma_wait3A_1737, %dma_wait3A_1738, %dma_wait3A_1739] : memref<12x2x32x128xf32, #tpu.memory_space<vmem>> -> memref<1x1x32x128xf32, #tpu.memory_space<vmem>>
      %dma_wait3A_1741 = tpu.memref_squeeze %dma_wait3A_1740 : memref<1x1x32x128xf32, #tpu.memory_space<vmem>> -> memref<32x128xf32, #tpu.memory_space<vmem>>
      %dma_wait3A_1742 = arith.constant 0 : i32
      %dma_wait3A_1743 = arith.constant 0 : i32
      %dma_wait3A_1744 = tpu.memref_slice %arg3[%dma_wait3A_1742, %dma_wait3A_1743] : memref<32x1000000xf32, #tpu.memory_space<hbm>> -> memref<32x128xf32, #tpu.memory_space<hbm>>
      %dma_wait3A_1745 = tpu.memref_slice %arg11[%rem3A_1719] : memref<12x!tpu.dma_semaphore, #tpu.memory_space<semaphore_mem>> -> memref<1x!tpu.dma_semaphore, #tpu.memory_space<semaphore_mem>>
      %dma_wait3A_1746 = tpu.memref_squeeze %dma_wait3A_1745 : memref<1x!tpu.dma_semaphore, #tpu.memory_space<semaphore_mem>> -> memref<!tpu.dma_semaphore, #tpu.memory_space<semaphore_mem>>
      %dma_wait3A_1747 = arith.constant 0 : i32
      %dma_wait3A_1748 = arith.constant 0 : i32
      %dma_wait3A_1749 = tpu.memref_slice %arg6[%rem3A_1719, %dma_wait3A_1737, %dma_wait3A_1747, %dma_wait3A_1748] : memref<12x2x32x128xf32, #tpu.memory_space<vmem>> -> memref<1x1x32x128xf32, #tpu.memory_space<vmem>>
      %dma_wait3A_1750 = tpu.memref_squeeze %dma_wait3A_1749 : memref<1x1x32x128xf32, #tpu.memory_space<vmem>> -> memref<32x128xf32, #tpu.memory_space<vmem>>
      %dma_wait3A_1751 = arith.constant 0 : i32
      %dma_wait3A_1752 = arith.constant 0 : i32
      %dma_wait3A_1753 = tpu.memref_slice %arg3[%dma_wait3A_1751, %dma_wait3A_1752] : memref<32x1000000xf32, #tpu.memory_space<hbm>> -> memref<32x128xf32, #tpu.memory_space<hbm>>
      tpu.wait_dma2 semaphore(%dma_wait3A_1746 : memref<!tpu.dma_semaphore, #tpu.memory_space<semaphore_mem>>) src(%dma_wait3A_1753 : memref<32x128xf32, #tpu.memory_space<hbm>>) dst(%dma_wait3A_1750 : memref<32x128xf32, #tpu.memory_space<vmem>>)
      %broadcast_in_dim3A_1754 = vector.broadcast %rem3A_1719 : i32 to vector<16xi32>
      %slice3A_1755 = vector.extract_strided_slice %and3A_614 {offsets = [13], sizes = [1], strides = [1]} : vector<16xi32> to vector<1xi32>
      %squeeze3A_1756 = vector.extract %slice3A_1755[0] : i32 from vector<1xi32>
      %broadcast_in_dim3A_1757 = vector.broadcast %squeeze3A_1756 : i32 to vector<16xi32>
      %slice3A_1758 = vector.extract_strided_slice %and3A_617 {offsets = [13], sizes = [1], strides = [1]} : vector<16xi32> to vector<1xi32>
      %squeeze3A_1759 = vector.extract %slice3A_1758[0] : i32 from vector<1xi32>
      %broadcast_in_dim3A_1760 = vector.broadcast %squeeze3A_1759 : i32 to vector<16xi32>
      %broadcast_in_dim3A_1761 = arith.constant 0 : i32
      %broadcast_in_dim3A_1762 = vector.broadcast %broadcast_in_dim3A_1761 : i32 to vector<16xi32>
      %broadcast_in_dim3A_1763 = arith.constant 1 : i32
      %broadcast_in_dim3A_1764 = vector.broadcast %broadcast_in_dim3A_1763 : i32 to vector<16xi32>
      %gather3A_1765 = tpu.vector_load_idx %arg6[%broadcast_in_dim3A_1754, %broadcast_in_dim3A_1762, %iota3A, %broadcast_in_dim3A_1757] : memref<12x2x32x128xf32, #tpu.memory_space<vmem>>[vector<16xi32>, vector<16xi32>, vector<16xi32>, vector<16xi32>], vector<16xf32>,
      %add3A_1766 = arith.constant 16 : i32
      %add3A_1767 = vector.broadcast %add3A_1766 : i32 to vector<16xi32>
      %add3A_1768 = arith.addi %iota3A, %add3A_1767 : vector<16xi32>
      %gather3A_1769 = tpu.vector_load_idx %arg6[%broadcast_in_dim3A_1754, %broadcast_in_dim3A_1762, %add3A_1768, %broadcast_in_dim3A_1757] : memref<12x2x32x128xf32, #tpu.memory_space<vmem>>[vector<16xi32>, vector<16xi32>, vector<16xi32>, vector<16xi32>], vector<16xf32>,
      %gather3A_1770 = tpu.vector_load_idx %arg6[%broadcast_in_dim3A_1754, %broadcast_in_dim3A_1764, %iota3A, %broadcast_in_dim3A_1760] : memref<12x2x32x128xf32, #tpu.memory_space<vmem>>[vector<16xi32>, vector<16xi32>, vector<16xi32>, vector<16xi32>], vector<16xf32>,
      %add3A_1771 = arith.constant 16 : i32
      %add3A_1772 = vector.broadcast %add3A_1771 : i32 to vector<16xi32>
      %add3A_1773 = arith.addi %iota3A, %add3A_1772 : vector<16xi32>
      %gather3A_1774 = tpu.vector_load_idx %arg6[%broadcast_in_dim3A_1754, %broadcast_in_dim3A_1764, %add3A_1773, %broadcast_in_dim3A_1760] : memref<12x2x32x128xf32, #tpu.memory_space<vmem>>[vector<16xi32>, vector<16xi32>, vector<16xi32>, vector<16xi32>], vector<16xf32>,
      %mul3A_1775 = arith.mulf %gather3A_1765, %gather3A_1770 : vector<16xf32>
      %mul3A_1776 = arith.mulf %gather3A_1769, %gather3A_1774 : vector<16xf32>
      %add3A_1777 = arith.addf %mul3A_1775, %mul3A_1776 : vector<16xf32>
      %broadcast_in_dim3A_1778 = arith.constant true
      %broadcast_in_dim3A_1779 = vector.broadcast %broadcast_in_dim3A_1778 : i1 to vector<16xi1>
      %masked_cumsum3A_1780 = tpu.scan <sum>, %add3A_1777 masked %broadcast_in_dim3A_1779 : vector<16xf32>, vector<16xi1> -> vector<16xf32>
      %add3A_1781 = arith.constant 13 : i32
      %add3A_1782 = arith.addi %mul3A_608, %add3A_1781 : i32
      %broadcast_in_dim3A_1783 = vector.broadcast %add3A_1782 : i32 to vector<16xi32>
      tpu.vector_store_idx %arg7[%broadcast_in_dim3A_1783], %masked_cumsum3A_1780 masked %eq3A_22 : memref<512xf32, #tpu.memory_space<vmem>>[vector<16xi32>], vector<16xf32>, vector<16xi1>
      %lt3A_1784 = arith.constant 31 : i32
      %lt3A_1785 = arith.cmpi slt, %add3A_606, %lt3A_1784 : i32
      %convert_element_type3A_1786 = arith.extui %lt3A_1785 : i1 to i32
      %cond3A_1787 = arith.constant 0 : i32
      %cond3A_1788 = arith.cmpi ne, %convert_element_type3A_1786, %cond3A_1787 : i32
      scf.if %cond3A_1788 {
        %add3A_1935 = arith.constant 16 : i32
        %add3A_1936 = arith.addi %mul3A_608, %add3A_1935 : i32
        %get3A_1937 = arith.index_cast %add3A_1936 : i32 to index
        %get3A_1938 = tpu.vector_load %arg8[%get3A_1937] {strides = array<i32>} : memref<512xi32, #tpu.memory_space<vmem>>, vector<16xi32>,
        %add3A_1939 = arith.constant 16 : i32
        %add3A_1940 = arith.addi %mul3A_608, %add3A_1939 : i32
        %get3A_1941 = arith.index_cast %add3A_1940 : i32 to index
        %get3A_1942 = tpu.vector_load %arg9[%get3A_1941] {strides = array<i32>} : memref<512xi32, #tpu.memory_space<vmem>>, vector<16xi32>,
        %slice3A_1943 = vector.extract_strided_slice %get3A_1938 {offsets = [9], sizes = [1], strides = [1]} : vector<16xi32> to vector<1xi32>
        %squeeze3A_1944 = vector.extract %slice3A_1943[0] : i32 from vector<1xi32>
        %slice3A_1945 = vector.extract_strided_slice %get3A_1942 {offsets = [9], sizes = [1], strides = [1]} : vector<16xi32> to vector<1xi32>
        %squeeze3A_1946 = vector.extract %slice3A_1945[0] : i32 from vector<1xi32>
        %shift_right_arithmetic3A_1947 = arith.constant 7 : i32
        %shift_right_arithmetic3A_1948 = arith.shrsi %squeeze3A_1944, %shift_right_arithmetic3A_1947 : i32
        %mul3A_1949 = arith.constant 128 : i32
        %mul3A_1950 = arith.muli %shift_right_arithmetic3A_1948, %mul3A_1949 : i32
        %multiple_of3A_1951 = tpu.assume_multiple %mul3A_1950, 128 : i32
        %shift_right_arithmetic3A_1952 = arith.constant 7 : i32
        %shift_right_arithmetic3A_1953 = arith.shrsi %squeeze3A_1946, %shift_right_arithmetic3A_1952 : i32
        %mul3A_1954 = arith.constant 128 : i32
        %mul3A_1955 = arith.muli %shift_right_arithmetic3A_1953, %mul3A_1954 : i32
        %multiple_of3A_1956 = tpu.assume_multiple %mul3A_1955, 128 : i32
        %dma_start3A_1957 = arith.constant 0 : i32
        %dma_start3A_1958 = arith.constant 0 : i32
        %dma_start3A_1959 = arith.constant 0 : i32
        %dma_start3A_1960 = tpu.memref_slice %arg6[%rem3A_1719, %dma_start3A_1957, %dma_start3A_1958, %dma_start3A_1959] : memref<12x2x32x128xf32, #tpu.memory_space<vmem>> -> memref<1x1x32x128xf32, #tpu.memory_space<vmem>>
        %dma_start3A_1961 = tpu.memref_squeeze %dma_start3A_1960 : memref<1x1x32x128xf32, #tpu.memory_space<vmem>> -> memref<32x128xf32, #tpu.memory_space<vmem>>
        %dma_start3A_1962 = arith.constant 0 : i32
        %dma_start3A_1963 = tpu.memref_slice %arg2[%dma_start3A_1962, %multiple_of3A_1951] : memref<32x1000000xf32, #tpu.memory_space<hbm>> -> memref<32x128xf32, #tpu.memory_space<hbm>>
        %dma_start3A_1964 = tpu.memref_slice %arg11[%rem3A_1719] : memref<12x!tpu.dma_semaphore, #tpu.memory_space<semaphore_mem>> -> memref<1x!tpu.dma_semaphore, #tpu.memory_space<semaphore_mem>>
        %dma_start3A_1965 = tpu.memref_squeeze %dma_start3A_1964 : memref<1x!tpu.dma_semaphore, #tpu.memory_space<semaphore_mem>> -> memref<!tpu.dma_semaphore, #tpu.memory_space<semaphore_mem>>
        %dma_start3A_1966 = arith.constant 0 : i32
        %dma_start3A_1967 = arith.constant 0 : i32
        %dma_start3A_1968 = tpu.memref_slice %arg6[%rem3A_1719, %dma_start3A_1957, %dma_start3A_1966, %dma_start3A_1967] : memref<12x2x32x128xf32, #tpu.memory_space<vmem>> -> memref<1x1x32x128xf32, #tpu.memory_space<vmem>>
        %dma_start3A_1969 = tpu.memref_squeeze %dma_start3A_1968 : memref<1x1x32x128xf32, #tpu.memory_space<vmem>> -> memref<32x128xf32, #tpu.memory_space<vmem>>
        %dma_start3A_1970 = arith.constant 0 : i32
        %dma_start3A_1971 = tpu.memref_slice %arg2[%dma_start3A_1970, %multiple_of3A_1951] : memref<32x1000000xf32, #tpu.memory_space<hbm>> -> memref<32x128xf32, #tpu.memory_space<hbm>>
        tpu.enqueue_dma source(%dma_start3A_1971 : memref<32x128xf32, #tpu.memory_space<hbm>>) target(%dma_start3A_1969 : memref<32x128xf32, #tpu.memory_space<vmem>>) target_semaphore(%dma_start3A_1965 : memref<!tpu.dma_semaphore, #tpu.memory_space<semaphore_mem>>)
        %dma_start3A_1972 = arith.constant 1 : i32
        %dma_start3A_1973 = arith.constant 0 : i32
        %dma_start3A_1974 = arith.constant 0 : i32
        %dma_start3A_1975 = tpu.memref_slice %arg6[%rem3A_1719, %dma_start3A_1972, %dma_start3A_1973, %dma_start3A_1974] : memref<12x2x32x128xf32, #tpu.memory_space<vmem>> -> memref<1x1x32x128xf32, #tpu.memory_space<vmem>>
        %dma_start3A_1976 = tpu.memref_squeeze %dma_start3A_1975 : memref<1x1x32x128xf32, #tpu.memory_space<vmem>> -> memref<32x128xf32, #tpu.memory_space<vmem>>
        %dma_start3A_1977 = arith.constant 0 : i32
        %dma_start3A_1978 = tpu.memref_slice %arg3[%dma_start3A_1977, %multiple_of3A_1956] : memref<32x1000000xf32, #tpu.memory_space<hbm>> -> memref<32x128xf32, #tpu.memory_space<hbm>>
        %dma_start3A_1979 = tpu.memref_slice %arg11[%rem3A_1719] : memref<12x!tpu.dma_semaphore, #tpu.memory_space<semaphore_mem>> -> memref<1x!tpu.dma_semaphore, #tpu.memory_space<semaphore_mem>>
        %dma_start3A_1980 = tpu.memref_squeeze %dma_start3A_1979 : memref<1x!tpu.dma_semaphore, #tpu.memory_space<semaphore_mem>> -> memref<!tpu.dma_semaphore, #tpu.memory_space<semaphore_mem>>
        %dma_start3A_1981 = arith.constant 0 : i32
        %dma_start3A_1982 = arith.constant 0 : i32
        %dma_start3A_1983 = tpu.memref_slice %arg6[%rem3A_1719, %dma_start3A_1972, %dma_start3A_1981, %dma_start3A_1982] : memref<12x2x32x128xf32, #tpu.memory_space<vmem>> -> memref<1x1x32x128xf32, #tpu.memory_space<vmem>>
        %dma_start3A_1984 = tpu.memref_squeeze %dma_start3A_1983 : memref<1x1x32x128xf32, #tpu.memory_space<vmem>> -> memref<32x128xf32, #tpu.memory_space<vmem>>
        %dma_start3A_1985 = arith.constant 0 : i32
        %dma_start3A_1986 = tpu.memref_slice %arg3[%dma_start3A_1985, %multiple_of3A_1956] : memref<32x1000000xf32, #tpu.memory_space<hbm>> -> memref<32x128xf32, #tpu.memory_space<hbm>>
        tpu.enqueue_dma source(%dma_start3A_1986 : memref<32x128xf32, #tpu.memory_space<hbm>>) target(%dma_start3A_1984 : memref<32x128xf32, #tpu.memory_space<vmem>>) target_semaphore(%dma_start3A_1980 : memref<!tpu.dma_semaphore, #tpu.memory_space<semaphore_mem>>)
      } else {
      }
      %add3A_1789 = arith.constant 14 : i32
      %add3A_1790 = arith.addi %mul3A_608, %add3A_1789 : i32
      %rem3A_1791 = arith.constant 12 : i32
      %rem3A_1792 = arith.remsi %add3A_1790, %rem3A_1791 : i32
      %dma_wait3A_1793 = arith.constant 0 : i32
      %dma_wait3A_1794 = arith.constant 0 : i32
      %dma_wait3A_1795 = arith.constant 0 : i32
      %dma_wait3A_1796 = tpu.memref_slice %arg6[%rem3A_1792, %dma_wait3A_1793, %dma_wait3A_1794, %dma_wait3A_1795] : memref<12x2x32x128xf32, #tpu.memory_space<vmem>> -> memref<1x1x32x128xf32, #tpu.memory_space<vmem>>
      %dma_wait3A_1797 = tpu.memref_squeeze %dma_wait3A_1796 : memref<1x1x32x128xf32, #tpu.memory_space<vmem>> -> memref<32x128xf32, #tpu.memory_space<vmem>>
      %dma_wait3A_1798 = arith.constant 0 : i32
      %dma_wait3A_1799 = arith.constant 0 : i32
      %dma_wait3A_1800 = tpu.memref_slice %arg2[%dma_wait3A_1798, %dma_wait3A_1799] : memref<32x1000000xf32, #tpu.memory_space<hbm>> -> memref<32x128xf32, #tpu.memory_space<hbm>>
      %dma_wait3A_1801 = tpu.memref_slice %arg11[%rem3A_1792] : memref<12x!tpu.dma_semaphore, #tpu.memory_space<semaphore_mem>> -> memref<1x!tpu.dma_semaphore, #tpu.memory_space<semaphore_mem>>
      %dma_wait3A_1802 = tpu.memref_squeeze %dma_wait3A_1801 : memref<1x!tpu.dma_semaphore, #tpu.memory_space<semaphore_mem>> -> memref<!tpu.dma_semaphore, #tpu.memory_space<semaphore_mem>>
      %dma_wait3A_1803 = arith.constant 0 : i32
      %dma_wait3A_1804 = arith.constant 0 : i32
      %dma_wait3A_1805 = tpu.memref_slice %arg6[%rem3A_1792, %dma_wait3A_1793, %dma_wait3A_1803, %dma_wait3A_1804] : memref<12x2x32x128xf32, #tpu.memory_space<vmem>> -> memref<1x1x32x128xf32, #tpu.memory_space<vmem>>
      %dma_wait3A_1806 = tpu.memref_squeeze %dma_wait3A_1805 : memref<1x1x32x128xf32, #tpu.memory_space<vmem>> -> memref<32x128xf32, #tpu.memory_space<vmem>>
      %dma_wait3A_1807 = arith.constant 0 : i32
      %dma_wait3A_1808 = arith.constant 0 : i32
      %dma_wait3A_1809 = tpu.memref_slice %arg2[%dma_wait3A_1807, %dma_wait3A_1808] : memref<32x1000000xf32, #tpu.memory_space<hbm>> -> memref<32x128xf32, #tpu.memory_space<hbm>>
      tpu.wait_dma2 semaphore(%dma_wait3A_1802 : memref<!tpu.dma_semaphore, #tpu.memory_space<semaphore_mem>>) src(%dma_wait3A_1809 : memref<32x128xf32, #tpu.memory_space<hbm>>) dst(%dma_wait3A_1806 : memref<32x128xf32, #tpu.memory_space<vmem>>)
      %dma_wait3A_1810 = arith.constant 1 : i32
      %dma_wait3A_1811 = arith.constant 0 : i32
      %dma_wait3A_1812 = arith.constant 0 : i32
      %dma_wait3A_1813 = tpu.memref_slice %arg6[%rem3A_1792, %dma_wait3A_1810, %dma_wait3A_1811, %dma_wait3A_1812] : memref<12x2x32x128xf32, #tpu.memory_space<vmem>> -> memref<1x1x32x128xf32, #tpu.memory_space<vmem>>
      %dma_wait3A_1814 = tpu.memref_squeeze %dma_wait3A_1813 : memref<1x1x32x128xf32, #tpu.memory_space<vmem>> -> memref<32x128xf32, #tpu.memory_space<vmem>>
      %dma_wait3A_1815 = arith.constant 0 : i32
      %dma_wait3A_1816 = arith.constant 0 : i32
      %dma_wait3A_1817 = tpu.memref_slice %arg3[%dma_wait3A_1815, %dma_wait3A_1816] : memref<32x1000000xf32, #tpu.memory_space<hbm>> -> memref<32x128xf32, #tpu.memory_space<hbm>>
      %dma_wait3A_1818 = tpu.memref_slice %arg11[%rem3A_1792] : memref<12x!tpu.dma_semaphore, #tpu.memory_space<semaphore_mem>> -> memref<1x!tpu.dma_semaphore, #tpu.memory_space<semaphore_mem>>
      %dma_wait3A_1819 = tpu.memref_squeeze %dma_wait3A_1818 : memref<1x!tpu.dma_semaphore, #tpu.memory_space<semaphore_mem>> -> memref<!tpu.dma_semaphore, #tpu.memory_space<semaphore_mem>>
      %dma_wait3A_1820 = arith.constant 0 : i32
      %dma_wait3A_1821 = arith.constant 0 : i32
      %dma_wait3A_1822 = tpu.memref_slice %arg6[%rem3A_1792, %dma_wait3A_1810, %dma_wait3A_1820, %dma_wait3A_1821] : memref<12x2x32x128xf32, #tpu.memory_space<vmem>> -> memref<1x1x32x128xf32, #tpu.memory_space<vmem>>
      %dma_wait3A_1823 = tpu.memref_squeeze %dma_wait3A_1822 : memref<1x1x32x128xf32, #tpu.memory_space<vmem>> -> memref<32x128xf32, #tpu.memory_space<vmem>>
      %dma_wait3A_1824 = arith.constant 0 : i32
      %dma_wait3A_1825 = arith.constant 0 : i32
      %dma_wait3A_1826 = tpu.memref_slice %arg3[%dma_wait3A_1824, %dma_wait3A_1825] : memref<32x1000000xf32, #tpu.memory_space<hbm>> -> memref<32x128xf32, #tpu.memory_space<hbm>>
      tpu.wait_dma2 semaphore(%dma_wait3A_1819 : memref<!tpu.dma_semaphore, #tpu.memory_space<semaphore_mem>>) src(%dma_wait3A_1826 : memref<32x128xf32, #tpu.memory_space<hbm>>) dst(%dma_wait3A_1823 : memref<32x128xf32, #tpu.memory_space<vmem>>)
      %broadcast_in_dim3A_1827 = vector.broadcast %rem3A_1792 : i32 to vector<16xi32>
      %slice3A_1828 = vector.extract_strided_slice %and3A_614 {offsets = [14], sizes = [1], strides = [1]} : vector<16xi32> to vector<1xi32>
      %squeeze3A_1829 = vector.extract %slice3A_1828[0] : i32 from vector<1xi32>
      %broadcast_in_dim3A_1830 = vector.broadcast %squeeze3A_1829 : i32 to vector<16xi32>
      %slice3A_1831 = vector.extract_strided_slice %and3A_617 {offsets = [14], sizes = [1], strides = [1]} : vector<16xi32> to vector<1xi32>
      %squeeze3A_1832 = vector.extract %slice3A_1831[0] : i32 from vector<1xi32>
      %broadcast_in_dim3A_1833 = vector.broadcast %squeeze3A_1832 : i32 to vector<16xi32>
      %broadcast_in_dim3A_1834 = arith.constant 0 : i32
      %broadcast_in_dim3A_1835 = vector.broadcast %broadcast_in_dim3A_1834 : i32 to vector<16xi32>
      %broadcast_in_dim3A_1836 = arith.constant 1 : i32
      %broadcast_in_dim3A_1837 = vector.broadcast %broadcast_in_dim3A_1836 : i32 to vector<16xi32>
      %gather3A_1838 = tpu.vector_load_idx %arg6[%broadcast_in_dim3A_1827, %broadcast_in_dim3A_1835, %iota3A, %broadcast_in_dim3A_1830] : memref<12x2x32x128xf32, #tpu.memory_space<vmem>>[vector<16xi32>, vector<16xi32>, vector<16xi32>, vector<16xi32>], vector<16xf32>,
      %add3A_1839 = arith.constant 16 : i32
      %add3A_1840 = vector.broadcast %add3A_1839 : i32 to vector<16xi32>
      %add3A_1841 = arith.addi %iota3A, %add3A_1840 : vector<16xi32>
      %gather3A_1842 = tpu.vector_load_idx %arg6[%broadcast_in_dim3A_1827, %broadcast_in_dim3A_1835, %add3A_1841, %broadcast_in_dim3A_1830] : memref<12x2x32x128xf32, #tpu.memory_space<vmem>>[vector<16xi32>, vector<16xi32>, vector<16xi32>, vector<16xi32>], vector<16xf32>,
      %gather3A_1843 = tpu.vector_load_idx %arg6[%broadcast_in_dim3A_1827, %broadcast_in_dim3A_1837, %iota3A, %broadcast_in_dim3A_1833] : memref<12x2x32x128xf32, #tpu.memory_space<vmem>>[vector<16xi32>, vector<16xi32>, vector<16xi32>, vector<16xi32>], vector<16xf32>,
      %add3A_1844 = arith.constant 16 : i32
      %add3A_1845 = vector.broadcast %add3A_1844 : i32 to vector<16xi32>
      %add3A_1846 = arith.addi %iota3A, %add3A_1845 : vector<16xi32>
      %gather3A_1847 = tpu.vector_load_idx %arg6[%broadcast_in_dim3A_1827, %broadcast_in_dim3A_1837, %add3A_1846, %broadcast_in_dim3A_1833] : memref<12x2x32x128xf32, #tpu.memory_space<vmem>>[vector<16xi32>, vector<16xi32>, vector<16xi32>, vector<16xi32>], vector<16xf32>,
      %mul3A_1848 = arith.mulf %gather3A_1838, %gather3A_1843 : vector<16xf32>
      %mul3A_1849 = arith.mulf %gather3A_1842, %gather3A_1847 : vector<16xf32>
      %add3A_1850 = arith.addf %mul3A_1848, %mul3A_1849 : vector<16xf32>
      %broadcast_in_dim3A_1851 = arith.constant true
      %broadcast_in_dim3A_1852 = vector.broadcast %broadcast_in_dim3A_1851 : i1 to vector<16xi1>
      %masked_cumsum3A_1853 = tpu.scan <sum>, %add3A_1850 masked %broadcast_in_dim3A_1852 : vector<16xf32>, vector<16xi1> -> vector<16xf32>
      %add3A_1854 = arith.constant 14 : i32
      %add3A_1855 = arith.addi %mul3A_608, %add3A_1854 : i32
      %broadcast_in_dim3A_1856 = vector.broadcast %add3A_1855 : i32 to vector<16xi32>
      tpu.vector_store_idx %arg7[%broadcast_in_dim3A_1856], %masked_cumsum3A_1853 masked %eq3A_22 : memref<512xf32, #tpu.memory_space<vmem>>[vector<16xi32>], vector<16xf32>, vector<16xi1>
      %lt3A_1857 = arith.constant 31 : i32
      %lt3A_1858 = arith.cmpi slt, %add3A_606, %lt3A_1857 : i32
      %convert_element_type3A_1859 = arith.extui %lt3A_1858 : i1 to i32
      %cond3A_1860 = arith.constant 0 : i32
      %cond3A_1861 = arith.cmpi ne, %convert_element_type3A_1859, %cond3A_1860 : i32
      scf.if %cond3A_1861 {
        %add3A_1935 = arith.constant 16 : i32
        %add3A_1936 = arith.addi %mul3A_608, %add3A_1935 : i32
        %get3A_1937 = arith.index_cast %add3A_1936 : i32 to index
        %get3A_1938 = tpu.vector_load %arg8[%get3A_1937] {strides = array<i32>} : memref<512xi32, #tpu.memory_space<vmem>>, vector<16xi32>,
        %add3A_1939 = arith.constant 16 : i32
        %add3A_1940 = arith.addi %mul3A_608, %add3A_1939 : i32
        %get3A_1941 = arith.index_cast %add3A_1940 : i32 to index
        %get3A_1942 = tpu.vector_load %arg9[%get3A_1941] {strides = array<i32>} : memref<512xi32, #tpu.memory_space<vmem>>, vector<16xi32>,
        %slice3A_1943 = vector.extract_strided_slice %get3A_1938 {offsets = [10], sizes = [1], strides = [1]} : vector<16xi32> to vector<1xi32>
        %squeeze3A_1944 = vector.extract %slice3A_1943[0] : i32 from vector<1xi32>
        %slice3A_1945 = vector.extract_strided_slice %get3A_1942 {offsets = [10], sizes = [1], strides = [1]} : vector<16xi32> to vector<1xi32>
        %squeeze3A_1946 = vector.extract %slice3A_1945[0] : i32 from vector<1xi32>
        %shift_right_arithmetic3A_1947 = arith.constant 7 : i32
        %shift_right_arithmetic3A_1948 = arith.shrsi %squeeze3A_1944, %shift_right_arithmetic3A_1947 : i32
        %mul3A_1949 = arith.constant 128 : i32
        %mul3A_1950 = arith.muli %shift_right_arithmetic3A_1948, %mul3A_1949 : i32
        %multiple_of3A_1951 = tpu.assume_multiple %mul3A_1950, 128 : i32
        %shift_right_arithmetic3A_1952 = arith.constant 7 : i32
        %shift_right_arithmetic3A_1953 = arith.shrsi %squeeze3A_1946, %shift_right_arithmetic3A_1952 : i32
        %mul3A_1954 = arith.constant 128 : i32
        %mul3A_1955 = arith.muli %shift_right_arithmetic3A_1953, %mul3A_1954 : i32
        %multiple_of3A_1956 = tpu.assume_multiple %mul3A_1955, 128 : i32
        %dma_start3A_1957 = arith.constant 0 : i32
        %dma_start3A_1958 = arith.constant 0 : i32
        %dma_start3A_1959 = arith.constant 0 : i32
        %dma_start3A_1960 = tpu.memref_slice %arg6[%rem3A_1792, %dma_start3A_1957, %dma_start3A_1958, %dma_start3A_1959] : memref<12x2x32x128xf32, #tpu.memory_space<vmem>> -> memref<1x1x32x128xf32, #tpu.memory_space<vmem>>
        %dma_start3A_1961 = tpu.memref_squeeze %dma_start3A_1960 : memref<1x1x32x128xf32, #tpu.memory_space<vmem>> -> memref<32x128xf32, #tpu.memory_space<vmem>>
        %dma_start3A_1962 = arith.constant 0 : i32
        %dma_start3A_1963 = tpu.memref_slice %arg2[%dma_start3A_1962, %multiple_of3A_1951] : memref<32x1000000xf32, #tpu.memory_space<hbm>> -> memref<32x128xf32, #tpu.memory_space<hbm>>
        %dma_start3A_1964 = tpu.memref_slice %arg11[%rem3A_1792] : memref<12x!tpu.dma_semaphore, #tpu.memory_space<semaphore_mem>> -> memref<1x!tpu.dma_semaphore, #tpu.memory_space<semaphore_mem>>
        %dma_start3A_1965 = tpu.memref_squeeze %dma_start3A_1964 : memref<1x!tpu.dma_semaphore, #tpu.memory_space<semaphore_mem>> -> memref<!tpu.dma_semaphore, #tpu.memory_space<semaphore_mem>>
        %dma_start3A_1966 = arith.constant 0 : i32
        %dma_start3A_1967 = arith.constant 0 : i32
        %dma_start3A_1968 = tpu.memref_slice %arg6[%rem3A_1792, %dma_start3A_1957, %dma_start3A_1966, %dma_start3A_1967] : memref<12x2x32x128xf32, #tpu.memory_space<vmem>> -> memref<1x1x32x128xf32, #tpu.memory_space<vmem>>
        %dma_start3A_1969 = tpu.memref_squeeze %dma_start3A_1968 : memref<1x1x32x128xf32, #tpu.memory_space<vmem>> -> memref<32x128xf32, #tpu.memory_space<vmem>>
        %dma_start3A_1970 = arith.constant 0 : i32
        %dma_start3A_1971 = tpu.memref_slice %arg2[%dma_start3A_1970, %multiple_of3A_1951] : memref<32x1000000xf32, #tpu.memory_space<hbm>> -> memref<32x128xf32, #tpu.memory_space<hbm>>
        tpu.enqueue_dma source(%dma_start3A_1971 : memref<32x128xf32, #tpu.memory_space<hbm>>) target(%dma_start3A_1969 : memref<32x128xf32, #tpu.memory_space<vmem>>) target_semaphore(%dma_start3A_1965 : memref<!tpu.dma_semaphore, #tpu.memory_space<semaphore_mem>>)
        %dma_start3A_1972 = arith.constant 1 : i32
        %dma_start3A_1973 = arith.constant 0 : i32
        %dma_start3A_1974 = arith.constant 0 : i32
        %dma_start3A_1975 = tpu.memref_slice %arg6[%rem3A_1792, %dma_start3A_1972, %dma_start3A_1973, %dma_start3A_1974] : memref<12x2x32x128xf32, #tpu.memory_space<vmem>> -> memref<1x1x32x128xf32, #tpu.memory_space<vmem>>
        %dma_start3A_1976 = tpu.memref_squeeze %dma_start3A_1975 : memref<1x1x32x128xf32, #tpu.memory_space<vmem>> -> memref<32x128xf32, #tpu.memory_space<vmem>>
        %dma_start3A_1977 = arith.constant 0 : i32
        %dma_start3A_1978 = tpu.memref_slice %arg3[%dma_start3A_1977, %multiple_of3A_1956] : memref<32x1000000xf32, #tpu.memory_space<hbm>> -> memref<32x128xf32, #tpu.memory_space<hbm>>
        %dma_start3A_1979 = tpu.memref_slice %arg11[%rem3A_1792] : memref<12x!tpu.dma_semaphore, #tpu.memory_space<semaphore_mem>> -> memref<1x!tpu.dma_semaphore, #tpu.memory_space<semaphore_mem>>
        %dma_start3A_1980 = tpu.memref_squeeze %dma_start3A_1979 : memref<1x!tpu.dma_semaphore, #tpu.memory_space<semaphore_mem>> -> memref<!tpu.dma_semaphore, #tpu.memory_space<semaphore_mem>>
        %dma_start3A_1981 = arith.constant 0 : i32
        %dma_start3A_1982 = arith.constant 0 : i32
        %dma_start3A_1983 = tpu.memref_slice %arg6[%rem3A_1792, %dma_start3A_1972, %dma_start3A_1981, %dma_start3A_1982] : memref<12x2x32x128xf32, #tpu.memory_space<vmem>> -> memref<1x1x32x128xf32, #tpu.memory_space<vmem>>
        %dma_start3A_1984 = tpu.memref_squeeze %dma_start3A_1983 : memref<1x1x32x128xf32, #tpu.memory_space<vmem>> -> memref<32x128xf32, #tpu.memory_space<vmem>>
        %dma_start3A_1985 = arith.constant 0 : i32
        %dma_start3A_1986 = tpu.memref_slice %arg3[%dma_start3A_1985, %multiple_of3A_1956] : memref<32x1000000xf32, #tpu.memory_space<hbm>> -> memref<32x128xf32, #tpu.memory_space<hbm>>
        tpu.enqueue_dma source(%dma_start3A_1986 : memref<32x128xf32, #tpu.memory_space<hbm>>) target(%dma_start3A_1984 : memref<32x128xf32, #tpu.memory_space<vmem>>) target_semaphore(%dma_start3A_1980 : memref<!tpu.dma_semaphore, #tpu.memory_space<semaphore_mem>>)
      } else {
      }
      %add3A_1862 = arith.constant 15 : i32
      %add3A_1863 = arith.addi %mul3A_608, %add3A_1862 : i32
      %rem3A_1864 = arith.constant 12 : i32
      %rem3A_1865 = arith.remsi %add3A_1863, %rem3A_1864 : i32
      %dma_wait3A_1866 = arith.constant 0 : i32
      %dma_wait3A_1867 = arith.constant 0 : i32
      %dma_wait3A_1868 = arith.constant 0 : i32
      %dma_wait3A_1869 = tpu.memref_slice %arg6[%rem3A_1865, %dma_wait3A_1866, %dma_wait3A_1867, %dma_wait3A_1868] : memref<12x2x32x128xf32, #tpu.memory_space<vmem>> -> memref<1x1x32x128xf32, #tpu.memory_space<vmem>>
      %dma_wait3A_1870 = tpu.memref_squeeze %dma_wait3A_1869 : memref<1x1x32x128xf32, #tpu.memory_space<vmem>> -> memref<32x128xf32, #tpu.memory_space<vmem>>
      %dma_wait3A_1871 = arith.constant 0 : i32
      %dma_wait3A_1872 = arith.constant 0 : i32
      %dma_wait3A_1873 = tpu.memref_slice %arg2[%dma_wait3A_1871, %dma_wait3A_1872] : memref<32x1000000xf32, #tpu.memory_space<hbm>> -> memref<32x128xf32, #tpu.memory_space<hbm>>
      %dma_wait3A_1874 = tpu.memref_slice %arg11[%rem3A_1865] : memref<12x!tpu.dma_semaphore, #tpu.memory_space<semaphore_mem>> -> memref<1x!tpu.dma_semaphore, #tpu.memory_space<semaphore_mem>>
      %dma_wait3A_1875 = tpu.memref_squeeze %dma_wait3A_1874 : memref<1x!tpu.dma_semaphore, #tpu.memory_space<semaphore_mem>> -> memref<!tpu.dma_semaphore, #tpu.memory_space<semaphore_mem>>
      %dma_wait3A_1876 = arith.constant 0 : i32
      %dma_wait3A_1877 = arith.constant 0 : i32
      %dma_wait3A_1878 = tpu.memref_slice %arg6[%rem3A_1865, %dma_wait3A_1866, %dma_wait3A_1876, %dma_wait3A_1877] : memref<12x2x32x128xf32, #tpu.memory_space<vmem>> -> memref<1x1x32x128xf32, #tpu.memory_space<vmem>>
      %dma_wait3A_1879 = tpu.memref_squeeze %dma_wait3A_1878 : memref<1x1x32x128xf32, #tpu.memory_space<vmem>> -> memref<32x128xf32, #tpu.memory_space<vmem>>
      %dma_wait3A_1880 = arith.constant 0 : i32
      %dma_wait3A_1881 = arith.constant 0 : i32
      %dma_wait3A_1882 = tpu.memref_slice %arg2[%dma_wait3A_1880, %dma_wait3A_1881] : memref<32x1000000xf32, #tpu.memory_space<hbm>> -> memref<32x128xf32, #tpu.memory_space<hbm>>
      tpu.wait_dma2 semaphore(%dma_wait3A_1875 : memref<!tpu.dma_semaphore, #tpu.memory_space<semaphore_mem>>) src(%dma_wait3A_1882 : memref<32x128xf32, #tpu.memory_space<hbm>>) dst(%dma_wait3A_1879 : memref<32x128xf32, #tpu.memory_space<vmem>>)
      %dma_wait3A_1883 = arith.constant 1 : i32
      %dma_wait3A_1884 = arith.constant 0 : i32
      %dma_wait3A_1885 = arith.constant 0 : i32
      %dma_wait3A_1886 = tpu.memref_slice %arg6[%rem3A_1865, %dma_wait3A_1883, %dma_wait3A_1884, %dma_wait3A_1885] : memref<12x2x32x128xf32, #tpu.memory_space<vmem>> -> memref<1x1x32x128xf32, #tpu.memory_space<vmem>>
      %dma_wait3A_1887 = tpu.memref_squeeze %dma_wait3A_1886 : memref<1x1x32x128xf32, #tpu.memory_space<vmem>> -> memref<32x128xf32, #tpu.memory_space<vmem>>
      %dma_wait3A_1888 = arith.constant 0 : i32
      %dma_wait3A_1889 = arith.constant 0 : i32
      %dma_wait3A_1890 = tpu.memref_slice %arg3[%dma_wait3A_1888, %dma_wait3A_1889] : memref<32x1000000xf32, #tpu.memory_space<hbm>> -> memref<32x128xf32, #tpu.memory_space<hbm>>
      %dma_wait3A_1891 = tpu.memref_slice %arg11[%rem3A_1865] : memref<12x!tpu.dma_semaphore, #tpu.memory_space<semaphore_mem>> -> memref<1x!tpu.dma_semaphore, #tpu.memory_space<semaphore_mem>>
      %dma_wait3A_1892 = tpu.memref_squeeze %dma_wait3A_1891 : memref<1x!tpu.dma_semaphore, #tpu.memory_space<semaphore_mem>> -> memref<!tpu.dma_semaphore, #tpu.memory_space<semaphore_mem>>
      %dma_wait3A_1893 = arith.constant 0 : i32
      %dma_wait3A_1894 = arith.constant 0 : i32
      %dma_wait3A_1895 = tpu.memref_slice %arg6[%rem3A_1865, %dma_wait3A_1883, %dma_wait3A_1893, %dma_wait3A_1894] : memref<12x2x32x128xf32, #tpu.memory_space<vmem>> -> memref<1x1x32x128xf32, #tpu.memory_space<vmem>>
      %dma_wait3A_1896 = tpu.memref_squeeze %dma_wait3A_1895 : memref<1x1x32x128xf32, #tpu.memory_space<vmem>> -> memref<32x128xf32, #tpu.memory_space<vmem>>
      %dma_wait3A_1897 = arith.constant 0 : i32
      %dma_wait3A_1898 = arith.constant 0 : i32
      %dma_wait3A_1899 = tpu.memref_slice %arg3[%dma_wait3A_1897, %dma_wait3A_1898] : memref<32x1000000xf32, #tpu.memory_space<hbm>> -> memref<32x128xf32, #tpu.memory_space<hbm>>
      tpu.wait_dma2 semaphore(%dma_wait3A_1892 : memref<!tpu.dma_semaphore, #tpu.memory_space<semaphore_mem>>) src(%dma_wait3A_1899 : memref<32x128xf32, #tpu.memory_space<hbm>>) dst(%dma_wait3A_1896 : memref<32x128xf32, #tpu.memory_space<vmem>>)
      %broadcast_in_dim3A_1900 = vector.broadcast %rem3A_1865 : i32 to vector<16xi32>
      %slice3A_1901 = vector.extract_strided_slice %and3A_614 {offsets = [15], sizes = [1], strides = [1]} : vector<16xi32> to vector<1xi32>
      %squeeze3A_1902 = vector.extract %slice3A_1901[0] : i32 from vector<1xi32>
      %broadcast_in_dim3A_1903 = vector.broadcast %squeeze3A_1902 : i32 to vector<16xi32>
      %slice3A_1904 = vector.extract_strided_slice %and3A_617 {offsets = [15], sizes = [1], strides = [1]} : vector<16xi32> to vector<1xi32>
      %squeeze3A_1905 = vector.extract %slice3A_1904[0] : i32 from vector<1xi32>
      %broadcast_in_dim3A_1906 = vector.broadcast %squeeze3A_1905 : i32 to vector<16xi32>
      %broadcast_in_dim3A_1907 = arith.constant 0 : i32
      %broadcast_in_dim3A_1908 = vector.broadcast %broadcast_in_dim3A_1907 : i32 to vector<16xi32>
      %broadcast_in_dim3A_1909 = arith.constant 1 : i32
      %broadcast_in_dim3A_1910 = vector.broadcast %broadcast_in_dim3A_1909 : i32 to vector<16xi32>
      %gather3A_1911 = tpu.vector_load_idx %arg6[%broadcast_in_dim3A_1900, %broadcast_in_dim3A_1908, %iota3A, %broadcast_in_dim3A_1903] : memref<12x2x32x128xf32, #tpu.memory_space<vmem>>[vector<16xi32>, vector<16xi32>, vector<16xi32>, vector<16xi32>], vector<16xf32>,
      %add3A_1912 = arith.constant 16 : i32
      %add3A_1913 = vector.broadcast %add3A_1912 : i32 to vector<16xi32>
      %add3A_1914 = arith.addi %iota3A, %add3A_1913 : vector<16xi32>
      %gather3A_1915 = tpu.vector_load_idx %arg6[%broadcast_in_dim3A_1900, %broadcast_in_dim3A_1908, %add3A_1914, %broadcast_in_dim3A_1903] : memref<12x2x32x128xf32, #tpu.memory_space<vmem>>[vector<16xi32>, vector<16xi32>, vector<16xi32>, vector<16xi32>], vector<16xf32>,
      %gather3A_1916 = tpu.vector_load_idx %arg6[%broadcast_in_dim3A_1900, %broadcast_in_dim3A_1910, %iota3A, %broadcast_in_dim3A_1906] : memref<12x2x32x128xf32, #tpu.memory_space<vmem>>[vector<16xi32>, vector<16xi32>, vector<16xi32>, vector<16xi32>], vector<16xf32>,
      %add3A_1917 = arith.constant 16 : i32
      %add3A_1918 = vector.broadcast %add3A_1917 : i32 to vector<16xi32>
      %add3A_1919 = arith.addi %iota3A, %add3A_1918 : vector<16xi32>
      %gather3A_1920 = tpu.vector_load_idx %arg6[%broadcast_in_dim3A_1900, %broadcast_in_dim3A_1910, %add3A_1919, %broadcast_in_dim3A_1906] : memref<12x2x32x128xf32, #tpu.memory_space<vmem>>[vector<16xi32>, vector<16xi32>, vector<16xi32>, vector<16xi32>], vector<16xf32>,
      %mul3A_1921 = arith.mulf %gather3A_1911, %gather3A_1916 : vector<16xf32>
      %mul3A_1922 = arith.mulf %gather3A_1915, %gather3A_1920 : vector<16xf32>
      %add3A_1923 = arith.addf %mul3A_1921, %mul3A_1922 : vector<16xf32>
      %broadcast_in_dim3A_1924 = arith.constant true
      %broadcast_in_dim3A_1925 = vector.broadcast %broadcast_in_dim3A_1924 : i1 to vector<16xi1>
      %masked_cumsum3A_1926 = tpu.scan <sum>, %add3A_1923 masked %broadcast_in_dim3A_1925 : vector<16xf32>, vector<16xi1> -> vector<16xf32>
      %add3A_1927 = arith.constant 15 : i32
      %add3A_1928 = arith.addi %mul3A_608, %add3A_1927 : i32
      %broadcast_in_dim3A_1929 = vector.broadcast %add3A_1928 : i32 to vector<16xi32>
      tpu.vector_store_idx %arg7[%broadcast_in_dim3A_1929], %masked_cumsum3A_1926 masked %eq3A_22 : memref<512xf32, #tpu.memory_space<vmem>>[vector<16xi32>], vector<16xf32>, vector<16xi1>
      %lt3A_1930 = arith.constant 31 : i32
      %lt3A_1931 = arith.cmpi slt, %add3A_606, %lt3A_1930 : i32
      %convert_element_type3A_1932 = arith.extui %lt3A_1931 : i1 to i32
      %cond3A_1933 = arith.constant 0 : i32
      %cond3A_1934 = arith.cmpi ne, %convert_element_type3A_1932, %cond3A_1933 : i32
      scf.if %cond3A_1934 {
        %add3A_1935 = arith.constant 16 : i32
        %add3A_1936 = arith.addi %mul3A_608, %add3A_1935 : i32
        %get3A_1937 = arith.index_cast %add3A_1936 : i32 to index
        %get3A_1938 = tpu.vector_load %arg8[%get3A_1937] {strides = array<i32>} : memref<512xi32, #tpu.memory_space<vmem>>, vector<16xi32>,
        %add3A_1939 = arith.constant 16 : i32
        %add3A_1940 = arith.addi %mul3A_608, %add3A_1939 : i32
        %get3A_1941 = arith.index_cast %add3A_1940 : i32 to index
        %get3A_1942 = tpu.vector_load %arg9[%get3A_1941] {strides = array<i32>} : memref<512xi32, #tpu.memory_space<vmem>>, vector<16xi32>,
        %slice3A_1943 = vector.extract_strided_slice %get3A_1938 {offsets = [11], sizes = [1], strides = [1]} : vector<16xi32> to vector<1xi32>
        %squeeze3A_1944 = vector.extract %slice3A_1943[0] : i32 from vector<1xi32>
        %slice3A_1945 = vector.extract_strided_slice %get3A_1942 {offsets = [11], sizes = [1], strides = [1]} : vector<16xi32> to vector<1xi32>
        %squeeze3A_1946 = vector.extract %slice3A_1945[0] : i32 from vector<1xi32>
        %shift_right_arithmetic3A_1947 = arith.constant 7 : i32
        %shift_right_arithmetic3A_1948 = arith.shrsi %squeeze3A_1944, %shift_right_arithmetic3A_1947 : i32
        %mul3A_1949 = arith.constant 128 : i32
        %mul3A_1950 = arith.muli %shift_right_arithmetic3A_1948, %mul3A_1949 : i32
        %multiple_of3A_1951 = tpu.assume_multiple %mul3A_1950, 128 : i32
        %shift_right_arithmetic3A_1952 = arith.constant 7 : i32
        %shift_right_arithmetic3A_1953 = arith.shrsi %squeeze3A_1946, %shift_right_arithmetic3A_1952 : i32
        %mul3A_1954 = arith.constant 128 : i32
        %mul3A_1955 = arith.muli %shift_right_arithmetic3A_1953, %mul3A_1954 : i32
        %multiple_of3A_1956 = tpu.assume_multiple %mul3A_1955, 128 : i32
        %dma_start3A_1957 = arith.constant 0 : i32
        %dma_start3A_1958 = arith.constant 0 : i32
        %dma_start3A_1959 = arith.constant 0 : i32
        %dma_start3A_1960 = tpu.memref_slice %arg6[%rem3A_1865, %dma_start3A_1957, %dma_start3A_1958, %dma_start3A_1959] : memref<12x2x32x128xf32, #tpu.memory_space<vmem>> -> memref<1x1x32x128xf32, #tpu.memory_space<vmem>>
        %dma_start3A_1961 = tpu.memref_squeeze %dma_start3A_1960 : memref<1x1x32x128xf32, #tpu.memory_space<vmem>> -> memref<32x128xf32, #tpu.memory_space<vmem>>
        %dma_start3A_1962 = arith.constant 0 : i32
        %dma_start3A_1963 = tpu.memref_slice %arg2[%dma_start3A_1962, %multiple_of3A_1951] : memref<32x1000000xf32, #tpu.memory_space<hbm>> -> memref<32x128xf32, #tpu.memory_space<hbm>>
        %dma_start3A_1964 = tpu.memref_slice %arg11[%rem3A_1865] : memref<12x!tpu.dma_semaphore, #tpu.memory_space<semaphore_mem>> -> memref<1x!tpu.dma_semaphore, #tpu.memory_space<semaphore_mem>>
        %dma_start3A_1965 = tpu.memref_squeeze %dma_start3A_1964 : memref<1x!tpu.dma_semaphore, #tpu.memory_space<semaphore_mem>> -> memref<!tpu.dma_semaphore, #tpu.memory_space<semaphore_mem>>
        %dma_start3A_1966 = arith.constant 0 : i32
        %dma_start3A_1967 = arith.constant 0 : i32
        %dma_start3A_1968 = tpu.memref_slice %arg6[%rem3A_1865, %dma_start3A_1957, %dma_start3A_1966, %dma_start3A_1967] : memref<12x2x32x128xf32, #tpu.memory_space<vmem>> -> memref<1x1x32x128xf32, #tpu.memory_space<vmem>>
        %dma_start3A_1969 = tpu.memref_squeeze %dma_start3A_1968 : memref<1x1x32x128xf32, #tpu.memory_space<vmem>> -> memref<32x128xf32, #tpu.memory_space<vmem>>
        %dma_start3A_1970 = arith.constant 0 : i32
        %dma_start3A_1971 = tpu.memref_slice %arg2[%dma_start3A_1970, %multiple_of3A_1951] : memref<32x1000000xf32, #tpu.memory_space<hbm>> -> memref<32x128xf32, #tpu.memory_space<hbm>>
        tpu.enqueue_dma source(%dma_start3A_1971 : memref<32x128xf32, #tpu.memory_space<hbm>>) target(%dma_start3A_1969 : memref<32x128xf32, #tpu.memory_space<vmem>>) target_semaphore(%dma_start3A_1965 : memref<!tpu.dma_semaphore, #tpu.memory_space<semaphore_mem>>)
        %dma_start3A_1972 = arith.constant 1 : i32
        %dma_start3A_1973 = arith.constant 0 : i32
        %dma_start3A_1974 = arith.constant 0 : i32
        %dma_start3A_1975 = tpu.memref_slice %arg6[%rem3A_1865, %dma_start3A_1972, %dma_start3A_1973, %dma_start3A_1974] : memref<12x2x32x128xf32, #tpu.memory_space<vmem>> -> memref<1x1x32x128xf32, #tpu.memory_space<vmem>>
        %dma_start3A_1976 = tpu.memref_squeeze %dma_start3A_1975 : memref<1x1x32x128xf32, #tpu.memory_space<vmem>> -> memref<32x128xf32, #tpu.memory_space<vmem>>
        %dma_start3A_1977 = arith.constant 0 : i32
        %dma_start3A_1978 = tpu.memref_slice %arg3[%dma_start3A_1977, %multiple_of3A_1956] : memref<32x1000000xf32, #tpu.memory_space<hbm>> -> memref<32x128xf32, #tpu.memory_space<hbm>>
        %dma_start3A_1979 = tpu.memref_slice %arg11[%rem3A_1865] : memref<12x!tpu.dma_semaphore, #tpu.memory_space<semaphore_mem>> -> memref<1x!tpu.dma_semaphore, #tpu.memory_space<semaphore_mem>>
        %dma_start3A_1980 = tpu.memref_squeeze %dma_start3A_1979 : memref<1x!tpu.dma_semaphore, #tpu.memory_space<semaphore_mem>> -> memref<!tpu.dma_semaphore, #tpu.memory_space<semaphore_mem>>
        %dma_start3A_1981 = arith.constant 0 : i32
        %dma_start3A_1982 = arith.constant 0 : i32
        %dma_start3A_1983 = tpu.memref_slice %arg6[%rem3A_1865, %dma_start3A_1972, %dma_start3A_1981, %dma_start3A_1982] : memref<12x2x32x128xf32, #tpu.memory_space<vmem>> -> memref<1x1x32x128xf32, #tpu.memory_space<vmem>>
        %dma_start3A_1984 = tpu.memref_squeeze %dma_start3A_1983 : memref<1x1x32x128xf32, #tpu.memory_space<vmem>> -> memref<32x128xf32, #tpu.memory_space<vmem>>
        %dma_start3A_1985 = arith.constant 0 : i32
        %dma_start3A_1986 = tpu.memref_slice %arg3[%dma_start3A_1985, %multiple_of3A_1956] : memref<32x1000000xf32, #tpu.memory_space<hbm>> -> memref<32x128xf32, #tpu.memory_space<hbm>>
        tpu.enqueue_dma source(%dma_start3A_1986 : memref<32x128xf32, #tpu.memory_space<hbm>>) target(%dma_start3A_1984 : memref<32x128xf32, #tpu.memory_space<vmem>>) target_semaphore(%dma_start3A_1980 : memref<!tpu.dma_semaphore, #tpu.memory_space<semaphore_mem>>)
      } else {
      }
    }
    %scan3A_601 = arith.constant 32 : i32
    "tpu.region"() ({
      %run_scoped3A = tpu.sem_alloc : memref<!tpu.dma_semaphore, #tpu.memory_space<semaphore_mem>>
      %dma_start3A_602 = tpu.memref_slice %arg5[%mul3A_2] : memref<16384xf32, #tpu.memory_space<hbm>> -> memref<512xf32, #tpu.memory_space<hbm>>
      %dma_start3A_603 = tpu.memref_slice %arg5[%mul3A_2] : memref<16384xf32, #tpu.memory_space<hbm>> -> memref<512xf32, #tpu.memory_space<hbm>>
      tpu.enqueue_dma source(%arg7 : memref<512xf32, #tpu.memory_space<vmem>>) target(%dma_start3A_603 : memref<512xf32, #tpu.memory_space<hbm>>) target_semaphore(%run_scoped3A : memref<!tpu.dma_semaphore, #tpu.memory_space<semaphore_mem>>)
      %dma_wait3A_604 = tpu.memref_slice %arg5[%mul3A_2] : memref<16384xf32, #tpu.memory_space<hbm>> -> memref<512xf32, #tpu.memory_space<hbm>>
      %dma_wait3A_605 = tpu.memref_slice %arg5[%mul3A_2] : memref<16384xf32, #tpu.memory_space<hbm>> -> memref<512xf32, #tpu.memory_space<hbm>>
      tpu.wait_dma2 semaphore(%run_scoped3A : memref<!tpu.dma_semaphore, #tpu.memory_space<semaphore_mem>>) src(%arg7 : memref<512xf32, #tpu.memory_space<vmem>>) dst(%dma_wait3A_605 : memref<512xf32, #tpu.memory_space<hbm>>)
      tpu.yield
    }) : () -> ()
    return
  }
}

</mosaic_0001>

<sc_bundles>
// kernel: _mf_dot.3.cloned.1.call-start
scs
__scs_entry_jumppad:
0x0: {  	(pc) =	sbr.rel $0x88, $3  }
0x1: {  	(tag) =	ssettag $0x0;
	lr =	simm.s32 $0x1  }
0x2: {  	[smem:$0x3F9E] =	sst lr;
	_ =	strace $0xD0000000  }
0x3: {  	_ = 	snop  }
0x4: {  	_ = 	snop  }
0x5: {  	_ = 	snop  }
0x6: {  	_ = 	snop  }
0x7: {  	_ = 	snop  }
__scs_overlays_trampoline_lowered:
0x8: {  	[smem:$0x3FAD] =	sst s0  }
0x9: {  	[smem:$0x3FAE] =	sst s1  }
0xa: {  	[smem:$0x3FAF] =	sst s2  }
0xb: {  	[smem:$0x3FB0] =	sst s3  }
0xc: {  	[smem:$0x3FB1] =	sst s4  }
0xd: {  	[smem:$0x3FB2] =	sst s5  }
0xe: {  	[smem:$0x3FB3] =	sst s6  }
0xf: {  	[smem:$0x3FB4] =	sst s7  }
0x10: {  	[smem:$0x3FB5] =	sst s8  }
0x11: {  	[smem:$0x3FB6] =	sst s9;
	s0 =	simm.s32 @!p0 $0x0  }
0x12: {  	s1 =	sld [smem:$0x3F9C];
	s0 =	simm.s32 @p0 $0x1  }
0x13: {  	[smem:$0x3FB7] =	sst s0;
	s0 =	simm.s32 @!p1 $0x0  }
0x14: {  	s2 =	sld [smem:$0x3F9B];
	s0 =	simm.s32 @p1 $0x1  }
0x15: {  	[smem:$0x3FB8] =	sst s0;
	s0 =	simm.s32 @!p2 $0x0  }
0x16: {  	s3 =	sld [smem:$0x3FDB];
	s0 =	simm.s32 @p2 $0x1  }
0x17: {  	s4 =	simm.s32 $0x1BF5;
	[smem:$0x3FBA] =	sst s0  }
0x18: {  	s0 =	sld [smem:$0x3F9D];
	_ =	swait.ge [sflag:s4], $0x0  }
0x19: {  	s7 =	sld [smem:$0x3F9E]  }
0x1a: {  	s8 =	sadd.s32 $0xFFFFE003, lr  }
0x1b: {  	s9 =	sadd.s32 $0xFFFFFEF7, lr;
	s5 =	simm.s32 $0xFFFFFFFF;
	p2 =	slt.u32 s8, $0xFFFFF086  }
0x1c: {  	p1 =	slt.u32 s9, $0xF7A;
	s5 =	simm.s32 @!p2 $0x0  }
0x1d: {  	s5 =	simm.s32 @p1 $0x1;
	p0 =	seq.s32 s7, s2  }
0x1e: {  	s7 =	smul.u32 @!p0 $0xF7A, s2;
	p2 =	seq.s32 @!p0 s5, $0x0  }
0x1f: {  	s9 =	smul.u32 $0xF7A, s1;
	s8 =	simm.s32 @!p0 $0x1BF5;
	p2 =	por !p2, p0  }
0x20: {  	[sflag:s8] =	ssyncset.s32 @!p0 $0xFFFFF086;
	s6 =	sadd.s32 @!p0 s3, s7;
	s7 =	simm.s32 @!p0 $0x108  }
0x21: {  	s3 =	sadd.s32 s3, s9;
	s6 =	sadd.s32 @!p0 $0x88, s6;
	s7 =	simm.s32 @p2 $0x1082  }
0x22: {  	[simem:s7], [sflag:s8] =	dma.local @!p0 [hbm:s6], $0xF7A  }
0x23: {  	s9 =	sor.u32 $0xD0000000, s2;
	s6 =	simm.s32 $0x108;
	_ =	swait.ge @!p0 [sflag:s8], $0x0  }
0x24: {  	s3 =	sadd.s32 $0x88, s3;
	s6 =	simm.s32 @!p1 $0x1082;
	[sflag:s4] =	ssyncset.s32 $0xFFFFF086  }
0x25: {  	[simem:s6], [sflag:s4] =	dma.local [hbm:s3], $0xF7A  }
0x26: {  	[smem:$0x3F9E] =	sst s1;
	(tag) =	ssettag s2;
	_ =	strace s9  }
0x27: {  	s1 =	sld [smem:$0x3FAE]  }
0x28: {  	s2 =	sld [smem:$0x3FAF]  }
0x29: {  	s4 =	sld [smem:$0x3FB1]  }
0x2a: {  	p0 =	seq.s32 s5, $0x0;
	s5 =	sld [smem:$0x3FB2]  }
0x2b: {  	s6 =	sld [smem:$0x3FB3]  }
0x2c: {  	s7 =	sld [smem:$0x3FB4]  }
0x2d: {  	s3 =	simm.s32 $0x108;
	s8 =	sld [smem:$0x3FB5]  }
0x2e: {  	s3 =	simm.s32 @!p0 $0x1082;
	s9 =	sld [smem:$0x3FB6]  }
0x2f: {  	lr =	sadd.s32 s0, s3;
	s0 =	sld [smem:$0x3FAD]  }
0x30: {  	s3 =	sld [smem:$0x3FB0]  }
0x31: {  	[smem:$0x3FB9] =	sst s10  }
0x32: {  	s10 =	sld [smem:$0x3FB7];
	_ =	sdelay $0x3  }
0x33: {  	p0 =	seq.s32 s10, $0x1;
	s10 =	sld [smem:$0x3FB9];
	_ =	sdelay $0x3  }
0x34: {  	[smem:$0x3FB9] =	sst s10  }
0x35: {  	s10 =	sld [smem:$0x3FB8];
	_ =	sdelay $0x3  }
0x36: {  	p1 =	seq.s32 s10, $0x1;
	s10 =	sld [smem:$0x3FB9];
	_ =	sdelay $0x3  }
0x37: {  	[smem:$0x3FB9] =	sst s10  }
0x38: {  	s10 =	sld [smem:$0x3FBA]  }
0x39: {  	_ = 	snop;
	(pc) =	sbr.ind lr, $3  }
0x3a: {  	_ = 	snop  }
0x3b: {  	_ = 	snop  }
0x3c: {  	p2 =	seq.s32 s10, $0x1;
	s10 =	sld [smem:$0x3FB9]  }
0x3d: {  	_ =	shalt  }
0x3e: {  	_ =	shalt  }
0x3f: {  	_ =	shalt  }
0x40: {  	_ =	shalt  }
0x41: {  	_ =	shalt  }
0x42: {  	_ =	shalt  }
0x43: {  	_ =	shalt  }
0x44: {  	_ =	shalt  }
0x45: {  	_ =	shalt  }
0x46: {  	_ =	shalt  }
0x47: {  	_ =	shalt  }
0x48: {  	_ =	shalt  }
0x49: {  	_ =	shalt  }
0x4a: {  	_ =	shalt  }
0x4b: {  	_ =	shalt  }
0x4c: {  	_ =	shalt  }
0x4d: {  	_ =	shalt  }
0x4e: {  	_ =	shalt  }
0x4f: {  	_ =	shalt  }
0x50: {  	_ =	shalt  }
0x51: {  	_ =	shalt  }
0x52: {  	_ =	shalt  }
0x53: {  	_ =	shalt  }
0x54: {  	_ =	shalt  }
0x55: {  	_ =	shalt  }
0x56: {  	_ =	shalt  }
0x57: {  	_ =	shalt  }
0x58: {  	_ =	shalt  }
0x59: {  	_ =	shalt  }
0x5a: {  	_ =	shalt  }
0x5b: {  	_ =	shalt  }
0x5c: {  	_ =	shalt  }
0x5d: {  	_ =	shalt  }
0x5e: {  	_ =	shalt  }
0x5f: {  	_ =	shalt  }
0x60: {  	_ =	shalt  }
0x61: {  	_ =	shalt  }
0x62: {  	_ =	shalt  }
0x63: {  	_ =	shalt  }
0x64: {  	_ =	shalt  }
0x65: {  	_ =	shalt  }
0x66: {  	_ =	shalt  }
0x67: {  	_ =	shalt  }
0x68: {  	_ =	shalt  }
0x69: {  	_ =	shalt  }
0x6a: {  	_ =	shalt  }
0x6b: {  	_ =	shalt  }
0x6c: {  	_ =	shalt  }
0x6d: {  	_ =	shalt  }
0x6e: {  	_ =	shalt  }
0x6f: {  	_ =	shalt  }
0x70: {  	_ =	shalt  }
0x71: {  	_ =	shalt  }
0x72: {  	_ =	shalt  }
0x73: {  	_ =	shalt  }
0x74: {  	_ =	shalt  }
0x75: {  	_ =	shalt  }
0x76: {  	_ =	shalt  }
0x77: {  	_ =	shalt  }
0x78: {  	_ =	shalt  }
0x79: {  	_ =	shalt  }
0x7a: {  	_ =	shalt  }
0x7b: {  	_ =	shalt  }
0x7c: {  	_ =	shalt  }
0x7d: {  	_ =	shalt  }
0x7e: {  	_ =	shalt  }
0x7f: {  	_ =	shalt  }
0x80: {  	_ =	shalt  }
0x81: {  	_ =	shalt  }
0x82: {  	_ =	shalt  }
0x83: {  	_ =	shalt  }
0x84: {  	_ =	shalt  }
0x85: {  	_ =	shalt  }
0x86: {  	_ =	shalt  }
0x87: {  	_ =	shalt  }
.Lfunc_end0:
.L_simem_size_0:
called_computation_lowered:
.L_overlay_start_0:
0x88: {  	s2 =	sld [smem:$0x3FD9]  }
0x89: {  	s3 =	sld [smem:$0x3FFE];
	_ =	sdelay $0x1  }
0x8a: {  	s1 =	srdreg.scid  }
0x8b: {  	s0 =	sand.u32 $0x1, s1  }
0x8c: {  	s18 =	sshll.u32 s0, $0xA;
	s2 =	sadd.s32 s3, s2  }
0x8d: {  	s2 =	sadd.s32 s2, s18  }
0x8e: {  	[smem:$0x3FC5] =	sst s2  }
0x8f: {  	_ = 	snop  }
0x90: {  	s2 =	sld [smem:$0x3FC9]  }
0x91: {  	s19 =	sld [smem:$0x3FC8]  }
0x92: {  	s4 =	sld [smem:$0x3FC7]  }
0x93: {  	s5 =	sld [smem:$0x3FD0];
	(tm) =	ssettm $0x1  }
0x94: {  	s6 =	sld [smem:$0x3FFB];
	_ =	sdelay $0x3  }
0x95: {  	_ =	strace s6  }
0x96: {  	s6 =	sld [smem:$0x3FFC];
	_ =	sdelay $0x3  }
0x97: {  	_ =	strace s6  }
0x98: {  	s6 =	sld [smem:$0x3FFD];
	_ =	sdelay $0x3  }
0x99: {  	_ =	strace s6  }
0x9a: {  	_ =	strace $0x8FFFFFFF  }
0x9b: {  	s20 =	sld [smem:$0x3FDB];
	_ =	sdelay $0x1  }
0x9c: {  	s7 =	simm.s32 $_scs_section_size  }
0x9d: {  	s8 =	simm.s32 $_size__tile_overlayer_lowered;
	s9 =	simm.s32 $_tile_overlayer_lowered  }
0x9e: {  	s23 =	simm.s32 $0x1BFF;
	s22 =	sshll.u32 s9, $0x1;
	s6 =	sadd.s32 s7, s20  }
0x9f: {  	s10 =	simm.s32 $0x0;
	s21 =	sshll.u32 s8, $0x1;
	s8 =	sadd.s32 s22, s6  }
0xa0: {  	[timem:s10], [sflag:s23] =	dma.local [hbm:s8], s21  }
0xa1: {  	_ =	swait.ge [sflag:s23], s21  }
0xa2: {  	s7 =	ssub.s32 $0x0, s21;
	[sflag:s23] =	ssyncset.done $0x0  }
0xa3: {  	[sflag:s23] =	ssyncadd.s32 s7;
	_ =	sdelay $0x1  }
0xa4: {  	s24 =	simm.s32 $0x1B8B  }
0xa5: {  	_ =	swait.ge [sflag:s24], $0x1  }
0xa6: {  	[sflag:s24] =	ssyncset.done $0x0  }
0xa7: {  	s25 =	simm.s32 $0x1B8E;
	[sflag:s24] =	ssyncadd.s32 $0xFFFFFFFF  }
0xa8: {  	s26 =	simm.s32 $execute0_lowered;
	[smem:$0x3FD2] =	sst s25  }
0xa9: {  	s7 =	sshll.u32 s26, $0x1;
	_ =	strace $0x80000046;
	[dreg:$0x1] =	wrdreg $0xFFFFFFFF  }
0xaa: {  	s28 =	simm.s32 $_size_execute0_lowered;
	s6 =	sadd.s32 s6, s7;
	[dreg:$0x0] =	wrdreg $0x0  }
0xab: {  	s7 =	sshll.u32 s28, $0x1;
	[dreg:$0x2] =	wrdreg s6  }
0xac: {  	[dreg:$0x3] =	wrdreg s7  }
0xad: {  	[dreg:$0x4] =	wrdreg $0xC0  }
0xae: {  	_ =	task [dreg:s10], $0x5FFFF  }
0xaf: {  	[dreg:$0x1] =	wrdreg $0xFFFFFFFF  }
0xb0: {  	[dreg:$0x0] =	wrdreg $0x60  }
0xb1: {  	[dreg:$0x2] =	wrdreg s19  }
0xb2: {  	[dreg:$0x3] =	wrdreg s4  }
0xb3: {  	[dreg:$0x4] =	wrdreg s2  }
0xb4: {  	[dreg:$0x5] =	wrdreg s5  }
0xb5: {  	[dreg:$0x6] =	wrdreg $0x9  }
0xb6: {  	_ =	task.clear_ibuf [dreg:s10], $0x7FFFF;
	_ =	strace $0x90000046  }
0xb7: {  	s29 =	simm.s32 $0x9;
	_ =	strace $0x80000048  }
0xb8: {  	_ =	swait.ge [sflag:s29], $0x1  }
0xb9: {  	[sflag:s29] =	ssyncadd.s32 $0xFFFFFFFF  }
0xba: {  	_ =	strace $0x90000048  }
0xbb: {  	_ =	sfence  }
0xbc: {  	s30 =	sld [smem:$0x0];
	_ =	sdelay $0x2  }
0xbd: {  	s31 =	sshll.u32 s1, $0xD;
	s1 =	sshrl.u32 s1, $0x2  }
0xbe: {  	s3 =	sand.u32 $0x4000, s31;
	s1 =	sadd.s32 s1, s30  }
0xbf: {  	s0 =	sor.u32 s3, s0;
	s1 =	sshll.u32 s1, $0x11  }
0xc0: {  	s0 =	sor.u32 s1, s0  }
0xc1: {  	s0 =	sadd.s32 $0x8F2B, s0  }
0xc2: {  	[sflag:s0] =	ssyncadd.remote.s32 $0x1  }
0xc3: {  	_ =	sfence.sel $0xFFFF  }
0xc4: {  	[dreg:$0x0] =	wrdreg $0xFFFFFFFF;
	(pc) =	sbr.abs _section_cstart, $3  }
0xc5: {  	[dreg:$0x1] =	wrdreg $0xFFFFFFFF  }
0xc6: {  	_ =	task.clear_ibuf [dreg:s10], $0x2FFFF;
	_ =	strace $0x9FFFFFFF  }
0xc7: {  	(tm) =	ssettm $0x7FFFFFFF  }
tec
execute0_lowered:
.L_overlay_start_1:
0x0: {  	(tag) =	ssettag $0x1  }
0x1: {  	s1 =	rddreg [dreg:$0x0]  }
0x2: {  	s2 =	rddreg [dreg:$0x1]  }
0x3: {  	s0 =	rddreg [dreg:$0x2]  }
0x4: {  	s3 =	rddreg [dreg:$0x3]  }
0x5: {  	s4 =	srdreg.scid;
	s6 =	stileid.u32;
	s10 =	simm.s32 $0x100  }
0x6: {  	s13 =	simm.s32 $0x1;
	s14 =	simm.s32 $0x400;
	s15 =	simm.s32 $0x7A1400  }
0x7: {  	s11 =	simm.s32 $0x12000;
	s12 =	simm.s32 $0x13000;
	s16 =	simm.s32 $0x14000  }
0x8: {  	s17 =	simm.s32 $0x15000;
	s18 =	simm.s32 $0x16000;
	s19 =	simm.s32 $0x17000  }
0x9: {  	s20 =	simm.s32 $0x18000;
	s21 =	simm.s32 $0xE;
	s22 =	simm.s32 $0x0  }
0xa: {  	s5 =	sand.u32 $0x1, s4;
	s4 =	simm.s32 $0x0;
	s6 =	sshll.u32 s6, $0xA  }
.Ltmp0:
0xb: {  	s7 =	sshll.u32 s5, $0x9;
	[smem:$0x7FF] =	sst s4;
	(pc) =	sbr.rel .LBB2_1-.Ltmp0, $4  }
0xc: {  	v0 =	vlaneseq.u32;
	s5 =	ssub.s32 $0x2, s5;
	s6 =	sor.u32 s7, s6;
	_ =	strace $0x80000047  }
0xd: {  	v0 =	vmul.u32 $0x80, v0;
	s30 =	sshrl.u32 s5, $0x1;
	s8 =	sshrl.u32 s6, $0x2;
	s31 =	sshrl.u32 s6, $0x3  }
0xe: {  	vm0 =	vcmask $0x3F3C;
	s9 =	ssub.s32 s5, s30;
	s5 =	sadd.s32 s0, s8;
	s7 =	sadd.s32 s3, s31  }
0xf: {  	v1 =	vor.u32 $0x800, v0;
	v2 =	vor.u32 $0x1000, v0;
	v3 =	vor.u32 $0x1800, v0;
	s8 =	smax.u32 s9, $0x1;
	s9 =	simm.s32 $0x80;
	s6 =	sadd.s32 $0x10, s5  }
.LBB2_4:
0x10: {  	s22 =	sadd.s32 $0x1, s22  }
0x11: {  	p0 =	sne.s32 s22, s8  }
.Ltmp1:
0x12: {  	_ = 	snop;
	(pc) =	sbr.rel @!p0 .LBB2_5-.Ltmp1, $4  }
0x13: {  	[hbm4b:s7+s4] =	stream.linear.scatter [tilespmem:s20], [sflag:$0xE], $0x200, $0x38;
	[tilespmem:$0x18600] =	vst v63  }
0x14: {  	_ =	swait.ge [sflag:s21], $0x200  }
0x15: {  	[sflag:s21] =	ssyncset.done $0x0  }
0x16: {  	[sflag:s21] =	ssyncadd.s32 $0xFFFFFE00  }
.LBB2_1:
0x17: {  	s0 =	simm.s32 $0x18200  }
0x18: {  	[tilespmem:s0], [sflag:$0x1] =	stream.strided.gather [hbm4b:s5+s9], $0x200, s10, s9, $0x38;
	[tilespmem:$0x18600] =	vst v63  }
0x19: {  	s29 =	simm.s32 $0x18400  }
0x1a: {  	[tilespmem:s29], [sflag:$0x1] =	stream.strided.gather [hbm4b:s6+s9], $0x200, s10, s9, $0x38;
	[tilespmem:$0x18600] =	vst v63  }
0x1b: {  	_ =	swait.ge [sflag:s13], $0x200  }
0x1c: {  	[sflag:s13] =	ssyncset.done $0x0  }
0x1d: {  	[sflag:s13] =	ssyncadd.s32 $0xFFFFFE00  }
0x1e: {  	_ =	swait.ge [sflag:s13], $0x200  }
0x1f: {  	[sflag:s13] =	ssyncset.done $0x0  }
0x20: {  	[sflag:s13] =	ssyncadd.s32 $0xFFFFFE00  }
0x21: {  	v4 =	vld [tilespmem:$0x18200]  }
0x22: {  	v5 =	vld [tilespmem:$0x18400];
	_ =	sdelay $0x3  }
0x23: {  	(v2sf) =	vpush v4, $0x0  }
0x24: {  	(v2sf) =	vpush v5, $0x0;
	_ =	sdelay $0x6  }
0x25: {  	(v2sf) =	vpush v4, $0x1  }
0x26: {  	(v2sf) =	vpush v5, $0x1;
	_ =	sdelay $0x5  }
0x27: {  	s23 =	spop (v2sf);
	(v2sf) =	vpush v4, $0x2  }
0x28: {  	s30 =	spop (v2sf);
	(v2sf) =	vpush v5, $0x2;
	_ =	sdelay $0x5  }
0x29: {  	(v2sf) =	vpush v4, $0x3  }
0x2a: {  	s3 =	spop (v2sf)  }
0x2b: {  	s25 =	spop (v2sf);
	(v2sf) =	vpush v5, $0x3;
	_ =	sdelay $0x2  }
0x2c: {  	s23 =	sand.u32 $0xFFFFF80, s23  }
0x2d: {  	s23 =	sadd.s32 s1, s23  }
0x2e: {  	[tilespmem:s4], [sflag:$0x2] =	stream.strided.gather [hbm4b:s23+s14], $0x1000, s15, s14, $0x38;
	[tilespmem:$0x18600] =	vst v63  }
0x2f: {  	s23 =	sand.u32 $0xFFFFF80, s30;
	s28 =	spop (v2sf);
	(v2sf) =	vpush v4, $0x4  }
0x30: {  	s31 =	simm.s32 $0x1000;
	s23 =	sadd.s32 s2, s23;
	s30 =	spop (v2sf);
	(v2sf) =	vpush v5, $0x4  }
0x31: {  	[tilespmem:s31], [sflag:$0x2] =	stream.strided.gather [hbm4b:s23+s14], $0x1000, s15, s14, $0x38;
	[tilespmem:$0x18600] =	vst v63  }
0x32: {  	s23 =	sand.u32 $0xFFFFF80, s3  }
0x33: {  	s24 =	simm.s32 $0x2000;
	s23 =	sadd.s32 s1, s23  }
0x34: {  	[tilespmem:s24], [sflag:$0x3] =	stream.strided.gather [hbm4b:s23+s14], $0x1000, s15, s14, $0x38;
	[tilespmem:$0x18600] =	vst v63  }
0x35: {  	s23 =	sand.u32 $0xFFFFF80, s25  }
0x36: {  	s26 =	simm.s32 $0x3000;
	s23 =	sadd.s32 s2, s23;
	s3 =	spop (v2sf);
	(v2sf) =	vpush v4, $0x5  }
0x37: {  	[tilespmem:s26], [sflag:$0x3] =	stream.strided.gather [hbm4b:s23+s14], $0x1000, s15, s14, $0x38;
	[tilespmem:$0x18600] =	vst v63  }
0x38: {  	s23 =	sand.u32 $0xFFFFF80, s28;
	s25 =	spop (v2sf);
	(v2sf) =	vpush v5, $0x5  }
0x39: {  	s29 =	simm.s32 $0x4000;
	s23 =	sadd.s32 s1, s23  }
0x3a: {  	[tilespmem:s29], [sflag:$0x4] =	stream.strided.gather [hbm4b:s23+s14], $0x1000, s15, s14, $0x38;
	[tilespmem:$0x18600] =	vst v63  }
0x3b: {  	s23 =	sand.u32 $0xFFFFF80, s30  }
0x3c: {  	s31 =	simm.s32 $0x5000;
	s23 =	sadd.s32 s2, s23  }
0x3d: {  	[tilespmem:s31], [sflag:$0x4] =	stream.strided.gather [hbm4b:s23+s14], $0x1000, s15, s14, $0x38;
	[tilespmem:$0x18600] =	vst v63  }
0x3e: {  	s23 =	sand.u32 $0xFFFFF80, s3;
	s28 =	spop (v2sf);
	(v2sf) =	vpush v4, $0x6  }
0x3f: {  	s24 =	simm.s32 $0x6000;
	s23 =	sadd.s32 s1, s23;
	s30 =	spop (v2sf);
	(v2sf) =	vpush v5, $0x6  }
0x40: {  	[tilespmem:s24], [sflag:$0x5] =	stream.strided.gather [hbm4b:s23+s14], $0x1000, s15, s14, $0x38;
	[tilespmem:$0x18600] =	vst v63  }
0x41: {  	s23 =	sand.u32 $0xFFFFF80, s25  }
0x42: {  	s26 =	simm.s32 $0x7000;
	s23 =	sadd.s32 s2, s23  }
0x43: {  	[tilespmem:s26], [sflag:$0x5] =	stream.strided.gather [hbm4b:s23+s14], $0x1000, s15, s14, $0x38;
	[tilespmem:$0x18600] =	vst v63  }
0x44: {  	s23 =	sand.u32 $0xFFFFF80, s28  }
0x45: {  	s29 =	simm.s32 $0x8000;
	s23 =	sadd.s32 s1, s23;
	s3 =	spop (v2sf);
	(v2sf) =	vpush v4, $0x7  }
0x46: {  	[tilespmem:s29], [sflag:$0x6] =	stream.strided.gather [hbm4b:s23+s14], $0x1000, s15, s14, $0x38;
	[tilespmem:$0x18600] =	vst v63  }
0x47: {  	s23 =	sand.u32 $0xFFFFF80, s30;
	s25 =	spop (v2sf);
	(v2sf) =	vpush v5, $0x7  }
0x48: {  	s31 =	simm.s32 $0x9000;
	s23 =	sadd.s32 s2, s23  }
0x49: {  	[tilespmem:s31], [sflag:$0x6] =	stream.strided.gather [hbm4b:s23+s14], $0x1000, s15, s14, $0x38;
	[tilespmem:$0x18600] =	vst v63  }
0x4a: {  	s23 =	sand.u32 $0xFFFFF80, s3  }
0x4b: {  	s24 =	simm.s32 $0xA000;
	s23 =	sadd.s32 s1, s23  }
0x4c: {  	[tilespmem:s24], [sflag:$0x7] =	stream.strided.gather [hbm4b:s23+s14], $0x1000, s15, s14, $0x38;
	[tilespmem:$0x18600] =	vst v63  }
0x4d: {  	s23 =	sand.u32 $0xFFFFF80, s25;
	s28 =	spop (v2sf);
	(v2sf) =	vpush v4, $0x8  }
0x4e: {  	s26 =	simm.s32 $0xB000;
	s23 =	sadd.s32 s2, s23;
	s30 =	spop (v2sf);
	(v2sf) =	vpush v5, $0x8  }
0x4f: {  	[tilespmem:s26], [sflag:$0x7] =	stream.strided.gather [hbm4b:s23+s14], $0x1000, s15, s14, $0x38;
	[tilespmem:$0x18600] =	vst v63  }
0x50: {  	s23 =	sand.u32 $0xFFFFF80, s28;
	(v2sf) =	vpush v4, $0x9  }
0x51: {  	s29 =	simm.s32 $0xC000;
	s23 =	sadd.s32 s1, s23  }
0x52: {  	[tilespmem:s29], [sflag:$0x8] =	stream.strided.gather [hbm4b:s23+s14], $0x1000, s15, s14, $0x38;
	[tilespmem:$0x18600] =	vst v63  }
0x53: {  	s23 =	sand.u32 $0xFFFFF80, s30  }
0x54: {  	s31 =	simm.s32 $0xD000;
	s0 =	spop (v2sf);
	s23 =	sadd.s32 s2, s23  }
0x55: {  	(v2sf) =	vpush v5, $0x9;
	[tilespmem:s31], [sflag:$0x8] =	stream.strided.gather [hbm4b:s23+s14], $0x1000, s15, s14, $0x38;
	[tilespmem:$0x18600] =	vst v63  }
0x56: {  	s24 =	spop (v2sf);
	(v2sf) =	vpush v4, $0xA;
	s23 =	sand.u32 $0xFFFFF80, s0  }
0x57: {  	s3 =	simm.s32 $0xE000;
	s23 =	sadd.s32 s1, s23  }
0x58: {  	[tilespmem:s3], [sflag:$0x9] =	stream.strided.gather [hbm4b:s23+s14], $0x1000, s15, s14, $0x38;
	[tilespmem:$0x18600] =	vst v63  }
0x59: {  	s23 =	sand.u32 $0xFFFFF80, s24  }
0x5a: {  	s25 =	simm.s32 $0xF000;
	s23 =	sadd.s32 s2, s23  }
0x5b: {  	[tilespmem:s25], [sflag:$0x9] =	stream.strided.gather [hbm4b:s23+s14], $0x1000, s15, s14, $0x38;
	[tilespmem:$0x18600] =	vst v63  }
0x5c: {  	s26 =	spop (v2sf);
	(v2sf) =	vpush v5, $0xA  }
0x5d: {  	s29 =	spop (v2sf);
	(v2sf) =	vpush v4, $0xB  }
0x5e: {  	s23 =	sand.u32 $0xFFFFF80, s26  }
0x5f: {  	s28 =	simm.s32 $0x10000;
	s23 =	sadd.s32 s1, s23;
	s31 =	spop (v2sf)  }
0x60: {  	(v2sf) =	vpush v5, $0xB;
	[tilespmem:s28], [sflag:$0xA] =	stream.strided.gather [hbm4b:s23+s14], $0x1000, s15, s14, $0x38;
	[tilespmem:$0x18600] =	vst v63  }
0x61: {  	s23 =	sand.u32 $0xFFFFF80, s29  }
0x62: {  	s30 =	simm.s32 $0x11000;
	s23 =	sadd.s32 s2, s23  }
0x63: {  	[tilespmem:s30], [sflag:$0xA] =	stream.strided.gather [hbm4b:s23+s14], $0x1000, s15, s14, $0x38;
	[tilespmem:$0x18600] =	vst v63  }
0x64: {  	s24 =	spop (v2sf);
	s23 =	sand.u32 $0xFFFFF80, s31  }
0x65: {  	s0 =	sand.u32 $0xFFFFF80, s24;
	s3 =	spop (v2sf);
	s23 =	sadd.s32 s1, s23  }
0x66: {  	[tilespmem:s11], [sflag:$0xB] =	stream.strided.gather [hbm4b:s23+s14], $0x1000, s15, s14, $0x38;
	[tilespmem:$0x18600] =	vst v63  }
0x67: {  	s25 =	sand.u32 $0xFFFFF80, s3;
	s23 =	sadd.s32 s2, s0  }
0x68: {  	[tilespmem:s12], [sflag:$0xB] =	stream.strided.gather [hbm4b:s23+s14], $0x1000, s15, s14, $0x38;
	[tilespmem:$0x18600] =	vst v63  }
0x69: {  	s23 =	sadd.s32 s1, s25  }
0x6a: {  	[tilespmem:s16], [sflag:$0xC] =	stream.strided.gather [hbm4b:s23+s14], $0x1000, s15, s14, $0x38;
	[tilespmem:$0x18600] =	vst v63  }
0x6b: {  	s26 =	spop (v2sf)  }
0x6c: {  	s28 =	sand.u32 $0xFFFFF80, s26;
	s29 =	spop (v2sf)  }
0x6d: {  	s23 =	sadd.s32 s2, s28;
	s30 =	sand.u32 $0xFFFFF80, s29  }
0x6e: {  	[tilespmem:s17], [sflag:$0xC] =	stream.strided.gather [hbm4b:s23+s14], $0x1000, s15, s14, $0x38;
	[tilespmem:$0x18600] =	vst v63  }
0x6f: {  	s31 =	spop (v2sf);
	s23 =	sadd.s32 s1, s30  }
0x70: {  	[tilespmem:s18], [sflag:$0xD] =	stream.strided.gather [hbm4b:s23+s14], $0x1000, s15, s14, $0x38;
	[tilespmem:$0x18600] =	vst v63  }
0x71: {  	s23 =	sand.u32 $0xFFFFF80, s31  }
0x72: {  	s23 =	sadd.s32 s2, s23  }
0x73: {  	[tilespmem:s19], [sflag:$0xD] =	stream.strided.gather [hbm4b:s23+s14], $0x1000, s15, s14, $0x38;
	[tilespmem:$0x18600] =	vst v63  }
0x74: {  	s24 =	simm.s32 $0x18410;
	s25 =	simm.s32 $0x0;
	s23 =	simm.s32 $0x18210  }
.LBB2_2:
0x75: {  	s26 =	smul.u32 $0xAAAB, s25;
	_ =	sdelay $0x1  }
0x76: {  	v7 =	vld [tilespmem:s23+$0xFFFFFFF0];
	s28 =	sshrl.u32 s26, $0x13  }
0x77: {  	s28 =	smul.u32 $0xC, s28  }
0x78: {  	v6 =	vld [tilespmem:s24+$0xFFFFFFF0]  }
0x79: {  	s28 =	ssub.s32 s25, s28  }
0x7a: {  	s28 =	sand.u32 $0xFFFF, s28  }
0x7b: {  	v5 =	vand.u32 $0x7F, v7;
	s29 =	sshll.u32 s28, $0xD  }
0x7c: {  	v8 =	vor.u32 s29, v5  }
0x7d: {  	v4 =	vand.u32 $0x7F, v6;
	s28 =	sadd.s32 $0x2, s28;
	v8 =	vbroadcast v8, $0x0  }
0x7e: {  	_ =	swait.ge [sflag:s28], $0x1000;
	v9 =	vor.u32 s29, v4  }
0x7f: {  	[sflag:s28] =	ssyncset.done $0x0;
	v9 =	vbroadcast v9, $0x0;
	v10 =	vor.u32 v0, v8  }
0x80: {  	[sflag:s28] =	ssyncadd.s32 $0xFFFFF000;
	v8 =	vor.u32 v1, v8  }
0x81: {  	_ =	swait.ge [sflag:s28], $0x1000;
	v11 =	vor.u32 v2, v9  }
0x82: {  	v9 =	vor.u32 v3, v9;
	[sflag:s28] =	ssyncset.done $0x0  }
0x83: {  	[sflag:s28] =	ssyncadd.s32 $0xFFFFF000  }
0x84: {  	v10 =	vld.idx.msk [tilespmem:v10+s4+$0x0], $0xffff  }
0x85: {  	v8 =	vld.idx.msk [tilespmem:v8+s4+$0x0], $0xffff  }
0x86: {  	v11 =	vld.idx.msk [tilespmem:v11+s4+$0x0], $0xffff  }
0x87: {  	v9 =	vld.idx.msk [tilespmem:v9+s4+$0x0], $0xffff;
	_ =	sdelay $0x2  }
0x88: {  	(v2sf) =	vpush v7, $0xC;
	_ =	sdelay $0x1  }
0x89: {  	(v2sf) =	vpush v6, $0xC;
	v10 =	vmul.f32 v11, v10;
	v8 =	vmul.f32 v9, v8;
	_ =	sdelay $0x1  }
0x8a: {  	v8 =	vadd.f32 v8, v10;
	_ =	sdelay $0x1  }
0x8b: {  	(xrf2) =	vadd.scan.msk.f32 $0xffff, v8;
	_ =	sdelay $0x2  }
0x8c: {  	v28 =	vmov s25  }
0x8d: {  	v8 =	vand.u32 $0xFFFFFFF0, v28  }
0x8e: {  	v8 =	vbroadcast v8, $0x0;
	_ =	sdelay $0x3  }
0x8f: {  	s30 =	spop (v2sf)  }
0x90: {  	s30 =	sand.u32 $0xFFFFF80, s30;
	v29, _, _ =	vpop (xrf2)  }
0x91: {  	s0 =	spop (v2sf);
	s30 =	sadd.s32 s1, s30;
	[tilespmem:v8+s20+$0x0] =	vst.idx.msk vm0, v29  }
0x92: {  	[tilespmem:s29], [sflag:s28] =	stream.strided.gather [hbm4b:s30+s14], $0x1000, s15, s14, $0x38;
	[tilespmem:$0x18600] =	vst v63  }
0x93: {  	s30 =	sand.u32 $0xFFFFF80, s0  }
0x94: {  	s29 =	sor.u32 $0x1000, s29;
	s30 =	sadd.s32 s2, s30  }
0x95: {  	[tilespmem:s29], [sflag:s28] =	stream.strided.gather [hbm4b:s30+s14], $0x1000, s15, s14, $0x38;
	[tilespmem:$0x18600] =	vst v63  }
0x96: {  	s28 =	sadd.s32 $0xAAAB, s26  }
0x97: {  	s28 =	sshrl.u32 s28, $0x13  }
0x98: {  	s28 =	smul.u32 $0xC, s28  }
0x99: {  	s3 =	sadd.s32 $0x1, s25  }
0x9a: {  	s28 =	ssub.s32 s3, s28  }
0x9b: {  	v30 =	vbroadcast v5, $0x1;
	s28 =	sand.u32 $0xFFFF, s28  }
0x9c: {  	s31 =	sadd.s32 $0x2, s28;
	s28 =	sshll.u32 s28, $0xD  }
0x9d: {  	v31 =	vbroadcast v4, $0x1;
	_ =	swait.ge [sflag:s31], $0x1000;
	v8 =	vor.u32 s28, v30  }
0x9e: {  	[sflag:s31] =	ssyncset.done $0x0;
	v32 =	vor.u32 v0, v8  }
0x9f: {  	v9 =	vor.u32 s28, v31;
	v8 =	vor.u32 v1, v8;
	[sflag:s31] =	ssyncadd.s32 $0xFFFFF000  }
0xa0: {  	v33 =	vor.u32 v2, v9;
	_ =	swait.ge [sflag:s31], $0x1000  }
0xa1: {  	v9 =	vor.u32 v3, v9;
	[sflag:s31] =	ssyncset.done $0x0  }
0xa2: {  	[sflag:s31] =	ssyncadd.s32 $0xFFFFF000  }
0xa3: {  	v10 =	vld.idx.msk [tilespmem:v32+s4+$0x0], $0xffff  }
0xa4: {  	v8 =	vld.idx.msk [tilespmem:v8+s4+$0x0], $0xffff  }
0xa5: {  	v11 =	vld.idx.msk [tilespmem:v33+s4+$0x0], $0xffff  }
0xa6: {  	v9 =	vld.idx.msk [tilespmem:v9+s4+$0x0], $0xffff;
	_ =	sdelay $0x2  }
0xa7: {  	(v2sf) =	vpush v7, $0xD;
	_ =	sdelay $0x1  }
0xa8: {  	(v2sf) =	vpush v6, $0xD;
	v10 =	vmul.f32 v11, v10;
	v8 =	vmul.f32 v9, v8;
	_ =	sdelay $0x1  }
0xa9: {  	v8 =	vadd.f32 v8, v10;
	_ =	sdelay $0x1  }
0xaa: {  	(xrf2) =	vadd.scan.msk.f32 $0xffff, v8;
	_ =	sdelay $0x2  }
0xab: {  	v34 =	vmov s3  }
0xac: {  	v8 =	vand.u32 $0xFFFFFFF1, v34  }
0xad: {  	v8 =	vbroadcast v8, $0x0;
	_ =	sdelay $0x3  }
0xae: {  	s0 =	spop (v2sf)  }
0xaf: {  	s29 =	sand.u32 $0xFFFFF80, s0;
	v35, _, _ =	vpop (xrf2)  }
0xb0: {  	s3 =	spop (v2sf);
	s29 =	sadd.s32 s1, s29;
	[tilespmem:v8+s20+$0x0] =	vst.idx.msk vm0, v35  }
0xb1: {  	[tilespmem:s28], [sflag:s31] =	stream.strided.gather [hbm4b:s29+s14], $0x1000, s15, s14, $0x38;
	[tilespmem:$0x18600] =	vst v63  }
0xb2: {  	s29 =	sand.u32 $0xFFFFF80, s3  }
0xb3: {  	s28 =	sor.u32 $0x1000, s28;
	s29 =	sadd.s32 s2, s29  }
0xb4: {  	[tilespmem:s28], [sflag:s31] =	stream.strided.gather [hbm4b:s29+s14], $0x1000, s15, s14, $0x38;
	[tilespmem:$0x18600] =	vst v63  }
0xb5: {  	s28 =	sadd.s32 $0x15556, s26  }
0xb6: {  	s28 =	sshrl.u32 s28, $0x13  }
0xb7: {  	s28 =	smul.u32 $0xC, s28  }
0xb8: {  	s31 =	sadd.s32 $0x2, s25  }
0xb9: {  	s28 =	ssub.s32 s31, s28  }
0xba: {  	v36 =	vbroadcast v5, $0x2;
	s28 =	sand.u32 $0xFFFF, s28  }
0xbb: {  	s0 =	sadd.s32 $0x2, s28;
	s28 =	sshll.u32 s28, $0xD  }
0xbc: {  	v37 =	vbroadcast v4, $0x2;
	_ =	swait.ge [sflag:s0], $0x1000;
	v8 =	vor.u32 s28, v36  }
0xbd: {  	[sflag:s0] =	ssyncset.done $0x0;
	v38 =	vor.u32 v0, v8  }
0xbe: {  	v9 =	vor.u32 s28, v37;
	v8 =	vor.u32 v1, v8;
	[sflag:s0] =	ssyncadd.s32 $0xFFFFF000  }
0xbf: {  	v39 =	vor.u32 v2, v9;
	_ =	swait.ge [sflag:s0], $0x1000  }
0xc0: {  	v9 =	vor.u32 v3, v9;
	[sflag:s0] =	ssyncset.done $0x0  }
0xc1: {  	[sflag:s0] =	ssyncadd.s32 $0xFFFFF000  }
0xc2: {  	v10 =	vld.idx.msk [tilespmem:v38+s4+$0x0], $0xffff  }
0xc3: {  	v8 =	vld.idx.msk [tilespmem:v8+s4+$0x0], $0xffff  }
0xc4: {  	v11 =	vld.idx.msk [tilespmem:v39+s4+$0x0], $0xffff  }
0xc5: {  	v9 =	vld.idx.msk [tilespmem:v9+s4+$0x0], $0xffff;
	_ =	sdelay $0x2  }
0xc6: {  	(v2sf) =	vpush v7, $0xE;
	_ =	sdelay $0x1  }
0xc7: {  	(v2sf) =	vpush v6, $0xE;
	v10 =	vmul.f32 v11, v10;
	v8 =	vmul.f32 v9, v8;
	_ =	sdelay $0x1  }
0xc8: {  	v8 =	vadd.f32 v8, v10;
	_ =	sdelay $0x1  }
0xc9: {  	(xrf2) =	vadd.scan.msk.f32 $0xffff, v8;
	_ =	sdelay $0x2  }
0xca: {  	v40 =	vmov s31  }
0xcb: {  	v8 =	vand.u32 $0xFFFFFFF2, v40  }
0xcc: {  	v8 =	vbroadcast v8, $0x0;
	_ =	sdelay $0x3  }
0xcd: {  	s3 =	spop (v2sf)  }
0xce: {  	s29 =	sand.u32 $0xFFFFF80, s3;
	v41, _, _ =	vpop (xrf2)  }
0xcf: {  	s31 =	spop (v2sf);
	s29 =	sadd.s32 s1, s29;
	[tilespmem:v8+s20+$0x0] =	vst.idx.msk vm0, v41  }
0xd0: {  	[tilespmem:s28], [sflag:s0] =	stream.strided.gather [hbm4b:s29+s14], $0x1000, s15, s14, $0x38;
	[tilespmem:$0x18600] =	vst v63  }
0xd1: {  	s29 =	sand.u32 $0xFFFFF80, s31  }
0xd2: {  	s28 =	sor.u32 $0x1000, s28;
	s29 =	sadd.s32 s2, s29  }
0xd3: {  	[tilespmem:s28], [sflag:s0] =	stream.strided.gather [hbm4b:s29+s14], $0x1000, s15, s14, $0x38;
	[tilespmem:$0x18600] =	vst v63  }
0xd4: {  	s28 =	sadd.s32 $0x20001, s26  }
0xd5: {  	s28 =	sshrl.u32 s28, $0x13  }
0xd6: {  	s28 =	smul.u32 $0xC, s28  }
0xd7: {  	s0 =	sadd.s32 $0x3, s25  }
0xd8: {  	s28 =	ssub.s32 s0, s28  }
0xd9: {  	v42 =	vbroadcast v5, $0x3;
	s28 =	sand.u32 $0xFFFF, s28  }
0xda: {  	s3 =	sadd.s32 $0x2, s28;
	s28 =	sshll.u32 s28, $0xD  }
0xdb: {  	v43 =	vbroadcast v4, $0x3;
	_ =	swait.ge [sflag:s3], $0x1000;
	v8 =	vor.u32 s28, v42  }
0xdc: {  	[sflag:s3] =	ssyncset.done $0x0;
	v44 =	vor.u32 v0, v8  }
0xdd: {  	v9 =	vor.u32 s28, v43;
	v8 =	vor.u32 v1, v8;
	[sflag:s3] =	ssyncadd.s32 $0xFFFFF000  }
0xde: {  	v45 =	vor.u32 v2, v9;
	_ =	swait.ge [sflag:s3], $0x1000  }
0xdf: {  	v9 =	vor.u32 v3, v9;
	[sflag:s3] =	ssyncset.done $0x0  }
0xe0: {  	[sflag:s3] =	ssyncadd.s32 $0xFFFFF000  }
0xe1: {  	v10 =	vld.idx.msk [tilespmem:v44+s4+$0x0], $0xffff  }
0xe2: {  	v8 =	vld.idx.msk [tilespmem:v8+s4+$0x0], $0xffff  }
0xe3: {  	v11 =	vld.idx.msk [tilespmem:v45+s4+$0x0], $0xffff  }
0xe4: {  	v9 =	vld.idx.msk [tilespmem:v9+s4+$0x0], $0xffff;
	_ =	sdelay $0x2  }
0xe5: {  	(v2sf) =	vpush v7, $0xF;
	_ =	sdelay $0x1  }
0xe6: {  	(v2sf) =	vpush v6, $0xF;
	v46 =	vmul.f32 v11, v10;
	v8 =	vmul.f32 v9, v8;
	_ =	sdelay $0x1  }
0xe7: {  	v7 =	vadd.f32 v8, v46;
	_ =	sdelay $0x1  }
0xe8: {  	(xrf2) =	vadd.scan.msk.f32 $0xffff, v7;
	_ =	sdelay $0x2  }
0xe9: {  	v47 =	vmov s0  }
0xea: {  	v6 =	vand.u32 $0xFFFFFFF3, v47  }
0xeb: {  	v6 =	vbroadcast v6, $0x0;
	_ =	sdelay $0x3  }
0xec: {  	s31 =	spop (v2sf)  }
0xed: {  	s29 =	sand.u32 $0xFFFFF80, s31;
	v7, _, _ =	vpop (xrf2)  }
0xee: {  	s26 =	sadd.s32 $0x2AAAC, s26;
	s0 =	spop (v2sf);
	s29 =	sadd.s32 s1, s29;
	[tilespmem:v6+s20+$0x0] =	vst.idx.msk vm0, v7  }
0xef: {  	[tilespmem:s28], [sflag:s3] =	stream.strided.gather [hbm4b:s29+s14], $0x1000, s15, s14, $0x38;
	[tilespmem:$0x18600] =	vst v63  }
0xf0: {  	s26 =	sshrl.u32 s26, $0x13;
	s29 =	sand.u32 $0xFFFFF80, s0  }
0xf1: {  	s26 =	smul.u32 $0xC, s26;
	s28 =	sor.u32 $0x1000, s28;
	s29 =	sadd.s32 s2, s29  }
0xf2: {  	[tilespmem:s28], [sflag:s3] =	stream.strided.gather [hbm4b:s29+s14], $0x1000, s15, s14, $0x38;
	[tilespmem:$0x18600] =	vst v63  }
0xf3: {  	s28 =	sadd.s32 $0x4, s25  }
0xf4: {  	s26 =	ssub.s32 s28, s26  }
0xf5: {  	v48 =	vbroadcast v5, $0x4;
	s26 =	sand.u32 $0xFFFF, s26  }
0xf6: {  	s29 =	sadd.s32 $0x2, s26;
	s3 =	sshll.u32 s26, $0xD  }
0xf7: {  	v49 =	vbroadcast v4, $0x4;
	_ =	swait.ge [sflag:s29], $0x1000;
	v6 =	vor.u32 s3, v48  }
0xf8: {  	[sflag:s29] =	ssyncset.done $0x0;
	v50 =	vor.u32 v0, v6  }
0xf9: {  	v7 =	vor.u32 s3, v49;
	v6 =	vor.u32 v1, v6;
	[sflag:s29] =	ssyncadd.s32 $0xFFFFF000  }
0xfa: {  	v51 =	vor.u32 v2, v7;
	_ =	swait.ge [sflag:s29], $0x1000  }
0xfb: {  	v7 =	vor.u32 v3, v7;
	[sflag:s29] =	ssyncset.done $0x0  }
0xfc: {  	[sflag:s29] =	ssyncadd.s32 $0xFFFFF000  }
0xfd: {  	v8 =	vld.idx.msk [tilespmem:v50+s4+$0x0], $0xffff  }
0xfe: {  	v6 =	vld.idx.msk [tilespmem:v6+s4+$0x0], $0xffff  }
0xff: {  	v9 =	vld.idx.msk [tilespmem:v51+s4+$0x0], $0xffff  }
0x100: {  	v7 =	vld.idx.msk [tilespmem:v7+s4+$0x0], $0xffff;
	_ =	sdelay $0x4  }
0x101: {  	v8 =	vmul.f32 v9, v8;
	v6 =	vmul.f32 v7, v6;
	_ =	sdelay $0x1  }
0x102: {  	v6 =	vadd.f32 v6, v8;
	_ =	sdelay $0x1  }
0x103: {  	(xrf2) =	vadd.scan.msk.f32 $0xffff, v6;
	_ =	sdelay $0x2  }
0x104: {  	v52 =	vmov s28  }
0x105: {  	v6 =	vand.u32 $0xFFFFFFF4, v52  }
0x106: {  	v6 =	vbroadcast v6, $0x0;
	_ =	sdelay $0x4  }
0x107: {  	v53, _, _ =	vpop (xrf2)  }
0x108: {  	p0 =	seq.s32 s25, $0x1F0;
	[tilespmem:v6+s20+$0x0] =	vst.idx.msk vm0, v53  }
0x109: {  	v6 =	vld @!p0 [tilespmem:s23+$0x0];
	_ =	sdelay $0x4  }
0x10a: {  	(v2sf) =	vpush @!p0 v6, $0x0  }
0x10b: {  	v6 =	vld @!p0 [tilespmem:s24+$0x0];
	_ =	sdelay $0x4  }
0x10c: {  	(v2sf) =	vpush @!p0 v6, $0x0;
	_ =	sdelay $0x8  }
0x10d: {  	s28 =	spop @!p0 (v2sf)  }
0x10e: {  	s30 =	sshll.u32 @!p0 s26, $0xD;
	s26 =	sand.u32 @!p0 $0xFFFFF80, s28  }
0x10f: {  	s28 =	simm.s32 @!p0 $0x7A1400;
	s31 =	sadd.s32 @!p0 s1, s26;
	s26 =	simm.s32 @!p0 $0x400  }
0x110: {  	[tilespmem:s30], [sflag:s29] =	stream.strided.gather @!p0 [hbm4b:s31+s26], $0x1000, s28, s26, $0x38;
	[tilespmem:$0x18600] =	vst v63  }
0x111: {  	s31 =	sadd.s32 $0x5, s25  }
0x112: {  	s0 =	smul.u32 $0xAAAB, s31  }
0x113: {  	s3 =	spop @!p0 (v2sf)  }
0x114: {  	s3 =	sand.u32 @!p0 $0xFFFFF80, s3;
	s0 =	sshrl.u32 s0, $0x13  }
0x115: {  	s30 =	sor.u32 @!p0 $0x1000, s30;
	s3 =	sadd.s32 @!p0 s2, s3;
	s0 =	smul.u32 $0xC, s0  }
0x116: {  	[tilespmem:s30], [sflag:s29] =	stream.strided.gather @!p0 [hbm4b:s3+s26], $0x1000, s28, s26, $0x38;
	[tilespmem:$0x18600] =	vst v63  }
0x117: {  	s0 =	ssub.s32 s31, s0  }
0x118: {  	v54 =	vbroadcast v5, $0x5;
	s0 =	sand.u32 $0xFFFF, s0  }
0x119: {  	s3 =	sadd.s32 $0x2, s0;
	s30 =	sshll.u32 s0, $0xD  }
0x11a: {  	v55 =	vbroadcast v4, $0x5;
	_ =	swait.ge [sflag:s3], $0x1000;
	v6 =	vor.u32 s30, v54  }
0x11b: {  	[sflag:s3] =	ssyncset.done $0x0;
	v56 =	vor.u32 v0, v6  }
0x11c: {  	v7 =	vor.u32 s30, v55;
	v6 =	vor.u32 v1, v6;
	[sflag:s3] =	ssyncadd.s32 $0xFFFFF000  }
0x11d: {  	v57 =	vor.u32 v2, v7;
	_ =	swait.ge [sflag:s3], $0x1000  }
0x11e: {  	v7 =	vor.u32 v3, v7;
	[sflag:s3] =	ssyncset.done $0x0  }
0x11f: {  	[sflag:s3] =	ssyncadd.s32 $0xFFFFF000  }
0x120: {  	v8 =	vld.idx.msk [tilespmem:v56+s4+$0x0], $0xffff  }
0x121: {  	v6 =	vld.idx.msk [tilespmem:v6+s4+$0x0], $0xffff  }
0x122: {  	v9 =	vld.idx.msk [tilespmem:v57+s4+$0x0], $0xffff  }
0x123: {  	v7 =	vld.idx.msk [tilespmem:v7+s4+$0x0], $0xffff;
	_ =	sdelay $0x4  }
0x124: {  	v8 =	vmul.f32 v9, v8;
	v6 =	vmul.f32 v7, v6;
	_ =	sdelay $0x1  }
0x125: {  	v6 =	vadd.f32 v6, v8;
	_ =	sdelay $0x1  }
0x126: {  	(xrf2) =	vadd.scan.msk.f32 $0xffff, v6;
	_ =	sdelay $0x2  }
0x127: {  	v58 =	vmov s31  }
0x128: {  	v6 =	vand.u32 $0xFFFFFFF5, v58  }
0x129: {  	v6 =	vbroadcast v6, $0x0;
	_ =	sdelay $0x4  }
0x12a: {  	v59, _, _ =	vpop (xrf2)  }
0x12b: {  	[tilespmem:v6+s20+$0x0] =	vst.idx.msk vm0, v59  }
0x12c: {  	v6 =	vld @!p0 [tilespmem:s23+$0x0];
	_ =	sdelay $0x4  }
0x12d: {  	(v2sf) =	vpush @!p0 v6, $0x1  }
0x12e: {  	v6 =	vld @!p0 [tilespmem:s24+$0x0];
	_ =	sdelay $0x4  }
0x12f: {  	(v2sf) =	vpush @!p0 v6, $0x1;
	_ =	sdelay $0x8  }
0x130: {  	s29 =	spop @!p0 (v2sf)  }
0x131: {  	s29 =	sand.u32 @!p0 $0xFFFFF80, s29  }
0x132: {  	s0 =	sshll.u32 @!p0 s0, $0xD;
	s29 =	sadd.s32 @!p0 s1, s29  }
0x133: {  	[tilespmem:s0], [sflag:s3] =	stream.strided.gather @!p0 [hbm4b:s29+s26], $0x1000, s28, s26, $0x38;
	[tilespmem:$0x18600] =	vst v63  }
0x134: {  	s29 =	sadd.s32 $0x6, s25  }
0x135: {  	s30 =	smul.u32 $0xAAAB, s29  }
0x136: {  	s31 =	spop @!p0 (v2sf)  }
0x137: {  	s31 =	sand.u32 @!p0 $0xFFFFF80, s31;
	s30 =	sshrl.u32 s30, $0x13  }
0x138: {  	s0 =	sor.u32 @!p0 $0x1000, s0;
	s31 =	sadd.s32 @!p0 s2, s31;
	s30 =	smul.u32 $0xC, s30  }
0x139: {  	[tilespmem:s0], [sflag:s3] =	stream.strided.gather @!p0 [hbm4b:s31+s26], $0x1000, s28, s26, $0x38;
	[tilespmem:$0x18600] =	vst v63  }
0x13a: {  	s30 =	ssub.s32 s29, s30  }
0x13b: {  	v60 =	vbroadcast v5, $0x6;
	s0 =	sand.u32 $0xFFFF, s30  }
0x13c: {  	s3 =	sadd.s32 $0x2, s0;
	s31 =	sshll.u32 s0, $0xD  }
0x13d: {  	v61 =	vbroadcast v4, $0x6;
	_ =	swait.ge [sflag:s3], $0x1000;
	v6 =	vor.u32 s31, v60  }
0x13e: {  	[sflag:s3] =	ssyncset.done $0x0;
	v62 =	vor.u32 v0, v6  }
0x13f: {  	v7 =	vor.u32 s31, v61;
	v6 =	vor.u32 v1, v6;
	[sflag:s3] =	ssyncadd.s32 $0xFFFFF000  }
0x140: {  	v63 =	vor.u32 v2, v7;
	_ =	swait.ge [sflag:s3], $0x1000  }
0x141: {  	v7 =	vor.u32 v3, v7;
	[sflag:s3] =	ssyncset.done $0x0  }
0x142: {  	[sflag:s3] =	ssyncadd.s32 $0xFFFFF000  }
0x143: {  	v8 =	vld.idx.msk [tilespmem:v62+s4+$0x0], $0xffff  }
0x144: {  	v6 =	vld.idx.msk [tilespmem:v6+s4+$0x0], $0xffff  }
0x145: {  	v9 =	vld.idx.msk [tilespmem:v63+s4+$0x0], $0xffff  }
0x146: {  	v7 =	vld.idx.msk [tilespmem:v7+s4+$0x0], $0xffff;
	_ =	sdelay $0x4  }
0x147: {  	v8 =	vmul.f32 v9, v8;
	v6 =	vmul.f32 v7, v6;
	_ =	sdelay $0x1  }
0x148: {  	v6 =	vadd.f32 v6, v8;
	_ =	sdelay $0x1  }
0x149: {  	(xrf2) =	vadd.scan.msk.f32 $0xffff, v6;
	_ =	sdelay $0x2  }
0x14a: {  	v12 =	vmov s29  }
0x14b: {  	v6 =	vand.u32 $0xFFFFFFF6, v12  }
0x14c: {  	v6 =	vbroadcast v6, $0x0;
	_ =	sdelay $0x4  }
0x14d: {  	v13, _, _ =	vpop (xrf2)  }
0x14e: {  	[tilespmem:v6+s20+$0x0] =	vst.idx.msk vm0, v13  }
0x14f: {  	v6 =	vld @!p0 [tilespmem:s23+$0x0];
	_ =	sdelay $0x4  }
0x150: {  	(v2sf) =	vpush @!p0 v6, $0x2  }
0x151: {  	v6 =	vld @!p0 [tilespmem:s24+$0x0];
	_ =	sdelay $0x4  }
0x152: {  	(v2sf) =	vpush @!p0 v6, $0x2;
	_ =	sdelay $0x8  }
0x153: {  	s29 =	spop @!p0 (v2sf)  }
0x154: {  	s29 =	sand.u32 @!p0 $0xFFFFF80, s29  }
0x155: {  	s0 =	sshll.u32 @!p0 s0, $0xD;
	s29 =	sadd.s32 @!p0 s1, s29  }
0x156: {  	[tilespmem:s0], [sflag:s3] =	stream.strided.gather @!p0 [hbm4b:s29+s26], $0x1000, s28, s26, $0x38;
	[tilespmem:$0x18600] =	vst v63  }
0x157: {  	s29 =	sadd.s32 $0x7, s25  }
0x158: {  	s30 =	smul.u32 $0xAAAB, s29  }
0x159: {  	s31 =	spop @!p0 (v2sf)  }
0x15a: {  	s31 =	sand.u32 @!p0 $0xFFFFF80, s31;
	s30 =	sshrl.u32 s30, $0x13  }
0x15b: {  	s0 =	sor.u32 @!p0 $0x1000, s0;
	s31 =	sadd.s32 @!p0 s2, s31;
	s30 =	smul.u32 $0xC, s30  }
0x15c: {  	[tilespmem:s0], [sflag:s3] =	stream.strided.gather @!p0 [hbm4b:s31+s26], $0x1000, s28, s26, $0x38;
	[tilespmem:$0x18600] =	vst v63  }
0x15d: {  	s30 =	ssub.s32 s29, s30  }
0x15e: {  	v14 =	vbroadcast v5, $0x7;
	s0 =	sand.u32 $0xFFFF, s30  }
0x15f: {  	s3 =	sadd.s32 $0x2, s0;
	s31 =	sshll.u32 s0, $0xD  }
0x160: {  	v15 =	vbroadcast v4, $0x7;
	_ =	swait.ge [sflag:s3], $0x1000;
	v6 =	vor.u32 s31, v14  }
0x161: {  	[sflag:s3] =	ssyncset.done $0x0;
	v16 =	vor.u32 v0, v6  }
0x162: {  	v7 =	vor.u32 s31, v15;
	v6 =	vor.u32 v1, v6;
	[sflag:s3] =	ssyncadd.s32 $0xFFFFF000  }
0x163: {  	v17 =	vor.u32 v2, v7;
	_ =	swait.ge [sflag:s3], $0x1000  }
0x164: {  	v7 =	vor.u32 v3, v7;
	[sflag:s3] =	ssyncset.done $0x0  }
0x165: {  	[sflag:s3] =	ssyncadd.s32 $0xFFFFF000  }
0x166: {  	v8 =	vld.idx.msk [tilespmem:v16+s4+$0x0], $0xffff  }
0x167: {  	v6 =	vld.idx.msk [tilespmem:v6+s4+$0x0], $0xffff  }
0x168: {  	v9 =	vld.idx.msk [tilespmem:v17+s4+$0x0], $0xffff  }
0x169: {  	v7 =	vld.idx.msk [tilespmem:v7+s4+$0x0], $0xffff;
	_ =	sdelay $0x4  }
0x16a: {  	v8 =	vmul.f32 v9, v8;
	v6 =	vmul.f32 v7, v6;
	_ =	sdelay $0x1  }
0x16b: {  	v6 =	vadd.f32 v6, v8;
	_ =	sdelay $0x1  }
0x16c: {  	(xrf2) =	vadd.scan.msk.f32 $0xffff, v6;
	_ =	sdelay $0x2  }
0x16d: {  	v18 =	vmov s29  }
0x16e: {  	v6 =	vand.u32 $0xFFFFFFF7, v18  }
0x16f: {  	v6 =	vbroadcast v6, $0x0;
	_ =	sdelay $0x4  }
0x170: {  	v19, _, _ =	vpop (xrf2)  }
0x171: {  	[tilespmem:v6+s20+$0x0] =	vst.idx.msk vm0, v19  }
0x172: {  	v6 =	vld @!p0 [tilespmem:s23+$0x0];
	_ =	sdelay $0x4  }
0x173: {  	(v2sf) =	vpush @!p0 v6, $0x3  }
0x174: {  	v6 =	vld @!p0 [tilespmem:s24+$0x0];
	_ =	sdelay $0x4  }
0x175: {  	(v2sf) =	vpush @!p0 v6, $0x3;
	_ =	sdelay $0x8  }
0x176: {  	s29 =	spop @!p0 (v2sf)  }
0x177: {  	s29 =	sand.u32 @!p0 $0xFFFFF80, s29  }
0x178: {  	s0 =	sshll.u32 @!p0 s0, $0xD;
	s29 =	sadd.s32 @!p0 s1, s29  }
0x179: {  	[tilespmem:s0], [sflag:s3] =	stream.strided.gather @!p0 [hbm4b:s29+s26], $0x1000, s28, s26, $0x38;
	[tilespmem:$0x18600] =	vst v63  }
0x17a: {  	s29 =	sadd.s32 $0x8, s25  }
0x17b: {  	s30 =	smul.u32 $0xAAAB, s29  }
0x17c: {  	s31 =	spop @!p0 (v2sf)  }
0x17d: {  	s31 =	sand.u32 @!p0 $0xFFFFF80, s31;
	s30 =	sshrl.u32 s30, $0x13  }
0x17e: {  	s0 =	sor.u32 @!p0 $0x1000, s0;
	s31 =	sadd.s32 @!p0 s2, s31;
	s30 =	smul.u32 $0xC, s30  }
0x17f: {  	[tilespmem:s0], [sflag:s3] =	stream.strided.gather @!p0 [hbm4b:s31+s26], $0x1000, s28, s26, $0x38;
	[tilespmem:$0x18600] =	vst v63  }
0x180: {  	s30 =	ssub.s32 s29, s30  }
0x181: {  	v20 =	vbroadcast v5, $0x8;
	s0 =	sand.u32 $0xFFFF, s30  }
0x182: {  	s3 =	sadd.s32 $0x2, s0;
	s31 =	sshll.u32 s0, $0xD  }
0x183: {  	v21 =	vbroadcast v4, $0x8;
	_ =	swait.ge [sflag:s3], $0x1000;
	v6 =	vor.u32 s31, v20  }
0x184: {  	[sflag:s3] =	ssyncset.done $0x0;
	v22 =	vor.u32 v0, v6  }
0x185: {  	v7 =	vor.u32 s31, v21;
	v6 =	vor.u32 v1, v6;
	[sflag:s3] =	ssyncadd.s32 $0xFFFFF000  }
0x186: {  	v23 =	vor.u32 v2, v7;
	_ =	swait.ge [sflag:s3], $0x1000  }
0x187: {  	v7 =	vor.u32 v3, v7;
	[sflag:s3] =	ssyncset.done $0x0  }
0x188: {  	[sflag:s3] =	ssyncadd.s32 $0xFFFFF000  }
0x189: {  	v8 =	vld.idx.msk [tilespmem:v22+s4+$0x0], $0xffff  }
0x18a: {  	v6 =	vld.idx.msk [tilespmem:v6+s4+$0x0], $0xffff  }
0x18b: {  	v9 =	vld.idx.msk [tilespmem:v23+s4+$0x0], $0xffff  }
0x18c: {  	v7 =	vld.idx.msk [tilespmem:v7+s4+$0x0], $0xffff;
	_ =	sdelay $0x4  }
0x18d: {  	v8 =	vmul.f32 v9, v8;
	v6 =	vmul.f32 v7, v6;
	_ =	sdelay $0x1  }
0x18e: {  	v6 =	vadd.f32 v6, v8;
	_ =	sdelay $0x1  }
0x18f: {  	(xrf2) =	vadd.scan.msk.f32 $0xffff, v6;
	_ =	sdelay $0x2  }
0x190: {  	v24 =	vmov s29  }
0x191: {  	v6 =	vand.u32 $0xFFFFFFF8, v24  }
0x192: {  	v6 =	vbroadcast v6, $0x0;
	_ =	sdelay $0x4  }
0x193: {  	v25, _, _ =	vpop (xrf2)  }
0x194: {  	[tilespmem:v6+s20+$0x0] =	vst.idx.msk vm0, v25  }
0x195: {  	v6 =	vld @!p0 [tilespmem:s23+$0x0];
	_ =	sdelay $0x4  }
0x196: {  	(v2sf) =	vpush @!p0 v6, $0x4  }
0x197: {  	v6 =	vld @!p0 [tilespmem:s24+$0x0];
	_ =	sdelay $0x4  }
0x198: {  	(v2sf) =	vpush @!p0 v6, $0x4;
	_ =	sdelay $0x8  }
0x199: {  	s29 =	spop @!p0 (v2sf)  }
0x19a: {  	s29 =	sand.u32 @!p0 $0xFFFFF80, s29  }
0x19b: {  	s0 =	sshll.u32 @!p0 s0, $0xD;
	s29 =	sadd.s32 @!p0 s1, s29  }
0x19c: {  	[tilespmem:s0], [sflag:s3] =	stream.strided.gather @!p0 [hbm4b:s29+s26], $0x1000, s28, s26, $0x38;
	[tilespmem:$0x18600] =	vst v63  }
0x19d: {  	s29 =	sadd.s32 $0x9, s25  }
0x19e: {  	s30 =	smul.u32 $0xAAAB, s29  }
0x19f: {  	s31 =	spop @!p0 (v2sf)  }
0x1a0: {  	s31 =	sand.u32 @!p0 $0xFFFFF80, s31;
	s30 =	sshrl.u32 s30, $0x13  }
0x1a1: {  	s0 =	sor.u32 @!p0 $0x1000, s0;
	s31 =	sadd.s32 @!p0 s2, s31;
	s30 =	smul.u32 $0xC, s30  }
0x1a2: {  	[tilespmem:s0], [sflag:s3] =	stream.strided.gather @!p0 [hbm4b:s31+s26], $0x1000, s28, s26, $0x38;
	[tilespmem:$0x18600] =	vst v63  }
0x1a3: {  	s30 =	ssub.s32 s29, s30  }
0x1a4: {  	v26 =	vbroadcast v5, $0x9;
	s0 =	sand.u32 $0xFFFF, s30  }
0x1a5: {  	s3 =	sadd.s32 $0x2, s0;
	s31 =	sshll.u32 s0, $0xD  }
0x1a6: {  	v27 =	vbroadcast v4, $0x9;
	_ =	swait.ge [sflag:s3], $0x1000;
	v6 =	vor.u32 s31, v26  }
0x1a7: {  	[sflag:s3] =	ssyncset.done $0x0;
	v28 =	vor.u32 v0, v6  }
0x1a8: {  	v7 =	vor.u32 s31, v27;
	v6 =	vor.u32 v1, v6;
	[sflag:s3] =	ssyncadd.s32 $0xFFFFF000  }
0x1a9: {  	v29 =	vor.u32 v2, v7;
	_ =	swait.ge [sflag:s3], $0x1000  }
0x1aa: {  	v7 =	vor.u32 v3, v7;
	[sflag:s3] =	ssyncset.done $0x0  }
0x1ab: {  	[sflag:s3] =	ssyncadd.s32 $0xFFFFF000  }
0x1ac: {  	v8 =	vld.idx.msk [tilespmem:v28+s4+$0x0], $0xffff  }
0x1ad: {  	v6 =	vld.idx.msk [tilespmem:v6+s4+$0x0], $0xffff  }
0x1ae: {  	v9 =	vld.idx.msk [tilespmem:v29+s4+$0x0], $0xffff  }
0x1af: {  	v7 =	vld.idx.msk [tilespmem:v7+s4+$0x0], $0xffff;
	_ =	sdelay $0x4  }
0x1b0: {  	v8 =	vmul.f32 v9, v8;
	v6 =	vmul.f32 v7, v6;
	_ =	sdelay $0x1  }
0x1b1: {  	v6 =	vadd.f32 v6, v8;
	_ =	sdelay $0x1  }
0x1b2: {  	(xrf2) =	vadd.scan.msk.f32 $0xffff, v6;
	_ =	sdelay $0x2  }
0x1b3: {  	v30 =	vmov s29  }
0x1b4: {  	v6 =	vand.u32 $0xFFFFFFF9, v30  }
0x1b5: {  	v6 =	vbroadcast v6, $0x0;
	_ =	sdelay $0x4  }
0x1b6: {  	v31, _, _ =	vpop (xrf2)  }
0x1b7: {  	[tilespmem:v6+s20+$0x0] =	vst.idx.msk vm0, v31  }
0x1b8: {  	v6 =	vld @!p0 [tilespmem:s23+$0x0];
	_ =	sdelay $0x4  }
0x1b9: {  	(v2sf) =	vpush @!p0 v6, $0x5  }
0x1ba: {  	v6 =	vld @!p0 [tilespmem:s24+$0x0];
	_ =	sdelay $0x4  }
0x1bb: {  	(v2sf) =	vpush @!p0 v6, $0x5;
	_ =	sdelay $0x8  }
0x1bc: {  	s29 =	spop @!p0 (v2sf)  }
0x1bd: {  	s29 =	sand.u32 @!p0 $0xFFFFF80, s29  }
0x1be: {  	s0 =	sshll.u32 @!p0 s0, $0xD;
	s29 =	sadd.s32 @!p0 s1, s29  }
0x1bf: {  	[tilespmem:s0], [sflag:s3] =	stream.strided.gather @!p0 [hbm4b:s29+s26], $0x1000, s28, s26, $0x38;
	[tilespmem:$0x18600] =	vst v63  }
0x1c0: {  	s29 =	sadd.s32 $0xA, s25  }
0x1c1: {  	s30 =	smul.u32 $0xAAAB, s29  }
0x1c2: {  	s31 =	spop @!p0 (v2sf)  }
0x1c3: {  	s31 =	sand.u32 @!p0 $0xFFFFF80, s31;
	s30 =	sshrl.u32 s30, $0x13  }
0x1c4: {  	s0 =	sor.u32 @!p0 $0x1000, s0;
	s31 =	sadd.s32 @!p0 s2, s31;
	s30 =	smul.u32 $0xC, s30  }
0x1c5: {  	[tilespmem:s0], [sflag:s3] =	stream.strided.gather @!p0 [hbm4b:s31+s26], $0x1000, s28, s26, $0x38;
	[tilespmem:$0x18600] =	vst v63  }
0x1c6: {  	s30 =	ssub.s32 s29, s30  }
0x1c7: {  	v32 =	vbroadcast v5, $0xA;
	s0 =	sand.u32 $0xFFFF, s30  }
0x1c8: {  	s3 =	sadd.s32 $0x2, s0;
	s31 =	sshll.u32 s0, $0xD  }
0x1c9: {  	v33 =	vbroadcast v4, $0xA;
	_ =	swait.ge [sflag:s3], $0x1000;
	v6 =	vor.u32 s31, v32  }
0x1ca: {  	[sflag:s3] =	ssyncset.done $0x0;
	v34 =	vor.u32 v0, v6  }
0x1cb: {  	v7 =	vor.u32 s31, v33;
	v6 =	vor.u32 v1, v6;
	[sflag:s3] =	ssyncadd.s32 $0xFFFFF000  }
0x1cc: {  	v35 =	vor.u32 v2, v7;
	_ =	swait.ge [sflag:s3], $0x1000  }
0x1cd: {  	v7 =	vor.u32 v3, v7;
	[sflag:s3] =	ssyncset.done $0x0  }
0x1ce: {  	[sflag:s3] =	ssyncadd.s32 $0xFFFFF000  }
0x1cf: {  	v8 =	vld.idx.msk [tilespmem:v34+s4+$0x0], $0xffff  }
0x1d0: {  	v6 =	vld.idx.msk [tilespmem:v6+s4+$0x0], $0xffff  }
0x1d1: {  	v9 =	vld.idx.msk [tilespmem:v35+s4+$0x0], $0xffff  }
0x1d2: {  	v7 =	vld.idx.msk [tilespmem:v7+s4+$0x0], $0xffff;
	_ =	sdelay $0x4  }
0x1d3: {  	v8 =	vmul.f32 v9, v8;
	v6 =	vmul.f32 v7, v6;
	_ =	sdelay $0x1  }
0x1d4: {  	v6 =	vadd.f32 v6, v8;
	_ =	sdelay $0x1  }
0x1d5: {  	(xrf2) =	vadd.scan.msk.f32 $0xffff, v6;
	_ =	sdelay $0x2  }
0x1d6: {  	v36 =	vmov s29  }
0x1d7: {  	v6 =	vand.u32 $0xFFFFFFFA, v36  }
0x1d8: {  	v6 =	vbroadcast v6, $0x0;
	_ =	sdelay $0x4  }
0x1d9: {  	v37, _, _ =	vpop (xrf2)  }
0x1da: {  	[tilespmem:v6+s20+$0x0] =	vst.idx.msk vm0, v37  }
0x1db: {  	v6 =	vld @!p0 [tilespmem:s23+$0x0];
	_ =	sdelay $0x4  }
0x1dc: {  	(v2sf) =	vpush @!p0 v6, $0x6  }
0x1dd: {  	v6 =	vld @!p0 [tilespmem:s24+$0x0];
	_ =	sdelay $0x4  }
0x1de: {  	(v2sf) =	vpush @!p0 v6, $0x6;
	_ =	sdelay $0x8  }
0x1df: {  	s29 =	spop @!p0 (v2sf)  }
0x1e0: {  	s29 =	sand.u32 @!p0 $0xFFFFF80, s29  }
0x1e1: {  	s0 =	sshll.u32 @!p0 s0, $0xD;
	s29 =	sadd.s32 @!p0 s1, s29  }
0x1e2: {  	[tilespmem:s0], [sflag:s3] =	stream.strided.gather @!p0 [hbm4b:s29+s26], $0x1000, s28, s26, $0x38;
	[tilespmem:$0x18600] =	vst v63  }
0x1e3: {  	s29 =	sadd.s32 $0xB, s25  }
0x1e4: {  	s30 =	smul.u32 $0xAAAB, s29  }
0x1e5: {  	s31 =	spop @!p0 (v2sf)  }
0x1e6: {  	s31 =	sand.u32 @!p0 $0xFFFFF80, s31;
	s30 =	sshrl.u32 s30, $0x13  }
0x1e7: {  	s0 =	sor.u32 @!p0 $0x1000, s0;
	s31 =	sadd.s32 @!p0 s2, s31;
	s30 =	smul.u32 $0xC, s30  }
0x1e8: {  	[tilespmem:s0], [sflag:s3] =	stream.strided.gather @!p0 [hbm4b:s31+s26], $0x1000, s28, s26, $0x38;
	[tilespmem:$0x18600] =	vst v63  }
0x1e9: {  	s30 =	ssub.s32 s29, s30  }
0x1ea: {  	v38 =	vbroadcast v5, $0xB;
	s0 =	sand.u32 $0xFFFF, s30  }
0x1eb: {  	s3 =	sadd.s32 $0x2, s0;
	s31 =	sshll.u32 s0, $0xD  }
0x1ec: {  	v39 =	vbroadcast v4, $0xB;
	_ =	swait.ge [sflag:s3], $0x1000;
	v6 =	vor.u32 s31, v38  }
0x1ed: {  	[sflag:s3] =	ssyncset.done $0x0;
	v40 =	vor.u32 v0, v6  }
0x1ee: {  	v7 =	vor.u32 s31, v39;
	v6 =	vor.u32 v1, v6;
	[sflag:s3] =	ssyncadd.s32 $0xFFFFF000  }
0x1ef: {  	v41 =	vor.u32 v2, v7;
	_ =	swait.ge [sflag:s3], $0x1000  }
0x1f0: {  	v7 =	vor.u32 v3, v7;
	[sflag:s3] =	ssyncset.done $0x0  }
0x1f1: {  	[sflag:s3] =	ssyncadd.s32 $0xFFFFF000  }
0x1f2: {  	v8 =	vld.idx.msk [tilespmem:v40+s4+$0x0], $0xffff  }
0x1f3: {  	v6 =	vld.idx.msk [tilespmem:v6+s4+$0x0], $0xffff  }
0x1f4: {  	v9 =	vld.idx.msk [tilespmem:v41+s4+$0x0], $0xffff  }
0x1f5: {  	v7 =	vld.idx.msk [tilespmem:v7+s4+$0x0], $0xffff;
	_ =	sdelay $0x4  }
0x1f6: {  	v8 =	vmul.f32 v9, v8;
	v6 =	vmul.f32 v7, v6;
	_ =	sdelay $0x1  }
0x1f7: {  	v6 =	vadd.f32 v6, v8;
	_ =	sdelay $0x1  }
0x1f8: {  	(xrf2) =	vadd.scan.msk.f32 $0xffff, v6;
	_ =	sdelay $0x2  }
0x1f9: {  	v42 =	vmov s29  }
0x1fa: {  	v6 =	vand.u32 $0xFFFFFFFB, v42  }
0x1fb: {  	v6 =	vbroadcast v6, $0x0;
	_ =	sdelay $0x4  }
0x1fc: {  	v43, _, _ =	vpop (xrf2)  }
0x1fd: {  	[tilespmem:v6+s20+$0x0] =	vst.idx.msk vm0, v43  }
0x1fe: {  	v6 =	vld @!p0 [tilespmem:s23+$0x0];
	_ =	sdelay $0x4  }
0x1ff: {  	(v2sf) =	vpush @!p0 v6, $0x7  }
0x200: {  	v6 =	vld @!p0 [tilespmem:s24+$0x0];
	_ =	sdelay $0x4  }
0x201: {  	(v2sf) =	vpush @!p0 v6, $0x7;
	_ =	sdelay $0x8  }
0x202: {  	s29 =	spop @!p0 (v2sf)  }
0x203: {  	s29 =	sand.u32 @!p0 $0xFFFFF80, s29  }
0x204: {  	s0 =	sshll.u32 @!p0 s0, $0xD;
	s29 =	sadd.s32 @!p0 s1, s29  }
0x205: {  	[tilespmem:s0], [sflag:s3] =	stream.strided.gather @!p0 [hbm4b:s29+s26], $0x1000, s28, s26, $0x38;
	[tilespmem:$0x18600] =	vst v63  }
0x206: {  	s29 =	sadd.s32 $0xC, s25  }
0x207: {  	s30 =	smul.u32 $0xAAAB, s29  }
0x208: {  	s31 =	spop @!p0 (v2sf)  }
0x209: {  	s31 =	sand.u32 @!p0 $0xFFFFF80, s31;
	s30 =	sshrl.u32 s30, $0x13  }
0x20a: {  	s0 =	sor.u32 @!p0 $0x1000, s0;
	s31 =	sadd.s32 @!p0 s2, s31;
	s30 =	smul.u32 $0xC, s30  }
0x20b: {  	[tilespmem:s0], [sflag:s3] =	stream.strided.gather @!p0 [hbm4b:s31+s26], $0x1000, s28, s26, $0x38;
	[tilespmem:$0x18600] =	vst v63  }
0x20c: {  	s30 =	ssub.s32 s29, s30  }
0x20d: {  	v44 =	vbroadcast v5, $0xC;
	s0 =	sand.u32 $0xFFFF, s30  }
0x20e: {  	s3 =	sadd.s32 $0x2, s0;
	s31 =	sshll.u32 s0, $0xD  }
0x20f: {  	v45 =	vbroadcast v4, $0xC;
	_ =	swait.ge [sflag:s3], $0x1000;
	v6 =	vor.u32 s31, v44  }
0x210: {  	[sflag:s3] =	ssyncset.done $0x0;
	v46 =	vor.u32 v0, v6  }
0x211: {  	v7 =	vor.u32 s31, v45;
	v6 =	vor.u32 v1, v6;
	[sflag:s3] =	ssyncadd.s32 $0xFFFFF000  }
0x212: {  	v47 =	vor.u32 v2, v7;
	_ =	swait.ge [sflag:s3], $0x1000  }
0x213: {  	v7 =	vor.u32 v3, v7;
	[sflag:s3] =	ssyncset.done $0x0  }
0x214: {  	[sflag:s3] =	ssyncadd.s32 $0xFFFFF000  }
0x215: {  	v8 =	vld.idx.msk [tilespmem:v46+s4+$0x0], $0xffff  }
0x216: {  	v6 =	vld.idx.msk [tilespmem:v6+s4+$0x0], $0xffff  }
0x217: {  	v9 =	vld.idx.msk [tilespmem:v47+s4+$0x0], $0xffff  }
0x218: {  	v7 =	vld.idx.msk [tilespmem:v7+s4+$0x0], $0xffff;
	_ =	sdelay $0x4  }
0x219: {  	v8 =	vmul.f32 v9, v8;
	v6 =	vmul.f32 v7, v6;
	_ =	sdelay $0x1  }
0x21a: {  	v6 =	vadd.f32 v6, v8;
	_ =	sdelay $0x1  }
0x21b: {  	(xrf2) =	vadd.scan.msk.f32 $0xffff, v6;
	_ =	sdelay $0x2  }
0x21c: {  	v48 =	vmov s29  }
0x21d: {  	v6 =	vand.u32 $0xFFFFFFFC, v48  }
0x21e: {  	v6 =	vbroadcast v6, $0x0;
	_ =	sdelay $0x4  }
0x21f: {  	v49, _, _ =	vpop (xrf2)  }
0x220: {  	[tilespmem:v6+s20+$0x0] =	vst.idx.msk vm0, v49  }
0x221: {  	v6 =	vld @!p0 [tilespmem:s23+$0x0];
	_ =	sdelay $0x4  }
0x222: {  	(v2sf) =	vpush @!p0 v6, $0x8  }
0x223: {  	v6 =	vld @!p0 [tilespmem:s24+$0x0];
	_ =	sdelay $0x4  }
0x224: {  	(v2sf) =	vpush @!p0 v6, $0x8;
	_ =	sdelay $0x8  }
0x225: {  	s29 =	spop @!p0 (v2sf)  }
0x226: {  	s29 =	sand.u32 @!p0 $0xFFFFF80, s29  }
0x227: {  	s0 =	sshll.u32 @!p0 s0, $0xD;
	s29 =	sadd.s32 @!p0 s1, s29  }
0x228: {  	[tilespmem:s0], [sflag:s3] =	stream.strided.gather @!p0 [hbm4b:s29+s26], $0x1000, s28, s26, $0x38;
	[tilespmem:$0x18600] =	vst v63  }
0x229: {  	s29 =	sadd.s32 $0xD, s25  }
0x22a: {  	s30 =	smul.u32 $0xAAAB, s29  }
0x22b: {  	s31 =	spop @!p0 (v2sf)  }
0x22c: {  	s31 =	sand.u32 @!p0 $0xFFFFF80, s31;
	s30 =	sshrl.u32 s30, $0x13  }
0x22d: {  	s0 =	sor.u32 @!p0 $0x1000, s0;
	s31 =	sadd.s32 @!p0 s2, s31;
	s30 =	smul.u32 $0xC, s30  }
0x22e: {  	[tilespmem:s0], [sflag:s3] =	stream.strided.gather @!p0 [hbm4b:s31+s26], $0x1000, s28, s26, $0x38;
	[tilespmem:$0x18600] =	vst v63  }
0x22f: {  	s30 =	ssub.s32 s29, s30  }
0x230: {  	v50 =	vbroadcast v5, $0xD;
	s0 =	sand.u32 $0xFFFF, s30  }
0x231: {  	s3 =	sadd.s32 $0x2, s0;
	s31 =	sshll.u32 s0, $0xD  }
0x232: {  	v51 =	vbroadcast v4, $0xD;
	_ =	swait.ge [sflag:s3], $0x1000;
	v6 =	vor.u32 s31, v50  }
0x233: {  	[sflag:s3] =	ssyncset.done $0x0;
	v52 =	vor.u32 v0, v6  }
0x234: {  	v7 =	vor.u32 s31, v51;
	v6 =	vor.u32 v1, v6;
	[sflag:s3] =	ssyncadd.s32 $0xFFFFF000  }
0x235: {  	v53 =	vor.u32 v2, v7;
	_ =	swait.ge [sflag:s3], $0x1000  }
0x236: {  	v7 =	vor.u32 v3, v7;
	[sflag:s3] =	ssyncset.done $0x0  }
0x237: {  	[sflag:s3] =	ssyncadd.s32 $0xFFFFF000  }
0x238: {  	v8 =	vld.idx.msk [tilespmem:v52+s4+$0x0], $0xffff  }
0x239: {  	v6 =	vld.idx.msk [tilespmem:v6+s4+$0x0], $0xffff  }
0x23a: {  	v9 =	vld.idx.msk [tilespmem:v53+s4+$0x0], $0xffff  }
0x23b: {  	v7 =	vld.idx.msk [tilespmem:v7+s4+$0x0], $0xffff;
	_ =	sdelay $0x4  }
0x23c: {  	v8 =	vmul.f32 v9, v8;
	v6 =	vmul.f32 v7, v6;
	_ =	sdelay $0x1  }
0x23d: {  	v6 =	vadd.f32 v6, v8;
	_ =	sdelay $0x1  }
0x23e: {  	(xrf2) =	vadd.scan.msk.f32 $0xffff, v6;
	_ =	sdelay $0x2  }
0x23f: {  	v54 =	vmov s29  }
0x240: {  	v6 =	vand.u32 $0xFFFFFFFD, v54  }
0x241: {  	v6 =	vbroadcast v6, $0x0;
	_ =	sdelay $0x4  }
0x242: {  	v55, _, _ =	vpop (xrf2)  }
0x243: {  	[tilespmem:v6+s20+$0x0] =	vst.idx.msk vm0, v55  }
0x244: {  	v6 =	vld @!p0 [tilespmem:s23+$0x0];
	_ =	sdelay $0x4  }
0x245: {  	(v2sf) =	vpush @!p0 v6, $0x9  }
0x246: {  	v6 =	vld @!p0 [tilespmem:s24+$0x0];
	_ =	sdelay $0x4  }
0x247: {  	(v2sf) =	vpush @!p0 v6, $0x9;
	_ =	sdelay $0x8  }
0x248: {  	s29 =	spop @!p0 (v2sf)  }
0x249: {  	s29 =	sand.u32 @!p0 $0xFFFFF80, s29  }
0x24a: {  	s0 =	sshll.u32 @!p0 s0, $0xD;
	s29 =	sadd.s32 @!p0 s1, s29  }
0x24b: {  	[tilespmem:s0], [sflag:s3] =	stream.strided.gather @!p0 [hbm4b:s29+s26], $0x1000, s28, s26, $0x38;
	[tilespmem:$0x18600] =	vst v63  }
0x24c: {  	s29 =	sadd.s32 $0xE, s25  }
0x24d: {  	s30 =	smul.u32 $0xAAAB, s29  }
0x24e: {  	s31 =	spop @!p0 (v2sf)  }
0x24f: {  	s31 =	sand.u32 @!p0 $0xFFFFF80, s31;
	s30 =	sshrl.u32 s30, $0x13  }
0x250: {  	s0 =	sor.u32 @!p0 $0x1000, s0;
	s31 =	sadd.s32 @!p0 s2, s31;
	s30 =	smul.u32 $0xC, s30  }
0x251: {  	[tilespmem:s0], [sflag:s3] =	stream.strided.gather @!p0 [hbm4b:s31+s26], $0x1000, s28, s26, $0x38;
	[tilespmem:$0x18600] =	vst v63  }
0x252: {  	s30 =	ssub.s32 s29, s30  }
0x253: {  	v56 =	vbroadcast v5, $0xE;
	s0 =	sand.u32 $0xFFFF, s30  }
0x254: {  	s3 =	sadd.s32 $0x2, s0;
	s31 =	sshll.u32 s0, $0xD  }
0x255: {  	v57 =	vbroadcast v4, $0xE;
	_ =	swait.ge [sflag:s3], $0x1000;
	v6 =	vor.u32 s31, v56  }
0x256: {  	[sflag:s3] =	ssyncset.done $0x0;
	v58 =	vor.u32 v0, v6  }
0x257: {  	v7 =	vor.u32 s31, v57;
	v6 =	vor.u32 v1, v6;
	[sflag:s3] =	ssyncadd.s32 $0xFFFFF000  }
0x258: {  	v59 =	vor.u32 v2, v7;
	_ =	swait.ge [sflag:s3], $0x1000  }
0x259: {  	v7 =	vor.u32 v3, v7;
	[sflag:s3] =	ssyncset.done $0x0  }
0x25a: {  	[sflag:s3] =	ssyncadd.s32 $0xFFFFF000  }
0x25b: {  	v8 =	vld.idx.msk [tilespmem:v58+s4+$0x0], $0xffff  }
0x25c: {  	v6 =	vld.idx.msk [tilespmem:v6+s4+$0x0], $0xffff  }
0x25d: {  	v9 =	vld.idx.msk [tilespmem:v59+s4+$0x0], $0xffff  }
0x25e: {  	v7 =	vld.idx.msk [tilespmem:v7+s4+$0x0], $0xffff;
	_ =	sdelay $0x4  }
0x25f: {  	v8 =	vmul.f32 v9, v8;
	v6 =	vmul.f32 v7, v6;
	_ =	sdelay $0x1  }
0x260: {  	v6 =	vadd.f32 v6, v8;
	_ =	sdelay $0x1  }
0x261: {  	(xrf2) =	vadd.scan.msk.f32 $0xffff, v6;
	_ =	sdelay $0x2  }
0x262: {  	v60 =	vmov s29  }
0x263: {  	v6 =	vand.u32 $0xFFFFFFFE, v60  }
0x264: {  	v6 =	vbroadcast v6, $0x0;
	_ =	sdelay $0x4  }
0x265: {  	v61, _, _ =	vpop (xrf2)  }
0x266: {  	[tilespmem:v6+s20+$0x0] =	vst.idx.msk vm0, v61  }
0x267: {  	v6 =	vld @!p0 [tilespmem:s23+$0x0];
	_ =	sdelay $0x4  }
0x268: {  	(v2sf) =	vpush @!p0 v6, $0xA  }
0x269: {  	v6 =	vld @!p0 [tilespmem:s24+$0x0];
	_ =	sdelay $0x4  }
0x26a: {  	(v2sf) =	vpush @!p0 v6, $0xA;
	_ =	sdelay $0x8  }
0x26b: {  	s29 =	spop @!p0 (v2sf)  }
0x26c: {  	s29 =	sand.u32 @!p0 $0xFFFFF80, s29  }
0x26d: {  	s0 =	sshll.u32 @!p0 s0, $0xD;
	s29 =	sadd.s32 @!p0 s1, s29  }
0x26e: {  	[tilespmem:s0], [sflag:s3] =	stream.strided.gather @!p0 [hbm4b:s29+s26], $0x1000, s28, s26, $0x38;
	[tilespmem:$0x18600] =	vst v63  }
0x26f: {  	s29 =	sadd.s32 $0xF, s25  }
0x270: {  	s30 =	smul.u32 $0xAAAB, s29  }
0x271: {  	s31 =	spop @!p0 (v2sf)  }
0x272: {  	s31 =	sand.u32 @!p0 $0xFFFFF80, s31;
	s30 =	sshrl.u32 s30, $0x13  }
0x273: {  	s0 =	sor.u32 @!p0 $0x1000, s0;
	s31 =	sadd.s32 @!p0 s2, s31;
	s30 =	smul.u32 $0xC, s30  }
0x274: {  	[tilespmem:s0], [sflag:s3] =	stream.strided.gather @!p0 [hbm4b:s31+s26], $0x1000, s28, s26, $0x38;
	[tilespmem:$0x18600] =	vst v63  }
0x275: {  	s31 =	ssub.s32 s29, s30  }
0x276: {  	v5 =	vbroadcast v5, $0xF;
	s0 =	sand.u32 $0xFFFF, s31  }
0x277: {  	s26 =	sadd.s32 $0x2, s0;
	s28 =	sshll.u32 s0, $0xD  }
0x278: {  	v4 =	vbroadcast v4, $0xF;
	_ =	swait.ge [sflag:s26], $0x1000;
	v5 =	vor.u32 s28, v5  }
0x279: {  	[sflag:s26] =	ssyncset.done $0x0;
	v62 =	vor.u32 v0, v5  }
0x27a: {  	v4 =	vor.u32 s28, v4;
	v5 =	vor.u32 v1, v5;
	[sflag:s26] =	ssyncadd.s32 $0xFFFFF000  }
0x27b: {  	v63 =	vor.u32 v2, v4;
	_ =	swait.ge [sflag:s26], $0x1000  }
0x27c: {  	v4 =	vor.u32 v3, v4;
	[sflag:s26] =	ssyncset.done $0x0  }
0x27d: {  	[sflag:s26] =	ssyncadd.s32 $0xFFFFF000  }
0x27e: {  	v6 =	vld.idx.msk [tilespmem:v62+s4+$0x0], $0xffff  }
0x27f: {  	v5 =	vld.idx.msk [tilespmem:v5+s4+$0x0], $0xffff  }
0x280: {  	v7 =	vld.idx.msk [tilespmem:v63+s4+$0x0], $0xffff  }
0x281: {  	v4 =	vld.idx.msk [tilespmem:v4+s4+$0x0], $0xffff;
	_ =	sdelay $0x4  }
0x282: {  	v6 =	vmul.f32 v7, v6;
	v4 =	vmul.f32 v4, v5;
	_ =	sdelay $0x1  }
0x283: {  	v4 =	vadd.f32 v4, v6;
	_ =	sdelay $0x1  }
0x284: {  	(xrf2) =	vadd.scan.msk.f32 $0xffff, v4;
	_ =	sdelay $0x5  }
0x285: {  	v4 =	vmov s29  }
.Ltmp2:
0x286: {  	_ = 	snop;
	(pc) =	sbr.rel @p0 .LBB2_4-.Ltmp2, $3  }
0x287: {  	_ =	sdelay $0x1  }
0x288: {  	v5, _, _ =	vpop (xrf2)  }
0x289: {  	[tilespmem:v4+s20+$0x0] =	vst.idx.msk vm0, v5  }
0x28a: {  	v4 =	vld [tilespmem:s23+$0x0];
	_ =	sdelay $0x1  }
0x28b: {  	v5 =	vld [tilespmem:s24+$0x0];
	_ =	sdelay $0x2  }
0x28c: {  	(v2sf) =	vpush v4, $0xB;
	_ =	sdelay $0x1  }
0x28d: {  	(v2sf) =	vpush v5, $0xB;
	_ =	sdelay $0xc  }
0x28e: {  	s0 =	spop (v2sf)  }
0x28f: {  	s0 =	sand.u32 $0xFFFFF80, s0  }
.Ltmp3:
0x290: {  	s31 =	spop (v2sf);
	s0 =	sadd.s32 s1, s0;
	(pc) =	sbr.rel .LBB2_2-.Ltmp3, $4  }
0x291: {  	[tilespmem:s28], [sflag:s26] =	stream.strided.gather [hbm4b:s0+s14], $0x1000, s15, s14, $0x38;
	[tilespmem:$0x18600] =	vst v63  }
0x292: {  	s3 =	sor.u32 $0x1000, s28;
	s25 =	sadd.s32 $0x10, s25;
	s0 =	sand.u32 $0xFFFFF80, s31  }
0x293: {  	s23 =	sadd.s32 $0x10, s23;
	s24 =	sadd.s32 $0x10, s24;
	s0 =	sadd.s32 s2, s0  }
0x294: {  	[tilespmem:s3], [sflag:s26] =	stream.strided.gather [hbm4b:s0+s14], $0x1000, s15, s14, $0x38;
	[tilespmem:$0x18600] =	vst v63  }
.LBB2_5:
0x295: {  	_ =	sfence.sel $0x180000  }
0x296: {  	[bflag:$0x0] =	sbarrier.arrive $0xFFFF  }
0x297: {  	_ =	strace $0x90000047  }
0x298: {  	s0 =	stileid.u32;
	[bflag:$0x2] =	sbarrier.arrive $0xFFFF  }
0x299: {  	p0 =	sne.s32 s0, $0x0;
	s0 =	rddreg [dreg:$0x4]  }
0x29a: {  	s0 =	sadd.s32 @!p0 $0x100000, s0  }
0x29b: {  	[sflag:s0] =	ssyncadd.tile.s32 @!p0 $0x1;
	_ =	shalt  }
.Lfunc_end2:
_tile_overlayer_lowered:
.L_overlay_start_2:
0x29c: {  	(tag) =	ssettag $0x2  }
0x29d: {  	s0 =	rddreg [dreg:$0x0];
	s2 =	stileid.u32  }
0x29e: {  	s1 =	rddreg [dreg:$0x1];
	p0 =	sne.s32 s2, $0x0  }
0x29f: {  	s3 =	rddreg [dreg:$0x2];
	[bflag:$0x3] =	sbarrier.arrive $0xFFFF;
	s2 =	simm.s32 @!p0 $0x1C0E  }
0x2a0: {  	[timem:s3], [sflag:s2] =	dma.local @!p0 [hbm:s0], s1  }
0x2a1: {  	s0 =	simm.s32 @!p0 $0xE  }
0x2a2: {  	_ =	swait.ge @!p0 [sflag:s0], s1  }
0x2a3: {  	s1 =	ssub.s32 @!p0 $0x0, s1;
	[sflag:s0] =	ssyncset.done @!p0 $0x0  }
0x2a4: {  	[sflag:s0] =	ssyncadd.s32 @!p0 s1  }
0x2a5: {  	[bflag:$0x3] =	sbarrier.arrive $0xFFFF  }
0x2a6: {  	_ =	shalt  }

</sc_bundles>
